<compile_context>
chip_gen: v7x
topology: tpu7x:2x2x1
jax: 0.10.2.dev20260603
libtpu: 0.0.44.dev20260713+nightly
codegen_flags: <defaults>
</compile_context>

<pallas_src>
import functools

import jax
import jax.numpy as jnp
from jax import lax
from jax.experimental import pallas as pl
from jax.experimental.pallas import tpu as pltpu
from jax.experimental.pallas import tpu_sc as plsc

_M = 1000000
_D = 64
_B = 16384
_NC = 2
_NS = 16
_L = 16
_NW = _NC * _NS
_CB = 31232
_LASTC = 31744
_FULL = _NW * _CB + (_LASTC - _CB)
_WPADN = _LASTC
_CHC = 512
_NBCH = _B // _L
_HCAP = _CHC + _L

_mesh = plsc.VectorSubcoreMesh(
    core_axis_name="c", subcore_axis_name="s",
    num_cores=_NC, num_subcores=_NS)


@functools.partial(
    pl.kernel,
    out_type=jax.ShapeDtypeStruct((_D, _M), jnp.float32),
    mesh=_mesh,
    scratch_types=[
        pltpu.VMEM((_B,), jnp.int32),
        pltpu.VMEM((_WPADN,), jnp.int32),
        pltpu.VMEM((_HCAP,), jnp.int32),
        pltpu.VMEM((_HCAP,), jnp.int32),
        pltpu.VMEM((_HCAP,), jnp.int32),
        pltpu.VMEM((_HCAP,), jnp.int32),
        pltpu.VMEM((_L, 2 * _D), jnp.float32),
        pltpu.VMEM((_L, 2 * _D), jnp.float32),
        pltpu.VMEM((_D, _CHC), jnp.float32),
        pltpu.VMEM((_D, _CHC), jnp.float32),
        pltpu.SemaphoreType.DMA,
        pltpu.SemaphoreType.DMA,
        pltpu.SemaphoreType.DMA,
        pltpu.SemaphoreType.DMA,
        pltpu.SemaphoreType.DMA,
        pltpu.SemaphoreType.DMA,
    ],
    compiler_params=pltpu.CompilerParams(needs_layout_passes=False),
)
def _sc_scatter(in_hbm, idx_hbm, upd_hbm, out_hbm,
                idx_v, win_v, hb_v, hc_v, hb2_v, hc2_v, gbuf, gbuf2,
                buf0, buf1, i_sem0, i_sem1, o_sem0, o_sem1, g_sem, g_sem2):
    wid = lax.axis_index("s") * _NC + lax.axis_index("c")
    cb = wid * _CB
    ncols = jnp.where(wid == _NW - 1, _LASTC, _CB)
    nch = jnp.where(wid == _NW - 1, _LASTC // _CHC, _CB // _CHC)

    pltpu.sync_copy(idx_hbm, idx_v)

    pltpu.async_copy(in_hbm.at[:, pl.ds(cb, _CHC)], buf0, i_sem0)

    iota = lax.broadcasted_iota(jnp.int32, (_L,), 0)
    cbv = jnp.full((_L,), cb, jnp.int32)
    neg1 = jnp.full((_L,), -1, jnp.int32)

    def init_body(c, carry):
        for u in range(4):
            plsc.store_scatter(win_v, [(c * 4 + u) * _L + iota], neg1)
        return carry
    lax.fori_loop(0, _WPADN // _L // 4, init_body, 0)

    def sweep_body(c, changed):
        for u in range(8):
            bv = (c * 8 + u) * _L + iota
            v = plsc.load_gather(idx_v, [bv])
            lv = v - cbv
            m = (lv >= 0) & (lv < ncols)
            lvc = jnp.clip(lv, 0, _WPADN - 1)
            cur = plsc.load_gather(win_v, [lvc], mask=m)
            m2 = m & (bv > cur)
            plsc.store_scatter(win_v, [lvc], bv, mask=m2)
            changed = changed + jnp.max(plsc.all_reduce_population_count(m2))
        return changed

    def fix_body(_):
        return lax.fori_loop(0, _NBCH // 8, sweep_body, jnp.int32(0))
    lax.while_loop(lambda c: c > 0, fix_body, jnp.int32(1))

    def in_slice(i):
        return in_hbm.at[:, pl.ds(cb + i * _CHC, _CHC)]

    def out_slice(i):
        return out_hbm.at[:, pl.ds(cb + i * _CHC, _CHC)]

    def scan_prefetch(i, hb, hc, gb, sem):
        lc0 = i * _CHC

        def scan_body(g, hn_v):
            for u in range(4):
                gc = (g * 4 + u) * _L
                wv = plsc.load_gather(win_v, [lc0 + gc + iota])
                m = wv >= 0
                ki = m.astype(jnp.int32)
                excl = plsc.cumsum(ki) - ki
                slots = hn_v + excl
                plsc.store_scatter(hb, [slots], wv, mask=m)
                plsc.store_scatter(hc, [slots], gc + iota, mask=m)
                hn_v = hn_v + plsc.all_reduce_population_count(m)
            return hn_v
        hn_v = lax.fori_loop(0, _CHC // _L // 4, scan_body,
                             jnp.zeros((_L,), jnp.int32))

        padb = jnp.full((_L,), 0, jnp.int32) + ((wid * 61 + i) & (_B - 1))
        plsc.store_scatter(hb, [hn_v + iota], padb)
        pltpu.async_copy(upd_hbm.at[hb.at[pl.ds(0, _L)]], gb, sem)
        return hn_v

    def apply_chunk(buf, hb, hc, gb, sem, hn_v):
        pltpu.make_async_copy(upd_hbm.at[hb.at[pl.ds(0, _L)]], gb, sem).wait()
        hn = jnp.max(hn_v)
        nb = lax.shift_right_logical(hn + _L - 1, 4)

        def batch(bb, carry):
            @pl.when(bb > 0)
            def _refill():
                pltpu.async_copy(
                    upd_hbm.at[hb.at[pl.ds(bb * _L, _L)]], gb, sem).wait()
            hcv = plsc.load_gather(hc, [bb * _L + iota])
            valid = (bb * _L + iota) < hn_v
            for d in range(_D):
                dv = jnp.full((_L,), d, jnp.int32)
                vals = plsc.load_gather(gb, [iota, dv])
                plsc.store_scatter(buf, [dv, hcv], vals, mask=valid)
            return carry
        lax.fori_loop(0, nb, batch, 0)

    def copy_loop(i, hn_cur):
        def even_fn(hn):
            @pl.when(i > 0)
            def _drain():
                pltpu.make_async_copy(buf1, out_slice(i - 1), o_sem1).wait()
            hn_next = lax.cond(
                i + 1 < nch,
                lambda: scan_prefetch(i + 1, hb2_v, hc2_v, gbuf2, g_sem2),
                lambda: jnp.zeros((_L,), jnp.int32))
            pltpu.make_async_copy(in_slice(i), buf0, i_sem0).wait()

            @pl.when(i + 1 < nch)
            def _pref():
                pltpu.async_copy(in_slice(i + 1), buf1, i_sem1)
            apply_chunk(buf0, hb_v, hc_v, gbuf, g_sem, hn)
            pltpu.async_copy(buf0, out_slice(i), o_sem0)
            return hn_next

        def odd_fn(hn):
            pltpu.make_async_copy(buf0, out_slice(i - 1), o_sem0).wait()
            hn_next = lax.cond(
                i + 1 < nch,
                lambda: scan_prefetch(i + 1, hb_v, hc_v, gbuf, g_sem),
                lambda: jnp.zeros((_L,), jnp.int32))
            pltpu.make_async_copy(in_slice(i), buf1, i_sem1).wait()

            @pl.when(i + 1 < nch)
            def _pref():
                pltpu.async_copy(in_slice(i + 1), buf0, i_sem0)
            apply_chunk(buf1, hb2_v, hc2_v, gbuf2, g_sem2, hn)
            pltpu.async_copy(buf1, out_slice(i), o_sem1)
            return hn_next
        return lax.cond(lax.rem(i, 2) == 0, even_fn, odd_fn, hn_cur)

    hn0 = scan_prefetch(0, hb_v, hc_v, gbuf, g_sem)
    lax.fori_loop(0, nch, copy_loop, hn0)

    lastc = nch - 1

    @pl.when(lax.rem(lastc, 2) == 0)
    def _fin0():
        pltpu.make_async_copy(buf0, out_slice(lastc), o_sem0).wait()

    @pl.when(lax.rem(lastc, 2) == 1)
    def _fin1():
        pltpu.make_async_copy(buf1, out_slice(lastc), o_sem1).wait()


def kernel(inputs, indices, updates):
    idx = indices[:, 0].astype(jnp.int32)
    x_t = inputs.T
    upd_p = jnp.pad(updates, ((0, 0), (0, 2 * _D - _D)))
    out_t = _sc_scatter(x_t, idx, upd_p)
    out = out_t.T
    rows = _FULL + jnp.arange(_M - _FULL)
    match = idx[None, :] == rows[:, None]
    bwin = jnp.max(jnp.where(match, jnp.arange(_B)[None, :], -1), axis=1)
    tail = jnp.where((bwin >= 0)[:, None],
                     updates[jnp.clip(bwin, 0, _B - 1)],
                     inputs[_FULL:])
    return lax.dynamic_update_slice(out, tail, (_FULL, 0))

# --- scband reference (transcript-rebuilt; emitter-appended) ---
"""Pipeline reference for scband-tfscatter-nd-16484084483725 (READ-ONLY COPY).

The authoritative reference and input builder live on the scoring server;
editing this copy changes nothing except your own understanding.
"""

import jax, jax.numpy as jnp
import numpy as np

M = 1000000
D = 64
B = 16384

def setup_inputs(seed: int = 0) -> dict:
    key = jax.random.key(seed)
    k1, k2, k3 = jax.random.split(key, 3)
    inputs = jax.random.normal(k1, (M, D), dtype=jnp.float32)
    indices = jax.random.randint(k2, (B, 1), 0, M, dtype=jnp.int64)
    updates = jax.random.normal(k3, (B, D), dtype=jnp.float32)
    return {"inputs": inputs, "indices": indices, "updates": updates}

def reference(inputs, indices, updates):
    # tf.tensor_scatter_nd_update with indices of shape [B, 1] overwrites rows of inputs
    idx = indices[:, 0]
    return inputs.at[idx].set(updates)

if __name__ == "__main__":
    import jax
    _d = setup_inputs()
    print(jax.jit(kernel)(*tuple(_d.values())))

</pallas_src>

<mosaic_0001>
#map = affine_map<(d0, d1) -> (0, 0)>
#map1 = affine_map<(d0, d1) -> (0)>
module attributes {stable_mosaic.version = 14 : i64} {
  func.func @_sc_scatter(%arg0: i32, %arg1: i32, %arg2: memref<64x1000000xf32, #tpu.memory_space<hbm>>, %arg3: memref<16384xi32, #tpu.memory_space<hbm>>, %arg4: memref<16384x128xf32, #tpu.memory_space<hbm>>, %arg5: memref<64x1000000xf32, #tpu.memory_space<hbm>>, %arg6: memref<16384xi32, #tpu.memory_space<vmem>>, %arg7: memref<31744xi32, #tpu.memory_space<vmem>>, %arg8: memref<528xi32, #tpu.memory_space<vmem>>, %arg9: memref<528xi32, #tpu.memory_space<vmem>>, %arg10: memref<528xi32, #tpu.memory_space<vmem>>, %arg11: memref<528xi32, #tpu.memory_space<vmem>>, %arg12: memref<16x128xf32, #tpu.memory_space<vmem>>, %arg13: memref<16x128xf32, #tpu.memory_space<vmem>>, %arg14: memref<64x512xf32, #tpu.memory_space<vmem>>, %arg15: memref<64x512xf32, #tpu.memory_space<vmem>>, %arg16: memref<!tpu.dma_semaphore, #tpu.memory_space<semaphore_mem>>, %arg17: memref<!tpu.dma_semaphore, #tpu.memory_space<semaphore_mem>>, %arg18: memref<!tpu.dma_semaphore, #tpu.memory_space<semaphore_mem>>, %arg19: memref<!tpu.dma_semaphore, #tpu.memory_space<semaphore_mem>>, %arg20: memref<!tpu.dma_semaphore, #tpu.memory_space<semaphore_mem>>, %arg21: memref<!tpu.dma_semaphore, #tpu.memory_space<semaphore_mem>>) attributes {dimension_semantics = [#tpu.dimension_semantics<core_parallel>, #tpu.dimension_semantics<subcore_parallel>], iteration_bounds = array<i64: 2, 16>, scalar_prefetch = 0 : i64, scratch_operands = 16 : i64, tpu.core_type = #tpu.core_type<sc_vector_subcore>, window_params = [{transform_indices = #map}, {transform_indices = #map1}, {transform_indices = #map}, {transform_indices = #map}]} {
    %mul3A = arith.constant 2 : i32
    %mul3A_0 = arith.muli %arg1, %mul3A : i32
    %add3A = arith.addi %mul3A_0, %arg0 : i32
    %mul3A_1 = arith.constant 31232 : i32
    %mul3A_2 = arith.muli %add3A, %mul3A_1 : i32
    %eq3A = arith.constant 31 : i32
    %eq3A_3 = arith.cmpi eq, %add3A, %eq3A : i32
    %jit3A = arith.constant 31744 : i32
    %jit3A_4 = arith.constant 31232 : i32
    %select_n3A = arith.select %eq3A_3, %jit3A, %jit3A_4 : i32
    %eq3A_5 = arith.constant 31 : i32
    %eq3A_6 = arith.cmpi eq, %add3A, %eq3A_5 : i32
    %jit3A_7 = arith.constant 62 : i32
    %jit3A_8 = arith.constant 61 : i32
    %select_n3A_9 = arith.select %eq3A_6, %jit3A_7, %jit3A_8 : i32
    "tpu.region"() ({
      %run_scoped3A = tpu.sem_alloc : memref<!tpu.dma_semaphore, #tpu.memory_space<semaphore_mem>>
      tpu.enqueue_dma source(%arg3 : memref<16384xi32, #tpu.memory_space<hbm>>) target(%arg6 : memref<16384xi32, #tpu.memory_space<vmem>>) target_semaphore(%run_scoped3A : memref<!tpu.dma_semaphore, #tpu.memory_space<semaphore_mem>>)
      tpu.wait_dma2 semaphore(%run_scoped3A : memref<!tpu.dma_semaphore, #tpu.memory_space<semaphore_mem>>) src(%arg3 : memref<16384xi32, #tpu.memory_space<hbm>>) dst(%arg6 : memref<16384xi32, #tpu.memory_space<vmem>>)
      tpu.yield
    }) : () -> ()
    %dma_start3A = arith.constant 0 : i32
    %dma_start3A_10 = tpu.memref_slice %arg2[%dma_start3A, %mul3A_2] : memref<64x1000000xf32, #tpu.memory_space<hbm>> -> memref<64x512xf32, #tpu.memory_space<hbm>>
    %dma_start3A_11 = arith.constant 0 : i32
    %dma_start3A_12 = tpu.memref_slice %arg2[%dma_start3A_11, %mul3A_2] : memref<64x1000000xf32, #tpu.memory_space<hbm>> -> memref<64x512xf32, #tpu.memory_space<hbm>>
    tpu.enqueue_dma source(%dma_start3A_12 : memref<64x512xf32, #tpu.memory_space<hbm>>) target(%arg14 : memref<64x512xf32, #tpu.memory_space<vmem>>) target_semaphore(%arg16 : memref<!tpu.dma_semaphore, #tpu.memory_space<semaphore_mem>>)
    %iota3A = tpu.iota {dimensions = array<i32: 0>} : vector<16xi32>
    %broadcast_in_dim3A = vector.broadcast %mul3A_2 : i32 to vector<16xi32>
    %broadcast_in_dim3A_13 = arith.constant -1 : i32
    %broadcast_in_dim3A_14 = vector.broadcast %broadcast_in_dim3A_13 : i32 to vector<16xi32>
    %scan3A = arith.constant 0 : i32
    %scan3A_15 = arith.constant 0 : i32
    %scan3A_16 = arith.constant 496 : i32
    %scan3A_17 = arith.addi %scan3A_15, %scan3A_16 : i32
    %scan3A_18 = arith.constant 1 : i32
    scf.for %scan3A_67 = %scan3A_15 to %scan3A_17 step %scan3A_18  : i32 {
      %mul3A_68 = arith.constant 4 : i32
      %mul3A_69 = arith.muli %scan3A_67, %mul3A_68 : i32
      %add3A_70 = arith.constant 0 : i32
      %add3A_71 = arith.addi %mul3A_69, %add3A_70 : i32
      %mul3A_72 = arith.constant 16 : i32
      %mul3A_73 = arith.muli %add3A_71, %mul3A_72 : i32
      %add3A_74 = vector.broadcast %mul3A_73 : i32 to vector<16xi32>
      %add3A_75 = arith.addi %add3A_74, %iota3A : vector<16xi32>
      tpu.vector_store_idx %arg7[%add3A_75], %broadcast_in_dim3A_14 : memref<31744xi32, #tpu.memory_space<vmem>>[vector<16xi32>], vector<16xi32>,
      %mul3A_76 = arith.constant 4 : i32
      %mul3A_77 = arith.muli %scan3A_67, %mul3A_76 : i32
      %add3A_78 = arith.constant 1 : i32
      %add3A_79 = arith.addi %mul3A_77, %add3A_78 : i32
      %mul3A_80 = arith.constant 16 : i32
      %mul3A_81 = arith.muli %add3A_79, %mul3A_80 : i32
      %add3A_82 = vector.broadcast %mul3A_81 : i32 to vector<16xi32>
      %add3A_83 = arith.addi %add3A_82, %iota3A : vector<16xi32>
      tpu.vector_store_idx %arg7[%add3A_83], %broadcast_in_dim3A_14 : memref<31744xi32, #tpu.memory_space<vmem>>[vector<16xi32>], vector<16xi32>,
      %mul3A_84 = arith.constant 4 : i32
      %mul3A_85 = arith.muli %scan3A_67, %mul3A_84 : i32
      %add3A_86 = arith.constant 2 : i32
      %add3A_87 = arith.addi %mul3A_85, %add3A_86 : i32
      %mul3A_88 = arith.constant 16 : i32
      %mul3A_89 = arith.muli %add3A_87, %mul3A_88 : i32
      %add3A_90 = vector.broadcast %mul3A_89 : i32 to vector<16xi32>
      %add3A_91 = arith.addi %add3A_90, %iota3A : vector<16xi32>
      tpu.vector_store_idx %arg7[%add3A_91], %broadcast_in_dim3A_14 : memref<31744xi32, #tpu.memory_space<vmem>>[vector<16xi32>], vector<16xi32>,
      %mul3A_92 = arith.constant 4 : i32
      %mul3A_93 = arith.muli %scan3A_67, %mul3A_92 : i32
      %add3A_94 = arith.constant 3 : i32
      %add3A_95 = arith.addi %mul3A_93, %add3A_94 : i32
      %mul3A_96 = arith.constant 16 : i32
      %mul3A_97 = arith.muli %add3A_95, %mul3A_96 : i32
      %add3A_98 = vector.broadcast %mul3A_97 : i32 to vector<16xi32>
      %add3A_99 = arith.addi %add3A_98, %iota3A : vector<16xi32>
      tpu.vector_store_idx %arg7[%add3A_99], %broadcast_in_dim3A_14 : memref<31744xi32, #tpu.memory_space<vmem>>[vector<16xi32>], vector<16xi32>,
    }
    %scan3A_19 = arith.constant 496 : i32
    %while3A = arith.constant 1 : i32
    %while3A_20 = scf.while (%while3A_67 = %while3A) : (i32) -> i32 {
      %gt3A = arith.constant 0 : i32
      %gt3A_68 = arith.cmpi sgt, %while3A_67, %gt3A : i32
      scf.condition(%gt3A_68) %while3A_67 : i32
    } do {
    ^bb0(%while3A_67: i32):
      %scan3A_68 = arith.constant 0 : i32
      %scan3A_69 = arith.constant 0 : i32
      %scan3A_70 = arith.constant 128 : i32
      %scan3A_71 = arith.addi %scan3A_69, %scan3A_70 : i32
      %scan3A_72 = arith.constant 1 : i32
      %scan3A_73 = scf.for %scan3A_75 = %scan3A_69 to %scan3A_71 step %scan3A_72 iter_args(%scan3A_76 = %scan3A_68) -> (i32)  : i32 {
        %mul3A_77 = arith.constant 8 : i32
        %mul3A_78 = arith.muli %scan3A_75, %mul3A_77 : i32
        %add3A_79 = arith.constant 0 : i32
        %add3A_80 = arith.addi %mul3A_78, %add3A_79 : i32
        %mul3A_81 = arith.constant 16 : i32
        %mul3A_82 = arith.muli %add3A_80, %mul3A_81 : i32
        %add3A_83 = vector.broadcast %mul3A_82 : i32 to vector<16xi32>
        %add3A_84 = arith.addi %add3A_83, %iota3A : vector<16xi32>
        %gather3A = tpu.vector_load_idx %arg6[%add3A_84] : memref<16384xi32, #tpu.memory_space<vmem>>[vector<16xi32>], vector<16xi32>,
        %sub3A_85 = arith.subi %gather3A, %broadcast_in_dim3A : vector<16xi32>
        %ge3A = arith.constant 0 : i32
        %ge3A_86 = vector.broadcast %ge3A : i32 to vector<16xi32>
        %ge3A_87 = arith.cmpi sge, %sub3A_85, %ge3A_86 : vector<16xi32>
        %lt3A = vector.broadcast %select_n3A : i32 to vector<16xi32>
        %lt3A_88 = arith.cmpi slt, %sub3A_85, %lt3A : vector<16xi32>
        %and3A_89 = arith.andi %ge3A_87, %lt3A_88 : vector<16xi1>
        %jit3A_90 = arith.constant 0 : i32
        %jit3A_91 = arith.constant 31743 : i32
        %max3A = vector.broadcast %jit3A_90 : i32 to vector<16xi32>
        %max3A_92 = arith.maxsi %max3A, %sub3A_85 : vector<16xi32>
        %min3A = vector.broadcast %jit3A_91 : i32 to vector<16xi32>
        %min3A_93 = arith.minsi %min3A, %max3A_92 : vector<16xi32>
        %gather3A_94 = tpu.vector_load_idx %arg7[%min3A_93] masked %and3A_89 : memref<31744xi32, #tpu.memory_space<vmem>>[vector<16xi32>], vector<16xi32>, vector<16xi1>
        %gt3A = arith.cmpi sgt, %add3A_84, %gather3A_94 : vector<16xi32>
        %and3A_95 = arith.andi %and3A_89, %gt3A : vector<16xi1>
        tpu.vector_store_idx %arg7[%min3A_93], %add3A_84 masked %and3A_95 : memref<31744xi32, #tpu.memory_space<vmem>>[vector<16xi32>], vector<16xi32>, vector<16xi1>
        %all_reduce_population_count3A = tpu.all_reduce %and3A_95 {dim = 0 : i64, kind = #tpu.reduction_kind<sum>} : vector<16xi1> -> vector<16xi32>
        %reduce_max3A = arith.constant true
        %reduce_max3A_96 = vector.broadcast %reduce_max3A : i1 to vector<16xi1>
        %reduce_max3A_97 = arith.constant -2147483648 : i32
        %reduce_max3A_98 = vector.broadcast %reduce_max3A_97 : i32 to vector<16xi32>
        %reduce_max3A_99 = arith.xori %all_reduce_population_count3A, %reduce_max3A_98 : vector<16xi32>
        %reduce_max3A_100 = tpu.scan <max>, %reduce_max3A_99 masked %reduce_max3A_96 : vector<16xi32>, vector<16xi1> -> vector<16xi32>
        %reduce_max3A_101 = arith.xori %reduce_max3A_100, %reduce_max3A_98 : vector<16xi32>
        %reduce_max3A_102 = vector.extract %reduce_max3A_101[15] : i32 from vector<16xi32>
        %add3A_103 = arith.addi %scan3A_76, %reduce_max3A_102 : i32
        %mul3A_104 = arith.constant 8 : i32
        %mul3A_105 = arith.muli %scan3A_75, %mul3A_104 : i32
        %add3A_106 = arith.constant 1 : i32
        %add3A_107 = arith.addi %mul3A_105, %add3A_106 : i32
        %mul3A_108 = arith.constant 16 : i32
        %mul3A_109 = arith.muli %add3A_107, %mul3A_108 : i32
        %add3A_110 = vector.broadcast %mul3A_109 : i32 to vector<16xi32>
        %add3A_111 = arith.addi %add3A_110, %iota3A : vector<16xi32>
        %gather3A_112 = tpu.vector_load_idx %arg6[%add3A_111] : memref<16384xi32, #tpu.memory_space<vmem>>[vector<16xi32>], vector<16xi32>,
        %sub3A_113 = arith.subi %gather3A_112, %broadcast_in_dim3A : vector<16xi32>
        %ge3A_114 = arith.constant 0 : i32
        %ge3A_115 = vector.broadcast %ge3A_114 : i32 to vector<16xi32>
        %ge3A_116 = arith.cmpi sge, %sub3A_113, %ge3A_115 : vector<16xi32>
        %lt3A_117 = vector.broadcast %select_n3A : i32 to vector<16xi32>
        %lt3A_118 = arith.cmpi slt, %sub3A_113, %lt3A_117 : vector<16xi32>
        %and3A_119 = arith.andi %ge3A_116, %lt3A_118 : vector<16xi1>
        %jit3A_120 = arith.constant 0 : i32
        %jit3A_121 = arith.constant 31743 : i32
        %max3A_122 = vector.broadcast %jit3A_120 : i32 to vector<16xi32>
        %max3A_123 = arith.maxsi %max3A_122, %sub3A_113 : vector<16xi32>
        %min3A_124 = vector.broadcast %jit3A_121 : i32 to vector<16xi32>
        %min3A_125 = arith.minsi %min3A_124, %max3A_123 : vector<16xi32>
        %gather3A_126 = tpu.vector_load_idx %arg7[%min3A_125] masked %and3A_119 : memref<31744xi32, #tpu.memory_space<vmem>>[vector<16xi32>], vector<16xi32>, vector<16xi1>
        %gt3A_127 = arith.cmpi sgt, %add3A_111, %gather3A_126 : vector<16xi32>
        %and3A_128 = arith.andi %and3A_119, %gt3A_127 : vector<16xi1>
        tpu.vector_store_idx %arg7[%min3A_125], %add3A_111 masked %and3A_128 : memref<31744xi32, #tpu.memory_space<vmem>>[vector<16xi32>], vector<16xi32>, vector<16xi1>
        %all_reduce_population_count3A_129 = tpu.all_reduce %and3A_128 {dim = 0 : i64, kind = #tpu.reduction_kind<sum>} : vector<16xi1> -> vector<16xi32>
        %reduce_max3A_130 = arith.constant true
        %reduce_max3A_131 = vector.broadcast %reduce_max3A_130 : i1 to vector<16xi1>
        %reduce_max3A_132 = arith.constant -2147483648 : i32
        %reduce_max3A_133 = vector.broadcast %reduce_max3A_132 : i32 to vector<16xi32>
        %reduce_max3A_134 = arith.xori %all_reduce_population_count3A_129, %reduce_max3A_133 : vector<16xi32>
        %reduce_max3A_135 = tpu.scan <max>, %reduce_max3A_134 masked %reduce_max3A_131 : vector<16xi32>, vector<16xi1> -> vector<16xi32>
        %reduce_max3A_136 = arith.xori %reduce_max3A_135, %reduce_max3A_133 : vector<16xi32>
        %reduce_max3A_137 = vector.extract %reduce_max3A_136[15] : i32 from vector<16xi32>
        %add3A_138 = arith.addi %add3A_103, %reduce_max3A_137 : i32
        %mul3A_139 = arith.constant 8 : i32
        %mul3A_140 = arith.muli %scan3A_75, %mul3A_139 : i32
        %add3A_141 = arith.constant 2 : i32
        %add3A_142 = arith.addi %mul3A_140, %add3A_141 : i32
        %mul3A_143 = arith.constant 16 : i32
        %mul3A_144 = arith.muli %add3A_142, %mul3A_143 : i32
        %add3A_145 = vector.broadcast %mul3A_144 : i32 to vector<16xi32>
        %add3A_146 = arith.addi %add3A_145, %iota3A : vector<16xi32>
        %gather3A_147 = tpu.vector_load_idx %arg6[%add3A_146] : memref<16384xi32, #tpu.memory_space<vmem>>[vector<16xi32>], vector<16xi32>,
        %sub3A_148 = arith.subi %gather3A_147, %broadcast_in_dim3A : vector<16xi32>
        %ge3A_149 = arith.constant 0 : i32
        %ge3A_150 = vector.broadcast %ge3A_149 : i32 to vector<16xi32>
        %ge3A_151 = arith.cmpi sge, %sub3A_148, %ge3A_150 : vector<16xi32>
        %lt3A_152 = vector.broadcast %select_n3A : i32 to vector<16xi32>
        %lt3A_153 = arith.cmpi slt, %sub3A_148, %lt3A_152 : vector<16xi32>
        %and3A_154 = arith.andi %ge3A_151, %lt3A_153 : vector<16xi1>
        %jit3A_155 = arith.constant 0 : i32
        %jit3A_156 = arith.constant 31743 : i32
        %max3A_157 = vector.broadcast %jit3A_155 : i32 to vector<16xi32>
        %max3A_158 = arith.maxsi %max3A_157, %sub3A_148 : vector<16xi32>
        %min3A_159 = vector.broadcast %jit3A_156 : i32 to vector<16xi32>
        %min3A_160 = arith.minsi %min3A_159, %max3A_158 : vector<16xi32>
        %gather3A_161 = tpu.vector_load_idx %arg7[%min3A_160] masked %and3A_154 : memref<31744xi32, #tpu.memory_space<vmem>>[vector<16xi32>], vector<16xi32>, vector<16xi1>
        %gt3A_162 = arith.cmpi sgt, %add3A_146, %gather3A_161 : vector<16xi32>
        %and3A_163 = arith.andi %and3A_154, %gt3A_162 : vector<16xi1>
        tpu.vector_store_idx %arg7[%min3A_160], %add3A_146 masked %and3A_163 : memref<31744xi32, #tpu.memory_space<vmem>>[vector<16xi32>], vector<16xi32>, vector<16xi1>
        %all_reduce_population_count3A_164 = tpu.all_reduce %and3A_163 {dim = 0 : i64, kind = #tpu.reduction_kind<sum>} : vector<16xi1> -> vector<16xi32>
        %reduce_max3A_165 = arith.constant true
        %reduce_max3A_166 = vector.broadcast %reduce_max3A_165 : i1 to vector<16xi1>
        %reduce_max3A_167 = arith.constant -2147483648 : i32
        %reduce_max3A_168 = vector.broadcast %reduce_max3A_167 : i32 to vector<16xi32>
        %reduce_max3A_169 = arith.xori %all_reduce_population_count3A_164, %reduce_max3A_168 : vector<16xi32>
        %reduce_max3A_170 = tpu.scan <max>, %reduce_max3A_169 masked %reduce_max3A_166 : vector<16xi32>, vector<16xi1> -> vector<16xi32>
        %reduce_max3A_171 = arith.xori %reduce_max3A_170, %reduce_max3A_168 : vector<16xi32>
        %reduce_max3A_172 = vector.extract %reduce_max3A_171[15] : i32 from vector<16xi32>
        %add3A_173 = arith.addi %add3A_138, %reduce_max3A_172 : i32
        %mul3A_174 = arith.constant 8 : i32
        %mul3A_175 = arith.muli %scan3A_75, %mul3A_174 : i32
        %add3A_176 = arith.constant 3 : i32
        %add3A_177 = arith.addi %mul3A_175, %add3A_176 : i32
        %mul3A_178 = arith.constant 16 : i32
        %mul3A_179 = arith.muli %add3A_177, %mul3A_178 : i32
        %add3A_180 = vector.broadcast %mul3A_179 : i32 to vector<16xi32>
        %add3A_181 = arith.addi %add3A_180, %iota3A : vector<16xi32>
        %gather3A_182 = tpu.vector_load_idx %arg6[%add3A_181] : memref<16384xi32, #tpu.memory_space<vmem>>[vector<16xi32>], vector<16xi32>,
        %sub3A_183 = arith.subi %gather3A_182, %broadcast_in_dim3A : vector<16xi32>
        %ge3A_184 = arith.constant 0 : i32
        %ge3A_185 = vector.broadcast %ge3A_184 : i32 to vector<16xi32>
        %ge3A_186 = arith.cmpi sge, %sub3A_183, %ge3A_185 : vector<16xi32>
        %lt3A_187 = vector.broadcast %select_n3A : i32 to vector<16xi32>
        %lt3A_188 = arith.cmpi slt, %sub3A_183, %lt3A_187 : vector<16xi32>
        %and3A_189 = arith.andi %ge3A_186, %lt3A_188 : vector<16xi1>
        %jit3A_190 = arith.constant 0 : i32
        %jit3A_191 = arith.constant 31743 : i32
        %max3A_192 = vector.broadcast %jit3A_190 : i32 to vector<16xi32>
        %max3A_193 = arith.maxsi %max3A_192, %sub3A_183 : vector<16xi32>
        %min3A_194 = vector.broadcast %jit3A_191 : i32 to vector<16xi32>
        %min3A_195 = arith.minsi %min3A_194, %max3A_193 : vector<16xi32>
        %gather3A_196 = tpu.vector_load_idx %arg7[%min3A_195] masked %and3A_189 : memref<31744xi32, #tpu.memory_space<vmem>>[vector<16xi32>], vector<16xi32>, vector<16xi1>
        %gt3A_197 = arith.cmpi sgt, %add3A_181, %gather3A_196 : vector<16xi32>
        %and3A_198 = arith.andi %and3A_189, %gt3A_197 : vector<16xi1>
        tpu.vector_store_idx %arg7[%min3A_195], %add3A_181 masked %and3A_198 : memref<31744xi32, #tpu.memory_space<vmem>>[vector<16xi32>], vector<16xi32>, vector<16xi1>
        %all_reduce_population_count3A_199 = tpu.all_reduce %and3A_198 {dim = 0 : i64, kind = #tpu.reduction_kind<sum>} : vector<16xi1> -> vector<16xi32>
        %reduce_max3A_200 = arith.constant true
        %reduce_max3A_201 = vector.broadcast %reduce_max3A_200 : i1 to vector<16xi1>
        %reduce_max3A_202 = arith.constant -2147483648 : i32
        %reduce_max3A_203 = vector.broadcast %reduce_max3A_202 : i32 to vector<16xi32>
        %reduce_max3A_204 = arith.xori %all_reduce_population_count3A_199, %reduce_max3A_203 : vector<16xi32>
        %reduce_max3A_205 = tpu.scan <max>, %reduce_max3A_204 masked %reduce_max3A_201 : vector<16xi32>, vector<16xi1> -> vector<16xi32>
        %reduce_max3A_206 = arith.xori %reduce_max3A_205, %reduce_max3A_203 : vector<16xi32>
        %reduce_max3A_207 = vector.extract %reduce_max3A_206[15] : i32 from vector<16xi32>
        %add3A_208 = arith.addi %add3A_173, %reduce_max3A_207 : i32
        %mul3A_209 = arith.constant 8 : i32
        %mul3A_210 = arith.muli %scan3A_75, %mul3A_209 : i32
        %add3A_211 = arith.constant 4 : i32
        %add3A_212 = arith.addi %mul3A_210, %add3A_211 : i32
        %mul3A_213 = arith.constant 16 : i32
        %mul3A_214 = arith.muli %add3A_212, %mul3A_213 : i32
        %add3A_215 = vector.broadcast %mul3A_214 : i32 to vector<16xi32>
        %add3A_216 = arith.addi %add3A_215, %iota3A : vector<16xi32>
        %gather3A_217 = tpu.vector_load_idx %arg6[%add3A_216] : memref<16384xi32, #tpu.memory_space<vmem>>[vector<16xi32>], vector<16xi32>,
        %sub3A_218 = arith.subi %gather3A_217, %broadcast_in_dim3A : vector<16xi32>
        %ge3A_219 = arith.constant 0 : i32
        %ge3A_220 = vector.broadcast %ge3A_219 : i32 to vector<16xi32>
        %ge3A_221 = arith.cmpi sge, %sub3A_218, %ge3A_220 : vector<16xi32>
        %lt3A_222 = vector.broadcast %select_n3A : i32 to vector<16xi32>
        %lt3A_223 = arith.cmpi slt, %sub3A_218, %lt3A_222 : vector<16xi32>
        %and3A_224 = arith.andi %ge3A_221, %lt3A_223 : vector<16xi1>
        %jit3A_225 = arith.constant 0 : i32
        %jit3A_226 = arith.constant 31743 : i32
        %max3A_227 = vector.broadcast %jit3A_225 : i32 to vector<16xi32>
        %max3A_228 = arith.maxsi %max3A_227, %sub3A_218 : vector<16xi32>
        %min3A_229 = vector.broadcast %jit3A_226 : i32 to vector<16xi32>
        %min3A_230 = arith.minsi %min3A_229, %max3A_228 : vector<16xi32>
        %gather3A_231 = tpu.vector_load_idx %arg7[%min3A_230] masked %and3A_224 : memref<31744xi32, #tpu.memory_space<vmem>>[vector<16xi32>], vector<16xi32>, vector<16xi1>
        %gt3A_232 = arith.cmpi sgt, %add3A_216, %gather3A_231 : vector<16xi32>
        %and3A_233 = arith.andi %and3A_224, %gt3A_232 : vector<16xi1>
        tpu.vector_store_idx %arg7[%min3A_230], %add3A_216 masked %and3A_233 : memref<31744xi32, #tpu.memory_space<vmem>>[vector<16xi32>], vector<16xi32>, vector<16xi1>
        %all_reduce_population_count3A_234 = tpu.all_reduce %and3A_233 {dim = 0 : i64, kind = #tpu.reduction_kind<sum>} : vector<16xi1> -> vector<16xi32>
        %reduce_max3A_235 = arith.constant true
        %reduce_max3A_236 = vector.broadcast %reduce_max3A_235 : i1 to vector<16xi1>
        %reduce_max3A_237 = arith.constant -2147483648 : i32
        %reduce_max3A_238 = vector.broadcast %reduce_max3A_237 : i32 to vector<16xi32>
        %reduce_max3A_239 = arith.xori %all_reduce_population_count3A_234, %reduce_max3A_238 : vector<16xi32>
        %reduce_max3A_240 = tpu.scan <max>, %reduce_max3A_239 masked %reduce_max3A_236 : vector<16xi32>, vector<16xi1> -> vector<16xi32>
        %reduce_max3A_241 = arith.xori %reduce_max3A_240, %reduce_max3A_238 : vector<16xi32>
        %reduce_max3A_242 = vector.extract %reduce_max3A_241[15] : i32 from vector<16xi32>
        %add3A_243 = arith.addi %add3A_208, %reduce_max3A_242 : i32
        %mul3A_244 = arith.constant 8 : i32
        %mul3A_245 = arith.muli %scan3A_75, %mul3A_244 : i32
        %add3A_246 = arith.constant 5 : i32
        %add3A_247 = arith.addi %mul3A_245, %add3A_246 : i32
        %mul3A_248 = arith.constant 16 : i32
        %mul3A_249 = arith.muli %add3A_247, %mul3A_248 : i32
        %add3A_250 = vector.broadcast %mul3A_249 : i32 to vector<16xi32>
        %add3A_251 = arith.addi %add3A_250, %iota3A : vector<16xi32>
        %gather3A_252 = tpu.vector_load_idx %arg6[%add3A_251] : memref<16384xi32, #tpu.memory_space<vmem>>[vector<16xi32>], vector<16xi32>,
        %sub3A_253 = arith.subi %gather3A_252, %broadcast_in_dim3A : vector<16xi32>
        %ge3A_254 = arith.constant 0 : i32
        %ge3A_255 = vector.broadcast %ge3A_254 : i32 to vector<16xi32>
        %ge3A_256 = arith.cmpi sge, %sub3A_253, %ge3A_255 : vector<16xi32>
        %lt3A_257 = vector.broadcast %select_n3A : i32 to vector<16xi32>
        %lt3A_258 = arith.cmpi slt, %sub3A_253, %lt3A_257 : vector<16xi32>
        %and3A_259 = arith.andi %ge3A_256, %lt3A_258 : vector<16xi1>
        %jit3A_260 = arith.constant 0 : i32
        %jit3A_261 = arith.constant 31743 : i32
        %max3A_262 = vector.broadcast %jit3A_260 : i32 to vector<16xi32>
        %max3A_263 = arith.maxsi %max3A_262, %sub3A_253 : vector<16xi32>
        %min3A_264 = vector.broadcast %jit3A_261 : i32 to vector<16xi32>
        %min3A_265 = arith.minsi %min3A_264, %max3A_263 : vector<16xi32>
        %gather3A_266 = tpu.vector_load_idx %arg7[%min3A_265] masked %and3A_259 : memref<31744xi32, #tpu.memory_space<vmem>>[vector<16xi32>], vector<16xi32>, vector<16xi1>
        %gt3A_267 = arith.cmpi sgt, %add3A_251, %gather3A_266 : vector<16xi32>
        %and3A_268 = arith.andi %and3A_259, %gt3A_267 : vector<16xi1>
        tpu.vector_store_idx %arg7[%min3A_265], %add3A_251 masked %and3A_268 : memref<31744xi32, #tpu.memory_space<vmem>>[vector<16xi32>], vector<16xi32>, vector<16xi1>
        %all_reduce_population_count3A_269 = tpu.all_reduce %and3A_268 {dim = 0 : i64, kind = #tpu.reduction_kind<sum>} : vector<16xi1> -> vector<16xi32>
        %reduce_max3A_270 = arith.constant true
        %reduce_max3A_271 = vector.broadcast %reduce_max3A_270 : i1 to vector<16xi1>
        %reduce_max3A_272 = arith.constant -2147483648 : i32
        %reduce_max3A_273 = vector.broadcast %reduce_max3A_272 : i32 to vector<16xi32>
        %reduce_max3A_274 = arith.xori %all_reduce_population_count3A_269, %reduce_max3A_273 : vector<16xi32>
        %reduce_max3A_275 = tpu.scan <max>, %reduce_max3A_274 masked %reduce_max3A_271 : vector<16xi32>, vector<16xi1> -> vector<16xi32>
        %reduce_max3A_276 = arith.xori %reduce_max3A_275, %reduce_max3A_273 : vector<16xi32>
        %reduce_max3A_277 = vector.extract %reduce_max3A_276[15] : i32 from vector<16xi32>
        %add3A_278 = arith.addi %add3A_243, %reduce_max3A_277 : i32
        %mul3A_279 = arith.constant 8 : i32
        %mul3A_280 = arith.muli %scan3A_75, %mul3A_279 : i32
        %add3A_281 = arith.constant 6 : i32
        %add3A_282 = arith.addi %mul3A_280, %add3A_281 : i32
        %mul3A_283 = arith.constant 16 : i32
        %mul3A_284 = arith.muli %add3A_282, %mul3A_283 : i32
        %add3A_285 = vector.broadcast %mul3A_284 : i32 to vector<16xi32>
        %add3A_286 = arith.addi %add3A_285, %iota3A : vector<16xi32>
        %gather3A_287 = tpu.vector_load_idx %arg6[%add3A_286] : memref<16384xi32, #tpu.memory_space<vmem>>[vector<16xi32>], vector<16xi32>,
        %sub3A_288 = arith.subi %gather3A_287, %broadcast_in_dim3A : vector<16xi32>
        %ge3A_289 = arith.constant 0 : i32
        %ge3A_290 = vector.broadcast %ge3A_289 : i32 to vector<16xi32>
        %ge3A_291 = arith.cmpi sge, %sub3A_288, %ge3A_290 : vector<16xi32>
        %lt3A_292 = vector.broadcast %select_n3A : i32 to vector<16xi32>
        %lt3A_293 = arith.cmpi slt, %sub3A_288, %lt3A_292 : vector<16xi32>
        %and3A_294 = arith.andi %ge3A_291, %lt3A_293 : vector<16xi1>
        %jit3A_295 = arith.constant 0 : i32
        %jit3A_296 = arith.constant 31743 : i32
        %max3A_297 = vector.broadcast %jit3A_295 : i32 to vector<16xi32>
        %max3A_298 = arith.maxsi %max3A_297, %sub3A_288 : vector<16xi32>
        %min3A_299 = vector.broadcast %jit3A_296 : i32 to vector<16xi32>
        %min3A_300 = arith.minsi %min3A_299, %max3A_298 : vector<16xi32>
        %gather3A_301 = tpu.vector_load_idx %arg7[%min3A_300] masked %and3A_294 : memref<31744xi32, #tpu.memory_space<vmem>>[vector<16xi32>], vector<16xi32>, vector<16xi1>
        %gt3A_302 = arith.cmpi sgt, %add3A_286, %gather3A_301 : vector<16xi32>
        %and3A_303 = arith.andi %and3A_294, %gt3A_302 : vector<16xi1>
        tpu.vector_store_idx %arg7[%min3A_300], %add3A_286 masked %and3A_303 : memref<31744xi32, #tpu.memory_space<vmem>>[vector<16xi32>], vector<16xi32>, vector<16xi1>
        %all_reduce_population_count3A_304 = tpu.all_reduce %and3A_303 {dim = 0 : i64, kind = #tpu.reduction_kind<sum>} : vector<16xi1> -> vector<16xi32>
        %reduce_max3A_305 = arith.constant true
        %reduce_max3A_306 = vector.broadcast %reduce_max3A_305 : i1 to vector<16xi1>
        %reduce_max3A_307 = arith.constant -2147483648 : i32
        %reduce_max3A_308 = vector.broadcast %reduce_max3A_307 : i32 to vector<16xi32>
        %reduce_max3A_309 = arith.xori %all_reduce_population_count3A_304, %reduce_max3A_308 : vector<16xi32>
        %reduce_max3A_310 = tpu.scan <max>, %reduce_max3A_309 masked %reduce_max3A_306 : vector<16xi32>, vector<16xi1> -> vector<16xi32>
        %reduce_max3A_311 = arith.xori %reduce_max3A_310, %reduce_max3A_308 : vector<16xi32>
        %reduce_max3A_312 = vector.extract %reduce_max3A_311[15] : i32 from vector<16xi32>
        %add3A_313 = arith.addi %add3A_278, %reduce_max3A_312 : i32
        %mul3A_314 = arith.constant 8 : i32
        %mul3A_315 = arith.muli %scan3A_75, %mul3A_314 : i32
        %add3A_316 = arith.constant 7 : i32
        %add3A_317 = arith.addi %mul3A_315, %add3A_316 : i32
        %mul3A_318 = arith.constant 16 : i32
        %mul3A_319 = arith.muli %add3A_317, %mul3A_318 : i32
        %add3A_320 = vector.broadcast %mul3A_319 : i32 to vector<16xi32>
        %add3A_321 = arith.addi %add3A_320, %iota3A : vector<16xi32>
        %gather3A_322 = tpu.vector_load_idx %arg6[%add3A_321] : memref<16384xi32, #tpu.memory_space<vmem>>[vector<16xi32>], vector<16xi32>,
        %sub3A_323 = arith.subi %gather3A_322, %broadcast_in_dim3A : vector<16xi32>
        %ge3A_324 = arith.constant 0 : i32
        %ge3A_325 = vector.broadcast %ge3A_324 : i32 to vector<16xi32>
        %ge3A_326 = arith.cmpi sge, %sub3A_323, %ge3A_325 : vector<16xi32>
        %lt3A_327 = vector.broadcast %select_n3A : i32 to vector<16xi32>
        %lt3A_328 = arith.cmpi slt, %sub3A_323, %lt3A_327 : vector<16xi32>
        %and3A_329 = arith.andi %ge3A_326, %lt3A_328 : vector<16xi1>
        %jit3A_330 = arith.constant 0 : i32
        %jit3A_331 = arith.constant 31743 : i32
        %max3A_332 = vector.broadcast %jit3A_330 : i32 to vector<16xi32>
        %max3A_333 = arith.maxsi %max3A_332, %sub3A_323 : vector<16xi32>
        %min3A_334 = vector.broadcast %jit3A_331 : i32 to vector<16xi32>
        %min3A_335 = arith.minsi %min3A_334, %max3A_333 : vector<16xi32>
        %gather3A_336 = tpu.vector_load_idx %arg7[%min3A_335] masked %and3A_329 : memref<31744xi32, #tpu.memory_space<vmem>>[vector<16xi32>], vector<16xi32>, vector<16xi1>
        %gt3A_337 = arith.cmpi sgt, %add3A_321, %gather3A_336 : vector<16xi32>
        %and3A_338 = arith.andi %and3A_329, %gt3A_337 : vector<16xi1>
        tpu.vector_store_idx %arg7[%min3A_335], %add3A_321 masked %and3A_338 : memref<31744xi32, #tpu.memory_space<vmem>>[vector<16xi32>], vector<16xi32>, vector<16xi1>
        %all_reduce_population_count3A_339 = tpu.all_reduce %and3A_338 {dim = 0 : i64, kind = #tpu.reduction_kind<sum>} : vector<16xi1> -> vector<16xi32>
        %reduce_max3A_340 = arith.constant true
        %reduce_max3A_341 = vector.broadcast %reduce_max3A_340 : i1 to vector<16xi1>
        %reduce_max3A_342 = arith.constant -2147483648 : i32
        %reduce_max3A_343 = vector.broadcast %reduce_max3A_342 : i32 to vector<16xi32>
        %reduce_max3A_344 = arith.xori %all_reduce_population_count3A_339, %reduce_max3A_343 : vector<16xi32>
        %reduce_max3A_345 = tpu.scan <max>, %reduce_max3A_344 masked %reduce_max3A_341 : vector<16xi32>, vector<16xi1> -> vector<16xi32>
        %reduce_max3A_346 = arith.xori %reduce_max3A_345, %reduce_max3A_343 : vector<16xi32>
        %reduce_max3A_347 = vector.extract %reduce_max3A_346[15] : i32 from vector<16xi32>
        %add3A_348 = arith.addi %add3A_313, %reduce_max3A_347 : i32
        scf.yield %add3A_348 : i32
      }
      %scan3A_74 = arith.constant 128 : i32
      scf.yield %scan3A_73 : i32
    }
    %broadcast_in_dim3A_21 = arith.constant 0 : i32
    %broadcast_in_dim3A_22 = vector.broadcast %broadcast_in_dim3A_21 : i32 to vector<16xi32>
    %scan3A_23 = arith.constant 0 : i32
    %scan3A_24 = arith.constant 8 : i32
    %scan3A_25 = arith.addi %scan3A_23, %scan3A_24 : i32
    %scan3A_26 = arith.constant 1 : i32
    %scan3A_27 = scf.for %scan3A_67 = %scan3A_23 to %scan3A_25 step %scan3A_26 iter_args(%scan3A_68 = %broadcast_in_dim3A_22) -> (vector<16xi32>)  : i32 {
      %mul3A_69 = arith.constant 4 : i32
      %mul3A_70 = arith.muli %scan3A_67, %mul3A_69 : i32
      %add3A_71 = arith.constant 0 : i32
      %add3A_72 = arith.addi %mul3A_70, %add3A_71 : i32
      %mul3A_73 = arith.constant 16 : i32
      %mul3A_74 = arith.muli %add3A_72, %mul3A_73 : i32
      %add3A_75 = arith.constant 0 : i32
      %add3A_76 = arith.addi %add3A_75, %mul3A_74 : i32
      %add3A_77 = vector.broadcast %add3A_76 : i32 to vector<16xi32>
      %add3A_78 = arith.addi %add3A_77, %iota3A : vector<16xi32>
      %gather3A = tpu.vector_load_idx %arg7[%add3A_78] : memref<31744xi32, #tpu.memory_space<vmem>>[vector<16xi32>], vector<16xi32>,
      %ge3A = arith.constant 0 : i32
      %ge3A_79 = vector.broadcast %ge3A : i32 to vector<16xi32>
      %ge3A_80 = arith.cmpi sge, %gather3A, %ge3A_79 : vector<16xi32>
      %convert_element_type3A_81 = arith.extui %ge3A_80 : vector<16xi1> to vector<16xi32>
      %broadcast_in_dim3A_82 = arith.constant true
      %broadcast_in_dim3A_83 = vector.broadcast %broadcast_in_dim3A_82 : i1 to vector<16xi1>
      %masked_cumsum3A = tpu.scan <sum>, %convert_element_type3A_81 masked %broadcast_in_dim3A_83 : vector<16xi32>, vector<16xi1> -> vector<16xi32>
      %sub3A_84 = arith.subi %masked_cumsum3A, %convert_element_type3A_81 : vector<16xi32>
      %add3A_85 = arith.addi %scan3A_68, %sub3A_84 : vector<16xi32>
      tpu.vector_store_idx %arg8[%add3A_85], %gather3A masked %ge3A_80 : memref<528xi32, #tpu.memory_space<vmem>>[vector<16xi32>], vector<16xi32>, vector<16xi1>
      %add3A_86 = vector.broadcast %mul3A_74 : i32 to vector<16xi32>
      %add3A_87 = arith.addi %add3A_86, %iota3A : vector<16xi32>
      tpu.vector_store_idx %arg9[%add3A_85], %add3A_87 masked %ge3A_80 : memref<528xi32, #tpu.memory_space<vmem>>[vector<16xi32>], vector<16xi32>, vector<16xi1>
      %all_reduce_population_count3A = tpu.all_reduce %ge3A_80 {dim = 0 : i64, kind = #tpu.reduction_kind<sum>} : vector<16xi1> -> vector<16xi32>
      %add3A_88 = arith.addi %scan3A_68, %all_reduce_population_count3A : vector<16xi32>
      %mul3A_89 = arith.constant 4 : i32
      %mul3A_90 = arith.muli %scan3A_67, %mul3A_89 : i32
      %add3A_91 = arith.constant 1 : i32
      %add3A_92 = arith.addi %mul3A_90, %add3A_91 : i32
      %mul3A_93 = arith.constant 16 : i32
      %mul3A_94 = arith.muli %add3A_92, %mul3A_93 : i32
      %add3A_95 = arith.constant 0 : i32
      %add3A_96 = arith.addi %add3A_95, %mul3A_94 : i32
      %add3A_97 = vector.broadcast %add3A_96 : i32 to vector<16xi32>
      %add3A_98 = arith.addi %add3A_97, %iota3A : vector<16xi32>
      %gather3A_99 = tpu.vector_load_idx %arg7[%add3A_98] : memref<31744xi32, #tpu.memory_space<vmem>>[vector<16xi32>], vector<16xi32>,
      %ge3A_100 = arith.constant 0 : i32
      %ge3A_101 = vector.broadcast %ge3A_100 : i32 to vector<16xi32>
      %ge3A_102 = arith.cmpi sge, %gather3A_99, %ge3A_101 : vector<16xi32>
      %convert_element_type3A_103 = arith.extui %ge3A_102 : vector<16xi1> to vector<16xi32>
      %broadcast_in_dim3A_104 = arith.constant true
      %broadcast_in_dim3A_105 = vector.broadcast %broadcast_in_dim3A_104 : i1 to vector<16xi1>
      %masked_cumsum3A_106 = tpu.scan <sum>, %convert_element_type3A_103 masked %broadcast_in_dim3A_105 : vector<16xi32>, vector<16xi1> -> vector<16xi32>
      %sub3A_107 = arith.subi %masked_cumsum3A_106, %convert_element_type3A_103 : vector<16xi32>
      %add3A_108 = arith.addi %add3A_88, %sub3A_107 : vector<16xi32>
      tpu.vector_store_idx %arg8[%add3A_108], %gather3A_99 masked %ge3A_102 : memref<528xi32, #tpu.memory_space<vmem>>[vector<16xi32>], vector<16xi32>, vector<16xi1>
      %add3A_109 = vector.broadcast %mul3A_94 : i32 to vector<16xi32>
      %add3A_110 = arith.addi %add3A_109, %iota3A : vector<16xi32>
      tpu.vector_store_idx %arg9[%add3A_108], %add3A_110 masked %ge3A_102 : memref<528xi32, #tpu.memory_space<vmem>>[vector<16xi32>], vector<16xi32>, vector<16xi1>
      %all_reduce_population_count3A_111 = tpu.all_reduce %ge3A_102 {dim = 0 : i64, kind = #tpu.reduction_kind<sum>} : vector<16xi1> -> vector<16xi32>
      %add3A_112 = arith.addi %add3A_88, %all_reduce_population_count3A_111 : vector<16xi32>
      %mul3A_113 = arith.constant 4 : i32
      %mul3A_114 = arith.muli %scan3A_67, %mul3A_113 : i32
      %add3A_115 = arith.constant 2 : i32
      %add3A_116 = arith.addi %mul3A_114, %add3A_115 : i32
      %mul3A_117 = arith.constant 16 : i32
      %mul3A_118 = arith.muli %add3A_116, %mul3A_117 : i32
      %add3A_119 = arith.constant 0 : i32
      %add3A_120 = arith.addi %add3A_119, %mul3A_118 : i32
      %add3A_121 = vector.broadcast %add3A_120 : i32 to vector<16xi32>
      %add3A_122 = arith.addi %add3A_121, %iota3A : vector<16xi32>
      %gather3A_123 = tpu.vector_load_idx %arg7[%add3A_122] : memref<31744xi32, #tpu.memory_space<vmem>>[vector<16xi32>], vector<16xi32>,
      %ge3A_124 = arith.constant 0 : i32
      %ge3A_125 = vector.broadcast %ge3A_124 : i32 to vector<16xi32>
      %ge3A_126 = arith.cmpi sge, %gather3A_123, %ge3A_125 : vector<16xi32>
      %convert_element_type3A_127 = arith.extui %ge3A_126 : vector<16xi1> to vector<16xi32>
      %broadcast_in_dim3A_128 = arith.constant true
      %broadcast_in_dim3A_129 = vector.broadcast %broadcast_in_dim3A_128 : i1 to vector<16xi1>
      %masked_cumsum3A_130 = tpu.scan <sum>, %convert_element_type3A_127 masked %broadcast_in_dim3A_129 : vector<16xi32>, vector<16xi1> -> vector<16xi32>
      %sub3A_131 = arith.subi %masked_cumsum3A_130, %convert_element_type3A_127 : vector<16xi32>
      %add3A_132 = arith.addi %add3A_112, %sub3A_131 : vector<16xi32>
      tpu.vector_store_idx %arg8[%add3A_132], %gather3A_123 masked %ge3A_126 : memref<528xi32, #tpu.memory_space<vmem>>[vector<16xi32>], vector<16xi32>, vector<16xi1>
      %add3A_133 = vector.broadcast %mul3A_118 : i32 to vector<16xi32>
      %add3A_134 = arith.addi %add3A_133, %iota3A : vector<16xi32>
      tpu.vector_store_idx %arg9[%add3A_132], %add3A_134 masked %ge3A_126 : memref<528xi32, #tpu.memory_space<vmem>>[vector<16xi32>], vector<16xi32>, vector<16xi1>
      %all_reduce_population_count3A_135 = tpu.all_reduce %ge3A_126 {dim = 0 : i64, kind = #tpu.reduction_kind<sum>} : vector<16xi1> -> vector<16xi32>
      %add3A_136 = arith.addi %add3A_112, %all_reduce_population_count3A_135 : vector<16xi32>
      %mul3A_137 = arith.constant 4 : i32
      %mul3A_138 = arith.muli %scan3A_67, %mul3A_137 : i32
      %add3A_139 = arith.constant 3 : i32
      %add3A_140 = arith.addi %mul3A_138, %add3A_139 : i32
      %mul3A_141 = arith.constant 16 : i32
      %mul3A_142 = arith.muli %add3A_140, %mul3A_141 : i32
      %add3A_143 = arith.constant 0 : i32
      %add3A_144 = arith.addi %add3A_143, %mul3A_142 : i32
      %add3A_145 = vector.broadcast %add3A_144 : i32 to vector<16xi32>
      %add3A_146 = arith.addi %add3A_145, %iota3A : vector<16xi32>
      %gather3A_147 = tpu.vector_load_idx %arg7[%add3A_146] : memref<31744xi32, #tpu.memory_space<vmem>>[vector<16xi32>], vector<16xi32>,
      %ge3A_148 = arith.constant 0 : i32
      %ge3A_149 = vector.broadcast %ge3A_148 : i32 to vector<16xi32>
      %ge3A_150 = arith.cmpi sge, %gather3A_147, %ge3A_149 : vector<16xi32>
      %convert_element_type3A_151 = arith.extui %ge3A_150 : vector<16xi1> to vector<16xi32>
      %broadcast_in_dim3A_152 = arith.constant true
      %broadcast_in_dim3A_153 = vector.broadcast %broadcast_in_dim3A_152 : i1 to vector<16xi1>
      %masked_cumsum3A_154 = tpu.scan <sum>, %convert_element_type3A_151 masked %broadcast_in_dim3A_153 : vector<16xi32>, vector<16xi1> -> vector<16xi32>
      %sub3A_155 = arith.subi %masked_cumsum3A_154, %convert_element_type3A_151 : vector<16xi32>
      %add3A_156 = arith.addi %add3A_136, %sub3A_155 : vector<16xi32>
      tpu.vector_store_idx %arg8[%add3A_156], %gather3A_147 masked %ge3A_150 : memref<528xi32, #tpu.memory_space<vmem>>[vector<16xi32>], vector<16xi32>, vector<16xi1>
      %add3A_157 = vector.broadcast %mul3A_142 : i32 to vector<16xi32>
      %add3A_158 = arith.addi %add3A_157, %iota3A : vector<16xi32>
      tpu.vector_store_idx %arg9[%add3A_156], %add3A_158 masked %ge3A_150 : memref<528xi32, #tpu.memory_space<vmem>>[vector<16xi32>], vector<16xi32>, vector<16xi1>
      %all_reduce_population_count3A_159 = tpu.all_reduce %ge3A_150 {dim = 0 : i64, kind = #tpu.reduction_kind<sum>} : vector<16xi1> -> vector<16xi32>
      %add3A_160 = arith.addi %add3A_136, %all_reduce_population_count3A_159 : vector<16xi32>
      scf.yield %add3A_160 : vector<16xi32>
    }
    %scan3A_28 = arith.constant 8 : i32
    %broadcast_in_dim3A_29 = arith.constant 0 : i32
    %broadcast_in_dim3A_30 = vector.broadcast %broadcast_in_dim3A_29 : i32 to vector<16xi32>
    %mul3A_31 = arith.constant 61 : i32
    %mul3A_32 = arith.muli %add3A, %mul3A_31 : i32
    %add3A_33 = arith.constant 0 : i32
    %add3A_34 = arith.addi %mul3A_32, %add3A_33 : i32
    %and3A = arith.constant 16383 : i32
    %and3A_35 = arith.andi %add3A_34, %and3A : i32
    %add3A_36 = vector.broadcast %and3A_35 : i32 to vector<16xi32>
    %add3A_37 = arith.addi %broadcast_in_dim3A_30, %add3A_36 : vector<16xi32>
    %add3A_38 = arith.addi %scan3A_27, %iota3A : vector<16xi32>
    tpu.vector_store_idx %arg8[%add3A_38], %add3A_37 : memref<528xi32, #tpu.memory_space<vmem>>[vector<16xi32>], vector<16xi32>,
    %dma_start3A_39 = arith.constant 0 : i32
    %dma_start3A_40 = tpu.memref_slice %arg8[%dma_start3A_39] : memref<528xi32, #tpu.memory_space<vmem>> -> memref<16xi32, #tpu.memory_space<vmem>>
    %dma_start3A_41 = arith.constant 0 : i32
    %dma_start3A_42 = arith.constant 0 : i32
    %dma_start3A_43 = tpu.memref_slice %arg4[%dma_start3A_41, %dma_start3A_42] : memref<16384x128xf32, #tpu.memory_space<hbm>> -> memref<16384x128xf32, #tpu.memory_space<hbm>>
    tpu.enqueue_indirect_dma source(%dma_start3A_43 : memref<16384x128xf32, #tpu.memory_space<hbm>>) target(%arg12 : memref<16x128xf32, #tpu.memory_space<vmem>>) offsets(%dma_start3A_40 : memref<16xi32, #tpu.memory_space<vmem>>) semaphore(%arg20 : memref<!tpu.dma_semaphore, #tpu.memory_space<semaphore_mem>>)
    %while3A_44 = arith.constant 0 : i32
    %while3A_45 = arith.subi %select_n3A_9, %while3A_44 : i32
    %while3A_46 = arith.addi %while3A_44, %while3A_45 : i32
    %while3A_47 = arith.constant 1 : i32
    %while3A_48 = arith.divsi %while3A_45, %while3A_47 : i32
    %while3A_49 = arith.muli %while3A_48, %while3A_47 : i32
    %while3A_50 = arith.addi %while3A_44, %while3A_49 : i32
    %while3A_51 = arith.constant 1 : i32
    %while3A_52 = scf.for %while3A_67 = %while3A_44 to %while3A_50 step %while3A_51 iter_args(%while3A_68 = %scan3A_27) -> (vector<16xi32>)  : i32 {
      %rem3A_69 = arith.constant 2 : i32
      %rem3A_70 = arith.remsi %while3A_67, %rem3A_69 : i32
      %eq3A_71 = arith.constant 0 : i32
      %eq3A_72 = arith.cmpi eq, %rem3A_70, %eq3A_71 : i32
      %convert_element_type3A_73 = arith.extui %eq3A_72 : i1 to i32
      %cond3A_74 = arith.constant 0 : i32
      %cond3A_75 = arith.cmpi ne, %convert_element_type3A_73, %cond3A_74 : i32
      %cond3A_76 = scf.if %cond3A_75 -> (vector<16xi32>) {
        %gt3A = arith.constant 0 : i32
        %gt3A_77 = arith.cmpi sgt, %while3A_67, %gt3A : i32
        %convert_element_type3A_78 = arith.extui %gt3A_77 : i1 to i32
        %cond3A_79 = arith.constant 0 : i32
        %cond3A_80 = arith.cmpi ne, %convert_element_type3A_78, %cond3A_79 : i32
        scf.if %cond3A_80 {
          %sub3A_133 = arith.constant 1 : i32
          %sub3A_134 = arith.subi %while3A_67, %sub3A_133 : i32
          %mul3A_135 = arith.constant 512 : i32
          %mul3A_136 = arith.muli %sub3A_134, %mul3A_135 : i32
          %add3A_137 = arith.addi %mul3A_2, %mul3A_136 : i32
          %dma_wait3A_138 = arith.constant 0 : i32
          %dma_wait3A_139 = tpu.memref_slice %arg5[%dma_wait3A_138, %add3A_137] : memref<64x1000000xf32, #tpu.memory_space<hbm>> -> memref<64x512xf32, #tpu.memory_space<hbm>>
          %dma_wait3A_140 = arith.constant 0 : i32
          %dma_wait3A_141 = tpu.memref_slice %arg5[%dma_wait3A_140, %add3A_137] : memref<64x1000000xf32, #tpu.memory_space<hbm>> -> memref<64x512xf32, #tpu.memory_space<hbm>>
          tpu.wait_dma2 semaphore(%arg19 : memref<!tpu.dma_semaphore, #tpu.memory_space<semaphore_mem>>) src(%arg15 : memref<64x512xf32, #tpu.memory_space<vmem>>) dst(%dma_wait3A_141 : memref<64x512xf32, #tpu.memory_space<hbm>>)
        } else {
        }
        %add3A_81 = arith.constant 1 : i32
        %add3A_82 = arith.addi %while3A_67, %add3A_81 : i32
        %lt3A = arith.cmpi slt, %add3A_82, %select_n3A_9 : i32
        %convert_element_type3A_83 = arith.extui %lt3A : i1 to i32
        %cond3A_84 = arith.constant 0 : i32
        %cond3A_85 = arith.cmpi ne, %convert_element_type3A_83, %cond3A_84 : i32
        %cond3A_86 = scf.if %cond3A_85 -> (vector<16xi32>) {
          %add3A_133 = arith.constant 1 : i32
          %add3A_134 = arith.addi %while3A_67, %add3A_133 : i32
          %mul3A_135 = arith.constant 512 : i32
          %mul3A_136 = arith.muli %add3A_134, %mul3A_135 : i32
          %broadcast_in_dim3A_137 = arith.constant 0 : i32
          %broadcast_in_dim3A_138 = vector.broadcast %broadcast_in_dim3A_137 : i32 to vector<16xi32>
          %scan3A_139 = arith.constant 0 : i32
          %scan3A_140 = arith.constant 8 : i32
          %scan3A_141 = arith.addi %scan3A_139, %scan3A_140 : i32
          %scan3A_142 = arith.constant 1 : i32
          %scan3A_143 = scf.for %scan3A_160 = %scan3A_139 to %scan3A_141 step %scan3A_142 iter_args(%scan3A_161 = %broadcast_in_dim3A_138) -> (vector<16xi32>)  : i32 {
            %mul3A_162 = arith.constant 4 : i32
            %mul3A_163 = arith.muli %scan3A_160, %mul3A_162 : i32
            %add3A_164 = arith.constant 0 : i32
            %add3A_165 = arith.addi %mul3A_163, %add3A_164 : i32
            %mul3A_166 = arith.constant 16 : i32
            %mul3A_167 = arith.muli %add3A_165, %mul3A_166 : i32
            %add3A_168 = arith.addi %mul3A_136, %mul3A_167 : i32
            %add3A_169 = vector.broadcast %add3A_168 : i32 to vector<16xi32>
            %add3A_170 = arith.addi %add3A_169, %iota3A : vector<16xi32>
            %gather3A = tpu.vector_load_idx %arg7[%add3A_170] : memref<31744xi32, #tpu.memory_space<vmem>>[vector<16xi32>], vector<16xi32>,
            %ge3A = arith.constant 0 : i32
            %ge3A_171 = vector.broadcast %ge3A : i32 to vector<16xi32>
            %ge3A_172 = arith.cmpi sge, %gather3A, %ge3A_171 : vector<16xi32>
            %convert_element_type3A_173 = arith.extui %ge3A_172 : vector<16xi1> to vector<16xi32>
            %broadcast_in_dim3A_174 = arith.constant true
            %broadcast_in_dim3A_175 = vector.broadcast %broadcast_in_dim3A_174 : i1 to vector<16xi1>
            %masked_cumsum3A = tpu.scan <sum>, %convert_element_type3A_173 masked %broadcast_in_dim3A_175 : vector<16xi32>, vector<16xi1> -> vector<16xi32>
            %sub3A_176 = arith.subi %masked_cumsum3A, %convert_element_type3A_173 : vector<16xi32>
            %add3A_177 = arith.addi %scan3A_161, %sub3A_176 : vector<16xi32>
            tpu.vector_store_idx %arg10[%add3A_177], %gather3A masked %ge3A_172 : memref<528xi32, #tpu.memory_space<vmem>>[vector<16xi32>], vector<16xi32>, vector<16xi1>
            %add3A_178 = vector.broadcast %mul3A_167 : i32 to vector<16xi32>
            %add3A_179 = arith.addi %add3A_178, %iota3A : vector<16xi32>
            tpu.vector_store_idx %arg11[%add3A_177], %add3A_179 masked %ge3A_172 : memref<528xi32, #tpu.memory_space<vmem>>[vector<16xi32>], vector<16xi32>, vector<16xi1>
            %all_reduce_population_count3A = tpu.all_reduce %ge3A_172 {dim = 0 : i64, kind = #tpu.reduction_kind<sum>} : vector<16xi1> -> vector<16xi32>
            %add3A_180 = arith.addi %scan3A_161, %all_reduce_population_count3A : vector<16xi32>
            %mul3A_181 = arith.constant 4 : i32
            %mul3A_182 = arith.muli %scan3A_160, %mul3A_181 : i32
            %add3A_183 = arith.constant 1 : i32
            %add3A_184 = arith.addi %mul3A_182, %add3A_183 : i32
            %mul3A_185 = arith.constant 16 : i32
            %mul3A_186 = arith.muli %add3A_184, %mul3A_185 : i32
            %add3A_187 = arith.addi %mul3A_136, %mul3A_186 : i32
            %add3A_188 = vector.broadcast %add3A_187 : i32 to vector<16xi32>
            %add3A_189 = arith.addi %add3A_188, %iota3A : vector<16xi32>
            %gather3A_190 = tpu.vector_load_idx %arg7[%add3A_189] : memref<31744xi32, #tpu.memory_space<vmem>>[vector<16xi32>], vector<16xi32>,
            %ge3A_191 = arith.constant 0 : i32
            %ge3A_192 = vector.broadcast %ge3A_191 : i32 to vector<16xi32>
            %ge3A_193 = arith.cmpi sge, %gather3A_190, %ge3A_192 : vector<16xi32>
            %convert_element_type3A_194 = arith.extui %ge3A_193 : vector<16xi1> to vector<16xi32>
            %broadcast_in_dim3A_195 = arith.constant true
            %broadcast_in_dim3A_196 = vector.broadcast %broadcast_in_dim3A_195 : i1 to vector<16xi1>
            %masked_cumsum3A_197 = tpu.scan <sum>, %convert_element_type3A_194 masked %broadcast_in_dim3A_196 : vector<16xi32>, vector<16xi1> -> vector<16xi32>
            %sub3A_198 = arith.subi %masked_cumsum3A_197, %convert_element_type3A_194 : vector<16xi32>
            %add3A_199 = arith.addi %add3A_180, %sub3A_198 : vector<16xi32>
            tpu.vector_store_idx %arg10[%add3A_199], %gather3A_190 masked %ge3A_193 : memref<528xi32, #tpu.memory_space<vmem>>[vector<16xi32>], vector<16xi32>, vector<16xi1>
            %add3A_200 = vector.broadcast %mul3A_186 : i32 to vector<16xi32>
            %add3A_201 = arith.addi %add3A_200, %iota3A : vector<16xi32>
            tpu.vector_store_idx %arg11[%add3A_199], %add3A_201 masked %ge3A_193 : memref<528xi32, #tpu.memory_space<vmem>>[vector<16xi32>], vector<16xi32>, vector<16xi1>
            %all_reduce_population_count3A_202 = tpu.all_reduce %ge3A_193 {dim = 0 : i64, kind = #tpu.reduction_kind<sum>} : vector<16xi1> -> vector<16xi32>
            %add3A_203 = arith.addi %add3A_180, %all_reduce_population_count3A_202 : vector<16xi32>
            %mul3A_204 = arith.constant 4 : i32
            %mul3A_205 = arith.muli %scan3A_160, %mul3A_204 : i32
            %add3A_206 = arith.constant 2 : i32
            %add3A_207 = arith.addi %mul3A_205, %add3A_206 : i32
            %mul3A_208 = arith.constant 16 : i32
            %mul3A_209 = arith.muli %add3A_207, %mul3A_208 : i32
            %add3A_210 = arith.addi %mul3A_136, %mul3A_209 : i32
            %add3A_211 = vector.broadcast %add3A_210 : i32 to vector<16xi32>
            %add3A_212 = arith.addi %add3A_211, %iota3A : vector<16xi32>
            %gather3A_213 = tpu.vector_load_idx %arg7[%add3A_212] : memref<31744xi32, #tpu.memory_space<vmem>>[vector<16xi32>], vector<16xi32>,
            %ge3A_214 = arith.constant 0 : i32
            %ge3A_215 = vector.broadcast %ge3A_214 : i32 to vector<16xi32>
            %ge3A_216 = arith.cmpi sge, %gather3A_213, %ge3A_215 : vector<16xi32>
            %convert_element_type3A_217 = arith.extui %ge3A_216 : vector<16xi1> to vector<16xi32>
            %broadcast_in_dim3A_218 = arith.constant true
            %broadcast_in_dim3A_219 = vector.broadcast %broadcast_in_dim3A_218 : i1 to vector<16xi1>
            %masked_cumsum3A_220 = tpu.scan <sum>, %convert_element_type3A_217 masked %broadcast_in_dim3A_219 : vector<16xi32>, vector<16xi1> -> vector<16xi32>
            %sub3A_221 = arith.subi %masked_cumsum3A_220, %convert_element_type3A_217 : vector<16xi32>
            %add3A_222 = arith.addi %add3A_203, %sub3A_221 : vector<16xi32>
            tpu.vector_store_idx %arg10[%add3A_222], %gather3A_213 masked %ge3A_216 : memref<528xi32, #tpu.memory_space<vmem>>[vector<16xi32>], vector<16xi32>, vector<16xi1>
            %add3A_223 = vector.broadcast %mul3A_209 : i32 to vector<16xi32>
            %add3A_224 = arith.addi %add3A_223, %iota3A : vector<16xi32>
            tpu.vector_store_idx %arg11[%add3A_222], %add3A_224 masked %ge3A_216 : memref<528xi32, #tpu.memory_space<vmem>>[vector<16xi32>], vector<16xi32>, vector<16xi1>
            %all_reduce_population_count3A_225 = tpu.all_reduce %ge3A_216 {dim = 0 : i64, kind = #tpu.reduction_kind<sum>} : vector<16xi1> -> vector<16xi32>
            %add3A_226 = arith.addi %add3A_203, %all_reduce_population_count3A_225 : vector<16xi32>
            %mul3A_227 = arith.constant 4 : i32
            %mul3A_228 = arith.muli %scan3A_160, %mul3A_227 : i32
            %add3A_229 = arith.constant 3 : i32
            %add3A_230 = arith.addi %mul3A_228, %add3A_229 : i32
            %mul3A_231 = arith.constant 16 : i32
            %mul3A_232 = arith.muli %add3A_230, %mul3A_231 : i32
            %add3A_233 = arith.addi %mul3A_136, %mul3A_232 : i32
            %add3A_234 = vector.broadcast %add3A_233 : i32 to vector<16xi32>
            %add3A_235 = arith.addi %add3A_234, %iota3A : vector<16xi32>
            %gather3A_236 = tpu.vector_load_idx %arg7[%add3A_235] : memref<31744xi32, #tpu.memory_space<vmem>>[vector<16xi32>], vector<16xi32>,
            %ge3A_237 = arith.constant 0 : i32
            %ge3A_238 = vector.broadcast %ge3A_237 : i32 to vector<16xi32>
            %ge3A_239 = arith.cmpi sge, %gather3A_236, %ge3A_238 : vector<16xi32>
            %convert_element_type3A_240 = arith.extui %ge3A_239 : vector<16xi1> to vector<16xi32>
            %broadcast_in_dim3A_241 = arith.constant true
            %broadcast_in_dim3A_242 = vector.broadcast %broadcast_in_dim3A_241 : i1 to vector<16xi1>
            %masked_cumsum3A_243 = tpu.scan <sum>, %convert_element_type3A_240 masked %broadcast_in_dim3A_242 : vector<16xi32>, vector<16xi1> -> vector<16xi32>
            %sub3A_244 = arith.subi %masked_cumsum3A_243, %convert_element_type3A_240 : vector<16xi32>
            %add3A_245 = arith.addi %add3A_226, %sub3A_244 : vector<16xi32>
            tpu.vector_store_idx %arg10[%add3A_245], %gather3A_236 masked %ge3A_239 : memref<528xi32, #tpu.memory_space<vmem>>[vector<16xi32>], vector<16xi32>, vector<16xi1>
            %add3A_246 = vector.broadcast %mul3A_232 : i32 to vector<16xi32>
            %add3A_247 = arith.addi %add3A_246, %iota3A : vector<16xi32>
            tpu.vector_store_idx %arg11[%add3A_245], %add3A_247 masked %ge3A_239 : memref<528xi32, #tpu.memory_space<vmem>>[vector<16xi32>], vector<16xi32>, vector<16xi1>
            %all_reduce_population_count3A_248 = tpu.all_reduce %ge3A_239 {dim = 0 : i64, kind = #tpu.reduction_kind<sum>} : vector<16xi1> -> vector<16xi32>
            %add3A_249 = arith.addi %add3A_226, %all_reduce_population_count3A_248 : vector<16xi32>
            scf.yield %add3A_249 : vector<16xi32>
          }
          %scan3A_144 = arith.constant 8 : i32
          %broadcast_in_dim3A_145 = arith.constant 0 : i32
          %broadcast_in_dim3A_146 = vector.broadcast %broadcast_in_dim3A_145 : i32 to vector<16xi32>
          %mul3A_147 = arith.constant 61 : i32
          %mul3A_148 = arith.muli %add3A, %mul3A_147 : i32
          %add3A_149 = arith.addi %mul3A_148, %add3A_134 : i32
          %and3A_150 = arith.constant 16383 : i32
          %and3A_151 = arith.andi %add3A_149, %and3A_150 : i32
          %add3A_152 = vector.broadcast %and3A_151 : i32 to vector<16xi32>
          %add3A_153 = arith.addi %broadcast_in_dim3A_146, %add3A_152 : vector<16xi32>
          %add3A_154 = arith.addi %scan3A_143, %iota3A : vector<16xi32>
          tpu.vector_store_idx %arg10[%add3A_154], %add3A_153 : memref<528xi32, #tpu.memory_space<vmem>>[vector<16xi32>], vector<16xi32>,
          %dma_start3A_155 = arith.constant 0 : i32
          %dma_start3A_156 = tpu.memref_slice %arg10[%dma_start3A_155] : memref<528xi32, #tpu.memory_space<vmem>> -> memref<16xi32, #tpu.memory_space<vmem>>
          %dma_start3A_157 = arith.constant 0 : i32
          %dma_start3A_158 = arith.constant 0 : i32
          %dma_start3A_159 = tpu.memref_slice %arg4[%dma_start3A_157, %dma_start3A_158] : memref<16384x128xf32, #tpu.memory_space<hbm>> -> memref<16384x128xf32, #tpu.memory_space<hbm>>
          tpu.enqueue_indirect_dma source(%dma_start3A_159 : memref<16384x128xf32, #tpu.memory_space<hbm>>) target(%arg13 : memref<16x128xf32, #tpu.memory_space<vmem>>) offsets(%dma_start3A_156 : memref<16xi32, #tpu.memory_space<vmem>>) semaphore(%arg21 : memref<!tpu.dma_semaphore, #tpu.memory_space<semaphore_mem>>)
          scf.yield %scan3A_143 : vector<16xi32>
        } else {
          %broadcast_in_dim3A_133 = arith.constant 0 : i32
          %broadcast_in_dim3A_134 = vector.broadcast %broadcast_in_dim3A_133 : i32 to vector<16xi32>
          scf.yield %broadcast_in_dim3A_134 : vector<16xi32>
        }
        %mul3A_87 = arith.constant 512 : i32
        %mul3A_88 = arith.muli %while3A_67, %mul3A_87 : i32
        %add3A_89 = arith.addi %mul3A_2, %mul3A_88 : i32
        %dma_wait3A = arith.constant 0 : i32
        %dma_wait3A_90 = tpu.memref_slice %arg2[%dma_wait3A, %add3A_89] : memref<64x1000000xf32, #tpu.memory_space<hbm>> -> memref<64x512xf32, #tpu.memory_space<hbm>>
        %dma_wait3A_91 = arith.constant 0 : i32
        %dma_wait3A_92 = tpu.memref_slice %arg2[%dma_wait3A_91, %add3A_89] : memref<64x1000000xf32, #tpu.memory_space<hbm>> -> memref<64x512xf32, #tpu.memory_space<hbm>>
        tpu.wait_dma2 semaphore(%arg16 : memref<!tpu.dma_semaphore, #tpu.memory_space<semaphore_mem>>) src(%dma_wait3A_92 : memref<64x512xf32, #tpu.memory_space<hbm>>) dst(%arg14 : memref<64x512xf32, #tpu.memory_space<vmem>>)
        %add3A_93 = arith.constant 1 : i32
        %add3A_94 = arith.addi %while3A_67, %add3A_93 : i32
        %lt3A_95 = arith.cmpi slt, %add3A_94, %select_n3A_9 : i32
        %convert_element_type3A_96 = arith.extui %lt3A_95 : i1 to i32
        %cond3A_97 = arith.constant 0 : i32
        %cond3A_98 = arith.cmpi ne, %convert_element_type3A_96, %cond3A_97 : i32
        scf.if %cond3A_98 {
          %add3A_133 = arith.constant 1 : i32
          %add3A_134 = arith.addi %while3A_67, %add3A_133 : i32
          %mul3A_135 = arith.constant 512 : i32
          %mul3A_136 = arith.muli %add3A_134, %mul3A_135 : i32
          %add3A_137 = arith.addi %mul3A_2, %mul3A_136 : i32
          %dma_start3A_138 = arith.constant 0 : i32
          %dma_start3A_139 = tpu.memref_slice %arg2[%dma_start3A_138, %add3A_137] : memref<64x1000000xf32, #tpu.memory_space<hbm>> -> memref<64x512xf32, #tpu.memory_space<hbm>>
          %dma_start3A_140 = arith.constant 0 : i32
          %dma_start3A_141 = tpu.memref_slice %arg2[%dma_start3A_140, %add3A_137] : memref<64x1000000xf32, #tpu.memory_space<hbm>> -> memref<64x512xf32, #tpu.memory_space<hbm>>
          tpu.enqueue_dma source(%dma_start3A_141 : memref<64x512xf32, #tpu.memory_space<hbm>>) target(%arg15 : memref<64x512xf32, #tpu.memory_space<vmem>>) target_semaphore(%arg17 : memref<!tpu.dma_semaphore, #tpu.memory_space<semaphore_mem>>)
        } else {
        }
        %dma_wait3A_99 = arith.constant 0 : i32
        %dma_wait3A_100 = tpu.memref_slice %arg8[%dma_wait3A_99] : memref<528xi32, #tpu.memory_space<vmem>> -> memref<16xi32, #tpu.memory_space<vmem>>
        %dma_wait3A_101 = arith.constant 0 : i32
        %dma_wait3A_102 = arith.constant 0 : i32
        %dma_wait3A_103 = tpu.memref_slice %arg4[%dma_wait3A_101, %dma_wait3A_102] : memref<16384x128xf32, #tpu.memory_space<hbm>> -> memref<16384x128xf32, #tpu.memory_space<hbm>>
        tpu.wait_indirect_dma semaphore(%arg20 : memref<!tpu.dma_semaphore, #tpu.memory_space<semaphore_mem>>) src(%dma_wait3A_103 : memref<16384x128xf32, #tpu.memory_space<hbm>>) dst(%arg12 : memref<16x128xf32, #tpu.memory_space<vmem>>)
        %reduce_max3A = arith.constant true
        %reduce_max3A_104 = vector.broadcast %reduce_max3A : i1 to vector<16xi1>
        %reduce_max3A_105 = arith.constant -2147483648 : i32
        %reduce_max3A_106 = vector.broadcast %reduce_max3A_105 : i32 to vector<16xi32>
        %reduce_max3A_107 = arith.xori %while3A_68, %reduce_max3A_106 : vector<16xi32>
        %reduce_max3A_108 = tpu.scan <max>, %reduce_max3A_107 masked %reduce_max3A_104 : vector<16xi32>, vector<16xi1> -> vector<16xi32>
        %reduce_max3A_109 = arith.xori %reduce_max3A_108, %reduce_max3A_106 : vector<16xi32>
        %reduce_max3A_110 = vector.extract %reduce_max3A_109[15] : i32 from vector<16xi32>
        %add3A_111 = arith.constant 16 : i32
        %add3A_112 = arith.addi %reduce_max3A_110, %add3A_111 : i32
        %sub3A_113 = arith.constant 1 : i32
        %sub3A_114 = arith.subi %add3A_112, %sub3A_113 : i32
        %shift_right_logical3A = arith.constant 4 : i32
        %shift_right_logical3A_115 = arith.shrui %sub3A_114, %shift_right_logical3A : i32
        %while3A_116 = arith.constant 0 : i32
        %while3A_117 = arith.constant 0 : i32
        %while3A_118 = arith.subi %shift_right_logical3A_115, %while3A_117 : i32
        %while3A_119 = arith.addi %while3A_117, %while3A_118 : i32
        %while3A_120 = arith.constant 1 : i32
        %while3A_121 = arith.divsi %while3A_118, %while3A_120 : i32
        %while3A_122 = arith.muli %while3A_121, %while3A_120 : i32
        %while3A_123 = arith.addi %while3A_117, %while3A_122 : i32
        %while3A_124 = arith.constant 1 : i32
        scf.for %while3A_133 = %while3A_117 to %while3A_123 step %while3A_124  : i32 {
          %gt3A_134 = arith.constant 0 : i32
          %gt3A_135 = arith.cmpi sgt, %while3A_133, %gt3A_134 : i32
          %convert_element_type3A_136 = arith.extui %gt3A_135 : i1 to i32
          %cond3A_137 = arith.constant 0 : i32
          %cond3A_138 = arith.cmpi ne, %convert_element_type3A_136, %cond3A_137 : i32
          scf.if %cond3A_138 {
            %mul3A_340 = arith.constant 16 : i32
            %mul3A_341 = arith.muli %while3A_133, %mul3A_340 : i32
            %dma_start3A_342 = tpu.memref_slice %arg8[%mul3A_341] : memref<528xi32, #tpu.memory_space<vmem>> -> memref<16xi32, #tpu.memory_space<vmem>>
            %dma_start3A_343 = arith.constant 0 : i32
            %dma_start3A_344 = arith.constant 0 : i32
            %dma_start3A_345 = tpu.memref_slice %arg4[%dma_start3A_343, %dma_start3A_344] : memref<16384x128xf32, #tpu.memory_space<hbm>> -> memref<16384x128xf32, #tpu.memory_space<hbm>>
            tpu.enqueue_indirect_dma source(%dma_start3A_345 : memref<16384x128xf32, #tpu.memory_space<hbm>>) target(%arg12 : memref<16x128xf32, #tpu.memory_space<vmem>>) offsets(%dma_start3A_342 : memref<16xi32, #tpu.memory_space<vmem>>) semaphore(%arg20 : memref<!tpu.dma_semaphore, #tpu.memory_space<semaphore_mem>>)
            %dma_wait3A_346 = tpu.memref_slice %arg8[%mul3A_341] : memref<528xi32, #tpu.memory_space<vmem>> -> memref<16xi32, #tpu.memory_space<vmem>>
            %dma_wait3A_347 = arith.constant 0 : i32
            %dma_wait3A_348 = arith.constant 0 : i32
            %dma_wait3A_349 = tpu.memref_slice %arg4[%dma_wait3A_347, %dma_wait3A_348] : memref<16384x128xf32, #tpu.memory_space<hbm>> -> memref<16384x128xf32, #tpu.memory_space<hbm>>
            tpu.wait_indirect_dma semaphore(%arg20 : memref<!tpu.dma_semaphore, #tpu.memory_space<semaphore_mem>>) src(%dma_wait3A_349 : memref<16384x128xf32, #tpu.memory_space<hbm>>) dst(%arg12 : memref<16x128xf32, #tpu.memory_space<vmem>>)
          } else {
          }
          %mul3A_139 = arith.constant 16 : i32
          %mul3A_140 = arith.muli %while3A_133, %mul3A_139 : i32
          %add3A_141 = vector.broadcast %mul3A_140 : i32 to vector<16xi32>
          %add3A_142 = arith.addi %add3A_141, %iota3A : vector<16xi32>
          %gather3A = tpu.vector_load_idx %arg9[%add3A_142] : memref<528xi32, #tpu.memory_space<vmem>>[vector<16xi32>], vector<16xi32>,
          %mul3A_143 = arith.constant 16 : i32
          %mul3A_144 = arith.muli %while3A_133, %mul3A_143 : i32
          %add3A_145 = vector.broadcast %mul3A_144 : i32 to vector<16xi32>
          %add3A_146 = arith.addi %add3A_145, %iota3A : vector<16xi32>
          %lt3A_147 = arith.cmpi slt, %add3A_146, %while3A_68 : vector<16xi32>
          %broadcast_in_dim3A_148 = arith.constant 0 : i32
          %broadcast_in_dim3A_149 = vector.broadcast %broadcast_in_dim3A_148 : i32 to vector<16xi32>
          %gather3A_150 = tpu.vector_load_idx %arg12[%iota3A, %broadcast_in_dim3A_149] : memref<16x128xf32, #tpu.memory_space<vmem>>[vector<16xi32>, vector<16xi32>], vector<16xf32>,
          tpu.vector_store_idx %arg14[%broadcast_in_dim3A_149, %gather3A], %gather3A_150 masked %lt3A_147 : memref<64x512xf32, #tpu.memory_space<vmem>>[vector<16xi32>, vector<16xi32>], vector<16xf32>, vector<16xi1>
          %broadcast_in_dim3A_151 = arith.constant 1 : i32
          %broadcast_in_dim3A_152 = vector.broadcast %broadcast_in_dim3A_151 : i32 to vector<16xi32>
          %gather3A_153 = tpu.vector_load_idx %arg12[%iota3A, %broadcast_in_dim3A_152] : memref<16x128xf32, #tpu.memory_space<vmem>>[vector<16xi32>, vector<16xi32>], vector<16xf32>,
          tpu.vector_store_idx %arg14[%broadcast_in_dim3A_152, %gather3A], %gather3A_153 masked %lt3A_147 : memref<64x512xf32, #tpu.memory_space<vmem>>[vector<16xi32>, vector<16xi32>], vector<16xf32>, vector<16xi1>
          %broadcast_in_dim3A_154 = arith.constant 2 : i32
          %broadcast_in_dim3A_155 = vector.broadcast %broadcast_in_dim3A_154 : i32 to vector<16xi32>
          %gather3A_156 = tpu.vector_load_idx %arg12[%iota3A, %broadcast_in_dim3A_155] : memref<16x128xf32, #tpu.memory_space<vmem>>[vector<16xi32>, vector<16xi32>], vector<16xf32>,
          tpu.vector_store_idx %arg14[%broadcast_in_dim3A_155, %gather3A], %gather3A_156 masked %lt3A_147 : memref<64x512xf32, #tpu.memory_space<vmem>>[vector<16xi32>, vector<16xi32>], vector<16xf32>, vector<16xi1>
          %broadcast_in_dim3A_157 = arith.constant 3 : i32
          %broadcast_in_dim3A_158 = vector.broadcast %broadcast_in_dim3A_157 : i32 to vector<16xi32>
          %gather3A_159 = tpu.vector_load_idx %arg12[%iota3A, %broadcast_in_dim3A_158] : memref<16x128xf32, #tpu.memory_space<vmem>>[vector<16xi32>, vector<16xi32>], vector<16xf32>,
          tpu.vector_store_idx %arg14[%broadcast_in_dim3A_158, %gather3A], %gather3A_159 masked %lt3A_147 : memref<64x512xf32, #tpu.memory_space<vmem>>[vector<16xi32>, vector<16xi32>], vector<16xf32>, vector<16xi1>
          %broadcast_in_dim3A_160 = arith.constant 4 : i32
          %broadcast_in_dim3A_161 = vector.broadcast %broadcast_in_dim3A_160 : i32 to vector<16xi32>
          %gather3A_162 = tpu.vector_load_idx %arg12[%iota3A, %broadcast_in_dim3A_161] : memref<16x128xf32, #tpu.memory_space<vmem>>[vector<16xi32>, vector<16xi32>], vector<16xf32>,
          tpu.vector_store_idx %arg14[%broadcast_in_dim3A_161, %gather3A], %gather3A_162 masked %lt3A_147 : memref<64x512xf32, #tpu.memory_space<vmem>>[vector<16xi32>, vector<16xi32>], vector<16xf32>, vector<16xi1>
          %broadcast_in_dim3A_163 = arith.constant 5 : i32
          %broadcast_in_dim3A_164 = vector.broadcast %broadcast_in_dim3A_163 : i32 to vector<16xi32>
          %gather3A_165 = tpu.vector_load_idx %arg12[%iota3A, %broadcast_in_dim3A_164] : memref<16x128xf32, #tpu.memory_space<vmem>>[vector<16xi32>, vector<16xi32>], vector<16xf32>,
          tpu.vector_store_idx %arg14[%broadcast_in_dim3A_164, %gather3A], %gather3A_165 masked %lt3A_147 : memref<64x512xf32, #tpu.memory_space<vmem>>[vector<16xi32>, vector<16xi32>], vector<16xf32>, vector<16xi1>
          %broadcast_in_dim3A_166 = arith.constant 6 : i32
          %broadcast_in_dim3A_167 = vector.broadcast %broadcast_in_dim3A_166 : i32 to vector<16xi32>
          %gather3A_168 = tpu.vector_load_idx %arg12[%iota3A, %broadcast_in_dim3A_167] : memref<16x128xf32, #tpu.memory_space<vmem>>[vector<16xi32>, vector<16xi32>], vector<16xf32>,
          tpu.vector_store_idx %arg14[%broadcast_in_dim3A_167, %gather3A], %gather3A_168 masked %lt3A_147 : memref<64x512xf32, #tpu.memory_space<vmem>>[vector<16xi32>, vector<16xi32>], vector<16xf32>, vector<16xi1>
          %broadcast_in_dim3A_169 = arith.constant 7 : i32
          %broadcast_in_dim3A_170 = vector.broadcast %broadcast_in_dim3A_169 : i32 to vector<16xi32>
          %gather3A_171 = tpu.vector_load_idx %arg12[%iota3A, %broadcast_in_dim3A_170] : memref<16x128xf32, #tpu.memory_space<vmem>>[vector<16xi32>, vector<16xi32>], vector<16xf32>,
          tpu.vector_store_idx %arg14[%broadcast_in_dim3A_170, %gather3A], %gather3A_171 masked %lt3A_147 : memref<64x512xf32, #tpu.memory_space<vmem>>[vector<16xi32>, vector<16xi32>], vector<16xf32>, vector<16xi1>
          %broadcast_in_dim3A_172 = arith.constant 8 : i32
          %broadcast_in_dim3A_173 = vector.broadcast %broadcast_in_dim3A_172 : i32 to vector<16xi32>
          %gather3A_174 = tpu.vector_load_idx %arg12[%iota3A, %broadcast_in_dim3A_173] : memref<16x128xf32, #tpu.memory_space<vmem>>[vector<16xi32>, vector<16xi32>], vector<16xf32>,
          tpu.vector_store_idx %arg14[%broadcast_in_dim3A_173, %gather3A], %gather3A_174 masked %lt3A_147 : memref<64x512xf32, #tpu.memory_space<vmem>>[vector<16xi32>, vector<16xi32>], vector<16xf32>, vector<16xi1>
          %broadcast_in_dim3A_175 = arith.constant 9 : i32
          %broadcast_in_dim3A_176 = vector.broadcast %broadcast_in_dim3A_175 : i32 to vector<16xi32>
          %gather3A_177 = tpu.vector_load_idx %arg12[%iota3A, %broadcast_in_dim3A_176] : memref<16x128xf32, #tpu.memory_space<vmem>>[vector<16xi32>, vector<16xi32>], vector<16xf32>,
          tpu.vector_store_idx %arg14[%broadcast_in_dim3A_176, %gather3A], %gather3A_177 masked %lt3A_147 : memref<64x512xf32, #tpu.memory_space<vmem>>[vector<16xi32>, vector<16xi32>], vector<16xf32>, vector<16xi1>
          %broadcast_in_dim3A_178 = arith.constant 10 : i32
          %broadcast_in_dim3A_179 = vector.broadcast %broadcast_in_dim3A_178 : i32 to vector<16xi32>
          %gather3A_180 = tpu.vector_load_idx %arg12[%iota3A, %broadcast_in_dim3A_179] : memref<16x128xf32, #tpu.memory_space<vmem>>[vector<16xi32>, vector<16xi32>], vector<16xf32>,
          tpu.vector_store_idx %arg14[%broadcast_in_dim3A_179, %gather3A], %gather3A_180 masked %lt3A_147 : memref<64x512xf32, #tpu.memory_space<vmem>>[vector<16xi32>, vector<16xi32>], vector<16xf32>, vector<16xi1>
          %broadcast_in_dim3A_181 = arith.constant 11 : i32
          %broadcast_in_dim3A_182 = vector.broadcast %broadcast_in_dim3A_181 : i32 to vector<16xi32>
          %gather3A_183 = tpu.vector_load_idx %arg12[%iota3A, %broadcast_in_dim3A_182] : memref<16x128xf32, #tpu.memory_space<vmem>>[vector<16xi32>, vector<16xi32>], vector<16xf32>,
          tpu.vector_store_idx %arg14[%broadcast_in_dim3A_182, %gather3A], %gather3A_183 masked %lt3A_147 : memref<64x512xf32, #tpu.memory_space<vmem>>[vector<16xi32>, vector<16xi32>], vector<16xf32>, vector<16xi1>
          %broadcast_in_dim3A_184 = arith.constant 12 : i32
          %broadcast_in_dim3A_185 = vector.broadcast %broadcast_in_dim3A_184 : i32 to vector<16xi32>
          %gather3A_186 = tpu.vector_load_idx %arg12[%iota3A, %broadcast_in_dim3A_185] : memref<16x128xf32, #tpu.memory_space<vmem>>[vector<16xi32>, vector<16xi32>], vector<16xf32>,
          tpu.vector_store_idx %arg14[%broadcast_in_dim3A_185, %gather3A], %gather3A_186 masked %lt3A_147 : memref<64x512xf32, #tpu.memory_space<vmem>>[vector<16xi32>, vector<16xi32>], vector<16xf32>, vector<16xi1>
          %broadcast_in_dim3A_187 = arith.constant 13 : i32
          %broadcast_in_dim3A_188 = vector.broadcast %broadcast_in_dim3A_187 : i32 to vector<16xi32>
          %gather3A_189 = tpu.vector_load_idx %arg12[%iota3A, %broadcast_in_dim3A_188] : memref<16x128xf32, #tpu.memory_space<vmem>>[vector<16xi32>, vector<16xi32>], vector<16xf32>,
          tpu.vector_store_idx %arg14[%broadcast_in_dim3A_188, %gather3A], %gather3A_189 masked %lt3A_147 : memref<64x512xf32, #tpu.memory_space<vmem>>[vector<16xi32>, vector<16xi32>], vector<16xf32>, vector<16xi1>
          %broadcast_in_dim3A_190 = arith.constant 14 : i32
          %broadcast_in_dim3A_191 = vector.broadcast %broadcast_in_dim3A_190 : i32 to vector<16xi32>
          %gather3A_192 = tpu.vector_load_idx %arg12[%iota3A, %broadcast_in_dim3A_191] : memref<16x128xf32, #tpu.memory_space<vmem>>[vector<16xi32>, vector<16xi32>], vector<16xf32>,
          tpu.vector_store_idx %arg14[%broadcast_in_dim3A_191, %gather3A], %gather3A_192 masked %lt3A_147 : memref<64x512xf32, #tpu.memory_space<vmem>>[vector<16xi32>, vector<16xi32>], vector<16xf32>, vector<16xi1>
          %broadcast_in_dim3A_193 = arith.constant 15 : i32
          %broadcast_in_dim3A_194 = vector.broadcast %broadcast_in_dim3A_193 : i32 to vector<16xi32>
          %gather3A_195 = tpu.vector_load_idx %arg12[%iota3A, %broadcast_in_dim3A_194] : memref<16x128xf32, #tpu.memory_space<vmem>>[vector<16xi32>, vector<16xi32>], vector<16xf32>,
          tpu.vector_store_idx %arg14[%broadcast_in_dim3A_194, %gather3A], %gather3A_195 masked %lt3A_147 : memref<64x512xf32, #tpu.memory_space<vmem>>[vector<16xi32>, vector<16xi32>], vector<16xf32>, vector<16xi1>
          %broadcast_in_dim3A_196 = arith.constant 16 : i32
          %broadcast_in_dim3A_197 = vector.broadcast %broadcast_in_dim3A_196 : i32 to vector<16xi32>
          %gather3A_198 = tpu.vector_load_idx %arg12[%iota3A, %broadcast_in_dim3A_197] : memref<16x128xf32, #tpu.memory_space<vmem>>[vector<16xi32>, vector<16xi32>], vector<16xf32>,
          tpu.vector_store_idx %arg14[%broadcast_in_dim3A_197, %gather3A], %gather3A_198 masked %lt3A_147 : memref<64x512xf32, #tpu.memory_space<vmem>>[vector<16xi32>, vector<16xi32>], vector<16xf32>, vector<16xi1>
          %broadcast_in_dim3A_199 = arith.constant 17 : i32
          %broadcast_in_dim3A_200 = vector.broadcast %broadcast_in_dim3A_199 : i32 to vector<16xi32>
          %gather3A_201 = tpu.vector_load_idx %arg12[%iota3A, %broadcast_in_dim3A_200] : memref<16x128xf32, #tpu.memory_space<vmem>>[vector<16xi32>, vector<16xi32>], vector<16xf32>,
          tpu.vector_store_idx %arg14[%broadcast_in_dim3A_200, %gather3A], %gather3A_201 masked %lt3A_147 : memref<64x512xf32, #tpu.memory_space<vmem>>[vector<16xi32>, vector<16xi32>], vector<16xf32>, vector<16xi1>
          %broadcast_in_dim3A_202 = arith.constant 18 : i32
          %broadcast_in_dim3A_203 = vector.broadcast %broadcast_in_dim3A_202 : i32 to vector<16xi32>
          %gather3A_204 = tpu.vector_load_idx %arg12[%iota3A, %broadcast_in_dim3A_203] : memref<16x128xf32, #tpu.memory_space<vmem>>[vector<16xi32>, vector<16xi32>], vector<16xf32>,
          tpu.vector_store_idx %arg14[%broadcast_in_dim3A_203, %gather3A], %gather3A_204 masked %lt3A_147 : memref<64x512xf32, #tpu.memory_space<vmem>>[vector<16xi32>, vector<16xi32>], vector<16xf32>, vector<16xi1>
          %broadcast_in_dim3A_205 = arith.constant 19 : i32
          %broadcast_in_dim3A_206 = vector.broadcast %broadcast_in_dim3A_205 : i32 to vector<16xi32>
          %gather3A_207 = tpu.vector_load_idx %arg12[%iota3A, %broadcast_in_dim3A_206] : memref<16x128xf32, #tpu.memory_space<vmem>>[vector<16xi32>, vector<16xi32>], vector<16xf32>,
          tpu.vector_store_idx %arg14[%broadcast_in_dim3A_206, %gather3A], %gather3A_207 masked %lt3A_147 : memref<64x512xf32, #tpu.memory_space<vmem>>[vector<16xi32>, vector<16xi32>], vector<16xf32>, vector<16xi1>
          %broadcast_in_dim3A_208 = arith.constant 20 : i32
          %broadcast_in_dim3A_209 = vector.broadcast %broadcast_in_dim3A_208 : i32 to vector<16xi32>
          %gather3A_210 = tpu.vector_load_idx %arg12[%iota3A, %broadcast_in_dim3A_209] : memref<16x128xf32, #tpu.memory_space<vmem>>[vector<16xi32>, vector<16xi32>], vector<16xf32>,
          tpu.vector_store_idx %arg14[%broadcast_in_dim3A_209, %gather3A], %gather3A_210 masked %lt3A_147 : memref<64x512xf32, #tpu.memory_space<vmem>>[vector<16xi32>, vector<16xi32>], vector<16xf32>, vector<16xi1>
          %broadcast_in_dim3A_211 = arith.constant 21 : i32
          %broadcast_in_dim3A_212 = vector.broadcast %broadcast_in_dim3A_211 : i32 to vector<16xi32>
          %gather3A_213 = tpu.vector_load_idx %arg12[%iota3A, %broadcast_in_dim3A_212] : memref<16x128xf32, #tpu.memory_space<vmem>>[vector<16xi32>, vector<16xi32>], vector<16xf32>,
          tpu.vector_store_idx %arg14[%broadcast_in_dim3A_212, %gather3A], %gather3A_213 masked %lt3A_147 : memref<64x512xf32, #tpu.memory_space<vmem>>[vector<16xi32>, vector<16xi32>], vector<16xf32>, vector<16xi1>
          %broadcast_in_dim3A_214 = arith.constant 22 : i32
          %broadcast_in_dim3A_215 = vector.broadcast %broadcast_in_dim3A_214 : i32 to vector<16xi32>
          %gather3A_216 = tpu.vector_load_idx %arg12[%iota3A, %broadcast_in_dim3A_215] : memref<16x128xf32, #tpu.memory_space<vmem>>[vector<16xi32>, vector<16xi32>], vector<16xf32>,
          tpu.vector_store_idx %arg14[%broadcast_in_dim3A_215, %gather3A], %gather3A_216 masked %lt3A_147 : memref<64x512xf32, #tpu.memory_space<vmem>>[vector<16xi32>, vector<16xi32>], vector<16xf32>, vector<16xi1>
          %broadcast_in_dim3A_217 = arith.constant 23 : i32
          %broadcast_in_dim3A_218 = vector.broadcast %broadcast_in_dim3A_217 : i32 to vector<16xi32>
          %gather3A_219 = tpu.vector_load_idx %arg12[%iota3A, %broadcast_in_dim3A_218] : memref<16x128xf32, #tpu.memory_space<vmem>>[vector<16xi32>, vector<16xi32>], vector<16xf32>,
          tpu.vector_store_idx %arg14[%broadcast_in_dim3A_218, %gather3A], %gather3A_219 masked %lt3A_147 : memref<64x512xf32, #tpu.memory_space<vmem>>[vector<16xi32>, vector<16xi32>], vector<16xf32>, vector<16xi1>
          %broadcast_in_dim3A_220 = arith.constant 24 : i32
          %broadcast_in_dim3A_221 = vector.broadcast %broadcast_in_dim3A_220 : i32 to vector<16xi32>
          %gather3A_222 = tpu.vector_load_idx %arg12[%iota3A, %broadcast_in_dim3A_221] : memref<16x128xf32, #tpu.memory_space<vmem>>[vector<16xi32>, vector<16xi32>], vector<16xf32>,
          tpu.vector_store_idx %arg14[%broadcast_in_dim3A_221, %gather3A], %gather3A_222 masked %lt3A_147 : memref<64x512xf32, #tpu.memory_space<vmem>>[vector<16xi32>, vector<16xi32>], vector<16xf32>, vector<16xi1>
          %broadcast_in_dim3A_223 = arith.constant 25 : i32
          %broadcast_in_dim3A_224 = vector.broadcast %broadcast_in_dim3A_223 : i32 to vector<16xi32>
          %gather3A_225 = tpu.vector_load_idx %arg12[%iota3A, %broadcast_in_dim3A_224] : memref<16x128xf32, #tpu.memory_space<vmem>>[vector<16xi32>, vector<16xi32>], vector<16xf32>,
          tpu.vector_store_idx %arg14[%broadcast_in_dim3A_224, %gather3A], %gather3A_225 masked %lt3A_147 : memref<64x512xf32, #tpu.memory_space<vmem>>[vector<16xi32>, vector<16xi32>], vector<16xf32>, vector<16xi1>
          %broadcast_in_dim3A_226 = arith.constant 26 : i32
          %broadcast_in_dim3A_227 = vector.broadcast %broadcast_in_dim3A_226 : i32 to vector<16xi32>
          %gather3A_228 = tpu.vector_load_idx %arg12[%iota3A, %broadcast_in_dim3A_227] : memref<16x128xf32, #tpu.memory_space<vmem>>[vector<16xi32>, vector<16xi32>], vector<16xf32>,
          tpu.vector_store_idx %arg14[%broadcast_in_dim3A_227, %gather3A], %gather3A_228 masked %lt3A_147 : memref<64x512xf32, #tpu.memory_space<vmem>>[vector<16xi32>, vector<16xi32>], vector<16xf32>, vector<16xi1>
          %broadcast_in_dim3A_229 = arith.constant 27 : i32
          %broadcast_in_dim3A_230 = vector.broadcast %broadcast_in_dim3A_229 : i32 to vector<16xi32>
          %gather3A_231 = tpu.vector_load_idx %arg12[%iota3A, %broadcast_in_dim3A_230] : memref<16x128xf32, #tpu.memory_space<vmem>>[vector<16xi32>, vector<16xi32>], vector<16xf32>,
          tpu.vector_store_idx %arg14[%broadcast_in_dim3A_230, %gather3A], %gather3A_231 masked %lt3A_147 : memref<64x512xf32, #tpu.memory_space<vmem>>[vector<16xi32>, vector<16xi32>], vector<16xf32>, vector<16xi1>
          %broadcast_in_dim3A_232 = arith.constant 28 : i32
          %broadcast_in_dim3A_233 = vector.broadcast %broadcast_in_dim3A_232 : i32 to vector<16xi32>
          %gather3A_234 = tpu.vector_load_idx %arg12[%iota3A, %broadcast_in_dim3A_233] : memref<16x128xf32, #tpu.memory_space<vmem>>[vector<16xi32>, vector<16xi32>], vector<16xf32>,
          tpu.vector_store_idx %arg14[%broadcast_in_dim3A_233, %gather3A], %gather3A_234 masked %lt3A_147 : memref<64x512xf32, #tpu.memory_space<vmem>>[vector<16xi32>, vector<16xi32>], vector<16xf32>, vector<16xi1>
          %broadcast_in_dim3A_235 = arith.constant 29 : i32
          %broadcast_in_dim3A_236 = vector.broadcast %broadcast_in_dim3A_235 : i32 to vector<16xi32>
          %gather3A_237 = tpu.vector_load_idx %arg12[%iota3A, %broadcast_in_dim3A_236] : memref<16x128xf32, #tpu.memory_space<vmem>>[vector<16xi32>, vector<16xi32>], vector<16xf32>,
          tpu.vector_store_idx %arg14[%broadcast_in_dim3A_236, %gather3A], %gather3A_237 masked %lt3A_147 : memref<64x512xf32, #tpu.memory_space<vmem>>[vector<16xi32>, vector<16xi32>], vector<16xf32>, vector<16xi1>
          %broadcast_in_dim3A_238 = arith.constant 30 : i32
          %broadcast_in_dim3A_239 = vector.broadcast %broadcast_in_dim3A_238 : i32 to vector<16xi32>
          %gather3A_240 = tpu.vector_load_idx %arg12[%iota3A, %broadcast_in_dim3A_239] : memref<16x128xf32, #tpu.memory_space<vmem>>[vector<16xi32>, vector<16xi32>], vector<16xf32>,
          tpu.vector_store_idx %arg14[%broadcast_in_dim3A_239, %gather3A], %gather3A_240 masked %lt3A_147 : memref<64x512xf32, #tpu.memory_space<vmem>>[vector<16xi32>, vector<16xi32>], vector<16xf32>, vector<16xi1>
          %broadcast_in_dim3A_241 = arith.constant 31 : i32
          %broadcast_in_dim3A_242 = vector.broadcast %broadcast_in_dim3A_241 : i32 to vector<16xi32>
          %gather3A_243 = tpu.vector_load_idx %arg12[%iota3A, %broadcast_in_dim3A_242] : memref<16x128xf32, #tpu.memory_space<vmem>>[vector<16xi32>, vector<16xi32>], vector<16xf32>,
          tpu.vector_store_idx %arg14[%broadcast_in_dim3A_242, %gather3A], %gather3A_243 masked %lt3A_147 : memref<64x512xf32, #tpu.memory_space<vmem>>[vector<16xi32>, vector<16xi32>], vector<16xf32>, vector<16xi1>
          %broadcast_in_dim3A_244 = arith.constant 32 : i32
          %broadcast_in_dim3A_245 = vector.broadcast %broadcast_in_dim3A_244 : i32 to vector<16xi32>
          %gather3A_246 = tpu.vector_load_idx %arg12[%iota3A, %broadcast_in_dim3A_245] : memref<16x128xf32, #tpu.memory_space<vmem>>[vector<16xi32>, vector<16xi32>], vector<16xf32>,
          tpu.vector_store_idx %arg14[%broadcast_in_dim3A_245, %gather3A], %gather3A_246 masked %lt3A_147 : memref<64x512xf32, #tpu.memory_space<vmem>>[vector<16xi32>, vector<16xi32>], vector<16xf32>, vector<16xi1>
          %broadcast_in_dim3A_247 = arith.constant 33 : i32
          %broadcast_in_dim3A_248 = vector.broadcast %broadcast_in_dim3A_247 : i32 to vector<16xi32>
          %gather3A_249 = tpu.vector_load_idx %arg12[%iota3A, %broadcast_in_dim3A_248] : memref<16x128xf32, #tpu.memory_space<vmem>>[vector<16xi32>, vector<16xi32>], vector<16xf32>,
          tpu.vector_store_idx %arg14[%broadcast_in_dim3A_248, %gather3A], %gather3A_249 masked %lt3A_147 : memref<64x512xf32, #tpu.memory_space<vmem>>[vector<16xi32>, vector<16xi32>], vector<16xf32>, vector<16xi1>
          %broadcast_in_dim3A_250 = arith.constant 34 : i32
          %broadcast_in_dim3A_251 = vector.broadcast %broadcast_in_dim3A_250 : i32 to vector<16xi32>
          %gather3A_252 = tpu.vector_load_idx %arg12[%iota3A, %broadcast_in_dim3A_251] : memref<16x128xf32, #tpu.memory_space<vmem>>[vector<16xi32>, vector<16xi32>], vector<16xf32>,
          tpu.vector_store_idx %arg14[%broadcast_in_dim3A_251, %gather3A], %gather3A_252 masked %lt3A_147 : memref<64x512xf32, #tpu.memory_space<vmem>>[vector<16xi32>, vector<16xi32>], vector<16xf32>, vector<16xi1>
          %broadcast_in_dim3A_253 = arith.constant 35 : i32
          %broadcast_in_dim3A_254 = vector.broadcast %broadcast_in_dim3A_253 : i32 to vector<16xi32>
          %gather3A_255 = tpu.vector_load_idx %arg12[%iota3A, %broadcast_in_dim3A_254] : memref<16x128xf32, #tpu.memory_space<vmem>>[vector<16xi32>, vector<16xi32>], vector<16xf32>,
          tpu.vector_store_idx %arg14[%broadcast_in_dim3A_254, %gather3A], %gather3A_255 masked %lt3A_147 : memref<64x512xf32, #tpu.memory_space<vmem>>[vector<16xi32>, vector<16xi32>], vector<16xf32>, vector<16xi1>
          %broadcast_in_dim3A_256 = arith.constant 36 : i32
          %broadcast_in_dim3A_257 = vector.broadcast %broadcast_in_dim3A_256 : i32 to vector<16xi32>
          %gather3A_258 = tpu.vector_load_idx %arg12[%iota3A, %broadcast_in_dim3A_257] : memref<16x128xf32, #tpu.memory_space<vmem>>[vector<16xi32>, vector<16xi32>], vector<16xf32>,
          tpu.vector_store_idx %arg14[%broadcast_in_dim3A_257, %gather3A], %gather3A_258 masked %lt3A_147 : memref<64x512xf32, #tpu.memory_space<vmem>>[vector<16xi32>, vector<16xi32>], vector<16xf32>, vector<16xi1>
          %broadcast_in_dim3A_259 = arith.constant 37 : i32
          %broadcast_in_dim3A_260 = vector.broadcast %broadcast_in_dim3A_259 : i32 to vector<16xi32>
          %gather3A_261 = tpu.vector_load_idx %arg12[%iota3A, %broadcast_in_dim3A_260] : memref<16x128xf32, #tpu.memory_space<vmem>>[vector<16xi32>, vector<16xi32>], vector<16xf32>,
          tpu.vector_store_idx %arg14[%broadcast_in_dim3A_260, %gather3A], %gather3A_261 masked %lt3A_147 : memref<64x512xf32, #tpu.memory_space<vmem>>[vector<16xi32>, vector<16xi32>], vector<16xf32>, vector<16xi1>
          %broadcast_in_dim3A_262 = arith.constant 38 : i32
          %broadcast_in_dim3A_263 = vector.broadcast %broadcast_in_dim3A_262 : i32 to vector<16xi32>
          %gather3A_264 = tpu.vector_load_idx %arg12[%iota3A, %broadcast_in_dim3A_263] : memref<16x128xf32, #tpu.memory_space<vmem>>[vector<16xi32>, vector<16xi32>], vector<16xf32>,
          tpu.vector_store_idx %arg14[%broadcast_in_dim3A_263, %gather3A], %gather3A_264 masked %lt3A_147 : memref<64x512xf32, #tpu.memory_space<vmem>>[vector<16xi32>, vector<16xi32>], vector<16xf32>, vector<16xi1>
          %broadcast_in_dim3A_265 = arith.constant 39 : i32
          %broadcast_in_dim3A_266 = vector.broadcast %broadcast_in_dim3A_265 : i32 to vector<16xi32>
          %gather3A_267 = tpu.vector_load_idx %arg12[%iota3A, %broadcast_in_dim3A_266] : memref<16x128xf32, #tpu.memory_space<vmem>>[vector<16xi32>, vector<16xi32>], vector<16xf32>,
          tpu.vector_store_idx %arg14[%broadcast_in_dim3A_266, %gather3A], %gather3A_267 masked %lt3A_147 : memref<64x512xf32, #tpu.memory_space<vmem>>[vector<16xi32>, vector<16xi32>], vector<16xf32>, vector<16xi1>
          %broadcast_in_dim3A_268 = arith.constant 40 : i32
          %broadcast_in_dim3A_269 = vector.broadcast %broadcast_in_dim3A_268 : i32 to vector<16xi32>
          %gather3A_270 = tpu.vector_load_idx %arg12[%iota3A, %broadcast_in_dim3A_269] : memref<16x128xf32, #tpu.memory_space<vmem>>[vector<16xi32>, vector<16xi32>], vector<16xf32>,
          tpu.vector_store_idx %arg14[%broadcast_in_dim3A_269, %gather3A], %gather3A_270 masked %lt3A_147 : memref<64x512xf32, #tpu.memory_space<vmem>>[vector<16xi32>, vector<16xi32>], vector<16xf32>, vector<16xi1>
          %broadcast_in_dim3A_271 = arith.constant 41 : i32
          %broadcast_in_dim3A_272 = vector.broadcast %broadcast_in_dim3A_271 : i32 to vector<16xi32>
          %gather3A_273 = tpu.vector_load_idx %arg12[%iota3A, %broadcast_in_dim3A_272] : memref<16x128xf32, #tpu.memory_space<vmem>>[vector<16xi32>, vector<16xi32>], vector<16xf32>,
          tpu.vector_store_idx %arg14[%broadcast_in_dim3A_272, %gather3A], %gather3A_273 masked %lt3A_147 : memref<64x512xf32, #tpu.memory_space<vmem>>[vector<16xi32>, vector<16xi32>], vector<16xf32>, vector<16xi1>
          %broadcast_in_dim3A_274 = arith.constant 42 : i32
          %broadcast_in_dim3A_275 = vector.broadcast %broadcast_in_dim3A_274 : i32 to vector<16xi32>
          %gather3A_276 = tpu.vector_load_idx %arg12[%iota3A, %broadcast_in_dim3A_275] : memref<16x128xf32, #tpu.memory_space<vmem>>[vector<16xi32>, vector<16xi32>], vector<16xf32>,
          tpu.vector_store_idx %arg14[%broadcast_in_dim3A_275, %gather3A], %gather3A_276 masked %lt3A_147 : memref<64x512xf32, #tpu.memory_space<vmem>>[vector<16xi32>, vector<16xi32>], vector<16xf32>, vector<16xi1>
          %broadcast_in_dim3A_277 = arith.constant 43 : i32
          %broadcast_in_dim3A_278 = vector.broadcast %broadcast_in_dim3A_277 : i32 to vector<16xi32>
          %gather3A_279 = tpu.vector_load_idx %arg12[%iota3A, %broadcast_in_dim3A_278] : memref<16x128xf32, #tpu.memory_space<vmem>>[vector<16xi32>, vector<16xi32>], vector<16xf32>,
          tpu.vector_store_idx %arg14[%broadcast_in_dim3A_278, %gather3A], %gather3A_279 masked %lt3A_147 : memref<64x512xf32, #tpu.memory_space<vmem>>[vector<16xi32>, vector<16xi32>], vector<16xf32>, vector<16xi1>
          %broadcast_in_dim3A_280 = arith.constant 44 : i32
          %broadcast_in_dim3A_281 = vector.broadcast %broadcast_in_dim3A_280 : i32 to vector<16xi32>
          %gather3A_282 = tpu.vector_load_idx %arg12[%iota3A, %broadcast_in_dim3A_281] : memref<16x128xf32, #tpu.memory_space<vmem>>[vector<16xi32>, vector<16xi32>], vector<16xf32>,
          tpu.vector_store_idx %arg14[%broadcast_in_dim3A_281, %gather3A], %gather3A_282 masked %lt3A_147 : memref<64x512xf32, #tpu.memory_space<vmem>>[vector<16xi32>, vector<16xi32>], vector<16xf32>, vector<16xi1>
          %broadcast_in_dim3A_283 = arith.constant 45 : i32
          %broadcast_in_dim3A_284 = vector.broadcast %broadcast_in_dim3A_283 : i32 to vector<16xi32>
          %gather3A_285 = tpu.vector_load_idx %arg12[%iota3A, %broadcast_in_dim3A_284] : memref<16x128xf32, #tpu.memory_space<vmem>>[vector<16xi32>, vector<16xi32>], vector<16xf32>,
          tpu.vector_store_idx %arg14[%broadcast_in_dim3A_284, %gather3A], %gather3A_285 masked %lt3A_147 : memref<64x512xf32, #tpu.memory_space<vmem>>[vector<16xi32>, vector<16xi32>], vector<16xf32>, vector<16xi1>
          %broadcast_in_dim3A_286 = arith.constant 46 : i32
          %broadcast_in_dim3A_287 = vector.broadcast %broadcast_in_dim3A_286 : i32 to vector<16xi32>
          %gather3A_288 = tpu.vector_load_idx %arg12[%iota3A, %broadcast_in_dim3A_287] : memref<16x128xf32, #tpu.memory_space<vmem>>[vector<16xi32>, vector<16xi32>], vector<16xf32>,
          tpu.vector_store_idx %arg14[%broadcast_in_dim3A_287, %gather3A], %gather3A_288 masked %lt3A_147 : memref<64x512xf32, #tpu.memory_space<vmem>>[vector<16xi32>, vector<16xi32>], vector<16xf32>, vector<16xi1>
          %broadcast_in_dim3A_289 = arith.constant 47 : i32
          %broadcast_in_dim3A_290 = vector.broadcast %broadcast_in_dim3A_289 : i32 to vector<16xi32>
          %gather3A_291 = tpu.vector_load_idx %arg12[%iota3A, %broadcast_in_dim3A_290] : memref<16x128xf32, #tpu.memory_space<vmem>>[vector<16xi32>, vector<16xi32>], vector<16xf32>,
          tpu.vector_store_idx %arg14[%broadcast_in_dim3A_290, %gather3A], %gather3A_291 masked %lt3A_147 : memref<64x512xf32, #tpu.memory_space<vmem>>[vector<16xi32>, vector<16xi32>], vector<16xf32>, vector<16xi1>
          %broadcast_in_dim3A_292 = arith.constant 48 : i32
          %broadcast_in_dim3A_293 = vector.broadcast %broadcast_in_dim3A_292 : i32 to vector<16xi32>
          %gather3A_294 = tpu.vector_load_idx %arg12[%iota3A, %broadcast_in_dim3A_293] : memref<16x128xf32, #tpu.memory_space<vmem>>[vector<16xi32>, vector<16xi32>], vector<16xf32>,
          tpu.vector_store_idx %arg14[%broadcast_in_dim3A_293, %gather3A], %gather3A_294 masked %lt3A_147 : memref<64x512xf32, #tpu.memory_space<vmem>>[vector<16xi32>, vector<16xi32>], vector<16xf32>, vector<16xi1>
          %broadcast_in_dim3A_295 = arith.constant 49 : i32
          %broadcast_in_dim3A_296 = vector.broadcast %broadcast_in_dim3A_295 : i32 to vector<16xi32>
          %gather3A_297 = tpu.vector_load_idx %arg12[%iota3A, %broadcast_in_dim3A_296] : memref<16x128xf32, #tpu.memory_space<vmem>>[vector<16xi32>, vector<16xi32>], vector<16xf32>,
          tpu.vector_store_idx %arg14[%broadcast_in_dim3A_296, %gather3A], %gather3A_297 masked %lt3A_147 : memref<64x512xf32, #tpu.memory_space<vmem>>[vector<16xi32>, vector<16xi32>], vector<16xf32>, vector<16xi1>
          %broadcast_in_dim3A_298 = arith.constant 50 : i32
          %broadcast_in_dim3A_299 = vector.broadcast %broadcast_in_dim3A_298 : i32 to vector<16xi32>
          %gather3A_300 = tpu.vector_load_idx %arg12[%iota3A, %broadcast_in_dim3A_299] : memref<16x128xf32, #tpu.memory_space<vmem>>[vector<16xi32>, vector<16xi32>], vector<16xf32>,
          tpu.vector_store_idx %arg14[%broadcast_in_dim3A_299, %gather3A], %gather3A_300 masked %lt3A_147 : memref<64x512xf32, #tpu.memory_space<vmem>>[vector<16xi32>, vector<16xi32>], vector<16xf32>, vector<16xi1>
          %broadcast_in_dim3A_301 = arith.constant 51 : i32
          %broadcast_in_dim3A_302 = vector.broadcast %broadcast_in_dim3A_301 : i32 to vector<16xi32>
          %gather3A_303 = tpu.vector_load_idx %arg12[%iota3A, %broadcast_in_dim3A_302] : memref<16x128xf32, #tpu.memory_space<vmem>>[vector<16xi32>, vector<16xi32>], vector<16xf32>,
          tpu.vector_store_idx %arg14[%broadcast_in_dim3A_302, %gather3A], %gather3A_303 masked %lt3A_147 : memref<64x512xf32, #tpu.memory_space<vmem>>[vector<16xi32>, vector<16xi32>], vector<16xf32>, vector<16xi1>
          %broadcast_in_dim3A_304 = arith.constant 52 : i32
          %broadcast_in_dim3A_305 = vector.broadcast %broadcast_in_dim3A_304 : i32 to vector<16xi32>
          %gather3A_306 = tpu.vector_load_idx %arg12[%iota3A, %broadcast_in_dim3A_305] : memref<16x128xf32, #tpu.memory_space<vmem>>[vector<16xi32>, vector<16xi32>], vector<16xf32>,
          tpu.vector_store_idx %arg14[%broadcast_in_dim3A_305, %gather3A], %gather3A_306 masked %lt3A_147 : memref<64x512xf32, #tpu.memory_space<vmem>>[vector<16xi32>, vector<16xi32>], vector<16xf32>, vector<16xi1>
          %broadcast_in_dim3A_307 = arith.constant 53 : i32
          %broadcast_in_dim3A_308 = vector.broadcast %broadcast_in_dim3A_307 : i32 to vector<16xi32>
          %gather3A_309 = tpu.vector_load_idx %arg12[%iota3A, %broadcast_in_dim3A_308] : memref<16x128xf32, #tpu.memory_space<vmem>>[vector<16xi32>, vector<16xi32>], vector<16xf32>,
          tpu.vector_store_idx %arg14[%broadcast_in_dim3A_308, %gather3A], %gather3A_309 masked %lt3A_147 : memref<64x512xf32, #tpu.memory_space<vmem>>[vector<16xi32>, vector<16xi32>], vector<16xf32>, vector<16xi1>
          %broadcast_in_dim3A_310 = arith.constant 54 : i32
          %broadcast_in_dim3A_311 = vector.broadcast %broadcast_in_dim3A_310 : i32 to vector<16xi32>
          %gather3A_312 = tpu.vector_load_idx %arg12[%iota3A, %broadcast_in_dim3A_311] : memref<16x128xf32, #tpu.memory_space<vmem>>[vector<16xi32>, vector<16xi32>], vector<16xf32>,
          tpu.vector_store_idx %arg14[%broadcast_in_dim3A_311, %gather3A], %gather3A_312 masked %lt3A_147 : memref<64x512xf32, #tpu.memory_space<vmem>>[vector<16xi32>, vector<16xi32>], vector<16xf32>, vector<16xi1>
          %broadcast_in_dim3A_313 = arith.constant 55 : i32
          %broadcast_in_dim3A_314 = vector.broadcast %broadcast_in_dim3A_313 : i32 to vector<16xi32>
          %gather3A_315 = tpu.vector_load_idx %arg12[%iota3A, %broadcast_in_dim3A_314] : memref<16x128xf32, #tpu.memory_space<vmem>>[vector<16xi32>, vector<16xi32>], vector<16xf32>,
          tpu.vector_store_idx %arg14[%broadcast_in_dim3A_314, %gather3A], %gather3A_315 masked %lt3A_147 : memref<64x512xf32, #tpu.memory_space<vmem>>[vector<16xi32>, vector<16xi32>], vector<16xf32>, vector<16xi1>
          %broadcast_in_dim3A_316 = arith.constant 56 : i32
          %broadcast_in_dim3A_317 = vector.broadcast %broadcast_in_dim3A_316 : i32 to vector<16xi32>
          %gather3A_318 = tpu.vector_load_idx %arg12[%iota3A, %broadcast_in_dim3A_317] : memref<16x128xf32, #tpu.memory_space<vmem>>[vector<16xi32>, vector<16xi32>], vector<16xf32>,
          tpu.vector_store_idx %arg14[%broadcast_in_dim3A_317, %gather3A], %gather3A_318 masked %lt3A_147 : memref<64x512xf32, #tpu.memory_space<vmem>>[vector<16xi32>, vector<16xi32>], vector<16xf32>, vector<16xi1>
          %broadcast_in_dim3A_319 = arith.constant 57 : i32
          %broadcast_in_dim3A_320 = vector.broadcast %broadcast_in_dim3A_319 : i32 to vector<16xi32>
          %gather3A_321 = tpu.vector_load_idx %arg12[%iota3A, %broadcast_in_dim3A_320] : memref<16x128xf32, #tpu.memory_space<vmem>>[vector<16xi32>, vector<16xi32>], vector<16xf32>,
          tpu.vector_store_idx %arg14[%broadcast_in_dim3A_320, %gather3A], %gather3A_321 masked %lt3A_147 : memref<64x512xf32, #tpu.memory_space<vmem>>[vector<16xi32>, vector<16xi32>], vector<16xf32>, vector<16xi1>
          %broadcast_in_dim3A_322 = arith.constant 58 : i32
          %broadcast_in_dim3A_323 = vector.broadcast %broadcast_in_dim3A_322 : i32 to vector<16xi32>
          %gather3A_324 = tpu.vector_load_idx %arg12[%iota3A, %broadcast_in_dim3A_323] : memref<16x128xf32, #tpu.memory_space<vmem>>[vector<16xi32>, vector<16xi32>], vector<16xf32>,
          tpu.vector_store_idx %arg14[%broadcast_in_dim3A_323, %gather3A], %gather3A_324 masked %lt3A_147 : memref<64x512xf32, #tpu.memory_space<vmem>>[vector<16xi32>, vector<16xi32>], vector<16xf32>, vector<16xi1>
          %broadcast_in_dim3A_325 = arith.constant 59 : i32
          %broadcast_in_dim3A_326 = vector.broadcast %broadcast_in_dim3A_325 : i32 to vector<16xi32>
          %gather3A_327 = tpu.vector_load_idx %arg12[%iota3A, %broadcast_in_dim3A_326] : memref<16x128xf32, #tpu.memory_space<vmem>>[vector<16xi32>, vector<16xi32>], vector<16xf32>,
          tpu.vector_store_idx %arg14[%broadcast_in_dim3A_326, %gather3A], %gather3A_327 masked %lt3A_147 : memref<64x512xf32, #tpu.memory_space<vmem>>[vector<16xi32>, vector<16xi32>], vector<16xf32>, vector<16xi1>
          %broadcast_in_dim3A_328 = arith.constant 60 : i32
          %broadcast_in_dim3A_329 = vector.broadcast %broadcast_in_dim3A_328 : i32 to vector<16xi32>
          %gather3A_330 = tpu.vector_load_idx %arg12[%iota3A, %broadcast_in_dim3A_329] : memref<16x128xf32, #tpu.memory_space<vmem>>[vector<16xi32>, vector<16xi32>], vector<16xf32>,
          tpu.vector_store_idx %arg14[%broadcast_in_dim3A_329, %gather3A], %gather3A_330 masked %lt3A_147 : memref<64x512xf32, #tpu.memory_space<vmem>>[vector<16xi32>, vector<16xi32>], vector<16xf32>, vector<16xi1>
          %broadcast_in_dim3A_331 = arith.constant 61 : i32
          %broadcast_in_dim3A_332 = vector.broadcast %broadcast_in_dim3A_331 : i32 to vector<16xi32>
          %gather3A_333 = tpu.vector_load_idx %arg12[%iota3A, %broadcast_in_dim3A_332] : memref<16x128xf32, #tpu.memory_space<vmem>>[vector<16xi32>, vector<16xi32>], vector<16xf32>,
          tpu.vector_store_idx %arg14[%broadcast_in_dim3A_332, %gather3A], %gather3A_333 masked %lt3A_147 : memref<64x512xf32, #tpu.memory_space<vmem>>[vector<16xi32>, vector<16xi32>], vector<16xf32>, vector<16xi1>
          %broadcast_in_dim3A_334 = arith.constant 62 : i32
          %broadcast_in_dim3A_335 = vector.broadcast %broadcast_in_dim3A_334 : i32 to vector<16xi32>
          %gather3A_336 = tpu.vector_load_idx %arg12[%iota3A, %broadcast_in_dim3A_335] : memref<16x128xf32, #tpu.memory_space<vmem>>[vector<16xi32>, vector<16xi32>], vector<16xf32>,
          tpu.vector_store_idx %arg14[%broadcast_in_dim3A_335, %gather3A], %gather3A_336 masked %lt3A_147 : memref<64x512xf32, #tpu.memory_space<vmem>>[vector<16xi32>, vector<16xi32>], vector<16xf32>, vector<16xi1>
          %broadcast_in_dim3A_337 = arith.constant 63 : i32
          %broadcast_in_dim3A_338 = vector.broadcast %broadcast_in_dim3A_337 : i32 to vector<16xi32>
          %gather3A_339 = tpu.vector_load_idx %arg12[%iota3A, %broadcast_in_dim3A_338] : memref<16x128xf32, #tpu.memory_space<vmem>>[vector<16xi32>, vector<16xi32>], vector<16xf32>,
          tpu.vector_store_idx %arg14[%broadcast_in_dim3A_338, %gather3A], %gather3A_339 masked %lt3A_147 : memref<64x512xf32, #tpu.memory_space<vmem>>[vector<16xi32>, vector<16xi32>], vector<16xf32>, vector<16xi1>
        }
        %while3A_125 = arith.constant 1 : i32
        scf.for %while3A_133 = %while3A_123 to %while3A_119 step %while3A_125  : i32 {
          %gt3A_134 = arith.constant 0 : i32
          %gt3A_135 = arith.cmpi sgt, %while3A_133, %gt3A_134 : i32
          %convert_element_type3A_136 = arith.extui %gt3A_135 : i1 to i32
          %cond3A_137 = arith.constant 0 : i32
          %cond3A_138 = arith.cmpi ne, %convert_element_type3A_136, %cond3A_137 : i32
          scf.if %cond3A_138 {
            %mul3A_340 = arith.constant 16 : i32
            %mul3A_341 = arith.muli %while3A_133, %mul3A_340 : i32
            %dma_start3A_342 = tpu.memref_slice %arg8[%mul3A_341] : memref<528xi32, #tpu.memory_space<vmem>> -> memref<16xi32, #tpu.memory_space<vmem>>
            %dma_start3A_343 = arith.constant 0 : i32
            %dma_start3A_344 = arith.constant 0 : i32
            %dma_start3A_345 = tpu.memref_slice %arg4[%dma_start3A_343, %dma_start3A_344] : memref<16384x128xf32, #tpu.memory_space<hbm>> -> memref<16384x128xf32, #tpu.memory_space<hbm>>
            tpu.enqueue_indirect_dma source(%dma_start3A_345 : memref<16384x128xf32, #tpu.memory_space<hbm>>) target(%arg12 : memref<16x128xf32, #tpu.memory_space<vmem>>) offsets(%dma_start3A_342 : memref<16xi32, #tpu.memory_space<vmem>>) semaphore(%arg20 : memref<!tpu.dma_semaphore, #tpu.memory_space<semaphore_mem>>)
            %dma_wait3A_346 = tpu.memref_slice %arg8[%mul3A_341] : memref<528xi32, #tpu.memory_space<vmem>> -> memref<16xi32, #tpu.memory_space<vmem>>
            %dma_wait3A_347 = arith.constant 0 : i32
            %dma_wait3A_348 = arith.constant 0 : i32
            %dma_wait3A_349 = tpu.memref_slice %arg4[%dma_wait3A_347, %dma_wait3A_348] : memref<16384x128xf32, #tpu.memory_space<hbm>> -> memref<16384x128xf32, #tpu.memory_space<hbm>>
            tpu.wait_indirect_dma semaphore(%arg20 : memref<!tpu.dma_semaphore, #tpu.memory_space<semaphore_mem>>) src(%dma_wait3A_349 : memref<16384x128xf32, #tpu.memory_space<hbm>>) dst(%arg12 : memref<16x128xf32, #tpu.memory_space<vmem>>)
          } else {
          }
          %mul3A_139 = arith.constant 16 : i32
          %mul3A_140 = arith.muli %while3A_133, %mul3A_139 : i32
          %add3A_141 = vector.broadcast %mul3A_140 : i32 to vector<16xi32>
          %add3A_142 = arith.addi %add3A_141, %iota3A : vector<16xi32>
          %gather3A = tpu.vector_load_idx %arg9[%add3A_142] : memref<528xi32, #tpu.memory_space<vmem>>[vector<16xi32>], vector<16xi32>,
          %mul3A_143 = arith.constant 16 : i32
          %mul3A_144 = arith.muli %while3A_133, %mul3A_143 : i32
          %add3A_145 = vector.broadcast %mul3A_144 : i32 to vector<16xi32>
          %add3A_146 = arith.addi %add3A_145, %iota3A : vector<16xi32>
          %lt3A_147 = arith.cmpi slt, %add3A_146, %while3A_68 : vector<16xi32>
          %broadcast_in_dim3A_148 = arith.constant 0 : i32
          %broadcast_in_dim3A_149 = vector.broadcast %broadcast_in_dim3A_148 : i32 to vector<16xi32>
          %gather3A_150 = tpu.vector_load_idx %arg12[%iota3A, %broadcast_in_dim3A_149] : memref<16x128xf32, #tpu.memory_space<vmem>>[vector<16xi32>, vector<16xi32>], vector<16xf32>,
          tpu.vector_store_idx %arg14[%broadcast_in_dim3A_149, %gather3A], %gather3A_150 masked %lt3A_147 : memref<64x512xf32, #tpu.memory_space<vmem>>[vector<16xi32>, vector<16xi32>], vector<16xf32>, vector<16xi1>
          %broadcast_in_dim3A_151 = arith.constant 1 : i32
          %broadcast_in_dim3A_152 = vector.broadcast %broadcast_in_dim3A_151 : i32 to vector<16xi32>
          %gather3A_153 = tpu.vector_load_idx %arg12[%iota3A, %broadcast_in_dim3A_152] : memref<16x128xf32, #tpu.memory_space<vmem>>[vector<16xi32>, vector<16xi32>], vector<16xf32>,
          tpu.vector_store_idx %arg14[%broadcast_in_dim3A_152, %gather3A], %gather3A_153 masked %lt3A_147 : memref<64x512xf32, #tpu.memory_space<vmem>>[vector<16xi32>, vector<16xi32>], vector<16xf32>, vector<16xi1>
          %broadcast_in_dim3A_154 = arith.constant 2 : i32
          %broadcast_in_dim3A_155 = vector.broadcast %broadcast_in_dim3A_154 : i32 to vector<16xi32>
          %gather3A_156 = tpu.vector_load_idx %arg12[%iota3A, %broadcast_in_dim3A_155] : memref<16x128xf32, #tpu.memory_space<vmem>>[vector<16xi32>, vector<16xi32>], vector<16xf32>,
          tpu.vector_store_idx %arg14[%broadcast_in_dim3A_155, %gather3A], %gather3A_156 masked %lt3A_147 : memref<64x512xf32, #tpu.memory_space<vmem>>[vector<16xi32>, vector<16xi32>], vector<16xf32>, vector<16xi1>
          %broadcast_in_dim3A_157 = arith.constant 3 : i32
          %broadcast_in_dim3A_158 = vector.broadcast %broadcast_in_dim3A_157 : i32 to vector<16xi32>
          %gather3A_159 = tpu.vector_load_idx %arg12[%iota3A, %broadcast_in_dim3A_158] : memref<16x128xf32, #tpu.memory_space<vmem>>[vector<16xi32>, vector<16xi32>], vector<16xf32>,
          tpu.vector_store_idx %arg14[%broadcast_in_dim3A_158, %gather3A], %gather3A_159 masked %lt3A_147 : memref<64x512xf32, #tpu.memory_space<vmem>>[vector<16xi32>, vector<16xi32>], vector<16xf32>, vector<16xi1>
          %broadcast_in_dim3A_160 = arith.constant 4 : i32
          %broadcast_in_dim3A_161 = vector.broadcast %broadcast_in_dim3A_160 : i32 to vector<16xi32>
          %gather3A_162 = tpu.vector_load_idx %arg12[%iota3A, %broadcast_in_dim3A_161] : memref<16x128xf32, #tpu.memory_space<vmem>>[vector<16xi32>, vector<16xi32>], vector<16xf32>,
          tpu.vector_store_idx %arg14[%broadcast_in_dim3A_161, %gather3A], %gather3A_162 masked %lt3A_147 : memref<64x512xf32, #tpu.memory_space<vmem>>[vector<16xi32>, vector<16xi32>], vector<16xf32>, vector<16xi1>
          %broadcast_in_dim3A_163 = arith.constant 5 : i32
          %broadcast_in_dim3A_164 = vector.broadcast %broadcast_in_dim3A_163 : i32 to vector<16xi32>
          %gather3A_165 = tpu.vector_load_idx %arg12[%iota3A, %broadcast_in_dim3A_164] : memref<16x128xf32, #tpu.memory_space<vmem>>[vector<16xi32>, vector<16xi32>], vector<16xf32>,
          tpu.vector_store_idx %arg14[%broadcast_in_dim3A_164, %gather3A], %gather3A_165 masked %lt3A_147 : memref<64x512xf32, #tpu.memory_space<vmem>>[vector<16xi32>, vector<16xi32>], vector<16xf32>, vector<16xi1>
          %broadcast_in_dim3A_166 = arith.constant 6 : i32
          %broadcast_in_dim3A_167 = vector.broadcast %broadcast_in_dim3A_166 : i32 to vector<16xi32>
          %gather3A_168 = tpu.vector_load_idx %arg12[%iota3A, %broadcast_in_dim3A_167] : memref<16x128xf32, #tpu.memory_space<vmem>>[vector<16xi32>, vector<16xi32>], vector<16xf32>,
          tpu.vector_store_idx %arg14[%broadcast_in_dim3A_167, %gather3A], %gather3A_168 masked %lt3A_147 : memref<64x512xf32, #tpu.memory_space<vmem>>[vector<16xi32>, vector<16xi32>], vector<16xf32>, vector<16xi1>
          %broadcast_in_dim3A_169 = arith.constant 7 : i32
          %broadcast_in_dim3A_170 = vector.broadcast %broadcast_in_dim3A_169 : i32 to vector<16xi32>
          %gather3A_171 = tpu.vector_load_idx %arg12[%iota3A, %broadcast_in_dim3A_170] : memref<16x128xf32, #tpu.memory_space<vmem>>[vector<16xi32>, vector<16xi32>], vector<16xf32>,
          tpu.vector_store_idx %arg14[%broadcast_in_dim3A_170, %gather3A], %gather3A_171 masked %lt3A_147 : memref<64x512xf32, #tpu.memory_space<vmem>>[vector<16xi32>, vector<16xi32>], vector<16xf32>, vector<16xi1>
          %broadcast_in_dim3A_172 = arith.constant 8 : i32
          %broadcast_in_dim3A_173 = vector.broadcast %broadcast_in_dim3A_172 : i32 to vector<16xi32>
          %gather3A_174 = tpu.vector_load_idx %arg12[%iota3A, %broadcast_in_dim3A_173] : memref<16x128xf32, #tpu.memory_space<vmem>>[vector<16xi32>, vector<16xi32>], vector<16xf32>,
          tpu.vector_store_idx %arg14[%broadcast_in_dim3A_173, %gather3A], %gather3A_174 masked %lt3A_147 : memref<64x512xf32, #tpu.memory_space<vmem>>[vector<16xi32>, vector<16xi32>], vector<16xf32>, vector<16xi1>
          %broadcast_in_dim3A_175 = arith.constant 9 : i32
          %broadcast_in_dim3A_176 = vector.broadcast %broadcast_in_dim3A_175 : i32 to vector<16xi32>
          %gather3A_177 = tpu.vector_load_idx %arg12[%iota3A, %broadcast_in_dim3A_176] : memref<16x128xf32, #tpu.memory_space<vmem>>[vector<16xi32>, vector<16xi32>], vector<16xf32>,
          tpu.vector_store_idx %arg14[%broadcast_in_dim3A_176, %gather3A], %gather3A_177 masked %lt3A_147 : memref<64x512xf32, #tpu.memory_space<vmem>>[vector<16xi32>, vector<16xi32>], vector<16xf32>, vector<16xi1>
          %broadcast_in_dim3A_178 = arith.constant 10 : i32
          %broadcast_in_dim3A_179 = vector.broadcast %broadcast_in_dim3A_178 : i32 to vector<16xi32>
          %gather3A_180 = tpu.vector_load_idx %arg12[%iota3A, %broadcast_in_dim3A_179] : memref<16x128xf32, #tpu.memory_space<vmem>>[vector<16xi32>, vector<16xi32>], vector<16xf32>,
          tpu.vector_store_idx %arg14[%broadcast_in_dim3A_179, %gather3A], %gather3A_180 masked %lt3A_147 : memref<64x512xf32, #tpu.memory_space<vmem>>[vector<16xi32>, vector<16xi32>], vector<16xf32>, vector<16xi1>
          %broadcast_in_dim3A_181 = arith.constant 11 : i32
          %broadcast_in_dim3A_182 = vector.broadcast %broadcast_in_dim3A_181 : i32 to vector<16xi32>
          %gather3A_183 = tpu.vector_load_idx %arg12[%iota3A, %broadcast_in_dim3A_182] : memref<16x128xf32, #tpu.memory_space<vmem>>[vector<16xi32>, vector<16xi32>], vector<16xf32>,
          tpu.vector_store_idx %arg14[%broadcast_in_dim3A_182, %gather3A], %gather3A_183 masked %lt3A_147 : memref<64x512xf32, #tpu.memory_space<vmem>>[vector<16xi32>, vector<16xi32>], vector<16xf32>, vector<16xi1>
          %broadcast_in_dim3A_184 = arith.constant 12 : i32
          %broadcast_in_dim3A_185 = vector.broadcast %broadcast_in_dim3A_184 : i32 to vector<16xi32>
          %gather3A_186 = tpu.vector_load_idx %arg12[%iota3A, %broadcast_in_dim3A_185] : memref<16x128xf32, #tpu.memory_space<vmem>>[vector<16xi32>, vector<16xi32>], vector<16xf32>,
          tpu.vector_store_idx %arg14[%broadcast_in_dim3A_185, %gather3A], %gather3A_186 masked %lt3A_147 : memref<64x512xf32, #tpu.memory_space<vmem>>[vector<16xi32>, vector<16xi32>], vector<16xf32>, vector<16xi1>
          %broadcast_in_dim3A_187 = arith.constant 13 : i32
          %broadcast_in_dim3A_188 = vector.broadcast %broadcast_in_dim3A_187 : i32 to vector<16xi32>
          %gather3A_189 = tpu.vector_load_idx %arg12[%iota3A, %broadcast_in_dim3A_188] : memref<16x128xf32, #tpu.memory_space<vmem>>[vector<16xi32>, vector<16xi32>], vector<16xf32>,
          tpu.vector_store_idx %arg14[%broadcast_in_dim3A_188, %gather3A], %gather3A_189 masked %lt3A_147 : memref<64x512xf32, #tpu.memory_space<vmem>>[vector<16xi32>, vector<16xi32>], vector<16xf32>, vector<16xi1>
          %broadcast_in_dim3A_190 = arith.constant 14 : i32
          %broadcast_in_dim3A_191 = vector.broadcast %broadcast_in_dim3A_190 : i32 to vector<16xi32>
          %gather3A_192 = tpu.vector_load_idx %arg12[%iota3A, %broadcast_in_dim3A_191] : memref<16x128xf32, #tpu.memory_space<vmem>>[vector<16xi32>, vector<16xi32>], vector<16xf32>,
          tpu.vector_store_idx %arg14[%broadcast_in_dim3A_191, %gather3A], %gather3A_192 masked %lt3A_147 : memref<64x512xf32, #tpu.memory_space<vmem>>[vector<16xi32>, vector<16xi32>], vector<16xf32>, vector<16xi1>
          %broadcast_in_dim3A_193 = arith.constant 15 : i32
          %broadcast_in_dim3A_194 = vector.broadcast %broadcast_in_dim3A_193 : i32 to vector<16xi32>
          %gather3A_195 = tpu.vector_load_idx %arg12[%iota3A, %broadcast_in_dim3A_194] : memref<16x128xf32, #tpu.memory_space<vmem>>[vector<16xi32>, vector<16xi32>], vector<16xf32>,
          tpu.vector_store_idx %arg14[%broadcast_in_dim3A_194, %gather3A], %gather3A_195 masked %lt3A_147 : memref<64x512xf32, #tpu.memory_space<vmem>>[vector<16xi32>, vector<16xi32>], vector<16xf32>, vector<16xi1>
          %broadcast_in_dim3A_196 = arith.constant 16 : i32
          %broadcast_in_dim3A_197 = vector.broadcast %broadcast_in_dim3A_196 : i32 to vector<16xi32>
          %gather3A_198 = tpu.vector_load_idx %arg12[%iota3A, %broadcast_in_dim3A_197] : memref<16x128xf32, #tpu.memory_space<vmem>>[vector<16xi32>, vector<16xi32>], vector<16xf32>,
          tpu.vector_store_idx %arg14[%broadcast_in_dim3A_197, %gather3A], %gather3A_198 masked %lt3A_147 : memref<64x512xf32, #tpu.memory_space<vmem>>[vector<16xi32>, vector<16xi32>], vector<16xf32>, vector<16xi1>
          %broadcast_in_dim3A_199 = arith.constant 17 : i32
          %broadcast_in_dim3A_200 = vector.broadcast %broadcast_in_dim3A_199 : i32 to vector<16xi32>
          %gather3A_201 = tpu.vector_load_idx %arg12[%iota3A, %broadcast_in_dim3A_200] : memref<16x128xf32, #tpu.memory_space<vmem>>[vector<16xi32>, vector<16xi32>], vector<16xf32>,
          tpu.vector_store_idx %arg14[%broadcast_in_dim3A_200, %gather3A], %gather3A_201 masked %lt3A_147 : memref<64x512xf32, #tpu.memory_space<vmem>>[vector<16xi32>, vector<16xi32>], vector<16xf32>, vector<16xi1>
          %broadcast_in_dim3A_202 = arith.constant 18 : i32
          %broadcast_in_dim3A_203 = vector.broadcast %broadcast_in_dim3A_202 : i32 to vector<16xi32>
          %gather3A_204 = tpu.vector_load_idx %arg12[%iota3A, %broadcast_in_dim3A_203] : memref<16x128xf32, #tpu.memory_space<vmem>>[vector<16xi32>, vector<16xi32>], vector<16xf32>,
          tpu.vector_store_idx %arg14[%broadcast_in_dim3A_203, %gather3A], %gather3A_204 masked %lt3A_147 : memref<64x512xf32, #tpu.memory_space<vmem>>[vector<16xi32>, vector<16xi32>], vector<16xf32>, vector<16xi1>
          %broadcast_in_dim3A_205 = arith.constant 19 : i32
          %broadcast_in_dim3A_206 = vector.broadcast %broadcast_in_dim3A_205 : i32 to vector<16xi32>
          %gather3A_207 = tpu.vector_load_idx %arg12[%iota3A, %broadcast_in_dim3A_206] : memref<16x128xf32, #tpu.memory_space<vmem>>[vector<16xi32>, vector<16xi32>], vector<16xf32>,
          tpu.vector_store_idx %arg14[%broadcast_in_dim3A_206, %gather3A], %gather3A_207 masked %lt3A_147 : memref<64x512xf32, #tpu.memory_space<vmem>>[vector<16xi32>, vector<16xi32>], vector<16xf32>, vector<16xi1>
          %broadcast_in_dim3A_208 = arith.constant 20 : i32
          %broadcast_in_dim3A_209 = vector.broadcast %broadcast_in_dim3A_208 : i32 to vector<16xi32>
          %gather3A_210 = tpu.vector_load_idx %arg12[%iota3A, %broadcast_in_dim3A_209] : memref<16x128xf32, #tpu.memory_space<vmem>>[vector<16xi32>, vector<16xi32>], vector<16xf32>,
          tpu.vector_store_idx %arg14[%broadcast_in_dim3A_209, %gather3A], %gather3A_210 masked %lt3A_147 : memref<64x512xf32, #tpu.memory_space<vmem>>[vector<16xi32>, vector<16xi32>], vector<16xf32>, vector<16xi1>
          %broadcast_in_dim3A_211 = arith.constant 21 : i32
          %broadcast_in_dim3A_212 = vector.broadcast %broadcast_in_dim3A_211 : i32 to vector<16xi32>
          %gather3A_213 = tpu.vector_load_idx %arg12[%iota3A, %broadcast_in_dim3A_212] : memref<16x128xf32, #tpu.memory_space<vmem>>[vector<16xi32>, vector<16xi32>], vector<16xf32>,
          tpu.vector_store_idx %arg14[%broadcast_in_dim3A_212, %gather3A], %gather3A_213 masked %lt3A_147 : memref<64x512xf32, #tpu.memory_space<vmem>>[vector<16xi32>, vector<16xi32>], vector<16xf32>, vector<16xi1>
          %broadcast_in_dim3A_214 = arith.constant 22 : i32
          %broadcast_in_dim3A_215 = vector.broadcast %broadcast_in_dim3A_214 : i32 to vector<16xi32>
          %gather3A_216 = tpu.vector_load_idx %arg12[%iota3A, %broadcast_in_dim3A_215] : memref<16x128xf32, #tpu.memory_space<vmem>>[vector<16xi32>, vector<16xi32>], vector<16xf32>,
          tpu.vector_store_idx %arg14[%broadcast_in_dim3A_215, %gather3A], %gather3A_216 masked %lt3A_147 : memref<64x512xf32, #tpu.memory_space<vmem>>[vector<16xi32>, vector<16xi32>], vector<16xf32>, vector<16xi1>
          %broadcast_in_dim3A_217 = arith.constant 23 : i32
          %broadcast_in_dim3A_218 = vector.broadcast %broadcast_in_dim3A_217 : i32 to vector<16xi32>
          %gather3A_219 = tpu.vector_load_idx %arg12[%iota3A, %broadcast_in_dim3A_218] : memref<16x128xf32, #tpu.memory_space<vmem>>[vector<16xi32>, vector<16xi32>], vector<16xf32>,
          tpu.vector_store_idx %arg14[%broadcast_in_dim3A_218, %gather3A], %gather3A_219 masked %lt3A_147 : memref<64x512xf32, #tpu.memory_space<vmem>>[vector<16xi32>, vector<16xi32>], vector<16xf32>, vector<16xi1>
          %broadcast_in_dim3A_220 = arith.constant 24 : i32
          %broadcast_in_dim3A_221 = vector.broadcast %broadcast_in_dim3A_220 : i32 to vector<16xi32>
          %gather3A_222 = tpu.vector_load_idx %arg12[%iota3A, %broadcast_in_dim3A_221] : memref<16x128xf32, #tpu.memory_space<vmem>>[vector<16xi32>, vector<16xi32>], vector<16xf32>,
          tpu.vector_store_idx %arg14[%broadcast_in_dim3A_221, %gather3A], %gather3A_222 masked %lt3A_147 : memref<64x512xf32, #tpu.memory_space<vmem>>[vector<16xi32>, vector<16xi32>], vector<16xf32>, vector<16xi1>
          %broadcast_in_dim3A_223 = arith.constant 25 : i32
          %broadcast_in_dim3A_224 = vector.broadcast %broadcast_in_dim3A_223 : i32 to vector<16xi32>
          %gather3A_225 = tpu.vector_load_idx %arg12[%iota3A, %broadcast_in_dim3A_224] : memref<16x128xf32, #tpu.memory_space<vmem>>[vector<16xi32>, vector<16xi32>], vector<16xf32>,
          tpu.vector_store_idx %arg14[%broadcast_in_dim3A_224, %gather3A], %gather3A_225 masked %lt3A_147 : memref<64x512xf32, #tpu.memory_space<vmem>>[vector<16xi32>, vector<16xi32>], vector<16xf32>, vector<16xi1>
          %broadcast_in_dim3A_226 = arith.constant 26 : i32
          %broadcast_in_dim3A_227 = vector.broadcast %broadcast_in_dim3A_226 : i32 to vector<16xi32>
          %gather3A_228 = tpu.vector_load_idx %arg12[%iota3A, %broadcast_in_dim3A_227] : memref<16x128xf32, #tpu.memory_space<vmem>>[vector<16xi32>, vector<16xi32>], vector<16xf32>,
          tpu.vector_store_idx %arg14[%broadcast_in_dim3A_227, %gather3A], %gather3A_228 masked %lt3A_147 : memref<64x512xf32, #tpu.memory_space<vmem>>[vector<16xi32>, vector<16xi32>], vector<16xf32>, vector<16xi1>
          %broadcast_in_dim3A_229 = arith.constant 27 : i32
          %broadcast_in_dim3A_230 = vector.broadcast %broadcast_in_dim3A_229 : i32 to vector<16xi32>
          %gather3A_231 = tpu.vector_load_idx %arg12[%iota3A, %broadcast_in_dim3A_230] : memref<16x128xf32, #tpu.memory_space<vmem>>[vector<16xi32>, vector<16xi32>], vector<16xf32>,
          tpu.vector_store_idx %arg14[%broadcast_in_dim3A_230, %gather3A], %gather3A_231 masked %lt3A_147 : memref<64x512xf32, #tpu.memory_space<vmem>>[vector<16xi32>, vector<16xi32>], vector<16xf32>, vector<16xi1>
          %broadcast_in_dim3A_232 = arith.constant 28 : i32
          %broadcast_in_dim3A_233 = vector.broadcast %broadcast_in_dim3A_232 : i32 to vector<16xi32>
          %gather3A_234 = tpu.vector_load_idx %arg12[%iota3A, %broadcast_in_dim3A_233] : memref<16x128xf32, #tpu.memory_space<vmem>>[vector<16xi32>, vector<16xi32>], vector<16xf32>,
          tpu.vector_store_idx %arg14[%broadcast_in_dim3A_233, %gather3A], %gather3A_234 masked %lt3A_147 : memref<64x512xf32, #tpu.memory_space<vmem>>[vector<16xi32>, vector<16xi32>], vector<16xf32>, vector<16xi1>
          %broadcast_in_dim3A_235 = arith.constant 29 : i32
          %broadcast_in_dim3A_236 = vector.broadcast %broadcast_in_dim3A_235 : i32 to vector<16xi32>
          %gather3A_237 = tpu.vector_load_idx %arg12[%iota3A, %broadcast_in_dim3A_236] : memref<16x128xf32, #tpu.memory_space<vmem>>[vector<16xi32>, vector<16xi32>], vector<16xf32>,
          tpu.vector_store_idx %arg14[%broadcast_in_dim3A_236, %gather3A], %gather3A_237 masked %lt3A_147 : memref<64x512xf32, #tpu.memory_space<vmem>>[vector<16xi32>, vector<16xi32>], vector<16xf32>, vector<16xi1>
          %broadcast_in_dim3A_238 = arith.constant 30 : i32
          %broadcast_in_dim3A_239 = vector.broadcast %broadcast_in_dim3A_238 : i32 to vector<16xi32>
          %gather3A_240 = tpu.vector_load_idx %arg12[%iota3A, %broadcast_in_dim3A_239] : memref<16x128xf32, #tpu.memory_space<vmem>>[vector<16xi32>, vector<16xi32>], vector<16xf32>,
          tpu.vector_store_idx %arg14[%broadcast_in_dim3A_239, %gather3A], %gather3A_240 masked %lt3A_147 : memref<64x512xf32, #tpu.memory_space<vmem>>[vector<16xi32>, vector<16xi32>], vector<16xf32>, vector<16xi1>
          %broadcast_in_dim3A_241 = arith.constant 31 : i32
          %broadcast_in_dim3A_242 = vector.broadcast %broadcast_in_dim3A_241 : i32 to vector<16xi32>
          %gather3A_243 = tpu.vector_load_idx %arg12[%iota3A, %broadcast_in_dim3A_242] : memref<16x128xf32, #tpu.memory_space<vmem>>[vector<16xi32>, vector<16xi32>], vector<16xf32>,
          tpu.vector_store_idx %arg14[%broadcast_in_dim3A_242, %gather3A], %gather3A_243 masked %lt3A_147 : memref<64x512xf32, #tpu.memory_space<vmem>>[vector<16xi32>, vector<16xi32>], vector<16xf32>, vector<16xi1>
          %broadcast_in_dim3A_244 = arith.constant 32 : i32
          %broadcast_in_dim3A_245 = vector.broadcast %broadcast_in_dim3A_244 : i32 to vector<16xi32>
          %gather3A_246 = tpu.vector_load_idx %arg12[%iota3A, %broadcast_in_dim3A_245] : memref<16x128xf32, #tpu.memory_space<vmem>>[vector<16xi32>, vector<16xi32>], vector<16xf32>,
          tpu.vector_store_idx %arg14[%broadcast_in_dim3A_245, %gather3A], %gather3A_246 masked %lt3A_147 : memref<64x512xf32, #tpu.memory_space<vmem>>[vector<16xi32>, vector<16xi32>], vector<16xf32>, vector<16xi1>
          %broadcast_in_dim3A_247 = arith.constant 33 : i32
          %broadcast_in_dim3A_248 = vector.broadcast %broadcast_in_dim3A_247 : i32 to vector<16xi32>
          %gather3A_249 = tpu.vector_load_idx %arg12[%iota3A, %broadcast_in_dim3A_248] : memref<16x128xf32, #tpu.memory_space<vmem>>[vector<16xi32>, vector<16xi32>], vector<16xf32>,
          tpu.vector_store_idx %arg14[%broadcast_in_dim3A_248, %gather3A], %gather3A_249 masked %lt3A_147 : memref<64x512xf32, #tpu.memory_space<vmem>>[vector<16xi32>, vector<16xi32>], vector<16xf32>, vector<16xi1>
          %broadcast_in_dim3A_250 = arith.constant 34 : i32
          %broadcast_in_dim3A_251 = vector.broadcast %broadcast_in_dim3A_250 : i32 to vector<16xi32>
          %gather3A_252 = tpu.vector_load_idx %arg12[%iota3A, %broadcast_in_dim3A_251] : memref<16x128xf32, #tpu.memory_space<vmem>>[vector<16xi32>, vector<16xi32>], vector<16xf32>,
          tpu.vector_store_idx %arg14[%broadcast_in_dim3A_251, %gather3A], %gather3A_252 masked %lt3A_147 : memref<64x512xf32, #tpu.memory_space<vmem>>[vector<16xi32>, vector<16xi32>], vector<16xf32>, vector<16xi1>
          %broadcast_in_dim3A_253 = arith.constant 35 : i32
          %broadcast_in_dim3A_254 = vector.broadcast %broadcast_in_dim3A_253 : i32 to vector<16xi32>
          %gather3A_255 = tpu.vector_load_idx %arg12[%iota3A, %broadcast_in_dim3A_254] : memref<16x128xf32, #tpu.memory_space<vmem>>[vector<16xi32>, vector<16xi32>], vector<16xf32>,
          tpu.vector_store_idx %arg14[%broadcast_in_dim3A_254, %gather3A], %gather3A_255 masked %lt3A_147 : memref<64x512xf32, #tpu.memory_space<vmem>>[vector<16xi32>, vector<16xi32>], vector<16xf32>, vector<16xi1>
          %broadcast_in_dim3A_256 = arith.constant 36 : i32
          %broadcast_in_dim3A_257 = vector.broadcast %broadcast_in_dim3A_256 : i32 to vector<16xi32>
          %gather3A_258 = tpu.vector_load_idx %arg12[%iota3A, %broadcast_in_dim3A_257] : memref<16x128xf32, #tpu.memory_space<vmem>>[vector<16xi32>, vector<16xi32>], vector<16xf32>,
          tpu.vector_store_idx %arg14[%broadcast_in_dim3A_257, %gather3A], %gather3A_258 masked %lt3A_147 : memref<64x512xf32, #tpu.memory_space<vmem>>[vector<16xi32>, vector<16xi32>], vector<16xf32>, vector<16xi1>
          %broadcast_in_dim3A_259 = arith.constant 37 : i32
          %broadcast_in_dim3A_260 = vector.broadcast %broadcast_in_dim3A_259 : i32 to vector<16xi32>
          %gather3A_261 = tpu.vector_load_idx %arg12[%iota3A, %broadcast_in_dim3A_260] : memref<16x128xf32, #tpu.memory_space<vmem>>[vector<16xi32>, vector<16xi32>], vector<16xf32>,
          tpu.vector_store_idx %arg14[%broadcast_in_dim3A_260, %gather3A], %gather3A_261 masked %lt3A_147 : memref<64x512xf32, #tpu.memory_space<vmem>>[vector<16xi32>, vector<16xi32>], vector<16xf32>, vector<16xi1>
          %broadcast_in_dim3A_262 = arith.constant 38 : i32
          %broadcast_in_dim3A_263 = vector.broadcast %broadcast_in_dim3A_262 : i32 to vector<16xi32>
          %gather3A_264 = tpu.vector_load_idx %arg12[%iota3A, %broadcast_in_dim3A_263] : memref<16x128xf32, #tpu.memory_space<vmem>>[vector<16xi32>, vector<16xi32>], vector<16xf32>,
          tpu.vector_store_idx %arg14[%broadcast_in_dim3A_263, %gather3A], %gather3A_264 masked %lt3A_147 : memref<64x512xf32, #tpu.memory_space<vmem>>[vector<16xi32>, vector<16xi32>], vector<16xf32>, vector<16xi1>
          %broadcast_in_dim3A_265 = arith.constant 39 : i32
          %broadcast_in_dim3A_266 = vector.broadcast %broadcast_in_dim3A_265 : i32 to vector<16xi32>
          %gather3A_267 = tpu.vector_load_idx %arg12[%iota3A, %broadcast_in_dim3A_266] : memref<16x128xf32, #tpu.memory_space<vmem>>[vector<16xi32>, vector<16xi32>], vector<16xf32>,
          tpu.vector_store_idx %arg14[%broadcast_in_dim3A_266, %gather3A], %gather3A_267 masked %lt3A_147 : memref<64x512xf32, #tpu.memory_space<vmem>>[vector<16xi32>, vector<16xi32>], vector<16xf32>, vector<16xi1>
          %broadcast_in_dim3A_268 = arith.constant 40 : i32
          %broadcast_in_dim3A_269 = vector.broadcast %broadcast_in_dim3A_268 : i32 to vector<16xi32>
          %gather3A_270 = tpu.vector_load_idx %arg12[%iota3A, %broadcast_in_dim3A_269] : memref<16x128xf32, #tpu.memory_space<vmem>>[vector<16xi32>, vector<16xi32>], vector<16xf32>,
          tpu.vector_store_idx %arg14[%broadcast_in_dim3A_269, %gather3A], %gather3A_270 masked %lt3A_147 : memref<64x512xf32, #tpu.memory_space<vmem>>[vector<16xi32>, vector<16xi32>], vector<16xf32>, vector<16xi1>
          %broadcast_in_dim3A_271 = arith.constant 41 : i32
          %broadcast_in_dim3A_272 = vector.broadcast %broadcast_in_dim3A_271 : i32 to vector<16xi32>
          %gather3A_273 = tpu.vector_load_idx %arg12[%iota3A, %broadcast_in_dim3A_272] : memref<16x128xf32, #tpu.memory_space<vmem>>[vector<16xi32>, vector<16xi32>], vector<16xf32>,
          tpu.vector_store_idx %arg14[%broadcast_in_dim3A_272, %gather3A], %gather3A_273 masked %lt3A_147 : memref<64x512xf32, #tpu.memory_space<vmem>>[vector<16xi32>, vector<16xi32>], vector<16xf32>, vector<16xi1>
          %broadcast_in_dim3A_274 = arith.constant 42 : i32
          %broadcast_in_dim3A_275 = vector.broadcast %broadcast_in_dim3A_274 : i32 to vector<16xi32>
          %gather3A_276 = tpu.vector_load_idx %arg12[%iota3A, %broadcast_in_dim3A_275] : memref<16x128xf32, #tpu.memory_space<vmem>>[vector<16xi32>, vector<16xi32>], vector<16xf32>,
          tpu.vector_store_idx %arg14[%broadcast_in_dim3A_275, %gather3A], %gather3A_276 masked %lt3A_147 : memref<64x512xf32, #tpu.memory_space<vmem>>[vector<16xi32>, vector<16xi32>], vector<16xf32>, vector<16xi1>
          %broadcast_in_dim3A_277 = arith.constant 43 : i32
          %broadcast_in_dim3A_278 = vector.broadcast %broadcast_in_dim3A_277 : i32 to vector<16xi32>
          %gather3A_279 = tpu.vector_load_idx %arg12[%iota3A, %broadcast_in_dim3A_278] : memref<16x128xf32, #tpu.memory_space<vmem>>[vector<16xi32>, vector<16xi32>], vector<16xf32>,
          tpu.vector_store_idx %arg14[%broadcast_in_dim3A_278, %gather3A], %gather3A_279 masked %lt3A_147 : memref<64x512xf32, #tpu.memory_space<vmem>>[vector<16xi32>, vector<16xi32>], vector<16xf32>, vector<16xi1>
          %broadcast_in_dim3A_280 = arith.constant 44 : i32
          %broadcast_in_dim3A_281 = vector.broadcast %broadcast_in_dim3A_280 : i32 to vector<16xi32>
          %gather3A_282 = tpu.vector_load_idx %arg12[%iota3A, %broadcast_in_dim3A_281] : memref<16x128xf32, #tpu.memory_space<vmem>>[vector<16xi32>, vector<16xi32>], vector<16xf32>,
          tpu.vector_store_idx %arg14[%broadcast_in_dim3A_281, %gather3A], %gather3A_282 masked %lt3A_147 : memref<64x512xf32, #tpu.memory_space<vmem>>[vector<16xi32>, vector<16xi32>], vector<16xf32>, vector<16xi1>
          %broadcast_in_dim3A_283 = arith.constant 45 : i32
          %broadcast_in_dim3A_284 = vector.broadcast %broadcast_in_dim3A_283 : i32 to vector<16xi32>
          %gather3A_285 = tpu.vector_load_idx %arg12[%iota3A, %broadcast_in_dim3A_284] : memref<16x128xf32, #tpu.memory_space<vmem>>[vector<16xi32>, vector<16xi32>], vector<16xf32>,
          tpu.vector_store_idx %arg14[%broadcast_in_dim3A_284, %gather3A], %gather3A_285 masked %lt3A_147 : memref<64x512xf32, #tpu.memory_space<vmem>>[vector<16xi32>, vector<16xi32>], vector<16xf32>, vector<16xi1>
          %broadcast_in_dim3A_286 = arith.constant 46 : i32
          %broadcast_in_dim3A_287 = vector.broadcast %broadcast_in_dim3A_286 : i32 to vector<16xi32>
          %gather3A_288 = tpu.vector_load_idx %arg12[%iota3A, %broadcast_in_dim3A_287] : memref<16x128xf32, #tpu.memory_space<vmem>>[vector<16xi32>, vector<16xi32>], vector<16xf32>,
          tpu.vector_store_idx %arg14[%broadcast_in_dim3A_287, %gather3A], %gather3A_288 masked %lt3A_147 : memref<64x512xf32, #tpu.memory_space<vmem>>[vector<16xi32>, vector<16xi32>], vector<16xf32>, vector<16xi1>
          %broadcast_in_dim3A_289 = arith.constant 47 : i32
          %broadcast_in_dim3A_290 = vector.broadcast %broadcast_in_dim3A_289 : i32 to vector<16xi32>
          %gather3A_291 = tpu.vector_load_idx %arg12[%iota3A, %broadcast_in_dim3A_290] : memref<16x128xf32, #tpu.memory_space<vmem>>[vector<16xi32>, vector<16xi32>], vector<16xf32>,
          tpu.vector_store_idx %arg14[%broadcast_in_dim3A_290, %gather3A], %gather3A_291 masked %lt3A_147 : memref<64x512xf32, #tpu.memory_space<vmem>>[vector<16xi32>, vector<16xi32>], vector<16xf32>, vector<16xi1>
          %broadcast_in_dim3A_292 = arith.constant 48 : i32
          %broadcast_in_dim3A_293 = vector.broadcast %broadcast_in_dim3A_292 : i32 to vector<16xi32>
          %gather3A_294 = tpu.vector_load_idx %arg12[%iota3A, %broadcast_in_dim3A_293] : memref<16x128xf32, #tpu.memory_space<vmem>>[vector<16xi32>, vector<16xi32>], vector<16xf32>,
          tpu.vector_store_idx %arg14[%broadcast_in_dim3A_293, %gather3A], %gather3A_294 masked %lt3A_147 : memref<64x512xf32, #tpu.memory_space<vmem>>[vector<16xi32>, vector<16xi32>], vector<16xf32>, vector<16xi1>
          %broadcast_in_dim3A_295 = arith.constant 49 : i32
          %broadcast_in_dim3A_296 = vector.broadcast %broadcast_in_dim3A_295 : i32 to vector<16xi32>
          %gather3A_297 = tpu.vector_load_idx %arg12[%iota3A, %broadcast_in_dim3A_296] : memref<16x128xf32, #tpu.memory_space<vmem>>[vector<16xi32>, vector<16xi32>], vector<16xf32>,
          tpu.vector_store_idx %arg14[%broadcast_in_dim3A_296, %gather3A], %gather3A_297 masked %lt3A_147 : memref<64x512xf32, #tpu.memory_space<vmem>>[vector<16xi32>, vector<16xi32>], vector<16xf32>, vector<16xi1>
          %broadcast_in_dim3A_298 = arith.constant 50 : i32
          %broadcast_in_dim3A_299 = vector.broadcast %broadcast_in_dim3A_298 : i32 to vector<16xi32>
          %gather3A_300 = tpu.vector_load_idx %arg12[%iota3A, %broadcast_in_dim3A_299] : memref<16x128xf32, #tpu.memory_space<vmem>>[vector<16xi32>, vector<16xi32>], vector<16xf32>,
          tpu.vector_store_idx %arg14[%broadcast_in_dim3A_299, %gather3A], %gather3A_300 masked %lt3A_147 : memref<64x512xf32, #tpu.memory_space<vmem>>[vector<16xi32>, vector<16xi32>], vector<16xf32>, vector<16xi1>
          %broadcast_in_dim3A_301 = arith.constant 51 : i32
          %broadcast_in_dim3A_302 = vector.broadcast %broadcast_in_dim3A_301 : i32 to vector<16xi32>
          %gather3A_303 = tpu.vector_load_idx %arg12[%iota3A, %broadcast_in_dim3A_302] : memref<16x128xf32, #tpu.memory_space<vmem>>[vector<16xi32>, vector<16xi32>], vector<16xf32>,
          tpu.vector_store_idx %arg14[%broadcast_in_dim3A_302, %gather3A], %gather3A_303 masked %lt3A_147 : memref<64x512xf32, #tpu.memory_space<vmem>>[vector<16xi32>, vector<16xi32>], vector<16xf32>, vector<16xi1>
          %broadcast_in_dim3A_304 = arith.constant 52 : i32
          %broadcast_in_dim3A_305 = vector.broadcast %broadcast_in_dim3A_304 : i32 to vector<16xi32>
          %gather3A_306 = tpu.vector_load_idx %arg12[%iota3A, %broadcast_in_dim3A_305] : memref<16x128xf32, #tpu.memory_space<vmem>>[vector<16xi32>, vector<16xi32>], vector<16xf32>,
          tpu.vector_store_idx %arg14[%broadcast_in_dim3A_305, %gather3A], %gather3A_306 masked %lt3A_147 : memref<64x512xf32, #tpu.memory_space<vmem>>[vector<16xi32>, vector<16xi32>], vector<16xf32>, vector<16xi1>
          %broadcast_in_dim3A_307 = arith.constant 53 : i32
          %broadcast_in_dim3A_308 = vector.broadcast %broadcast_in_dim3A_307 : i32 to vector<16xi32>
          %gather3A_309 = tpu.vector_load_idx %arg12[%iota3A, %broadcast_in_dim3A_308] : memref<16x128xf32, #tpu.memory_space<vmem>>[vector<16xi32>, vector<16xi32>], vector<16xf32>,
          tpu.vector_store_idx %arg14[%broadcast_in_dim3A_308, %gather3A], %gather3A_309 masked %lt3A_147 : memref<64x512xf32, #tpu.memory_space<vmem>>[vector<16xi32>, vector<16xi32>], vector<16xf32>, vector<16xi1>
          %broadcast_in_dim3A_310 = arith.constant 54 : i32
          %broadcast_in_dim3A_311 = vector.broadcast %broadcast_in_dim3A_310 : i32 to vector<16xi32>
          %gather3A_312 = tpu.vector_load_idx %arg12[%iota3A, %broadcast_in_dim3A_311] : memref<16x128xf32, #tpu.memory_space<vmem>>[vector<16xi32>, vector<16xi32>], vector<16xf32>,
          tpu.vector_store_idx %arg14[%broadcast_in_dim3A_311, %gather3A], %gather3A_312 masked %lt3A_147 : memref<64x512xf32, #tpu.memory_space<vmem>>[vector<16xi32>, vector<16xi32>], vector<16xf32>, vector<16xi1>
          %broadcast_in_dim3A_313 = arith.constant 55 : i32
          %broadcast_in_dim3A_314 = vector.broadcast %broadcast_in_dim3A_313 : i32 to vector<16xi32>
          %gather3A_315 = tpu.vector_load_idx %arg12[%iota3A, %broadcast_in_dim3A_314] : memref<16x128xf32, #tpu.memory_space<vmem>>[vector<16xi32>, vector<16xi32>], vector<16xf32>,
          tpu.vector_store_idx %arg14[%broadcast_in_dim3A_314, %gather3A], %gather3A_315 masked %lt3A_147 : memref<64x512xf32, #tpu.memory_space<vmem>>[vector<16xi32>, vector<16xi32>], vector<16xf32>, vector<16xi1>
          %broadcast_in_dim3A_316 = arith.constant 56 : i32
          %broadcast_in_dim3A_317 = vector.broadcast %broadcast_in_dim3A_316 : i32 to vector<16xi32>
          %gather3A_318 = tpu.vector_load_idx %arg12[%iota3A, %broadcast_in_dim3A_317] : memref<16x128xf32, #tpu.memory_space<vmem>>[vector<16xi32>, vector<16xi32>], vector<16xf32>,
          tpu.vector_store_idx %arg14[%broadcast_in_dim3A_317, %gather3A], %gather3A_318 masked %lt3A_147 : memref<64x512xf32, #tpu.memory_space<vmem>>[vector<16xi32>, vector<16xi32>], vector<16xf32>, vector<16xi1>
          %broadcast_in_dim3A_319 = arith.constant 57 : i32
          %broadcast_in_dim3A_320 = vector.broadcast %broadcast_in_dim3A_319 : i32 to vector<16xi32>
          %gather3A_321 = tpu.vector_load_idx %arg12[%iota3A, %broadcast_in_dim3A_320] : memref<16x128xf32, #tpu.memory_space<vmem>>[vector<16xi32>, vector<16xi32>], vector<16xf32>,
          tpu.vector_store_idx %arg14[%broadcast_in_dim3A_320, %gather3A], %gather3A_321 masked %lt3A_147 : memref<64x512xf32, #tpu.memory_space<vmem>>[vector<16xi32>, vector<16xi32>], vector<16xf32>, vector<16xi1>
          %broadcast_in_dim3A_322 = arith.constant 58 : i32
          %broadcast_in_dim3A_323 = vector.broadcast %broadcast_in_dim3A_322 : i32 to vector<16xi32>
          %gather3A_324 = tpu.vector_load_idx %arg12[%iota3A, %broadcast_in_dim3A_323] : memref<16x128xf32, #tpu.memory_space<vmem>>[vector<16xi32>, vector<16xi32>], vector<16xf32>,
          tpu.vector_store_idx %arg14[%broadcast_in_dim3A_323, %gather3A], %gather3A_324 masked %lt3A_147 : memref<64x512xf32, #tpu.memory_space<vmem>>[vector<16xi32>, vector<16xi32>], vector<16xf32>, vector<16xi1>
          %broadcast_in_dim3A_325 = arith.constant 59 : i32
          %broadcast_in_dim3A_326 = vector.broadcast %broadcast_in_dim3A_325 : i32 to vector<16xi32>
          %gather3A_327 = tpu.vector_load_idx %arg12[%iota3A, %broadcast_in_dim3A_326] : memref<16x128xf32, #tpu.memory_space<vmem>>[vector<16xi32>, vector<16xi32>], vector<16xf32>,
          tpu.vector_store_idx %arg14[%broadcast_in_dim3A_326, %gather3A], %gather3A_327 masked %lt3A_147 : memref<64x512xf32, #tpu.memory_space<vmem>>[vector<16xi32>, vector<16xi32>], vector<16xf32>, vector<16xi1>
          %broadcast_in_dim3A_328 = arith.constant 60 : i32
          %broadcast_in_dim3A_329 = vector.broadcast %broadcast_in_dim3A_328 : i32 to vector<16xi32>
          %gather3A_330 = tpu.vector_load_idx %arg12[%iota3A, %broadcast_in_dim3A_329] : memref<16x128xf32, #tpu.memory_space<vmem>>[vector<16xi32>, vector<16xi32>], vector<16xf32>,
          tpu.vector_store_idx %arg14[%broadcast_in_dim3A_329, %gather3A], %gather3A_330 masked %lt3A_147 : memref<64x512xf32, #tpu.memory_space<vmem>>[vector<16xi32>, vector<16xi32>], vector<16xf32>, vector<16xi1>
          %broadcast_in_dim3A_331 = arith.constant 61 : i32
          %broadcast_in_dim3A_332 = vector.broadcast %broadcast_in_dim3A_331 : i32 to vector<16xi32>
          %gather3A_333 = tpu.vector_load_idx %arg12[%iota3A, %broadcast_in_dim3A_332] : memref<16x128xf32, #tpu.memory_space<vmem>>[vector<16xi32>, vector<16xi32>], vector<16xf32>,
          tpu.vector_store_idx %arg14[%broadcast_in_dim3A_332, %gather3A], %gather3A_333 masked %lt3A_147 : memref<64x512xf32, #tpu.memory_space<vmem>>[vector<16xi32>, vector<16xi32>], vector<16xf32>, vector<16xi1>
          %broadcast_in_dim3A_334 = arith.constant 62 : i32
          %broadcast_in_dim3A_335 = vector.broadcast %broadcast_in_dim3A_334 : i32 to vector<16xi32>
          %gather3A_336 = tpu.vector_load_idx %arg12[%iota3A, %broadcast_in_dim3A_335] : memref<16x128xf32, #tpu.memory_space<vmem>>[vector<16xi32>, vector<16xi32>], vector<16xf32>,
          tpu.vector_store_idx %arg14[%broadcast_in_dim3A_335, %gather3A], %gather3A_336 masked %lt3A_147 : memref<64x512xf32, #tpu.memory_space<vmem>>[vector<16xi32>, vector<16xi32>], vector<16xf32>, vector<16xi1>
          %broadcast_in_dim3A_337 = arith.constant 63 : i32
          %broadcast_in_dim3A_338 = vector.broadcast %broadcast_in_dim3A_337 : i32 to vector<16xi32>
          %gather3A_339 = tpu.vector_load_idx %arg12[%iota3A, %broadcast_in_dim3A_338] : memref<16x128xf32, #tpu.memory_space<vmem>>[vector<16xi32>, vector<16xi32>], vector<16xf32>,
          tpu.vector_store_idx %arg14[%broadcast_in_dim3A_338, %gather3A], %gather3A_339 masked %lt3A_147 : memref<64x512xf32, #tpu.memory_space<vmem>>[vector<16xi32>, vector<16xi32>], vector<16xf32>, vector<16xi1>
        }
        %mul3A_126 = arith.constant 512 : i32
        %mul3A_127 = arith.muli %while3A_67, %mul3A_126 : i32
        %add3A_128 = arith.addi %mul3A_2, %mul3A_127 : i32
        %dma_start3A_129 = arith.constant 0 : i32
        %dma_start3A_130 = tpu.memref_slice %arg5[%dma_start3A_129, %add3A_128] : memref<64x1000000xf32, #tpu.memory_space<hbm>> -> memref<64x512xf32, #tpu.memory_space<hbm>>
        %dma_start3A_131 = arith.constant 0 : i32
        %dma_start3A_132 = tpu.memref_slice %arg5[%dma_start3A_131, %add3A_128] : memref<64x1000000xf32, #tpu.memory_space<hbm>> -> memref<64x512xf32, #tpu.memory_space<hbm>>
        tpu.enqueue_dma source(%arg14 : memref<64x512xf32, #tpu.memory_space<vmem>>) target(%dma_start3A_132 : memref<64x512xf32, #tpu.memory_space<hbm>>) target_semaphore(%arg18 : memref<!tpu.dma_semaphore, #tpu.memory_space<semaphore_mem>>)
        scf.yield %cond3A_86 : vector<16xi32>
      } else {
        %sub3A_77 = arith.constant 1 : i32
        %sub3A_78 = arith.subi %while3A_67, %sub3A_77 : i32
        %mul3A_79 = arith.constant 512 : i32
        %mul3A_80 = arith.muli %sub3A_78, %mul3A_79 : i32
        %add3A_81 = arith.addi %mul3A_2, %mul3A_80 : i32
        %dma_wait3A = arith.constant 0 : i32
        %dma_wait3A_82 = tpu.memref_slice %arg5[%dma_wait3A, %add3A_81] : memref<64x1000000xf32, #tpu.memory_space<hbm>> -> memref<64x512xf32, #tpu.memory_space<hbm>>
        %dma_wait3A_83 = arith.constant 0 : i32
        %dma_wait3A_84 = tpu.memref_slice %arg5[%dma_wait3A_83, %add3A_81] : memref<64x1000000xf32, #tpu.memory_space<hbm>> -> memref<64x512xf32, #tpu.memory_space<hbm>>
        tpu.wait_dma2 semaphore(%arg18 : memref<!tpu.dma_semaphore, #tpu.memory_space<semaphore_mem>>) src(%arg14 : memref<64x512xf32, #tpu.memory_space<vmem>>) dst(%dma_wait3A_84 : memref<64x512xf32, #tpu.memory_space<hbm>>)
        %add3A_85 = arith.constant 1 : i32
        %add3A_86 = arith.addi %while3A_67, %add3A_85 : i32
        %lt3A = arith.cmpi slt, %add3A_86, %select_n3A_9 : i32
        %convert_element_type3A_87 = arith.extui %lt3A : i1 to i32
        %cond3A_88 = arith.constant 0 : i32
        %cond3A_89 = arith.cmpi ne, %convert_element_type3A_87, %cond3A_88 : i32
        %cond3A_90 = scf.if %cond3A_89 -> (vector<16xi32>) {
          %add3A_138 = arith.constant 1 : i32
          %add3A_139 = arith.addi %while3A_67, %add3A_138 : i32
          %mul3A_140 = arith.constant 512 : i32
          %mul3A_141 = arith.muli %add3A_139, %mul3A_140 : i32
          %broadcast_in_dim3A_142 = arith.constant 0 : i32
          %broadcast_in_dim3A_143 = vector.broadcast %broadcast_in_dim3A_142 : i32 to vector<16xi32>
          %scan3A_144 = arith.constant 0 : i32
          %scan3A_145 = arith.constant 8 : i32
          %scan3A_146 = arith.addi %scan3A_144, %scan3A_145 : i32
          %scan3A_147 = arith.constant 1 : i32
          %scan3A_148 = scf.for %scan3A_165 = %scan3A_144 to %scan3A_146 step %scan3A_147 iter_args(%scan3A_166 = %broadcast_in_dim3A_143) -> (vector<16xi32>)  : i32 {
            %mul3A_167 = arith.constant 4 : i32
            %mul3A_168 = arith.muli %scan3A_165, %mul3A_167 : i32
            %add3A_169 = arith.constant 0 : i32
            %add3A_170 = arith.addi %mul3A_168, %add3A_169 : i32
            %mul3A_171 = arith.constant 16 : i32
            %mul3A_172 = arith.muli %add3A_170, %mul3A_171 : i32
            %add3A_173 = arith.addi %mul3A_141, %mul3A_172 : i32
            %add3A_174 = vector.broadcast %add3A_173 : i32 to vector<16xi32>
            %add3A_175 = arith.addi %add3A_174, %iota3A : vector<16xi32>
            %gather3A = tpu.vector_load_idx %arg7[%add3A_175] : memref<31744xi32, #tpu.memory_space<vmem>>[vector<16xi32>], vector<16xi32>,
            %ge3A = arith.constant 0 : i32
            %ge3A_176 = vector.broadcast %ge3A : i32 to vector<16xi32>
            %ge3A_177 = arith.cmpi sge, %gather3A, %ge3A_176 : vector<16xi32>
            %convert_element_type3A_178 = arith.extui %ge3A_177 : vector<16xi1> to vector<16xi32>
            %broadcast_in_dim3A_179 = arith.constant true
            %broadcast_in_dim3A_180 = vector.broadcast %broadcast_in_dim3A_179 : i1 to vector<16xi1>
            %masked_cumsum3A = tpu.scan <sum>, %convert_element_type3A_178 masked %broadcast_in_dim3A_180 : vector<16xi32>, vector<16xi1> -> vector<16xi32>
            %sub3A_181 = arith.subi %masked_cumsum3A, %convert_element_type3A_178 : vector<16xi32>
            %add3A_182 = arith.addi %scan3A_166, %sub3A_181 : vector<16xi32>
            tpu.vector_store_idx %arg8[%add3A_182], %gather3A masked %ge3A_177 : memref<528xi32, #tpu.memory_space<vmem>>[vector<16xi32>], vector<16xi32>, vector<16xi1>
            %add3A_183 = vector.broadcast %mul3A_172 : i32 to vector<16xi32>
            %add3A_184 = arith.addi %add3A_183, %iota3A : vector<16xi32>
            tpu.vector_store_idx %arg9[%add3A_182], %add3A_184 masked %ge3A_177 : memref<528xi32, #tpu.memory_space<vmem>>[vector<16xi32>], vector<16xi32>, vector<16xi1>
            %all_reduce_population_count3A = tpu.all_reduce %ge3A_177 {dim = 0 : i64, kind = #tpu.reduction_kind<sum>} : vector<16xi1> -> vector<16xi32>
            %add3A_185 = arith.addi %scan3A_166, %all_reduce_population_count3A : vector<16xi32>
            %mul3A_186 = arith.constant 4 : i32
            %mul3A_187 = arith.muli %scan3A_165, %mul3A_186 : i32
            %add3A_188 = arith.constant 1 : i32
            %add3A_189 = arith.addi %mul3A_187, %add3A_188 : i32
            %mul3A_190 = arith.constant 16 : i32
            %mul3A_191 = arith.muli %add3A_189, %mul3A_190 : i32
            %add3A_192 = arith.addi %mul3A_141, %mul3A_191 : i32
            %add3A_193 = vector.broadcast %add3A_192 : i32 to vector<16xi32>
            %add3A_194 = arith.addi %add3A_193, %iota3A : vector<16xi32>
            %gather3A_195 = tpu.vector_load_idx %arg7[%add3A_194] : memref<31744xi32, #tpu.memory_space<vmem>>[vector<16xi32>], vector<16xi32>,
            %ge3A_196 = arith.constant 0 : i32
            %ge3A_197 = vector.broadcast %ge3A_196 : i32 to vector<16xi32>
            %ge3A_198 = arith.cmpi sge, %gather3A_195, %ge3A_197 : vector<16xi32>
            %convert_element_type3A_199 = arith.extui %ge3A_198 : vector<16xi1> to vector<16xi32>
            %broadcast_in_dim3A_200 = arith.constant true
            %broadcast_in_dim3A_201 = vector.broadcast %broadcast_in_dim3A_200 : i1 to vector<16xi1>
            %masked_cumsum3A_202 = tpu.scan <sum>, %convert_element_type3A_199 masked %broadcast_in_dim3A_201 : vector<16xi32>, vector<16xi1> -> vector<16xi32>
            %sub3A_203 = arith.subi %masked_cumsum3A_202, %convert_element_type3A_199 : vector<16xi32>
            %add3A_204 = arith.addi %add3A_185, %sub3A_203 : vector<16xi32>
            tpu.vector_store_idx %arg8[%add3A_204], %gather3A_195 masked %ge3A_198 : memref<528xi32, #tpu.memory_space<vmem>>[vector<16xi32>], vector<16xi32>, vector<16xi1>
            %add3A_205 = vector.broadcast %mul3A_191 : i32 to vector<16xi32>
            %add3A_206 = arith.addi %add3A_205, %iota3A : vector<16xi32>
            tpu.vector_store_idx %arg9[%add3A_204], %add3A_206 masked %ge3A_198 : memref<528xi32, #tpu.memory_space<vmem>>[vector<16xi32>], vector<16xi32>, vector<16xi1>
            %all_reduce_population_count3A_207 = tpu.all_reduce %ge3A_198 {dim = 0 : i64, kind = #tpu.reduction_kind<sum>} : vector<16xi1> -> vector<16xi32>
            %add3A_208 = arith.addi %add3A_185, %all_reduce_population_count3A_207 : vector<16xi32>
            %mul3A_209 = arith.constant 4 : i32
            %mul3A_210 = arith.muli %scan3A_165, %mul3A_209 : i32
            %add3A_211 = arith.constant 2 : i32
            %add3A_212 = arith.addi %mul3A_210, %add3A_211 : i32
            %mul3A_213 = arith.constant 16 : i32
            %mul3A_214 = arith.muli %add3A_212, %mul3A_213 : i32
            %add3A_215 = arith.addi %mul3A_141, %mul3A_214 : i32
            %add3A_216 = vector.broadcast %add3A_215 : i32 to vector<16xi32>
            %add3A_217 = arith.addi %add3A_216, %iota3A : vector<16xi32>
            %gather3A_218 = tpu.vector_load_idx %arg7[%add3A_217] : memref<31744xi32, #tpu.memory_space<vmem>>[vector<16xi32>], vector<16xi32>,
            %ge3A_219 = arith.constant 0 : i32
            %ge3A_220 = vector.broadcast %ge3A_219 : i32 to vector<16xi32>
            %ge3A_221 = arith.cmpi sge, %gather3A_218, %ge3A_220 : vector<16xi32>
            %convert_element_type3A_222 = arith.extui %ge3A_221 : vector<16xi1> to vector<16xi32>
            %broadcast_in_dim3A_223 = arith.constant true
            %broadcast_in_dim3A_224 = vector.broadcast %broadcast_in_dim3A_223 : i1 to vector<16xi1>
            %masked_cumsum3A_225 = tpu.scan <sum>, %convert_element_type3A_222 masked %broadcast_in_dim3A_224 : vector<16xi32>, vector<16xi1> -> vector<16xi32>
            %sub3A_226 = arith.subi %masked_cumsum3A_225, %convert_element_type3A_222 : vector<16xi32>
            %add3A_227 = arith.addi %add3A_208, %sub3A_226 : vector<16xi32>
            tpu.vector_store_idx %arg8[%add3A_227], %gather3A_218 masked %ge3A_221 : memref<528xi32, #tpu.memory_space<vmem>>[vector<16xi32>], vector<16xi32>, vector<16xi1>
            %add3A_228 = vector.broadcast %mul3A_214 : i32 to vector<16xi32>
            %add3A_229 = arith.addi %add3A_228, %iota3A : vector<16xi32>
            tpu.vector_store_idx %arg9[%add3A_227], %add3A_229 masked %ge3A_221 : memref<528xi32, #tpu.memory_space<vmem>>[vector<16xi32>], vector<16xi32>, vector<16xi1>
            %all_reduce_population_count3A_230 = tpu.all_reduce %ge3A_221 {dim = 0 : i64, kind = #tpu.reduction_kind<sum>} : vector<16xi1> -> vector<16xi32>
            %add3A_231 = arith.addi %add3A_208, %all_reduce_population_count3A_230 : vector<16xi32>
            %mul3A_232 = arith.constant 4 : i32
            %mul3A_233 = arith.muli %scan3A_165, %mul3A_232 : i32
            %add3A_234 = arith.constant 3 : i32
            %add3A_235 = arith.addi %mul3A_233, %add3A_234 : i32
            %mul3A_236 = arith.constant 16 : i32
            %mul3A_237 = arith.muli %add3A_235, %mul3A_236 : i32
            %add3A_238 = arith.addi %mul3A_141, %mul3A_237 : i32
            %add3A_239 = vector.broadcast %add3A_238 : i32 to vector<16xi32>
            %add3A_240 = arith.addi %add3A_239, %iota3A : vector<16xi32>
            %gather3A_241 = tpu.vector_load_idx %arg7[%add3A_240] : memref<31744xi32, #tpu.memory_space<vmem>>[vector<16xi32>], vector<16xi32>,
            %ge3A_242 = arith.constant 0 : i32
            %ge3A_243 = vector.broadcast %ge3A_242 : i32 to vector<16xi32>
            %ge3A_244 = arith.cmpi sge, %gather3A_241, %ge3A_243 : vector<16xi32>
            %convert_element_type3A_245 = arith.extui %ge3A_244 : vector<16xi1> to vector<16xi32>
            %broadcast_in_dim3A_246 = arith.constant true
            %broadcast_in_dim3A_247 = vector.broadcast %broadcast_in_dim3A_246 : i1 to vector<16xi1>
            %masked_cumsum3A_248 = tpu.scan <sum>, %convert_element_type3A_245 masked %broadcast_in_dim3A_247 : vector<16xi32>, vector<16xi1> -> vector<16xi32>
            %sub3A_249 = arith.subi %masked_cumsum3A_248, %convert_element_type3A_245 : vector<16xi32>
            %add3A_250 = arith.addi %add3A_231, %sub3A_249 : vector<16xi32>
            tpu.vector_store_idx %arg8[%add3A_250], %gather3A_241 masked %ge3A_244 : memref<528xi32, #tpu.memory_space<vmem>>[vector<16xi32>], vector<16xi32>, vector<16xi1>
            %add3A_251 = vector.broadcast %mul3A_237 : i32 to vector<16xi32>
            %add3A_252 = arith.addi %add3A_251, %iota3A : vector<16xi32>
            tpu.vector_store_idx %arg9[%add3A_250], %add3A_252 masked %ge3A_244 : memref<528xi32, #tpu.memory_space<vmem>>[vector<16xi32>], vector<16xi32>, vector<16xi1>
            %all_reduce_population_count3A_253 = tpu.all_reduce %ge3A_244 {dim = 0 : i64, kind = #tpu.reduction_kind<sum>} : vector<16xi1> -> vector<16xi32>
            %add3A_254 = arith.addi %add3A_231, %all_reduce_population_count3A_253 : vector<16xi32>
            scf.yield %add3A_254 : vector<16xi32>
          }
          %scan3A_149 = arith.constant 8 : i32
          %broadcast_in_dim3A_150 = arith.constant 0 : i32
          %broadcast_in_dim3A_151 = vector.broadcast %broadcast_in_dim3A_150 : i32 to vector<16xi32>
          %mul3A_152 = arith.constant 61 : i32
          %mul3A_153 = arith.muli %add3A, %mul3A_152 : i32
          %add3A_154 = arith.addi %mul3A_153, %add3A_139 : i32
          %and3A_155 = arith.constant 16383 : i32
          %and3A_156 = arith.andi %add3A_154, %and3A_155 : i32
          %add3A_157 = vector.broadcast %and3A_156 : i32 to vector<16xi32>
          %add3A_158 = arith.addi %broadcast_in_dim3A_151, %add3A_157 : vector<16xi32>
          %add3A_159 = arith.addi %scan3A_148, %iota3A : vector<16xi32>
          tpu.vector_store_idx %arg8[%add3A_159], %add3A_158 : memref<528xi32, #tpu.memory_space<vmem>>[vector<16xi32>], vector<16xi32>,
          %dma_start3A_160 = arith.constant 0 : i32
          %dma_start3A_161 = tpu.memref_slice %arg8[%dma_start3A_160] : memref<528xi32, #tpu.memory_space<vmem>> -> memref<16xi32, #tpu.memory_space<vmem>>
          %dma_start3A_162 = arith.constant 0 : i32
          %dma_start3A_163 = arith.constant 0 : i32
          %dma_start3A_164 = tpu.memref_slice %arg4[%dma_start3A_162, %dma_start3A_163] : memref<16384x128xf32, #tpu.memory_space<hbm>> -> memref<16384x128xf32, #tpu.memory_space<hbm>>
          tpu.enqueue_indirect_dma source(%dma_start3A_164 : memref<16384x128xf32, #tpu.memory_space<hbm>>) target(%arg12 : memref<16x128xf32, #tpu.memory_space<vmem>>) offsets(%dma_start3A_161 : memref<16xi32, #tpu.memory_space<vmem>>) semaphore(%arg20 : memref<!tpu.dma_semaphore, #tpu.memory_space<semaphore_mem>>)
          scf.yield %scan3A_148 : vector<16xi32>
        } else {
          %broadcast_in_dim3A_138 = arith.constant 0 : i32
          %broadcast_in_dim3A_139 = vector.broadcast %broadcast_in_dim3A_138 : i32 to vector<16xi32>
          scf.yield %broadcast_in_dim3A_139 : vector<16xi32>
        }
        %mul3A_91 = arith.constant 512 : i32
        %mul3A_92 = arith.muli %while3A_67, %mul3A_91 : i32
        %add3A_93 = arith.addi %mul3A_2, %mul3A_92 : i32
        %dma_wait3A_94 = arith.constant 0 : i32
        %dma_wait3A_95 = tpu.memref_slice %arg2[%dma_wait3A_94, %add3A_93] : memref<64x1000000xf32, #tpu.memory_space<hbm>> -> memref<64x512xf32, #tpu.memory_space<hbm>>
        %dma_wait3A_96 = arith.constant 0 : i32
        %dma_wait3A_97 = tpu.memref_slice %arg2[%dma_wait3A_96, %add3A_93] : memref<64x1000000xf32, #tpu.memory_space<hbm>> -> memref<64x512xf32, #tpu.memory_space<hbm>>
        tpu.wait_dma2 semaphore(%arg17 : memref<!tpu.dma_semaphore, #tpu.memory_space<semaphore_mem>>) src(%dma_wait3A_97 : memref<64x512xf32, #tpu.memory_space<hbm>>) dst(%arg15 : memref<64x512xf32, #tpu.memory_space<vmem>>)
        %add3A_98 = arith.constant 1 : i32
        %add3A_99 = arith.addi %while3A_67, %add3A_98 : i32
        %lt3A_100 = arith.cmpi slt, %add3A_99, %select_n3A_9 : i32
        %convert_element_type3A_101 = arith.extui %lt3A_100 : i1 to i32
        %cond3A_102 = arith.constant 0 : i32
        %cond3A_103 = arith.cmpi ne, %convert_element_type3A_101, %cond3A_102 : i32
        scf.if %cond3A_103 {
          %add3A_138 = arith.constant 1 : i32
          %add3A_139 = arith.addi %while3A_67, %add3A_138 : i32
          %mul3A_140 = arith.constant 512 : i32
          %mul3A_141 = arith.muli %add3A_139, %mul3A_140 : i32
          %add3A_142 = arith.addi %mul3A_2, %mul3A_141 : i32
          %dma_start3A_143 = arith.constant 0 : i32
          %dma_start3A_144 = tpu.memref_slice %arg2[%dma_start3A_143, %add3A_142] : memref<64x1000000xf32, #tpu.memory_space<hbm>> -> memref<64x512xf32, #tpu.memory_space<hbm>>
          %dma_start3A_145 = arith.constant 0 : i32
          %dma_start3A_146 = tpu.memref_slice %arg2[%dma_start3A_145, %add3A_142] : memref<64x1000000xf32, #tpu.memory_space<hbm>> -> memref<64x512xf32, #tpu.memory_space<hbm>>
          tpu.enqueue_dma source(%dma_start3A_146 : memref<64x512xf32, #tpu.memory_space<hbm>>) target(%arg14 : memref<64x512xf32, #tpu.memory_space<vmem>>) target_semaphore(%arg16 : memref<!tpu.dma_semaphore, #tpu.memory_space<semaphore_mem>>)
        } else {
        }
        %dma_wait3A_104 = arith.constant 0 : i32
        %dma_wait3A_105 = tpu.memref_slice %arg10[%dma_wait3A_104] : memref<528xi32, #tpu.memory_space<vmem>> -> memref<16xi32, #tpu.memory_space<vmem>>
        %dma_wait3A_106 = arith.constant 0 : i32
        %dma_wait3A_107 = arith.constant 0 : i32
        %dma_wait3A_108 = tpu.memref_slice %arg4[%dma_wait3A_106, %dma_wait3A_107] : memref<16384x128xf32, #tpu.memory_space<hbm>> -> memref<16384x128xf32, #tpu.memory_space<hbm>>
        tpu.wait_indirect_dma semaphore(%arg21 : memref<!tpu.dma_semaphore, #tpu.memory_space<semaphore_mem>>) src(%dma_wait3A_108 : memref<16384x128xf32, #tpu.memory_space<hbm>>) dst(%arg13 : memref<16x128xf32, #tpu.memory_space<vmem>>)
        %reduce_max3A = arith.constant true
        %reduce_max3A_109 = vector.broadcast %reduce_max3A : i1 to vector<16xi1>
        %reduce_max3A_110 = arith.constant -2147483648 : i32
        %reduce_max3A_111 = vector.broadcast %reduce_max3A_110 : i32 to vector<16xi32>
        %reduce_max3A_112 = arith.xori %while3A_68, %reduce_max3A_111 : vector<16xi32>
        %reduce_max3A_113 = tpu.scan <max>, %reduce_max3A_112 masked %reduce_max3A_109 : vector<16xi32>, vector<16xi1> -> vector<16xi32>
        %reduce_max3A_114 = arith.xori %reduce_max3A_113, %reduce_max3A_111 : vector<16xi32>
        %reduce_max3A_115 = vector.extract %reduce_max3A_114[15] : i32 from vector<16xi32>
        %add3A_116 = arith.constant 16 : i32
        %add3A_117 = arith.addi %reduce_max3A_115, %add3A_116 : i32
        %sub3A_118 = arith.constant 1 : i32
        %sub3A_119 = arith.subi %add3A_117, %sub3A_118 : i32
        %shift_right_logical3A = arith.constant 4 : i32
        %shift_right_logical3A_120 = arith.shrui %sub3A_119, %shift_right_logical3A : i32
        %while3A_121 = arith.constant 0 : i32
        %while3A_122 = arith.constant 0 : i32
        %while3A_123 = arith.subi %shift_right_logical3A_120, %while3A_122 : i32
        %while3A_124 = arith.addi %while3A_122, %while3A_123 : i32
        %while3A_125 = arith.constant 1 : i32
        %while3A_126 = arith.divsi %while3A_123, %while3A_125 : i32
        %while3A_127 = arith.muli %while3A_126, %while3A_125 : i32
        %while3A_128 = arith.addi %while3A_122, %while3A_127 : i32
        %while3A_129 = arith.constant 1 : i32
        scf.for %while3A_138 = %while3A_122 to %while3A_128 step %while3A_129  : i32 {
          %gt3A = arith.constant 0 : i32
          %gt3A_139 = arith.cmpi sgt, %while3A_138, %gt3A : i32
          %convert_element_type3A_140 = arith.extui %gt3A_139 : i1 to i32
          %cond3A_141 = arith.constant 0 : i32
          %cond3A_142 = arith.cmpi ne, %convert_element_type3A_140, %cond3A_141 : i32
          scf.if %cond3A_142 {
            %mul3A_344 = arith.constant 16 : i32
            %mul3A_345 = arith.muli %while3A_138, %mul3A_344 : i32
            %dma_start3A_346 = tpu.memref_slice %arg10[%mul3A_345] : memref<528xi32, #tpu.memory_space<vmem>> -> memref<16xi32, #tpu.memory_space<vmem>>
            %dma_start3A_347 = arith.constant 0 : i32
            %dma_start3A_348 = arith.constant 0 : i32
            %dma_start3A_349 = tpu.memref_slice %arg4[%dma_start3A_347, %dma_start3A_348] : memref<16384x128xf32, #tpu.memory_space<hbm>> -> memref<16384x128xf32, #tpu.memory_space<hbm>>
            tpu.enqueue_indirect_dma source(%dma_start3A_349 : memref<16384x128xf32, #tpu.memory_space<hbm>>) target(%arg13 : memref<16x128xf32, #tpu.memory_space<vmem>>) offsets(%dma_start3A_346 : memref<16xi32, #tpu.memory_space<vmem>>) semaphore(%arg21 : memref<!tpu.dma_semaphore, #tpu.memory_space<semaphore_mem>>)
            %dma_wait3A_350 = tpu.memref_slice %arg10[%mul3A_345] : memref<528xi32, #tpu.memory_space<vmem>> -> memref<16xi32, #tpu.memory_space<vmem>>
            %dma_wait3A_351 = arith.constant 0 : i32
            %dma_wait3A_352 = arith.constant 0 : i32
            %dma_wait3A_353 = tpu.memref_slice %arg4[%dma_wait3A_351, %dma_wait3A_352] : memref<16384x128xf32, #tpu.memory_space<hbm>> -> memref<16384x128xf32, #tpu.memory_space<hbm>>
            tpu.wait_indirect_dma semaphore(%arg21 : memref<!tpu.dma_semaphore, #tpu.memory_space<semaphore_mem>>) src(%dma_wait3A_353 : memref<16384x128xf32, #tpu.memory_space<hbm>>) dst(%arg13 : memref<16x128xf32, #tpu.memory_space<vmem>>)
          } else {
          }
          %mul3A_143 = arith.constant 16 : i32
          %mul3A_144 = arith.muli %while3A_138, %mul3A_143 : i32
          %add3A_145 = vector.broadcast %mul3A_144 : i32 to vector<16xi32>
          %add3A_146 = arith.addi %add3A_145, %iota3A : vector<16xi32>
          %gather3A = tpu.vector_load_idx %arg11[%add3A_146] : memref<528xi32, #tpu.memory_space<vmem>>[vector<16xi32>], vector<16xi32>,
          %mul3A_147 = arith.constant 16 : i32
          %mul3A_148 = arith.muli %while3A_138, %mul3A_147 : i32
          %add3A_149 = vector.broadcast %mul3A_148 : i32 to vector<16xi32>
          %add3A_150 = arith.addi %add3A_149, %iota3A : vector<16xi32>
          %lt3A_151 = arith.cmpi slt, %add3A_150, %while3A_68 : vector<16xi32>
          %broadcast_in_dim3A_152 = arith.constant 0 : i32
          %broadcast_in_dim3A_153 = vector.broadcast %broadcast_in_dim3A_152 : i32 to vector<16xi32>
          %gather3A_154 = tpu.vector_load_idx %arg13[%iota3A, %broadcast_in_dim3A_153] : memref<16x128xf32, #tpu.memory_space<vmem>>[vector<16xi32>, vector<16xi32>], vector<16xf32>,
          tpu.vector_store_idx %arg15[%broadcast_in_dim3A_153, %gather3A], %gather3A_154 masked %lt3A_151 : memref<64x512xf32, #tpu.memory_space<vmem>>[vector<16xi32>, vector<16xi32>], vector<16xf32>, vector<16xi1>
          %broadcast_in_dim3A_155 = arith.constant 1 : i32
          %broadcast_in_dim3A_156 = vector.broadcast %broadcast_in_dim3A_155 : i32 to vector<16xi32>
          %gather3A_157 = tpu.vector_load_idx %arg13[%iota3A, %broadcast_in_dim3A_156] : memref<16x128xf32, #tpu.memory_space<vmem>>[vector<16xi32>, vector<16xi32>], vector<16xf32>,
          tpu.vector_store_idx %arg15[%broadcast_in_dim3A_156, %gather3A], %gather3A_157 masked %lt3A_151 : memref<64x512xf32, #tpu.memory_space<vmem>>[vector<16xi32>, vector<16xi32>], vector<16xf32>, vector<16xi1>
          %broadcast_in_dim3A_158 = arith.constant 2 : i32
          %broadcast_in_dim3A_159 = vector.broadcast %broadcast_in_dim3A_158 : i32 to vector<16xi32>
          %gather3A_160 = tpu.vector_load_idx %arg13[%iota3A, %broadcast_in_dim3A_159] : memref<16x128xf32, #tpu.memory_space<vmem>>[vector<16xi32>, vector<16xi32>], vector<16xf32>,
          tpu.vector_store_idx %arg15[%broadcast_in_dim3A_159, %gather3A], %gather3A_160 masked %lt3A_151 : memref<64x512xf32, #tpu.memory_space<vmem>>[vector<16xi32>, vector<16xi32>], vector<16xf32>, vector<16xi1>
          %broadcast_in_dim3A_161 = arith.constant 3 : i32
          %broadcast_in_dim3A_162 = vector.broadcast %broadcast_in_dim3A_161 : i32 to vector<16xi32>
          %gather3A_163 = tpu.vector_load_idx %arg13[%iota3A, %broadcast_in_dim3A_162] : memref<16x128xf32, #tpu.memory_space<vmem>>[vector<16xi32>, vector<16xi32>], vector<16xf32>,
          tpu.vector_store_idx %arg15[%broadcast_in_dim3A_162, %gather3A], %gather3A_163 masked %lt3A_151 : memref<64x512xf32, #tpu.memory_space<vmem>>[vector<16xi32>, vector<16xi32>], vector<16xf32>, vector<16xi1>
          %broadcast_in_dim3A_164 = arith.constant 4 : i32
          %broadcast_in_dim3A_165 = vector.broadcast %broadcast_in_dim3A_164 : i32 to vector<16xi32>
          %gather3A_166 = tpu.vector_load_idx %arg13[%iota3A, %broadcast_in_dim3A_165] : memref<16x128xf32, #tpu.memory_space<vmem>>[vector<16xi32>, vector<16xi32>], vector<16xf32>,
          tpu.vector_store_idx %arg15[%broadcast_in_dim3A_165, %gather3A], %gather3A_166 masked %lt3A_151 : memref<64x512xf32, #tpu.memory_space<vmem>>[vector<16xi32>, vector<16xi32>], vector<16xf32>, vector<16xi1>
          %broadcast_in_dim3A_167 = arith.constant 5 : i32
          %broadcast_in_dim3A_168 = vector.broadcast %broadcast_in_dim3A_167 : i32 to vector<16xi32>
          %gather3A_169 = tpu.vector_load_idx %arg13[%iota3A, %broadcast_in_dim3A_168] : memref<16x128xf32, #tpu.memory_space<vmem>>[vector<16xi32>, vector<16xi32>], vector<16xf32>,
          tpu.vector_store_idx %arg15[%broadcast_in_dim3A_168, %gather3A], %gather3A_169 masked %lt3A_151 : memref<64x512xf32, #tpu.memory_space<vmem>>[vector<16xi32>, vector<16xi32>], vector<16xf32>, vector<16xi1>
          %broadcast_in_dim3A_170 = arith.constant 6 : i32
          %broadcast_in_dim3A_171 = vector.broadcast %broadcast_in_dim3A_170 : i32 to vector<16xi32>
          %gather3A_172 = tpu.vector_load_idx %arg13[%iota3A, %broadcast_in_dim3A_171] : memref<16x128xf32, #tpu.memory_space<vmem>>[vector<16xi32>, vector<16xi32>], vector<16xf32>,
          tpu.vector_store_idx %arg15[%broadcast_in_dim3A_171, %gather3A], %gather3A_172 masked %lt3A_151 : memref<64x512xf32, #tpu.memory_space<vmem>>[vector<16xi32>, vector<16xi32>], vector<16xf32>, vector<16xi1>
          %broadcast_in_dim3A_173 = arith.constant 7 : i32
          %broadcast_in_dim3A_174 = vector.broadcast %broadcast_in_dim3A_173 : i32 to vector<16xi32>
          %gather3A_175 = tpu.vector_load_idx %arg13[%iota3A, %broadcast_in_dim3A_174] : memref<16x128xf32, #tpu.memory_space<vmem>>[vector<16xi32>, vector<16xi32>], vector<16xf32>,
          tpu.vector_store_idx %arg15[%broadcast_in_dim3A_174, %gather3A], %gather3A_175 masked %lt3A_151 : memref<64x512xf32, #tpu.memory_space<vmem>>[vector<16xi32>, vector<16xi32>], vector<16xf32>, vector<16xi1>
          %broadcast_in_dim3A_176 = arith.constant 8 : i32
          %broadcast_in_dim3A_177 = vector.broadcast %broadcast_in_dim3A_176 : i32 to vector<16xi32>
          %gather3A_178 = tpu.vector_load_idx %arg13[%iota3A, %broadcast_in_dim3A_177] : memref<16x128xf32, #tpu.memory_space<vmem>>[vector<16xi32>, vector<16xi32>], vector<16xf32>,
          tpu.vector_store_idx %arg15[%broadcast_in_dim3A_177, %gather3A], %gather3A_178 masked %lt3A_151 : memref<64x512xf32, #tpu.memory_space<vmem>>[vector<16xi32>, vector<16xi32>], vector<16xf32>, vector<16xi1>
          %broadcast_in_dim3A_179 = arith.constant 9 : i32
          %broadcast_in_dim3A_180 = vector.broadcast %broadcast_in_dim3A_179 : i32 to vector<16xi32>
          %gather3A_181 = tpu.vector_load_idx %arg13[%iota3A, %broadcast_in_dim3A_180] : memref<16x128xf32, #tpu.memory_space<vmem>>[vector<16xi32>, vector<16xi32>], vector<16xf32>,
          tpu.vector_store_idx %arg15[%broadcast_in_dim3A_180, %gather3A], %gather3A_181 masked %lt3A_151 : memref<64x512xf32, #tpu.memory_space<vmem>>[vector<16xi32>, vector<16xi32>], vector<16xf32>, vector<16xi1>
          %broadcast_in_dim3A_182 = arith.constant 10 : i32
          %broadcast_in_dim3A_183 = vector.broadcast %broadcast_in_dim3A_182 : i32 to vector<16xi32>
          %gather3A_184 = tpu.vector_load_idx %arg13[%iota3A, %broadcast_in_dim3A_183] : memref<16x128xf32, #tpu.memory_space<vmem>>[vector<16xi32>, vector<16xi32>], vector<16xf32>,
          tpu.vector_store_idx %arg15[%broadcast_in_dim3A_183, %gather3A], %gather3A_184 masked %lt3A_151 : memref<64x512xf32, #tpu.memory_space<vmem>>[vector<16xi32>, vector<16xi32>], vector<16xf32>, vector<16xi1>
          %broadcast_in_dim3A_185 = arith.constant 11 : i32
          %broadcast_in_dim3A_186 = vector.broadcast %broadcast_in_dim3A_185 : i32 to vector<16xi32>
          %gather3A_187 = tpu.vector_load_idx %arg13[%iota3A, %broadcast_in_dim3A_186] : memref<16x128xf32, #tpu.memory_space<vmem>>[vector<16xi32>, vector<16xi32>], vector<16xf32>,
          tpu.vector_store_idx %arg15[%broadcast_in_dim3A_186, %gather3A], %gather3A_187 masked %lt3A_151 : memref<64x512xf32, #tpu.memory_space<vmem>>[vector<16xi32>, vector<16xi32>], vector<16xf32>, vector<16xi1>
          %broadcast_in_dim3A_188 = arith.constant 12 : i32
          %broadcast_in_dim3A_189 = vector.broadcast %broadcast_in_dim3A_188 : i32 to vector<16xi32>
          %gather3A_190 = tpu.vector_load_idx %arg13[%iota3A, %broadcast_in_dim3A_189] : memref<16x128xf32, #tpu.memory_space<vmem>>[vector<16xi32>, vector<16xi32>], vector<16xf32>,
          tpu.vector_store_idx %arg15[%broadcast_in_dim3A_189, %gather3A], %gather3A_190 masked %lt3A_151 : memref<64x512xf32, #tpu.memory_space<vmem>>[vector<16xi32>, vector<16xi32>], vector<16xf32>, vector<16xi1>
          %broadcast_in_dim3A_191 = arith.constant 13 : i32
          %broadcast_in_dim3A_192 = vector.broadcast %broadcast_in_dim3A_191 : i32 to vector<16xi32>
          %gather3A_193 = tpu.vector_load_idx %arg13[%iota3A, %broadcast_in_dim3A_192] : memref<16x128xf32, #tpu.memory_space<vmem>>[vector<16xi32>, vector<16xi32>], vector<16xf32>,
          tpu.vector_store_idx %arg15[%broadcast_in_dim3A_192, %gather3A], %gather3A_193 masked %lt3A_151 : memref<64x512xf32, #tpu.memory_space<vmem>>[vector<16xi32>, vector<16xi32>], vector<16xf32>, vector<16xi1>
          %broadcast_in_dim3A_194 = arith.constant 14 : i32
          %broadcast_in_dim3A_195 = vector.broadcast %broadcast_in_dim3A_194 : i32 to vector<16xi32>
          %gather3A_196 = tpu.vector_load_idx %arg13[%iota3A, %broadcast_in_dim3A_195] : memref<16x128xf32, #tpu.memory_space<vmem>>[vector<16xi32>, vector<16xi32>], vector<16xf32>,
          tpu.vector_store_idx %arg15[%broadcast_in_dim3A_195, %gather3A], %gather3A_196 masked %lt3A_151 : memref<64x512xf32, #tpu.memory_space<vmem>>[vector<16xi32>, vector<16xi32>], vector<16xf32>, vector<16xi1>
          %broadcast_in_dim3A_197 = arith.constant 15 : i32
          %broadcast_in_dim3A_198 = vector.broadcast %broadcast_in_dim3A_197 : i32 to vector<16xi32>
          %gather3A_199 = tpu.vector_load_idx %arg13[%iota3A, %broadcast_in_dim3A_198] : memref<16x128xf32, #tpu.memory_space<vmem>>[vector<16xi32>, vector<16xi32>], vector<16xf32>,
          tpu.vector_store_idx %arg15[%broadcast_in_dim3A_198, %gather3A], %gather3A_199 masked %lt3A_151 : memref<64x512xf32, #tpu.memory_space<vmem>>[vector<16xi32>, vector<16xi32>], vector<16xf32>, vector<16xi1>
          %broadcast_in_dim3A_200 = arith.constant 16 : i32
          %broadcast_in_dim3A_201 = vector.broadcast %broadcast_in_dim3A_200 : i32 to vector<16xi32>
          %gather3A_202 = tpu.vector_load_idx %arg13[%iota3A, %broadcast_in_dim3A_201] : memref<16x128xf32, #tpu.memory_space<vmem>>[vector<16xi32>, vector<16xi32>], vector<16xf32>,
          tpu.vector_store_idx %arg15[%broadcast_in_dim3A_201, %gather3A], %gather3A_202 masked %lt3A_151 : memref<64x512xf32, #tpu.memory_space<vmem>>[vector<16xi32>, vector<16xi32>], vector<16xf32>, vector<16xi1>
          %broadcast_in_dim3A_203 = arith.constant 17 : i32
          %broadcast_in_dim3A_204 = vector.broadcast %broadcast_in_dim3A_203 : i32 to vector<16xi32>
          %gather3A_205 = tpu.vector_load_idx %arg13[%iota3A, %broadcast_in_dim3A_204] : memref<16x128xf32, #tpu.memory_space<vmem>>[vector<16xi32>, vector<16xi32>], vector<16xf32>,
          tpu.vector_store_idx %arg15[%broadcast_in_dim3A_204, %gather3A], %gather3A_205 masked %lt3A_151 : memref<64x512xf32, #tpu.memory_space<vmem>>[vector<16xi32>, vector<16xi32>], vector<16xf32>, vector<16xi1>
          %broadcast_in_dim3A_206 = arith.constant 18 : i32
          %broadcast_in_dim3A_207 = vector.broadcast %broadcast_in_dim3A_206 : i32 to vector<16xi32>
          %gather3A_208 = tpu.vector_load_idx %arg13[%iota3A, %broadcast_in_dim3A_207] : memref<16x128xf32, #tpu.memory_space<vmem>>[vector<16xi32>, vector<16xi32>], vector<16xf32>,
          tpu.vector_store_idx %arg15[%broadcast_in_dim3A_207, %gather3A], %gather3A_208 masked %lt3A_151 : memref<64x512xf32, #tpu.memory_space<vmem>>[vector<16xi32>, vector<16xi32>], vector<16xf32>, vector<16xi1>
          %broadcast_in_dim3A_209 = arith.constant 19 : i32
          %broadcast_in_dim3A_210 = vector.broadcast %broadcast_in_dim3A_209 : i32 to vector<16xi32>
          %gather3A_211 = tpu.vector_load_idx %arg13[%iota3A, %broadcast_in_dim3A_210] : memref<16x128xf32, #tpu.memory_space<vmem>>[vector<16xi32>, vector<16xi32>], vector<16xf32>,
          tpu.vector_store_idx %arg15[%broadcast_in_dim3A_210, %gather3A], %gather3A_211 masked %lt3A_151 : memref<64x512xf32, #tpu.memory_space<vmem>>[vector<16xi32>, vector<16xi32>], vector<16xf32>, vector<16xi1>
          %broadcast_in_dim3A_212 = arith.constant 20 : i32
          %broadcast_in_dim3A_213 = vector.broadcast %broadcast_in_dim3A_212 : i32 to vector<16xi32>
          %gather3A_214 = tpu.vector_load_idx %arg13[%iota3A, %broadcast_in_dim3A_213] : memref<16x128xf32, #tpu.memory_space<vmem>>[vector<16xi32>, vector<16xi32>], vector<16xf32>,
          tpu.vector_store_idx %arg15[%broadcast_in_dim3A_213, %gather3A], %gather3A_214 masked %lt3A_151 : memref<64x512xf32, #tpu.memory_space<vmem>>[vector<16xi32>, vector<16xi32>], vector<16xf32>, vector<16xi1>
          %broadcast_in_dim3A_215 = arith.constant 21 : i32
          %broadcast_in_dim3A_216 = vector.broadcast %broadcast_in_dim3A_215 : i32 to vector<16xi32>
          %gather3A_217 = tpu.vector_load_idx %arg13[%iota3A, %broadcast_in_dim3A_216] : memref<16x128xf32, #tpu.memory_space<vmem>>[vector<16xi32>, vector<16xi32>], vector<16xf32>,
          tpu.vector_store_idx %arg15[%broadcast_in_dim3A_216, %gather3A], %gather3A_217 masked %lt3A_151 : memref<64x512xf32, #tpu.memory_space<vmem>>[vector<16xi32>, vector<16xi32>], vector<16xf32>, vector<16xi1>
          %broadcast_in_dim3A_218 = arith.constant 22 : i32
          %broadcast_in_dim3A_219 = vector.broadcast %broadcast_in_dim3A_218 : i32 to vector<16xi32>
          %gather3A_220 = tpu.vector_load_idx %arg13[%iota3A, %broadcast_in_dim3A_219] : memref<16x128xf32, #tpu.memory_space<vmem>>[vector<16xi32>, vector<16xi32>], vector<16xf32>,
          tpu.vector_store_idx %arg15[%broadcast_in_dim3A_219, %gather3A], %gather3A_220 masked %lt3A_151 : memref<64x512xf32, #tpu.memory_space<vmem>>[vector<16xi32>, vector<16xi32>], vector<16xf32>, vector<16xi1>
          %broadcast_in_dim3A_221 = arith.constant 23 : i32
          %broadcast_in_dim3A_222 = vector.broadcast %broadcast_in_dim3A_221 : i32 to vector<16xi32>
          %gather3A_223 = tpu.vector_load_idx %arg13[%iota3A, %broadcast_in_dim3A_222] : memref<16x128xf32, #tpu.memory_space<vmem>>[vector<16xi32>, vector<16xi32>], vector<16xf32>,
          tpu.vector_store_idx %arg15[%broadcast_in_dim3A_222, %gather3A], %gather3A_223 masked %lt3A_151 : memref<64x512xf32, #tpu.memory_space<vmem>>[vector<16xi32>, vector<16xi32>], vector<16xf32>, vector<16xi1>
          %broadcast_in_dim3A_224 = arith.constant 24 : i32
          %broadcast_in_dim3A_225 = vector.broadcast %broadcast_in_dim3A_224 : i32 to vector<16xi32>
          %gather3A_226 = tpu.vector_load_idx %arg13[%iota3A, %broadcast_in_dim3A_225] : memref<16x128xf32, #tpu.memory_space<vmem>>[vector<16xi32>, vector<16xi32>], vector<16xf32>,
          tpu.vector_store_idx %arg15[%broadcast_in_dim3A_225, %gather3A], %gather3A_226 masked %lt3A_151 : memref<64x512xf32, #tpu.memory_space<vmem>>[vector<16xi32>, vector<16xi32>], vector<16xf32>, vector<16xi1>
          %broadcast_in_dim3A_227 = arith.constant 25 : i32
          %broadcast_in_dim3A_228 = vector.broadcast %broadcast_in_dim3A_227 : i32 to vector<16xi32>
          %gather3A_229 = tpu.vector_load_idx %arg13[%iota3A, %broadcast_in_dim3A_228] : memref<16x128xf32, #tpu.memory_space<vmem>>[vector<16xi32>, vector<16xi32>], vector<16xf32>,
          tpu.vector_store_idx %arg15[%broadcast_in_dim3A_228, %gather3A], %gather3A_229 masked %lt3A_151 : memref<64x512xf32, #tpu.memory_space<vmem>>[vector<16xi32>, vector<16xi32>], vector<16xf32>, vector<16xi1>
          %broadcast_in_dim3A_230 = arith.constant 26 : i32
          %broadcast_in_dim3A_231 = vector.broadcast %broadcast_in_dim3A_230 : i32 to vector<16xi32>
          %gather3A_232 = tpu.vector_load_idx %arg13[%iota3A, %broadcast_in_dim3A_231] : memref<16x128xf32, #tpu.memory_space<vmem>>[vector<16xi32>, vector<16xi32>], vector<16xf32>,
          tpu.vector_store_idx %arg15[%broadcast_in_dim3A_231, %gather3A], %gather3A_232 masked %lt3A_151 : memref<64x512xf32, #tpu.memory_space<vmem>>[vector<16xi32>, vector<16xi32>], vector<16xf32>, vector<16xi1>
          %broadcast_in_dim3A_233 = arith.constant 27 : i32
          %broadcast_in_dim3A_234 = vector.broadcast %broadcast_in_dim3A_233 : i32 to vector<16xi32>
          %gather3A_235 = tpu.vector_load_idx %arg13[%iota3A, %broadcast_in_dim3A_234] : memref<16x128xf32, #tpu.memory_space<vmem>>[vector<16xi32>, vector<16xi32>], vector<16xf32>,
          tpu.vector_store_idx %arg15[%broadcast_in_dim3A_234, %gather3A], %gather3A_235 masked %lt3A_151 : memref<64x512xf32, #tpu.memory_space<vmem>>[vector<16xi32>, vector<16xi32>], vector<16xf32>, vector<16xi1>
          %broadcast_in_dim3A_236 = arith.constant 28 : i32
          %broadcast_in_dim3A_237 = vector.broadcast %broadcast_in_dim3A_236 : i32 to vector<16xi32>
          %gather3A_238 = tpu.vector_load_idx %arg13[%iota3A, %broadcast_in_dim3A_237] : memref<16x128xf32, #tpu.memory_space<vmem>>[vector<16xi32>, vector<16xi32>], vector<16xf32>,
          tpu.vector_store_idx %arg15[%broadcast_in_dim3A_237, %gather3A], %gather3A_238 masked %lt3A_151 : memref<64x512xf32, #tpu.memory_space<vmem>>[vector<16xi32>, vector<16xi32>], vector<16xf32>, vector<16xi1>
          %broadcast_in_dim3A_239 = arith.constant 29 : i32
          %broadcast_in_dim3A_240 = vector.broadcast %broadcast_in_dim3A_239 : i32 to vector<16xi32>
          %gather3A_241 = tpu.vector_load_idx %arg13[%iota3A, %broadcast_in_dim3A_240] : memref<16x128xf32, #tpu.memory_space<vmem>>[vector<16xi32>, vector<16xi32>], vector<16xf32>,
          tpu.vector_store_idx %arg15[%broadcast_in_dim3A_240, %gather3A], %gather3A_241 masked %lt3A_151 : memref<64x512xf32, #tpu.memory_space<vmem>>[vector<16xi32>, vector<16xi32>], vector<16xf32>, vector<16xi1>
          %broadcast_in_dim3A_242 = arith.constant 30 : i32
          %broadcast_in_dim3A_243 = vector.broadcast %broadcast_in_dim3A_242 : i32 to vector<16xi32>
          %gather3A_244 = tpu.vector_load_idx %arg13[%iota3A, %broadcast_in_dim3A_243] : memref<16x128xf32, #tpu.memory_space<vmem>>[vector<16xi32>, vector<16xi32>], vector<16xf32>,
          tpu.vector_store_idx %arg15[%broadcast_in_dim3A_243, %gather3A], %gather3A_244 masked %lt3A_151 : memref<64x512xf32, #tpu.memory_space<vmem>>[vector<16xi32>, vector<16xi32>], vector<16xf32>, vector<16xi1>
          %broadcast_in_dim3A_245 = arith.constant 31 : i32
          %broadcast_in_dim3A_246 = vector.broadcast %broadcast_in_dim3A_245 : i32 to vector<16xi32>
          %gather3A_247 = tpu.vector_load_idx %arg13[%iota3A, %broadcast_in_dim3A_246] : memref<16x128xf32, #tpu.memory_space<vmem>>[vector<16xi32>, vector<16xi32>], vector<16xf32>,
          tpu.vector_store_idx %arg15[%broadcast_in_dim3A_246, %gather3A], %gather3A_247 masked %lt3A_151 : memref<64x512xf32, #tpu.memory_space<vmem>>[vector<16xi32>, vector<16xi32>], vector<16xf32>, vector<16xi1>
          %broadcast_in_dim3A_248 = arith.constant 32 : i32
          %broadcast_in_dim3A_249 = vector.broadcast %broadcast_in_dim3A_248 : i32 to vector<16xi32>
          %gather3A_250 = tpu.vector_load_idx %arg13[%iota3A, %broadcast_in_dim3A_249] : memref<16x128xf32, #tpu.memory_space<vmem>>[vector<16xi32>, vector<16xi32>], vector<16xf32>,
          tpu.vector_store_idx %arg15[%broadcast_in_dim3A_249, %gather3A], %gather3A_250 masked %lt3A_151 : memref<64x512xf32, #tpu.memory_space<vmem>>[vector<16xi32>, vector<16xi32>], vector<16xf32>, vector<16xi1>
          %broadcast_in_dim3A_251 = arith.constant 33 : i32
          %broadcast_in_dim3A_252 = vector.broadcast %broadcast_in_dim3A_251 : i32 to vector<16xi32>
          %gather3A_253 = tpu.vector_load_idx %arg13[%iota3A, %broadcast_in_dim3A_252] : memref<16x128xf32, #tpu.memory_space<vmem>>[vector<16xi32>, vector<16xi32>], vector<16xf32>,
          tpu.vector_store_idx %arg15[%broadcast_in_dim3A_252, %gather3A], %gather3A_253 masked %lt3A_151 : memref<64x512xf32, #tpu.memory_space<vmem>>[vector<16xi32>, vector<16xi32>], vector<16xf32>, vector<16xi1>
          %broadcast_in_dim3A_254 = arith.constant 34 : i32
          %broadcast_in_dim3A_255 = vector.broadcast %broadcast_in_dim3A_254 : i32 to vector<16xi32>
          %gather3A_256 = tpu.vector_load_idx %arg13[%iota3A, %broadcast_in_dim3A_255] : memref<16x128xf32, #tpu.memory_space<vmem>>[vector<16xi32>, vector<16xi32>], vector<16xf32>,
          tpu.vector_store_idx %arg15[%broadcast_in_dim3A_255, %gather3A], %gather3A_256 masked %lt3A_151 : memref<64x512xf32, #tpu.memory_space<vmem>>[vector<16xi32>, vector<16xi32>], vector<16xf32>, vector<16xi1>
          %broadcast_in_dim3A_257 = arith.constant 35 : i32
          %broadcast_in_dim3A_258 = vector.broadcast %broadcast_in_dim3A_257 : i32 to vector<16xi32>
          %gather3A_259 = tpu.vector_load_idx %arg13[%iota3A, %broadcast_in_dim3A_258] : memref<16x128xf32, #tpu.memory_space<vmem>>[vector<16xi32>, vector<16xi32>], vector<16xf32>,
          tpu.vector_store_idx %arg15[%broadcast_in_dim3A_258, %gather3A], %gather3A_259 masked %lt3A_151 : memref<64x512xf32, #tpu.memory_space<vmem>>[vector<16xi32>, vector<16xi32>], vector<16xf32>, vector<16xi1>
          %broadcast_in_dim3A_260 = arith.constant 36 : i32
          %broadcast_in_dim3A_261 = vector.broadcast %broadcast_in_dim3A_260 : i32 to vector<16xi32>
          %gather3A_262 = tpu.vector_load_idx %arg13[%iota3A, %broadcast_in_dim3A_261] : memref<16x128xf32, #tpu.memory_space<vmem>>[vector<16xi32>, vector<16xi32>], vector<16xf32>,
          tpu.vector_store_idx %arg15[%broadcast_in_dim3A_261, %gather3A], %gather3A_262 masked %lt3A_151 : memref<64x512xf32, #tpu.memory_space<vmem>>[vector<16xi32>, vector<16xi32>], vector<16xf32>, vector<16xi1>
          %broadcast_in_dim3A_263 = arith.constant 37 : i32
          %broadcast_in_dim3A_264 = vector.broadcast %broadcast_in_dim3A_263 : i32 to vector<16xi32>
          %gather3A_265 = tpu.vector_load_idx %arg13[%iota3A, %broadcast_in_dim3A_264] : memref<16x128xf32, #tpu.memory_space<vmem>>[vector<16xi32>, vector<16xi32>], vector<16xf32>,
          tpu.vector_store_idx %arg15[%broadcast_in_dim3A_264, %gather3A], %gather3A_265 masked %lt3A_151 : memref<64x512xf32, #tpu.memory_space<vmem>>[vector<16xi32>, vector<16xi32>], vector<16xf32>, vector<16xi1>
          %broadcast_in_dim3A_266 = arith.constant 38 : i32
          %broadcast_in_dim3A_267 = vector.broadcast %broadcast_in_dim3A_266 : i32 to vector<16xi32>
          %gather3A_268 = tpu.vector_load_idx %arg13[%iota3A, %broadcast_in_dim3A_267] : memref<16x128xf32, #tpu.memory_space<vmem>>[vector<16xi32>, vector<16xi32>], vector<16xf32>,
          tpu.vector_store_idx %arg15[%broadcast_in_dim3A_267, %gather3A], %gather3A_268 masked %lt3A_151 : memref<64x512xf32, #tpu.memory_space<vmem>>[vector<16xi32>, vector<16xi32>], vector<16xf32>, vector<16xi1>
          %broadcast_in_dim3A_269 = arith.constant 39 : i32
          %broadcast_in_dim3A_270 = vector.broadcast %broadcast_in_dim3A_269 : i32 to vector<16xi32>
          %gather3A_271 = tpu.vector_load_idx %arg13[%iota3A, %broadcast_in_dim3A_270] : memref<16x128xf32, #tpu.memory_space<vmem>>[vector<16xi32>, vector<16xi32>], vector<16xf32>,
          tpu.vector_store_idx %arg15[%broadcast_in_dim3A_270, %gather3A], %gather3A_271 masked %lt3A_151 : memref<64x512xf32, #tpu.memory_space<vmem>>[vector<16xi32>, vector<16xi32>], vector<16xf32>, vector<16xi1>
          %broadcast_in_dim3A_272 = arith.constant 40 : i32
          %broadcast_in_dim3A_273 = vector.broadcast %broadcast_in_dim3A_272 : i32 to vector<16xi32>
          %gather3A_274 = tpu.vector_load_idx %arg13[%iota3A, %broadcast_in_dim3A_273] : memref<16x128xf32, #tpu.memory_space<vmem>>[vector<16xi32>, vector<16xi32>], vector<16xf32>,
          tpu.vector_store_idx %arg15[%broadcast_in_dim3A_273, %gather3A], %gather3A_274 masked %lt3A_151 : memref<64x512xf32, #tpu.memory_space<vmem>>[vector<16xi32>, vector<16xi32>], vector<16xf32>, vector<16xi1>
          %broadcast_in_dim3A_275 = arith.constant 41 : i32
          %broadcast_in_dim3A_276 = vector.broadcast %broadcast_in_dim3A_275 : i32 to vector<16xi32>
          %gather3A_277 = tpu.vector_load_idx %arg13[%iota3A, %broadcast_in_dim3A_276] : memref<16x128xf32, #tpu.memory_space<vmem>>[vector<16xi32>, vector<16xi32>], vector<16xf32>,
          tpu.vector_store_idx %arg15[%broadcast_in_dim3A_276, %gather3A], %gather3A_277 masked %lt3A_151 : memref<64x512xf32, #tpu.memory_space<vmem>>[vector<16xi32>, vector<16xi32>], vector<16xf32>, vector<16xi1>
          %broadcast_in_dim3A_278 = arith.constant 42 : i32
          %broadcast_in_dim3A_279 = vector.broadcast %broadcast_in_dim3A_278 : i32 to vector<16xi32>
          %gather3A_280 = tpu.vector_load_idx %arg13[%iota3A, %broadcast_in_dim3A_279] : memref<16x128xf32, #tpu.memory_space<vmem>>[vector<16xi32>, vector<16xi32>], vector<16xf32>,
          tpu.vector_store_idx %arg15[%broadcast_in_dim3A_279, %gather3A], %gather3A_280 masked %lt3A_151 : memref<64x512xf32, #tpu.memory_space<vmem>>[vector<16xi32>, vector<16xi32>], vector<16xf32>, vector<16xi1>
          %broadcast_in_dim3A_281 = arith.constant 43 : i32
          %broadcast_in_dim3A_282 = vector.broadcast %broadcast_in_dim3A_281 : i32 to vector<16xi32>
          %gather3A_283 = tpu.vector_load_idx %arg13[%iota3A, %broadcast_in_dim3A_282] : memref<16x128xf32, #tpu.memory_space<vmem>>[vector<16xi32>, vector<16xi32>], vector<16xf32>,
          tpu.vector_store_idx %arg15[%broadcast_in_dim3A_282, %gather3A], %gather3A_283 masked %lt3A_151 : memref<64x512xf32, #tpu.memory_space<vmem>>[vector<16xi32>, vector<16xi32>], vector<16xf32>, vector<16xi1>
          %broadcast_in_dim3A_284 = arith.constant 44 : i32
          %broadcast_in_dim3A_285 = vector.broadcast %broadcast_in_dim3A_284 : i32 to vector<16xi32>
          %gather3A_286 = tpu.vector_load_idx %arg13[%iota3A, %broadcast_in_dim3A_285] : memref<16x128xf32, #tpu.memory_space<vmem>>[vector<16xi32>, vector<16xi32>], vector<16xf32>,
          tpu.vector_store_idx %arg15[%broadcast_in_dim3A_285, %gather3A], %gather3A_286 masked %lt3A_151 : memref<64x512xf32, #tpu.memory_space<vmem>>[vector<16xi32>, vector<16xi32>], vector<16xf32>, vector<16xi1>
          %broadcast_in_dim3A_287 = arith.constant 45 : i32
          %broadcast_in_dim3A_288 = vector.broadcast %broadcast_in_dim3A_287 : i32 to vector<16xi32>
          %gather3A_289 = tpu.vector_load_idx %arg13[%iota3A, %broadcast_in_dim3A_288] : memref<16x128xf32, #tpu.memory_space<vmem>>[vector<16xi32>, vector<16xi32>], vector<16xf32>,
          tpu.vector_store_idx %arg15[%broadcast_in_dim3A_288, %gather3A], %gather3A_289 masked %lt3A_151 : memref<64x512xf32, #tpu.memory_space<vmem>>[vector<16xi32>, vector<16xi32>], vector<16xf32>, vector<16xi1>
          %broadcast_in_dim3A_290 = arith.constant 46 : i32
          %broadcast_in_dim3A_291 = vector.broadcast %broadcast_in_dim3A_290 : i32 to vector<16xi32>
          %gather3A_292 = tpu.vector_load_idx %arg13[%iota3A, %broadcast_in_dim3A_291] : memref<16x128xf32, #tpu.memory_space<vmem>>[vector<16xi32>, vector<16xi32>], vector<16xf32>,
          tpu.vector_store_idx %arg15[%broadcast_in_dim3A_291, %gather3A], %gather3A_292 masked %lt3A_151 : memref<64x512xf32, #tpu.memory_space<vmem>>[vector<16xi32>, vector<16xi32>], vector<16xf32>, vector<16xi1>
          %broadcast_in_dim3A_293 = arith.constant 47 : i32
          %broadcast_in_dim3A_294 = vector.broadcast %broadcast_in_dim3A_293 : i32 to vector<16xi32>
          %gather3A_295 = tpu.vector_load_idx %arg13[%iota3A, %broadcast_in_dim3A_294] : memref<16x128xf32, #tpu.memory_space<vmem>>[vector<16xi32>, vector<16xi32>], vector<16xf32>,
          tpu.vector_store_idx %arg15[%broadcast_in_dim3A_294, %gather3A], %gather3A_295 masked %lt3A_151 : memref<64x512xf32, #tpu.memory_space<vmem>>[vector<16xi32>, vector<16xi32>], vector<16xf32>, vector<16xi1>
          %broadcast_in_dim3A_296 = arith.constant 48 : i32
          %broadcast_in_dim3A_297 = vector.broadcast %broadcast_in_dim3A_296 : i32 to vector<16xi32>
          %gather3A_298 = tpu.vector_load_idx %arg13[%iota3A, %broadcast_in_dim3A_297] : memref<16x128xf32, #tpu.memory_space<vmem>>[vector<16xi32>, vector<16xi32>], vector<16xf32>,
          tpu.vector_store_idx %arg15[%broadcast_in_dim3A_297, %gather3A], %gather3A_298 masked %lt3A_151 : memref<64x512xf32, #tpu.memory_space<vmem>>[vector<16xi32>, vector<16xi32>], vector<16xf32>, vector<16xi1>
          %broadcast_in_dim3A_299 = arith.constant 49 : i32
          %broadcast_in_dim3A_300 = vector.broadcast %broadcast_in_dim3A_299 : i32 to vector<16xi32>
          %gather3A_301 = tpu.vector_load_idx %arg13[%iota3A, %broadcast_in_dim3A_300] : memref<16x128xf32, #tpu.memory_space<vmem>>[vector<16xi32>, vector<16xi32>], vector<16xf32>,
          tpu.vector_store_idx %arg15[%broadcast_in_dim3A_300, %gather3A], %gather3A_301 masked %lt3A_151 : memref<64x512xf32, #tpu.memory_space<vmem>>[vector<16xi32>, vector<16xi32>], vector<16xf32>, vector<16xi1>
          %broadcast_in_dim3A_302 = arith.constant 50 : i32
          %broadcast_in_dim3A_303 = vector.broadcast %broadcast_in_dim3A_302 : i32 to vector<16xi32>
          %gather3A_304 = tpu.vector_load_idx %arg13[%iota3A, %broadcast_in_dim3A_303] : memref<16x128xf32, #tpu.memory_space<vmem>>[vector<16xi32>, vector<16xi32>], vector<16xf32>,
          tpu.vector_store_idx %arg15[%broadcast_in_dim3A_303, %gather3A], %gather3A_304 masked %lt3A_151 : memref<64x512xf32, #tpu.memory_space<vmem>>[vector<16xi32>, vector<16xi32>], vector<16xf32>, vector<16xi1>
          %broadcast_in_dim3A_305 = arith.constant 51 : i32
          %broadcast_in_dim3A_306 = vector.broadcast %broadcast_in_dim3A_305 : i32 to vector<16xi32>
          %gather3A_307 = tpu.vector_load_idx %arg13[%iota3A, %broadcast_in_dim3A_306] : memref<16x128xf32, #tpu.memory_space<vmem>>[vector<16xi32>, vector<16xi32>], vector<16xf32>,
          tpu.vector_store_idx %arg15[%broadcast_in_dim3A_306, %gather3A], %gather3A_307 masked %lt3A_151 : memref<64x512xf32, #tpu.memory_space<vmem>>[vector<16xi32>, vector<16xi32>], vector<16xf32>, vector<16xi1>
          %broadcast_in_dim3A_308 = arith.constant 52 : i32
          %broadcast_in_dim3A_309 = vector.broadcast %broadcast_in_dim3A_308 : i32 to vector<16xi32>
          %gather3A_310 = tpu.vector_load_idx %arg13[%iota3A, %broadcast_in_dim3A_309] : memref<16x128xf32, #tpu.memory_space<vmem>>[vector<16xi32>, vector<16xi32>], vector<16xf32>,
          tpu.vector_store_idx %arg15[%broadcast_in_dim3A_309, %gather3A], %gather3A_310 masked %lt3A_151 : memref<64x512xf32, #tpu.memory_space<vmem>>[vector<16xi32>, vector<16xi32>], vector<16xf32>, vector<16xi1>
          %broadcast_in_dim3A_311 = arith.constant 53 : i32
          %broadcast_in_dim3A_312 = vector.broadcast %broadcast_in_dim3A_311 : i32 to vector<16xi32>
          %gather3A_313 = tpu.vector_load_idx %arg13[%iota3A, %broadcast_in_dim3A_312] : memref<16x128xf32, #tpu.memory_space<vmem>>[vector<16xi32>, vector<16xi32>], vector<16xf32>,
          tpu.vector_store_idx %arg15[%broadcast_in_dim3A_312, %gather3A], %gather3A_313 masked %lt3A_151 : memref<64x512xf32, #tpu.memory_space<vmem>>[vector<16xi32>, vector<16xi32>], vector<16xf32>, vector<16xi1>
          %broadcast_in_dim3A_314 = arith.constant 54 : i32
          %broadcast_in_dim3A_315 = vector.broadcast %broadcast_in_dim3A_314 : i32 to vector<16xi32>
          %gather3A_316 = tpu.vector_load_idx %arg13[%iota3A, %broadcast_in_dim3A_315] : memref<16x128xf32, #tpu.memory_space<vmem>>[vector<16xi32>, vector<16xi32>], vector<16xf32>,
          tpu.vector_store_idx %arg15[%broadcast_in_dim3A_315, %gather3A], %gather3A_316 masked %lt3A_151 : memref<64x512xf32, #tpu.memory_space<vmem>>[vector<16xi32>, vector<16xi32>], vector<16xf32>, vector<16xi1>
          %broadcast_in_dim3A_317 = arith.constant 55 : i32
          %broadcast_in_dim3A_318 = vector.broadcast %broadcast_in_dim3A_317 : i32 to vector<16xi32>
          %gather3A_319 = tpu.vector_load_idx %arg13[%iota3A, %broadcast_in_dim3A_318] : memref<16x128xf32, #tpu.memory_space<vmem>>[vector<16xi32>, vector<16xi32>], vector<16xf32>,
          tpu.vector_store_idx %arg15[%broadcast_in_dim3A_318, %gather3A], %gather3A_319 masked %lt3A_151 : memref<64x512xf32, #tpu.memory_space<vmem>>[vector<16xi32>, vector<16xi32>], vector<16xf32>, vector<16xi1>
          %broadcast_in_dim3A_320 = arith.constant 56 : i32
          %broadcast_in_dim3A_321 = vector.broadcast %broadcast_in_dim3A_320 : i32 to vector<16xi32>
          %gather3A_322 = tpu.vector_load_idx %arg13[%iota3A, %broadcast_in_dim3A_321] : memref<16x128xf32, #tpu.memory_space<vmem>>[vector<16xi32>, vector<16xi32>], vector<16xf32>,
          tpu.vector_store_idx %arg15[%broadcast_in_dim3A_321, %gather3A], %gather3A_322 masked %lt3A_151 : memref<64x512xf32, #tpu.memory_space<vmem>>[vector<16xi32>, vector<16xi32>], vector<16xf32>, vector<16xi1>
          %broadcast_in_dim3A_323 = arith.constant 57 : i32
          %broadcast_in_dim3A_324 = vector.broadcast %broadcast_in_dim3A_323 : i32 to vector<16xi32>
          %gather3A_325 = tpu.vector_load_idx %arg13[%iota3A, %broadcast_in_dim3A_324] : memref<16x128xf32, #tpu.memory_space<vmem>>[vector<16xi32>, vector<16xi32>], vector<16xf32>,
          tpu.vector_store_idx %arg15[%broadcast_in_dim3A_324, %gather3A], %gather3A_325 masked %lt3A_151 : memref<64x512xf32, #tpu.memory_space<vmem>>[vector<16xi32>, vector<16xi32>], vector<16xf32>, vector<16xi1>
          %broadcast_in_dim3A_326 = arith.constant 58 : i32
          %broadcast_in_dim3A_327 = vector.broadcast %broadcast_in_dim3A_326 : i32 to vector<16xi32>
          %gather3A_328 = tpu.vector_load_idx %arg13[%iota3A, %broadcast_in_dim3A_327] : memref<16x128xf32, #tpu.memory_space<vmem>>[vector<16xi32>, vector<16xi32>], vector<16xf32>,
          tpu.vector_store_idx %arg15[%broadcast_in_dim3A_327, %gather3A], %gather3A_328 masked %lt3A_151 : memref<64x512xf32, #tpu.memory_space<vmem>>[vector<16xi32>, vector<16xi32>], vector<16xf32>, vector<16xi1>
          %broadcast_in_dim3A_329 = arith.constant 59 : i32
          %broadcast_in_dim3A_330 = vector.broadcast %broadcast_in_dim3A_329 : i32 to vector<16xi32>
          %gather3A_331 = tpu.vector_load_idx %arg13[%iota3A, %broadcast_in_dim3A_330] : memref<16x128xf32, #tpu.memory_space<vmem>>[vector<16xi32>, vector<16xi32>], vector<16xf32>,
          tpu.vector_store_idx %arg15[%broadcast_in_dim3A_330, %gather3A], %gather3A_331 masked %lt3A_151 : memref<64x512xf32, #tpu.memory_space<vmem>>[vector<16xi32>, vector<16xi32>], vector<16xf32>, vector<16xi1>
          %broadcast_in_dim3A_332 = arith.constant 60 : i32
          %broadcast_in_dim3A_333 = vector.broadcast %broadcast_in_dim3A_332 : i32 to vector<16xi32>
          %gather3A_334 = tpu.vector_load_idx %arg13[%iota3A, %broadcast_in_dim3A_333] : memref<16x128xf32, #tpu.memory_space<vmem>>[vector<16xi32>, vector<16xi32>], vector<16xf32>,
          tpu.vector_store_idx %arg15[%broadcast_in_dim3A_333, %gather3A], %gather3A_334 masked %lt3A_151 : memref<64x512xf32, #tpu.memory_space<vmem>>[vector<16xi32>, vector<16xi32>], vector<16xf32>, vector<16xi1>
          %broadcast_in_dim3A_335 = arith.constant 61 : i32
          %broadcast_in_dim3A_336 = vector.broadcast %broadcast_in_dim3A_335 : i32 to vector<16xi32>
          %gather3A_337 = tpu.vector_load_idx %arg13[%iota3A, %broadcast_in_dim3A_336] : memref<16x128xf32, #tpu.memory_space<vmem>>[vector<16xi32>, vector<16xi32>], vector<16xf32>,
          tpu.vector_store_idx %arg15[%broadcast_in_dim3A_336, %gather3A], %gather3A_337 masked %lt3A_151 : memref<64x512xf32, #tpu.memory_space<vmem>>[vector<16xi32>, vector<16xi32>], vector<16xf32>, vector<16xi1>
          %broadcast_in_dim3A_338 = arith.constant 62 : i32
          %broadcast_in_dim3A_339 = vector.broadcast %broadcast_in_dim3A_338 : i32 to vector<16xi32>
          %gather3A_340 = tpu.vector_load_idx %arg13[%iota3A, %broadcast_in_dim3A_339] : memref<16x128xf32, #tpu.memory_space<vmem>>[vector<16xi32>, vector<16xi32>], vector<16xf32>,
          tpu.vector_store_idx %arg15[%broadcast_in_dim3A_339, %gather3A], %gather3A_340 masked %lt3A_151 : memref<64x512xf32, #tpu.memory_space<vmem>>[vector<16xi32>, vector<16xi32>], vector<16xf32>, vector<16xi1>
          %broadcast_in_dim3A_341 = arith.constant 63 : i32
          %broadcast_in_dim3A_342 = vector.broadcast %broadcast_in_dim3A_341 : i32 to vector<16xi32>
          %gather3A_343 = tpu.vector_load_idx %arg13[%iota3A, %broadcast_in_dim3A_342] : memref<16x128xf32, #tpu.memory_space<vmem>>[vector<16xi32>, vector<16xi32>], vector<16xf32>,
          tpu.vector_store_idx %arg15[%broadcast_in_dim3A_342, %gather3A], %gather3A_343 masked %lt3A_151 : memref<64x512xf32, #tpu.memory_space<vmem>>[vector<16xi32>, vector<16xi32>], vector<16xf32>, vector<16xi1>
        }
        %while3A_130 = arith.constant 1 : i32
        scf.for %while3A_138 = %while3A_128 to %while3A_124 step %while3A_130  : i32 {
          %gt3A = arith.constant 0 : i32
          %gt3A_139 = arith.cmpi sgt, %while3A_138, %gt3A : i32
          %convert_element_type3A_140 = arith.extui %gt3A_139 : i1 to i32
          %cond3A_141 = arith.constant 0 : i32
          %cond3A_142 = arith.cmpi ne, %convert_element_type3A_140, %cond3A_141 : i32
          scf.if %cond3A_142 {
            %mul3A_344 = arith.constant 16 : i32
            %mul3A_345 = arith.muli %while3A_138, %mul3A_344 : i32
            %dma_start3A_346 = tpu.memref_slice %arg10[%mul3A_345] : memref<528xi32, #tpu.memory_space<vmem>> -> memref<16xi32, #tpu.memory_space<vmem>>
            %dma_start3A_347 = arith.constant 0 : i32
            %dma_start3A_348 = arith.constant 0 : i32
            %dma_start3A_349 = tpu.memref_slice %arg4[%dma_start3A_347, %dma_start3A_348] : memref<16384x128xf32, #tpu.memory_space<hbm>> -> memref<16384x128xf32, #tpu.memory_space<hbm>>
            tpu.enqueue_indirect_dma source(%dma_start3A_349 : memref<16384x128xf32, #tpu.memory_space<hbm>>) target(%arg13 : memref<16x128xf32, #tpu.memory_space<vmem>>) offsets(%dma_start3A_346 : memref<16xi32, #tpu.memory_space<vmem>>) semaphore(%arg21 : memref<!tpu.dma_semaphore, #tpu.memory_space<semaphore_mem>>)
            %dma_wait3A_350 = tpu.memref_slice %arg10[%mul3A_345] : memref<528xi32, #tpu.memory_space<vmem>> -> memref<16xi32, #tpu.memory_space<vmem>>
            %dma_wait3A_351 = arith.constant 0 : i32
            %dma_wait3A_352 = arith.constant 0 : i32
            %dma_wait3A_353 = tpu.memref_slice %arg4[%dma_wait3A_351, %dma_wait3A_352] : memref<16384x128xf32, #tpu.memory_space<hbm>> -> memref<16384x128xf32, #tpu.memory_space<hbm>>
            tpu.wait_indirect_dma semaphore(%arg21 : memref<!tpu.dma_semaphore, #tpu.memory_space<semaphore_mem>>) src(%dma_wait3A_353 : memref<16384x128xf32, #tpu.memory_space<hbm>>) dst(%arg13 : memref<16x128xf32, #tpu.memory_space<vmem>>)
          } else {
          }
          %mul3A_143 = arith.constant 16 : i32
          %mul3A_144 = arith.muli %while3A_138, %mul3A_143 : i32
          %add3A_145 = vector.broadcast %mul3A_144 : i32 to vector<16xi32>
          %add3A_146 = arith.addi %add3A_145, %iota3A : vector<16xi32>
          %gather3A = tpu.vector_load_idx %arg11[%add3A_146] : memref<528xi32, #tpu.memory_space<vmem>>[vector<16xi32>], vector<16xi32>,
          %mul3A_147 = arith.constant 16 : i32
          %mul3A_148 = arith.muli %while3A_138, %mul3A_147 : i32
          %add3A_149 = vector.broadcast %mul3A_148 : i32 to vector<16xi32>
          %add3A_150 = arith.addi %add3A_149, %iota3A : vector<16xi32>
          %lt3A_151 = arith.cmpi slt, %add3A_150, %while3A_68 : vector<16xi32>
          %broadcast_in_dim3A_152 = arith.constant 0 : i32
          %broadcast_in_dim3A_153 = vector.broadcast %broadcast_in_dim3A_152 : i32 to vector<16xi32>
          %gather3A_154 = tpu.vector_load_idx %arg13[%iota3A, %broadcast_in_dim3A_153] : memref<16x128xf32, #tpu.memory_space<vmem>>[vector<16xi32>, vector<16xi32>], vector<16xf32>,
          tpu.vector_store_idx %arg15[%broadcast_in_dim3A_153, %gather3A], %gather3A_154 masked %lt3A_151 : memref<64x512xf32, #tpu.memory_space<vmem>>[vector<16xi32>, vector<16xi32>], vector<16xf32>, vector<16xi1>
          %broadcast_in_dim3A_155 = arith.constant 1 : i32
          %broadcast_in_dim3A_156 = vector.broadcast %broadcast_in_dim3A_155 : i32 to vector<16xi32>
          %gather3A_157 = tpu.vector_load_idx %arg13[%iota3A, %broadcast_in_dim3A_156] : memref<16x128xf32, #tpu.memory_space<vmem>>[vector<16xi32>, vector<16xi32>], vector<16xf32>,
          tpu.vector_store_idx %arg15[%broadcast_in_dim3A_156, %gather3A], %gather3A_157 masked %lt3A_151 : memref<64x512xf32, #tpu.memory_space<vmem>>[vector<16xi32>, vector<16xi32>], vector<16xf32>, vector<16xi1>
          %broadcast_in_dim3A_158 = arith.constant 2 : i32
          %broadcast_in_dim3A_159 = vector.broadcast %broadcast_in_dim3A_158 : i32 to vector<16xi32>
          %gather3A_160 = tpu.vector_load_idx %arg13[%iota3A, %broadcast_in_dim3A_159] : memref<16x128xf32, #tpu.memory_space<vmem>>[vector<16xi32>, vector<16xi32>], vector<16xf32>,
          tpu.vector_store_idx %arg15[%broadcast_in_dim3A_159, %gather3A], %gather3A_160 masked %lt3A_151 : memref<64x512xf32, #tpu.memory_space<vmem>>[vector<16xi32>, vector<16xi32>], vector<16xf32>, vector<16xi1>
          %broadcast_in_dim3A_161 = arith.constant 3 : i32
          %broadcast_in_dim3A_162 = vector.broadcast %broadcast_in_dim3A_161 : i32 to vector<16xi32>
          %gather3A_163 = tpu.vector_load_idx %arg13[%iota3A, %broadcast_in_dim3A_162] : memref<16x128xf32, #tpu.memory_space<vmem>>[vector<16xi32>, vector<16xi32>], vector<16xf32>,
          tpu.vector_store_idx %arg15[%broadcast_in_dim3A_162, %gather3A], %gather3A_163 masked %lt3A_151 : memref<64x512xf32, #tpu.memory_space<vmem>>[vector<16xi32>, vector<16xi32>], vector<16xf32>, vector<16xi1>
          %broadcast_in_dim3A_164 = arith.constant 4 : i32
          %broadcast_in_dim3A_165 = vector.broadcast %broadcast_in_dim3A_164 : i32 to vector<16xi32>
          %gather3A_166 = tpu.vector_load_idx %arg13[%iota3A, %broadcast_in_dim3A_165] : memref<16x128xf32, #tpu.memory_space<vmem>>[vector<16xi32>, vector<16xi32>], vector<16xf32>,
          tpu.vector_store_idx %arg15[%broadcast_in_dim3A_165, %gather3A], %gather3A_166 masked %lt3A_151 : memref<64x512xf32, #tpu.memory_space<vmem>>[vector<16xi32>, vector<16xi32>], vector<16xf32>, vector<16xi1>
          %broadcast_in_dim3A_167 = arith.constant 5 : i32
          %broadcast_in_dim3A_168 = vector.broadcast %broadcast_in_dim3A_167 : i32 to vector<16xi32>
          %gather3A_169 = tpu.vector_load_idx %arg13[%iota3A, %broadcast_in_dim3A_168] : memref<16x128xf32, #tpu.memory_space<vmem>>[vector<16xi32>, vector<16xi32>], vector<16xf32>,
          tpu.vector_store_idx %arg15[%broadcast_in_dim3A_168, %gather3A], %gather3A_169 masked %lt3A_151 : memref<64x512xf32, #tpu.memory_space<vmem>>[vector<16xi32>, vector<16xi32>], vector<16xf32>, vector<16xi1>
          %broadcast_in_dim3A_170 = arith.constant 6 : i32
          %broadcast_in_dim3A_171 = vector.broadcast %broadcast_in_dim3A_170 : i32 to vector<16xi32>
          %gather3A_172 = tpu.vector_load_idx %arg13[%iota3A, %broadcast_in_dim3A_171] : memref<16x128xf32, #tpu.memory_space<vmem>>[vector<16xi32>, vector<16xi32>], vector<16xf32>,
          tpu.vector_store_idx %arg15[%broadcast_in_dim3A_171, %gather3A], %gather3A_172 masked %lt3A_151 : memref<64x512xf32, #tpu.memory_space<vmem>>[vector<16xi32>, vector<16xi32>], vector<16xf32>, vector<16xi1>
          %broadcast_in_dim3A_173 = arith.constant 7 : i32
          %broadcast_in_dim3A_174 = vector.broadcast %broadcast_in_dim3A_173 : i32 to vector<16xi32>
          %gather3A_175 = tpu.vector_load_idx %arg13[%iota3A, %broadcast_in_dim3A_174] : memref<16x128xf32, #tpu.memory_space<vmem>>[vector<16xi32>, vector<16xi32>], vector<16xf32>,
          tpu.vector_store_idx %arg15[%broadcast_in_dim3A_174, %gather3A], %gather3A_175 masked %lt3A_151 : memref<64x512xf32, #tpu.memory_space<vmem>>[vector<16xi32>, vector<16xi32>], vector<16xf32>, vector<16xi1>
          %broadcast_in_dim3A_176 = arith.constant 8 : i32
          %broadcast_in_dim3A_177 = vector.broadcast %broadcast_in_dim3A_176 : i32 to vector<16xi32>
          %gather3A_178 = tpu.vector_load_idx %arg13[%iota3A, %broadcast_in_dim3A_177] : memref<16x128xf32, #tpu.memory_space<vmem>>[vector<16xi32>, vector<16xi32>], vector<16xf32>,
          tpu.vector_store_idx %arg15[%broadcast_in_dim3A_177, %gather3A], %gather3A_178 masked %lt3A_151 : memref<64x512xf32, #tpu.memory_space<vmem>>[vector<16xi32>, vector<16xi32>], vector<16xf32>, vector<16xi1>
          %broadcast_in_dim3A_179 = arith.constant 9 : i32
          %broadcast_in_dim3A_180 = vector.broadcast %broadcast_in_dim3A_179 : i32 to vector<16xi32>
          %gather3A_181 = tpu.vector_load_idx %arg13[%iota3A, %broadcast_in_dim3A_180] : memref<16x128xf32, #tpu.memory_space<vmem>>[vector<16xi32>, vector<16xi32>], vector<16xf32>,
          tpu.vector_store_idx %arg15[%broadcast_in_dim3A_180, %gather3A], %gather3A_181 masked %lt3A_151 : memref<64x512xf32, #tpu.memory_space<vmem>>[vector<16xi32>, vector<16xi32>], vector<16xf32>, vector<16xi1>
          %broadcast_in_dim3A_182 = arith.constant 10 : i32
          %broadcast_in_dim3A_183 = vector.broadcast %broadcast_in_dim3A_182 : i32 to vector<16xi32>
          %gather3A_184 = tpu.vector_load_idx %arg13[%iota3A, %broadcast_in_dim3A_183] : memref<16x128xf32, #tpu.memory_space<vmem>>[vector<16xi32>, vector<16xi32>], vector<16xf32>,
          tpu.vector_store_idx %arg15[%broadcast_in_dim3A_183, %gather3A], %gather3A_184 masked %lt3A_151 : memref<64x512xf32, #tpu.memory_space<vmem>>[vector<16xi32>, vector<16xi32>], vector<16xf32>, vector<16xi1>
          %broadcast_in_dim3A_185 = arith.constant 11 : i32
          %broadcast_in_dim3A_186 = vector.broadcast %broadcast_in_dim3A_185 : i32 to vector<16xi32>
          %gather3A_187 = tpu.vector_load_idx %arg13[%iota3A, %broadcast_in_dim3A_186] : memref<16x128xf32, #tpu.memory_space<vmem>>[vector<16xi32>, vector<16xi32>], vector<16xf32>,
          tpu.vector_store_idx %arg15[%broadcast_in_dim3A_186, %gather3A], %gather3A_187 masked %lt3A_151 : memref<64x512xf32, #tpu.memory_space<vmem>>[vector<16xi32>, vector<16xi32>], vector<16xf32>, vector<16xi1>
          %broadcast_in_dim3A_188 = arith.constant 12 : i32
          %broadcast_in_dim3A_189 = vector.broadcast %broadcast_in_dim3A_188 : i32 to vector<16xi32>
          %gather3A_190 = tpu.vector_load_idx %arg13[%iota3A, %broadcast_in_dim3A_189] : memref<16x128xf32, #tpu.memory_space<vmem>>[vector<16xi32>, vector<16xi32>], vector<16xf32>,
          tpu.vector_store_idx %arg15[%broadcast_in_dim3A_189, %gather3A], %gather3A_190 masked %lt3A_151 : memref<64x512xf32, #tpu.memory_space<vmem>>[vector<16xi32>, vector<16xi32>], vector<16xf32>, vector<16xi1>
          %broadcast_in_dim3A_191 = arith.constant 13 : i32
          %broadcast_in_dim3A_192 = vector.broadcast %broadcast_in_dim3A_191 : i32 to vector<16xi32>
          %gather3A_193 = tpu.vector_load_idx %arg13[%iota3A, %broadcast_in_dim3A_192] : memref<16x128xf32, #tpu.memory_space<vmem>>[vector<16xi32>, vector<16xi32>], vector<16xf32>,
          tpu.vector_store_idx %arg15[%broadcast_in_dim3A_192, %gather3A], %gather3A_193 masked %lt3A_151 : memref<64x512xf32, #tpu.memory_space<vmem>>[vector<16xi32>, vector<16xi32>], vector<16xf32>, vector<16xi1>
          %broadcast_in_dim3A_194 = arith.constant 14 : i32
          %broadcast_in_dim3A_195 = vector.broadcast %broadcast_in_dim3A_194 : i32 to vector<16xi32>
          %gather3A_196 = tpu.vector_load_idx %arg13[%iota3A, %broadcast_in_dim3A_195] : memref<16x128xf32, #tpu.memory_space<vmem>>[vector<16xi32>, vector<16xi32>], vector<16xf32>,
          tpu.vector_store_idx %arg15[%broadcast_in_dim3A_195, %gather3A], %gather3A_196 masked %lt3A_151 : memref<64x512xf32, #tpu.memory_space<vmem>>[vector<16xi32>, vector<16xi32>], vector<16xf32>, vector<16xi1>
          %broadcast_in_dim3A_197 = arith.constant 15 : i32
          %broadcast_in_dim3A_198 = vector.broadcast %broadcast_in_dim3A_197 : i32 to vector<16xi32>
          %gather3A_199 = tpu.vector_load_idx %arg13[%iota3A, %broadcast_in_dim3A_198] : memref<16x128xf32, #tpu.memory_space<vmem>>[vector<16xi32>, vector<16xi32>], vector<16xf32>,
          tpu.vector_store_idx %arg15[%broadcast_in_dim3A_198, %gather3A], %gather3A_199 masked %lt3A_151 : memref<64x512xf32, #tpu.memory_space<vmem>>[vector<16xi32>, vector<16xi32>], vector<16xf32>, vector<16xi1>
          %broadcast_in_dim3A_200 = arith.constant 16 : i32
          %broadcast_in_dim3A_201 = vector.broadcast %broadcast_in_dim3A_200 : i32 to vector<16xi32>
          %gather3A_202 = tpu.vector_load_idx %arg13[%iota3A, %broadcast_in_dim3A_201] : memref<16x128xf32, #tpu.memory_space<vmem>>[vector<16xi32>, vector<16xi32>], vector<16xf32>,
          tpu.vector_store_idx %arg15[%broadcast_in_dim3A_201, %gather3A], %gather3A_202 masked %lt3A_151 : memref<64x512xf32, #tpu.memory_space<vmem>>[vector<16xi32>, vector<16xi32>], vector<16xf32>, vector<16xi1>
          %broadcast_in_dim3A_203 = arith.constant 17 : i32
          %broadcast_in_dim3A_204 = vector.broadcast %broadcast_in_dim3A_203 : i32 to vector<16xi32>
          %gather3A_205 = tpu.vector_load_idx %arg13[%iota3A, %broadcast_in_dim3A_204] : memref<16x128xf32, #tpu.memory_space<vmem>>[vector<16xi32>, vector<16xi32>], vector<16xf32>,
          tpu.vector_store_idx %arg15[%broadcast_in_dim3A_204, %gather3A], %gather3A_205 masked %lt3A_151 : memref<64x512xf32, #tpu.memory_space<vmem>>[vector<16xi32>, vector<16xi32>], vector<16xf32>, vector<16xi1>
          %broadcast_in_dim3A_206 = arith.constant 18 : i32
          %broadcast_in_dim3A_207 = vector.broadcast %broadcast_in_dim3A_206 : i32 to vector<16xi32>
          %gather3A_208 = tpu.vector_load_idx %arg13[%iota3A, %broadcast_in_dim3A_207] : memref<16x128xf32, #tpu.memory_space<vmem>>[vector<16xi32>, vector<16xi32>], vector<16xf32>,
          tpu.vector_store_idx %arg15[%broadcast_in_dim3A_207, %gather3A], %gather3A_208 masked %lt3A_151 : memref<64x512xf32, #tpu.memory_space<vmem>>[vector<16xi32>, vector<16xi32>], vector<16xf32>, vector<16xi1>
          %broadcast_in_dim3A_209 = arith.constant 19 : i32
          %broadcast_in_dim3A_210 = vector.broadcast %broadcast_in_dim3A_209 : i32 to vector<16xi32>
          %gather3A_211 = tpu.vector_load_idx %arg13[%iota3A, %broadcast_in_dim3A_210] : memref<16x128xf32, #tpu.memory_space<vmem>>[vector<16xi32>, vector<16xi32>], vector<16xf32>,
          tpu.vector_store_idx %arg15[%broadcast_in_dim3A_210, %gather3A], %gather3A_211 masked %lt3A_151 : memref<64x512xf32, #tpu.memory_space<vmem>>[vector<16xi32>, vector<16xi32>], vector<16xf32>, vector<16xi1>
          %broadcast_in_dim3A_212 = arith.constant 20 : i32
          %broadcast_in_dim3A_213 = vector.broadcast %broadcast_in_dim3A_212 : i32 to vector<16xi32>
          %gather3A_214 = tpu.vector_load_idx %arg13[%iota3A, %broadcast_in_dim3A_213] : memref<16x128xf32, #tpu.memory_space<vmem>>[vector<16xi32>, vector<16xi32>], vector<16xf32>,
          tpu.vector_store_idx %arg15[%broadcast_in_dim3A_213, %gather3A], %gather3A_214 masked %lt3A_151 : memref<64x512xf32, #tpu.memory_space<vmem>>[vector<16xi32>, vector<16xi32>], vector<16xf32>, vector<16xi1>
          %broadcast_in_dim3A_215 = arith.constant 21 : i32
          %broadcast_in_dim3A_216 = vector.broadcast %broadcast_in_dim3A_215 : i32 to vector<16xi32>
          %gather3A_217 = tpu.vector_load_idx %arg13[%iota3A, %broadcast_in_dim3A_216] : memref<16x128xf32, #tpu.memory_space<vmem>>[vector<16xi32>, vector<16xi32>], vector<16xf32>,
          tpu.vector_store_idx %arg15[%broadcast_in_dim3A_216, %gather3A], %gather3A_217 masked %lt3A_151 : memref<64x512xf32, #tpu.memory_space<vmem>>[vector<16xi32>, vector<16xi32>], vector<16xf32>, vector<16xi1>
          %broadcast_in_dim3A_218 = arith.constant 22 : i32
          %broadcast_in_dim3A_219 = vector.broadcast %broadcast_in_dim3A_218 : i32 to vector<16xi32>
          %gather3A_220 = tpu.vector_load_idx %arg13[%iota3A, %broadcast_in_dim3A_219] : memref<16x128xf32, #tpu.memory_space<vmem>>[vector<16xi32>, vector<16xi32>], vector<16xf32>,
          tpu.vector_store_idx %arg15[%broadcast_in_dim3A_219, %gather3A], %gather3A_220 masked %lt3A_151 : memref<64x512xf32, #tpu.memory_space<vmem>>[vector<16xi32>, vector<16xi32>], vector<16xf32>, vector<16xi1>
          %broadcast_in_dim3A_221 = arith.constant 23 : i32
          %broadcast_in_dim3A_222 = vector.broadcast %broadcast_in_dim3A_221 : i32 to vector<16xi32>
          %gather3A_223 = tpu.vector_load_idx %arg13[%iota3A, %broadcast_in_dim3A_222] : memref<16x128xf32, #tpu.memory_space<vmem>>[vector<16xi32>, vector<16xi32>], vector<16xf32>,
          tpu.vector_store_idx %arg15[%broadcast_in_dim3A_222, %gather3A], %gather3A_223 masked %lt3A_151 : memref<64x512xf32, #tpu.memory_space<vmem>>[vector<16xi32>, vector<16xi32>], vector<16xf32>, vector<16xi1>
          %broadcast_in_dim3A_224 = arith.constant 24 : i32
          %broadcast_in_dim3A_225 = vector.broadcast %broadcast_in_dim3A_224 : i32 to vector<16xi32>
          %gather3A_226 = tpu.vector_load_idx %arg13[%iota3A, %broadcast_in_dim3A_225] : memref<16x128xf32, #tpu.memory_space<vmem>>[vector<16xi32>, vector<16xi32>], vector<16xf32>,
          tpu.vector_store_idx %arg15[%broadcast_in_dim3A_225, %gather3A], %gather3A_226 masked %lt3A_151 : memref<64x512xf32, #tpu.memory_space<vmem>>[vector<16xi32>, vector<16xi32>], vector<16xf32>, vector<16xi1>
          %broadcast_in_dim3A_227 = arith.constant 25 : i32
          %broadcast_in_dim3A_228 = vector.broadcast %broadcast_in_dim3A_227 : i32 to vector<16xi32>
          %gather3A_229 = tpu.vector_load_idx %arg13[%iota3A, %broadcast_in_dim3A_228] : memref<16x128xf32, #tpu.memory_space<vmem>>[vector<16xi32>, vector<16xi32>], vector<16xf32>,
          tpu.vector_store_idx %arg15[%broadcast_in_dim3A_228, %gather3A], %gather3A_229 masked %lt3A_151 : memref<64x512xf32, #tpu.memory_space<vmem>>[vector<16xi32>, vector<16xi32>], vector<16xf32>, vector<16xi1>
          %broadcast_in_dim3A_230 = arith.constant 26 : i32
          %broadcast_in_dim3A_231 = vector.broadcast %broadcast_in_dim3A_230 : i32 to vector<16xi32>
          %gather3A_232 = tpu.vector_load_idx %arg13[%iota3A, %broadcast_in_dim3A_231] : memref<16x128xf32, #tpu.memory_space<vmem>>[vector<16xi32>, vector<16xi32>], vector<16xf32>,
          tpu.vector_store_idx %arg15[%broadcast_in_dim3A_231, %gather3A], %gather3A_232 masked %lt3A_151 : memref<64x512xf32, #tpu.memory_space<vmem>>[vector<16xi32>, vector<16xi32>], vector<16xf32>, vector<16xi1>
          %broadcast_in_dim3A_233 = arith.constant 27 : i32
          %broadcast_in_dim3A_234 = vector.broadcast %broadcast_in_dim3A_233 : i32 to vector<16xi32>
          %gather3A_235 = tpu.vector_load_idx %arg13[%iota3A, %broadcast_in_dim3A_234] : memref<16x128xf32, #tpu.memory_space<vmem>>[vector<16xi32>, vector<16xi32>], vector<16xf32>,
          tpu.vector_store_idx %arg15[%broadcast_in_dim3A_234, %gather3A], %gather3A_235 masked %lt3A_151 : memref<64x512xf32, #tpu.memory_space<vmem>>[vector<16xi32>, vector<16xi32>], vector<16xf32>, vector<16xi1>
          %broadcast_in_dim3A_236 = arith.constant 28 : i32
          %broadcast_in_dim3A_237 = vector.broadcast %broadcast_in_dim3A_236 : i32 to vector<16xi32>
          %gather3A_238 = tpu.vector_load_idx %arg13[%iota3A, %broadcast_in_dim3A_237] : memref<16x128xf32, #tpu.memory_space<vmem>>[vector<16xi32>, vector<16xi32>], vector<16xf32>,
          tpu.vector_store_idx %arg15[%broadcast_in_dim3A_237, %gather3A], %gather3A_238 masked %lt3A_151 : memref<64x512xf32, #tpu.memory_space<vmem>>[vector<16xi32>, vector<16xi32>], vector<16xf32>, vector<16xi1>
          %broadcast_in_dim3A_239 = arith.constant 29 : i32
          %broadcast_in_dim3A_240 = vector.broadcast %broadcast_in_dim3A_239 : i32 to vector<16xi32>
          %gather3A_241 = tpu.vector_load_idx %arg13[%iota3A, %broadcast_in_dim3A_240] : memref<16x128xf32, #tpu.memory_space<vmem>>[vector<16xi32>, vector<16xi32>], vector<16xf32>,
          tpu.vector_store_idx %arg15[%broadcast_in_dim3A_240, %gather3A], %gather3A_241 masked %lt3A_151 : memref<64x512xf32, #tpu.memory_space<vmem>>[vector<16xi32>, vector<16xi32>], vector<16xf32>, vector<16xi1>
          %broadcast_in_dim3A_242 = arith.constant 30 : i32
          %broadcast_in_dim3A_243 = vector.broadcast %broadcast_in_dim3A_242 : i32 to vector<16xi32>
          %gather3A_244 = tpu.vector_load_idx %arg13[%iota3A, %broadcast_in_dim3A_243] : memref<16x128xf32, #tpu.memory_space<vmem>>[vector<16xi32>, vector<16xi32>], vector<16xf32>,
          tpu.vector_store_idx %arg15[%broadcast_in_dim3A_243, %gather3A], %gather3A_244 masked %lt3A_151 : memref<64x512xf32, #tpu.memory_space<vmem>>[vector<16xi32>, vector<16xi32>], vector<16xf32>, vector<16xi1>
          %broadcast_in_dim3A_245 = arith.constant 31 : i32
          %broadcast_in_dim3A_246 = vector.broadcast %broadcast_in_dim3A_245 : i32 to vector<16xi32>
          %gather3A_247 = tpu.vector_load_idx %arg13[%iota3A, %broadcast_in_dim3A_246] : memref<16x128xf32, #tpu.memory_space<vmem>>[vector<16xi32>, vector<16xi32>], vector<16xf32>,
          tpu.vector_store_idx %arg15[%broadcast_in_dim3A_246, %gather3A], %gather3A_247 masked %lt3A_151 : memref<64x512xf32, #tpu.memory_space<vmem>>[vector<16xi32>, vector<16xi32>], vector<16xf32>, vector<16xi1>
          %broadcast_in_dim3A_248 = arith.constant 32 : i32
          %broadcast_in_dim3A_249 = vector.broadcast %broadcast_in_dim3A_248 : i32 to vector<16xi32>
          %gather3A_250 = tpu.vector_load_idx %arg13[%iota3A, %broadcast_in_dim3A_249] : memref<16x128xf32, #tpu.memory_space<vmem>>[vector<16xi32>, vector<16xi32>], vector<16xf32>,
          tpu.vector_store_idx %arg15[%broadcast_in_dim3A_249, %gather3A], %gather3A_250 masked %lt3A_151 : memref<64x512xf32, #tpu.memory_space<vmem>>[vector<16xi32>, vector<16xi32>], vector<16xf32>, vector<16xi1>
          %broadcast_in_dim3A_251 = arith.constant 33 : i32
          %broadcast_in_dim3A_252 = vector.broadcast %broadcast_in_dim3A_251 : i32 to vector<16xi32>
          %gather3A_253 = tpu.vector_load_idx %arg13[%iota3A, %broadcast_in_dim3A_252] : memref<16x128xf32, #tpu.memory_space<vmem>>[vector<16xi32>, vector<16xi32>], vector<16xf32>,
          tpu.vector_store_idx %arg15[%broadcast_in_dim3A_252, %gather3A], %gather3A_253 masked %lt3A_151 : memref<64x512xf32, #tpu.memory_space<vmem>>[vector<16xi32>, vector<16xi32>], vector<16xf32>, vector<16xi1>
          %broadcast_in_dim3A_254 = arith.constant 34 : i32
          %broadcast_in_dim3A_255 = vector.broadcast %broadcast_in_dim3A_254 : i32 to vector<16xi32>
          %gather3A_256 = tpu.vector_load_idx %arg13[%iota3A, %broadcast_in_dim3A_255] : memref<16x128xf32, #tpu.memory_space<vmem>>[vector<16xi32>, vector<16xi32>], vector<16xf32>,
          tpu.vector_store_idx %arg15[%broadcast_in_dim3A_255, %gather3A], %gather3A_256 masked %lt3A_151 : memref<64x512xf32, #tpu.memory_space<vmem>>[vector<16xi32>, vector<16xi32>], vector<16xf32>, vector<16xi1>
          %broadcast_in_dim3A_257 = arith.constant 35 : i32
          %broadcast_in_dim3A_258 = vector.broadcast %broadcast_in_dim3A_257 : i32 to vector<16xi32>
          %gather3A_259 = tpu.vector_load_idx %arg13[%iota3A, %broadcast_in_dim3A_258] : memref<16x128xf32, #tpu.memory_space<vmem>>[vector<16xi32>, vector<16xi32>], vector<16xf32>,
          tpu.vector_store_idx %arg15[%broadcast_in_dim3A_258, %gather3A], %gather3A_259 masked %lt3A_151 : memref<64x512xf32, #tpu.memory_space<vmem>>[vector<16xi32>, vector<16xi32>], vector<16xf32>, vector<16xi1>
          %broadcast_in_dim3A_260 = arith.constant 36 : i32
          %broadcast_in_dim3A_261 = vector.broadcast %broadcast_in_dim3A_260 : i32 to vector<16xi32>
          %gather3A_262 = tpu.vector_load_idx %arg13[%iota3A, %broadcast_in_dim3A_261] : memref<16x128xf32, #tpu.memory_space<vmem>>[vector<16xi32>, vector<16xi32>], vector<16xf32>,
          tpu.vector_store_idx %arg15[%broadcast_in_dim3A_261, %gather3A], %gather3A_262 masked %lt3A_151 : memref<64x512xf32, #tpu.memory_space<vmem>>[vector<16xi32>, vector<16xi32>], vector<16xf32>, vector<16xi1>
          %broadcast_in_dim3A_263 = arith.constant 37 : i32
          %broadcast_in_dim3A_264 = vector.broadcast %broadcast_in_dim3A_263 : i32 to vector<16xi32>
          %gather3A_265 = tpu.vector_load_idx %arg13[%iota3A, %broadcast_in_dim3A_264] : memref<16x128xf32, #tpu.memory_space<vmem>>[vector<16xi32>, vector<16xi32>], vector<16xf32>,
          tpu.vector_store_idx %arg15[%broadcast_in_dim3A_264, %gather3A], %gather3A_265 masked %lt3A_151 : memref<64x512xf32, #tpu.memory_space<vmem>>[vector<16xi32>, vector<16xi32>], vector<16xf32>, vector<16xi1>
          %broadcast_in_dim3A_266 = arith.constant 38 : i32
          %broadcast_in_dim3A_267 = vector.broadcast %broadcast_in_dim3A_266 : i32 to vector<16xi32>
          %gather3A_268 = tpu.vector_load_idx %arg13[%iota3A, %broadcast_in_dim3A_267] : memref<16x128xf32, #tpu.memory_space<vmem>>[vector<16xi32>, vector<16xi32>], vector<16xf32>,
          tpu.vector_store_idx %arg15[%broadcast_in_dim3A_267, %gather3A], %gather3A_268 masked %lt3A_151 : memref<64x512xf32, #tpu.memory_space<vmem>>[vector<16xi32>, vector<16xi32>], vector<16xf32>, vector<16xi1>
          %broadcast_in_dim3A_269 = arith.constant 39 : i32
          %broadcast_in_dim3A_270 = vector.broadcast %broadcast_in_dim3A_269 : i32 to vector<16xi32>
          %gather3A_271 = tpu.vector_load_idx %arg13[%iota3A, %broadcast_in_dim3A_270] : memref<16x128xf32, #tpu.memory_space<vmem>>[vector<16xi32>, vector<16xi32>], vector<16xf32>,
          tpu.vector_store_idx %arg15[%broadcast_in_dim3A_270, %gather3A], %gather3A_271 masked %lt3A_151 : memref<64x512xf32, #tpu.memory_space<vmem>>[vector<16xi32>, vector<16xi32>], vector<16xf32>, vector<16xi1>
          %broadcast_in_dim3A_272 = arith.constant 40 : i32
          %broadcast_in_dim3A_273 = vector.broadcast %broadcast_in_dim3A_272 : i32 to vector<16xi32>
          %gather3A_274 = tpu.vector_load_idx %arg13[%iota3A, %broadcast_in_dim3A_273] : memref<16x128xf32, #tpu.memory_space<vmem>>[vector<16xi32>, vector<16xi32>], vector<16xf32>,
          tpu.vector_store_idx %arg15[%broadcast_in_dim3A_273, %gather3A], %gather3A_274 masked %lt3A_151 : memref<64x512xf32, #tpu.memory_space<vmem>>[vector<16xi32>, vector<16xi32>], vector<16xf32>, vector<16xi1>
          %broadcast_in_dim3A_275 = arith.constant 41 : i32
          %broadcast_in_dim3A_276 = vector.broadcast %broadcast_in_dim3A_275 : i32 to vector<16xi32>
          %gather3A_277 = tpu.vector_load_idx %arg13[%iota3A, %broadcast_in_dim3A_276] : memref<16x128xf32, #tpu.memory_space<vmem>>[vector<16xi32>, vector<16xi32>], vector<16xf32>,
          tpu.vector_store_idx %arg15[%broadcast_in_dim3A_276, %gather3A], %gather3A_277 masked %lt3A_151 : memref<64x512xf32, #tpu.memory_space<vmem>>[vector<16xi32>, vector<16xi32>], vector<16xf32>, vector<16xi1>
          %broadcast_in_dim3A_278 = arith.constant 42 : i32
          %broadcast_in_dim3A_279 = vector.broadcast %broadcast_in_dim3A_278 : i32 to vector<16xi32>
          %gather3A_280 = tpu.vector_load_idx %arg13[%iota3A, %broadcast_in_dim3A_279] : memref<16x128xf32, #tpu.memory_space<vmem>>[vector<16xi32>, vector<16xi32>], vector<16xf32>,
          tpu.vector_store_idx %arg15[%broadcast_in_dim3A_279, %gather3A], %gather3A_280 masked %lt3A_151 : memref<64x512xf32, #tpu.memory_space<vmem>>[vector<16xi32>, vector<16xi32>], vector<16xf32>, vector<16xi1>
          %broadcast_in_dim3A_281 = arith.constant 43 : i32
          %broadcast_in_dim3A_282 = vector.broadcast %broadcast_in_dim3A_281 : i32 to vector<16xi32>
          %gather3A_283 = tpu.vector_load_idx %arg13[%iota3A, %broadcast_in_dim3A_282] : memref<16x128xf32, #tpu.memory_space<vmem>>[vector<16xi32>, vector<16xi32>], vector<16xf32>,
          tpu.vector_store_idx %arg15[%broadcast_in_dim3A_282, %gather3A], %gather3A_283 masked %lt3A_151 : memref<64x512xf32, #tpu.memory_space<vmem>>[vector<16xi32>, vector<16xi32>], vector<16xf32>, vector<16xi1>
          %broadcast_in_dim3A_284 = arith.constant 44 : i32
          %broadcast_in_dim3A_285 = vector.broadcast %broadcast_in_dim3A_284 : i32 to vector<16xi32>
          %gather3A_286 = tpu.vector_load_idx %arg13[%iota3A, %broadcast_in_dim3A_285] : memref<16x128xf32, #tpu.memory_space<vmem>>[vector<16xi32>, vector<16xi32>], vector<16xf32>,
          tpu.vector_store_idx %arg15[%broadcast_in_dim3A_285, %gather3A], %gather3A_286 masked %lt3A_151 : memref<64x512xf32, #tpu.memory_space<vmem>>[vector<16xi32>, vector<16xi32>], vector<16xf32>, vector<16xi1>
          %broadcast_in_dim3A_287 = arith.constant 45 : i32
          %broadcast_in_dim3A_288 = vector.broadcast %broadcast_in_dim3A_287 : i32 to vector<16xi32>
          %gather3A_289 = tpu.vector_load_idx %arg13[%iota3A, %broadcast_in_dim3A_288] : memref<16x128xf32, #tpu.memory_space<vmem>>[vector<16xi32>, vector<16xi32>], vector<16xf32>,
          tpu.vector_store_idx %arg15[%broadcast_in_dim3A_288, %gather3A], %gather3A_289 masked %lt3A_151 : memref<64x512xf32, #tpu.memory_space<vmem>>[vector<16xi32>, vector<16xi32>], vector<16xf32>, vector<16xi1>
          %broadcast_in_dim3A_290 = arith.constant 46 : i32
          %broadcast_in_dim3A_291 = vector.broadcast %broadcast_in_dim3A_290 : i32 to vector<16xi32>
          %gather3A_292 = tpu.vector_load_idx %arg13[%iota3A, %broadcast_in_dim3A_291] : memref<16x128xf32, #tpu.memory_space<vmem>>[vector<16xi32>, vector<16xi32>], vector<16xf32>,
          tpu.vector_store_idx %arg15[%broadcast_in_dim3A_291, %gather3A], %gather3A_292 masked %lt3A_151 : memref<64x512xf32, #tpu.memory_space<vmem>>[vector<16xi32>, vector<16xi32>], vector<16xf32>, vector<16xi1>
          %broadcast_in_dim3A_293 = arith.constant 47 : i32
          %broadcast_in_dim3A_294 = vector.broadcast %broadcast_in_dim3A_293 : i32 to vector<16xi32>
          %gather3A_295 = tpu.vector_load_idx %arg13[%iota3A, %broadcast_in_dim3A_294] : memref<16x128xf32, #tpu.memory_space<vmem>>[vector<16xi32>, vector<16xi32>], vector<16xf32>,
          tpu.vector_store_idx %arg15[%broadcast_in_dim3A_294, %gather3A], %gather3A_295 masked %lt3A_151 : memref<64x512xf32, #tpu.memory_space<vmem>>[vector<16xi32>, vector<16xi32>], vector<16xf32>, vector<16xi1>
          %broadcast_in_dim3A_296 = arith.constant 48 : i32
          %broadcast_in_dim3A_297 = vector.broadcast %broadcast_in_dim3A_296 : i32 to vector<16xi32>
          %gather3A_298 = tpu.vector_load_idx %arg13[%iota3A, %broadcast_in_dim3A_297] : memref<16x128xf32, #tpu.memory_space<vmem>>[vector<16xi32>, vector<16xi32>], vector<16xf32>,
          tpu.vector_store_idx %arg15[%broadcast_in_dim3A_297, %gather3A], %gather3A_298 masked %lt3A_151 : memref<64x512xf32, #tpu.memory_space<vmem>>[vector<16xi32>, vector<16xi32>], vector<16xf32>, vector<16xi1>
          %broadcast_in_dim3A_299 = arith.constant 49 : i32
          %broadcast_in_dim3A_300 = vector.broadcast %broadcast_in_dim3A_299 : i32 to vector<16xi32>
          %gather3A_301 = tpu.vector_load_idx %arg13[%iota3A, %broadcast_in_dim3A_300] : memref<16x128xf32, #tpu.memory_space<vmem>>[vector<16xi32>, vector<16xi32>], vector<16xf32>,
          tpu.vector_store_idx %arg15[%broadcast_in_dim3A_300, %gather3A], %gather3A_301 masked %lt3A_151 : memref<64x512xf32, #tpu.memory_space<vmem>>[vector<16xi32>, vector<16xi32>], vector<16xf32>, vector<16xi1>
          %broadcast_in_dim3A_302 = arith.constant 50 : i32
          %broadcast_in_dim3A_303 = vector.broadcast %broadcast_in_dim3A_302 : i32 to vector<16xi32>
          %gather3A_304 = tpu.vector_load_idx %arg13[%iota3A, %broadcast_in_dim3A_303] : memref<16x128xf32, #tpu.memory_space<vmem>>[vector<16xi32>, vector<16xi32>], vector<16xf32>,
          tpu.vector_store_idx %arg15[%broadcast_in_dim3A_303, %gather3A], %gather3A_304 masked %lt3A_151 : memref<64x512xf32, #tpu.memory_space<vmem>>[vector<16xi32>, vector<16xi32>], vector<16xf32>, vector<16xi1>
          %broadcast_in_dim3A_305 = arith.constant 51 : i32
          %broadcast_in_dim3A_306 = vector.broadcast %broadcast_in_dim3A_305 : i32 to vector<16xi32>
          %gather3A_307 = tpu.vector_load_idx %arg13[%iota3A, %broadcast_in_dim3A_306] : memref<16x128xf32, #tpu.memory_space<vmem>>[vector<16xi32>, vector<16xi32>], vector<16xf32>,
          tpu.vector_store_idx %arg15[%broadcast_in_dim3A_306, %gather3A], %gather3A_307 masked %lt3A_151 : memref<64x512xf32, #tpu.memory_space<vmem>>[vector<16xi32>, vector<16xi32>], vector<16xf32>, vector<16xi1>
          %broadcast_in_dim3A_308 = arith.constant 52 : i32
          %broadcast_in_dim3A_309 = vector.broadcast %broadcast_in_dim3A_308 : i32 to vector<16xi32>
          %gather3A_310 = tpu.vector_load_idx %arg13[%iota3A, %broadcast_in_dim3A_309] : memref<16x128xf32, #tpu.memory_space<vmem>>[vector<16xi32>, vector<16xi32>], vector<16xf32>,
          tpu.vector_store_idx %arg15[%broadcast_in_dim3A_309, %gather3A], %gather3A_310 masked %lt3A_151 : memref<64x512xf32, #tpu.memory_space<vmem>>[vector<16xi32>, vector<16xi32>], vector<16xf32>, vector<16xi1>
          %broadcast_in_dim3A_311 = arith.constant 53 : i32
          %broadcast_in_dim3A_312 = vector.broadcast %broadcast_in_dim3A_311 : i32 to vector<16xi32>
          %gather3A_313 = tpu.vector_load_idx %arg13[%iota3A, %broadcast_in_dim3A_312] : memref<16x128xf32, #tpu.memory_space<vmem>>[vector<16xi32>, vector<16xi32>], vector<16xf32>,
          tpu.vector_store_idx %arg15[%broadcast_in_dim3A_312, %gather3A], %gather3A_313 masked %lt3A_151 : memref<64x512xf32, #tpu.memory_space<vmem>>[vector<16xi32>, vector<16xi32>], vector<16xf32>, vector<16xi1>
          %broadcast_in_dim3A_314 = arith.constant 54 : i32
          %broadcast_in_dim3A_315 = vector.broadcast %broadcast_in_dim3A_314 : i32 to vector<16xi32>
          %gather3A_316 = tpu.vector_load_idx %arg13[%iota3A, %broadcast_in_dim3A_315] : memref<16x128xf32, #tpu.memory_space<vmem>>[vector<16xi32>, vector<16xi32>], vector<16xf32>,
          tpu.vector_store_idx %arg15[%broadcast_in_dim3A_315, %gather3A], %gather3A_316 masked %lt3A_151 : memref<64x512xf32, #tpu.memory_space<vmem>>[vector<16xi32>, vector<16xi32>], vector<16xf32>, vector<16xi1>
          %broadcast_in_dim3A_317 = arith.constant 55 : i32
          %broadcast_in_dim3A_318 = vector.broadcast %broadcast_in_dim3A_317 : i32 to vector<16xi32>
          %gather3A_319 = tpu.vector_load_idx %arg13[%iota3A, %broadcast_in_dim3A_318] : memref<16x128xf32, #tpu.memory_space<vmem>>[vector<16xi32>, vector<16xi32>], vector<16xf32>,
          tpu.vector_store_idx %arg15[%broadcast_in_dim3A_318, %gather3A], %gather3A_319 masked %lt3A_151 : memref<64x512xf32, #tpu.memory_space<vmem>>[vector<16xi32>, vector<16xi32>], vector<16xf32>, vector<16xi1>
          %broadcast_in_dim3A_320 = arith.constant 56 : i32
          %broadcast_in_dim3A_321 = vector.broadcast %broadcast_in_dim3A_320 : i32 to vector<16xi32>
          %gather3A_322 = tpu.vector_load_idx %arg13[%iota3A, %broadcast_in_dim3A_321] : memref<16x128xf32, #tpu.memory_space<vmem>>[vector<16xi32>, vector<16xi32>], vector<16xf32>,
          tpu.vector_store_idx %arg15[%broadcast_in_dim3A_321, %gather3A], %gather3A_322 masked %lt3A_151 : memref<64x512xf32, #tpu.memory_space<vmem>>[vector<16xi32>, vector<16xi32>], vector<16xf32>, vector<16xi1>
          %broadcast_in_dim3A_323 = arith.constant 57 : i32
          %broadcast_in_dim3A_324 = vector.broadcast %broadcast_in_dim3A_323 : i32 to vector<16xi32>
          %gather3A_325 = tpu.vector_load_idx %arg13[%iota3A, %broadcast_in_dim3A_324] : memref<16x128xf32, #tpu.memory_space<vmem>>[vector<16xi32>, vector<16xi32>], vector<16xf32>,
          tpu.vector_store_idx %arg15[%broadcast_in_dim3A_324, %gather3A], %gather3A_325 masked %lt3A_151 : memref<64x512xf32, #tpu.memory_space<vmem>>[vector<16xi32>, vector<16xi32>], vector<16xf32>, vector<16xi1>
          %broadcast_in_dim3A_326 = arith.constant 58 : i32
          %broadcast_in_dim3A_327 = vector.broadcast %broadcast_in_dim3A_326 : i32 to vector<16xi32>
          %gather3A_328 = tpu.vector_load_idx %arg13[%iota3A, %broadcast_in_dim3A_327] : memref<16x128xf32, #tpu.memory_space<vmem>>[vector<16xi32>, vector<16xi32>], vector<16xf32>,
          tpu.vector_store_idx %arg15[%broadcast_in_dim3A_327, %gather3A], %gather3A_328 masked %lt3A_151 : memref<64x512xf32, #tpu.memory_space<vmem>>[vector<16xi32>, vector<16xi32>], vector<16xf32>, vector<16xi1>
          %broadcast_in_dim3A_329 = arith.constant 59 : i32
          %broadcast_in_dim3A_330 = vector.broadcast %broadcast_in_dim3A_329 : i32 to vector<16xi32>
          %gather3A_331 = tpu.vector_load_idx %arg13[%iota3A, %broadcast_in_dim3A_330] : memref<16x128xf32, #tpu.memory_space<vmem>>[vector<16xi32>, vector<16xi32>], vector<16xf32>,
          tpu.vector_store_idx %arg15[%broadcast_in_dim3A_330, %gather3A], %gather3A_331 masked %lt3A_151 : memref<64x512xf32, #tpu.memory_space<vmem>>[vector<16xi32>, vector<16xi32>], vector<16xf32>, vector<16xi1>
          %broadcast_in_dim3A_332 = arith.constant 60 : i32
          %broadcast_in_dim3A_333 = vector.broadcast %broadcast_in_dim3A_332 : i32 to vector<16xi32>
          %gather3A_334 = tpu.vector_load_idx %arg13[%iota3A, %broadcast_in_dim3A_333] : memref<16x128xf32, #tpu.memory_space<vmem>>[vector<16xi32>, vector<16xi32>], vector<16xf32>,
          tpu.vector_store_idx %arg15[%broadcast_in_dim3A_333, %gather3A], %gather3A_334 masked %lt3A_151 : memref<64x512xf32, #tpu.memory_space<vmem>>[vector<16xi32>, vector<16xi32>], vector<16xf32>, vector<16xi1>
          %broadcast_in_dim3A_335 = arith.constant 61 : i32
          %broadcast_in_dim3A_336 = vector.broadcast %broadcast_in_dim3A_335 : i32 to vector<16xi32>
          %gather3A_337 = tpu.vector_load_idx %arg13[%iota3A, %broadcast_in_dim3A_336] : memref<16x128xf32, #tpu.memory_space<vmem>>[vector<16xi32>, vector<16xi32>], vector<16xf32>,
          tpu.vector_store_idx %arg15[%broadcast_in_dim3A_336, %gather3A], %gather3A_337 masked %lt3A_151 : memref<64x512xf32, #tpu.memory_space<vmem>>[vector<16xi32>, vector<16xi32>], vector<16xf32>, vector<16xi1>
          %broadcast_in_dim3A_338 = arith.constant 62 : i32
          %broadcast_in_dim3A_339 = vector.broadcast %broadcast_in_dim3A_338 : i32 to vector<16xi32>
          %gather3A_340 = tpu.vector_load_idx %arg13[%iota3A, %broadcast_in_dim3A_339] : memref<16x128xf32, #tpu.memory_space<vmem>>[vector<16xi32>, vector<16xi32>], vector<16xf32>,
          tpu.vector_store_idx %arg15[%broadcast_in_dim3A_339, %gather3A], %gather3A_340 masked %lt3A_151 : memref<64x512xf32, #tpu.memory_space<vmem>>[vector<16xi32>, vector<16xi32>], vector<16xf32>, vector<16xi1>
          %broadcast_in_dim3A_341 = arith.constant 63 : i32
          %broadcast_in_dim3A_342 = vector.broadcast %broadcast_in_dim3A_341 : i32 to vector<16xi32>
          %gather3A_343 = tpu.vector_load_idx %arg13[%iota3A, %broadcast_in_dim3A_342] : memref<16x128xf32, #tpu.memory_space<vmem>>[vector<16xi32>, vector<16xi32>], vector<16xf32>,
          tpu.vector_store_idx %arg15[%broadcast_in_dim3A_342, %gather3A], %gather3A_343 masked %lt3A_151 : memref<64x512xf32, #tpu.memory_space<vmem>>[vector<16xi32>, vector<16xi32>], vector<16xf32>, vector<16xi1>
        }
        %mul3A_131 = arith.constant 512 : i32
        %mul3A_132 = arith.muli %while3A_67, %mul3A_131 : i32
        %add3A_133 = arith.addi %mul3A_2, %mul3A_132 : i32
        %dma_start3A_134 = arith.constant 0 : i32
        %dma_start3A_135 = tpu.memref_slice %arg5[%dma_start3A_134, %add3A_133] : memref<64x1000000xf32, #tpu.memory_space<hbm>> -> memref<64x512xf32, #tpu.memory_space<hbm>>
        %dma_start3A_136 = arith.constant 0 : i32
        %dma_start3A_137 = tpu.memref_slice %arg5[%dma_start3A_136, %add3A_133] : memref<64x1000000xf32, #tpu.memory_space<hbm>> -> memref<64x512xf32, #tpu.memory_space<hbm>>
        tpu.enqueue_dma source(%arg15 : memref<64x512xf32, #tpu.memory_space<vmem>>) target(%dma_start3A_137 : memref<64x512xf32, #tpu.memory_space<hbm>>) target_semaphore(%arg19 : memref<!tpu.dma_semaphore, #tpu.memory_space<semaphore_mem>>)
        scf.yield %cond3A_90 : vector<16xi32>
      }
      scf.yield %cond3A_76 : vector<16xi32>
    }
    %while3A_53 = arith.constant 1 : i32
    %while3A_54 = scf.for %while3A_67 = %while3A_50 to %while3A_46 step %while3A_53 iter_args(%while3A_68 = %while3A_52) -> (vector<16xi32>)  : i32 {
      %rem3A_69 = arith.constant 2 : i32
      %rem3A_70 = arith.remsi %while3A_67, %rem3A_69 : i32
      %eq3A_71 = arith.constant 0 : i32
      %eq3A_72 = arith.cmpi eq, %rem3A_70, %eq3A_71 : i32
      %convert_element_type3A_73 = arith.extui %eq3A_72 : i1 to i32
      %cond3A_74 = arith.constant 0 : i32
      %cond3A_75 = arith.cmpi ne, %convert_element_type3A_73, %cond3A_74 : i32
      %cond3A_76 = scf.if %cond3A_75 -> (vector<16xi32>) {
        %gt3A = arith.constant 0 : i32
        %gt3A_77 = arith.cmpi sgt, %while3A_67, %gt3A : i32
        %convert_element_type3A_78 = arith.extui %gt3A_77 : i1 to i32
        %cond3A_79 = arith.constant 0 : i32
        %cond3A_80 = arith.cmpi ne, %convert_element_type3A_78, %cond3A_79 : i32
        scf.if %cond3A_80 {
          %sub3A_133 = arith.constant 1 : i32
          %sub3A_134 = arith.subi %while3A_67, %sub3A_133 : i32
          %mul3A_135 = arith.constant 512 : i32
          %mul3A_136 = arith.muli %sub3A_134, %mul3A_135 : i32
          %add3A_137 = arith.addi %mul3A_2, %mul3A_136 : i32
          %dma_wait3A_138 = arith.constant 0 : i32
          %dma_wait3A_139 = tpu.memref_slice %arg5[%dma_wait3A_138, %add3A_137] : memref<64x1000000xf32, #tpu.memory_space<hbm>> -> memref<64x512xf32, #tpu.memory_space<hbm>>
          %dma_wait3A_140 = arith.constant 0 : i32
          %dma_wait3A_141 = tpu.memref_slice %arg5[%dma_wait3A_140, %add3A_137] : memref<64x1000000xf32, #tpu.memory_space<hbm>> -> memref<64x512xf32, #tpu.memory_space<hbm>>
          tpu.wait_dma2 semaphore(%arg19 : memref<!tpu.dma_semaphore, #tpu.memory_space<semaphore_mem>>) src(%arg15 : memref<64x512xf32, #tpu.memory_space<vmem>>) dst(%dma_wait3A_141 : memref<64x512xf32, #tpu.memory_space<hbm>>)
        } else {
        }
        %add3A_81 = arith.constant 1 : i32
        %add3A_82 = arith.addi %while3A_67, %add3A_81 : i32
        %lt3A = arith.cmpi slt, %add3A_82, %select_n3A_9 : i32
        %convert_element_type3A_83 = arith.extui %lt3A : i1 to i32
        %cond3A_84 = arith.constant 0 : i32
        %cond3A_85 = arith.cmpi ne, %convert_element_type3A_83, %cond3A_84 : i32
        %cond3A_86 = scf.if %cond3A_85 -> (vector<16xi32>) {
          %add3A_133 = arith.constant 1 : i32
          %add3A_134 = arith.addi %while3A_67, %add3A_133 : i32
          %mul3A_135 = arith.constant 512 : i32
          %mul3A_136 = arith.muli %add3A_134, %mul3A_135 : i32
          %broadcast_in_dim3A_137 = arith.constant 0 : i32
          %broadcast_in_dim3A_138 = vector.broadcast %broadcast_in_dim3A_137 : i32 to vector<16xi32>
          %scan3A_139 = arith.constant 0 : i32
          %scan3A_140 = arith.constant 8 : i32
          %scan3A_141 = arith.addi %scan3A_139, %scan3A_140 : i32
          %scan3A_142 = arith.constant 1 : i32
          %scan3A_143 = scf.for %scan3A_160 = %scan3A_139 to %scan3A_141 step %scan3A_142 iter_args(%scan3A_161 = %broadcast_in_dim3A_138) -> (vector<16xi32>)  : i32 {
            %mul3A_162 = arith.constant 4 : i32
            %mul3A_163 = arith.muli %scan3A_160, %mul3A_162 : i32
            %add3A_164 = arith.constant 0 : i32
            %add3A_165 = arith.addi %mul3A_163, %add3A_164 : i32
            %mul3A_166 = arith.constant 16 : i32
            %mul3A_167 = arith.muli %add3A_165, %mul3A_166 : i32
            %add3A_168 = arith.addi %mul3A_136, %mul3A_167 : i32
            %add3A_169 = vector.broadcast %add3A_168 : i32 to vector<16xi32>
            %add3A_170 = arith.addi %add3A_169, %iota3A : vector<16xi32>
            %gather3A = tpu.vector_load_idx %arg7[%add3A_170] : memref<31744xi32, #tpu.memory_space<vmem>>[vector<16xi32>], vector<16xi32>,
            %ge3A = arith.constant 0 : i32
            %ge3A_171 = vector.broadcast %ge3A : i32 to vector<16xi32>
            %ge3A_172 = arith.cmpi sge, %gather3A, %ge3A_171 : vector<16xi32>
            %convert_element_type3A_173 = arith.extui %ge3A_172 : vector<16xi1> to vector<16xi32>
            %broadcast_in_dim3A_174 = arith.constant true
            %broadcast_in_dim3A_175 = vector.broadcast %broadcast_in_dim3A_174 : i1 to vector<16xi1>
            %masked_cumsum3A = tpu.scan <sum>, %convert_element_type3A_173 masked %broadcast_in_dim3A_175 : vector<16xi32>, vector<16xi1> -> vector<16xi32>
            %sub3A_176 = arith.subi %masked_cumsum3A, %convert_element_type3A_173 : vector<16xi32>
            %add3A_177 = arith.addi %scan3A_161, %sub3A_176 : vector<16xi32>
            tpu.vector_store_idx %arg10[%add3A_177], %gather3A masked %ge3A_172 : memref<528xi32, #tpu.memory_space<vmem>>[vector<16xi32>], vector<16xi32>, vector<16xi1>
            %add3A_178 = vector.broadcast %mul3A_167 : i32 to vector<16xi32>
            %add3A_179 = arith.addi %add3A_178, %iota3A : vector<16xi32>
            tpu.vector_store_idx %arg11[%add3A_177], %add3A_179 masked %ge3A_172 : memref<528xi32, #tpu.memory_space<vmem>>[vector<16xi32>], vector<16xi32>, vector<16xi1>
            %all_reduce_population_count3A = tpu.all_reduce %ge3A_172 {dim = 0 : i64, kind = #tpu.reduction_kind<sum>} : vector<16xi1> -> vector<16xi32>
            %add3A_180 = arith.addi %scan3A_161, %all_reduce_population_count3A : vector<16xi32>
            %mul3A_181 = arith.constant 4 : i32
            %mul3A_182 = arith.muli %scan3A_160, %mul3A_181 : i32
            %add3A_183 = arith.constant 1 : i32
            %add3A_184 = arith.addi %mul3A_182, %add3A_183 : i32
            %mul3A_185 = arith.constant 16 : i32
            %mul3A_186 = arith.muli %add3A_184, %mul3A_185 : i32
            %add3A_187 = arith.addi %mul3A_136, %mul3A_186 : i32
            %add3A_188 = vector.broadcast %add3A_187 : i32 to vector<16xi32>
            %add3A_189 = arith.addi %add3A_188, %iota3A : vector<16xi32>
            %gather3A_190 = tpu.vector_load_idx %arg7[%add3A_189] : memref<31744xi32, #tpu.memory_space<vmem>>[vector<16xi32>], vector<16xi32>,
            %ge3A_191 = arith.constant 0 : i32
            %ge3A_192 = vector.broadcast %ge3A_191 : i32 to vector<16xi32>
            %ge3A_193 = arith.cmpi sge, %gather3A_190, %ge3A_192 : vector<16xi32>
            %convert_element_type3A_194 = arith.extui %ge3A_193 : vector<16xi1> to vector<16xi32>
            %broadcast_in_dim3A_195 = arith.constant true
            %broadcast_in_dim3A_196 = vector.broadcast %broadcast_in_dim3A_195 : i1 to vector<16xi1>
            %masked_cumsum3A_197 = tpu.scan <sum>, %convert_element_type3A_194 masked %broadcast_in_dim3A_196 : vector<16xi32>, vector<16xi1> -> vector<16xi32>
            %sub3A_198 = arith.subi %masked_cumsum3A_197, %convert_element_type3A_194 : vector<16xi32>
            %add3A_199 = arith.addi %add3A_180, %sub3A_198 : vector<16xi32>
            tpu.vector_store_idx %arg10[%add3A_199], %gather3A_190 masked %ge3A_193 : memref<528xi32, #tpu.memory_space<vmem>>[vector<16xi32>], vector<16xi32>, vector<16xi1>
            %add3A_200 = vector.broadcast %mul3A_186 : i32 to vector<16xi32>
            %add3A_201 = arith.addi %add3A_200, %iota3A : vector<16xi32>
            tpu.vector_store_idx %arg11[%add3A_199], %add3A_201 masked %ge3A_193 : memref<528xi32, #tpu.memory_space<vmem>>[vector<16xi32>], vector<16xi32>, vector<16xi1>
            %all_reduce_population_count3A_202 = tpu.all_reduce %ge3A_193 {dim = 0 : i64, kind = #tpu.reduction_kind<sum>} : vector<16xi1> -> vector<16xi32>
            %add3A_203 = arith.addi %add3A_180, %all_reduce_population_count3A_202 : vector<16xi32>
            %mul3A_204 = arith.constant 4 : i32
            %mul3A_205 = arith.muli %scan3A_160, %mul3A_204 : i32
            %add3A_206 = arith.constant 2 : i32
            %add3A_207 = arith.addi %mul3A_205, %add3A_206 : i32
            %mul3A_208 = arith.constant 16 : i32
            %mul3A_209 = arith.muli %add3A_207, %mul3A_208 : i32
            %add3A_210 = arith.addi %mul3A_136, %mul3A_209 : i32
            %add3A_211 = vector.broadcast %add3A_210 : i32 to vector<16xi32>
            %add3A_212 = arith.addi %add3A_211, %iota3A : vector<16xi32>
            %gather3A_213 = tpu.vector_load_idx %arg7[%add3A_212] : memref<31744xi32, #tpu.memory_space<vmem>>[vector<16xi32>], vector<16xi32>,
            %ge3A_214 = arith.constant 0 : i32
            %ge3A_215 = vector.broadcast %ge3A_214 : i32 to vector<16xi32>
            %ge3A_216 = arith.cmpi sge, %gather3A_213, %ge3A_215 : vector<16xi32>
            %convert_element_type3A_217 = arith.extui %ge3A_216 : vector<16xi1> to vector<16xi32>
            %broadcast_in_dim3A_218 = arith.constant true
            %broadcast_in_dim3A_219 = vector.broadcast %broadcast_in_dim3A_218 : i1 to vector<16xi1>
            %masked_cumsum3A_220 = tpu.scan <sum>, %convert_element_type3A_217 masked %broadcast_in_dim3A_219 : vector<16xi32>, vector<16xi1> -> vector<16xi32>
            %sub3A_221 = arith.subi %masked_cumsum3A_220, %convert_element_type3A_217 : vector<16xi32>
            %add3A_222 = arith.addi %add3A_203, %sub3A_221 : vector<16xi32>
            tpu.vector_store_idx %arg10[%add3A_222], %gather3A_213 masked %ge3A_216 : memref<528xi32, #tpu.memory_space<vmem>>[vector<16xi32>], vector<16xi32>, vector<16xi1>
            %add3A_223 = vector.broadcast %mul3A_209 : i32 to vector<16xi32>
            %add3A_224 = arith.addi %add3A_223, %iota3A : vector<16xi32>
            tpu.vector_store_idx %arg11[%add3A_222], %add3A_224 masked %ge3A_216 : memref<528xi32, #tpu.memory_space<vmem>>[vector<16xi32>], vector<16xi32>, vector<16xi1>
            %all_reduce_population_count3A_225 = tpu.all_reduce %ge3A_216 {dim = 0 : i64, kind = #tpu.reduction_kind<sum>} : vector<16xi1> -> vector<16xi32>
            %add3A_226 = arith.addi %add3A_203, %all_reduce_population_count3A_225 : vector<16xi32>
            %mul3A_227 = arith.constant 4 : i32
            %mul3A_228 = arith.muli %scan3A_160, %mul3A_227 : i32
            %add3A_229 = arith.constant 3 : i32
            %add3A_230 = arith.addi %mul3A_228, %add3A_229 : i32
            %mul3A_231 = arith.constant 16 : i32
            %mul3A_232 = arith.muli %add3A_230, %mul3A_231 : i32
            %add3A_233 = arith.addi %mul3A_136, %mul3A_232 : i32
            %add3A_234 = vector.broadcast %add3A_233 : i32 to vector<16xi32>
            %add3A_235 = arith.addi %add3A_234, %iota3A : vector<16xi32>
            %gather3A_236 = tpu.vector_load_idx %arg7[%add3A_235] : memref<31744xi32, #tpu.memory_space<vmem>>[vector<16xi32>], vector<16xi32>,
            %ge3A_237 = arith.constant 0 : i32
            %ge3A_238 = vector.broadcast %ge3A_237 : i32 to vector<16xi32>
            %ge3A_239 = arith.cmpi sge, %gather3A_236, %ge3A_238 : vector<16xi32>
            %convert_element_type3A_240 = arith.extui %ge3A_239 : vector<16xi1> to vector<16xi32>
            %broadcast_in_dim3A_241 = arith.constant true
            %broadcast_in_dim3A_242 = vector.broadcast %broadcast_in_dim3A_241 : i1 to vector<16xi1>
            %masked_cumsum3A_243 = tpu.scan <sum>, %convert_element_type3A_240 masked %broadcast_in_dim3A_242 : vector<16xi32>, vector<16xi1> -> vector<16xi32>
            %sub3A_244 = arith.subi %masked_cumsum3A_243, %convert_element_type3A_240 : vector<16xi32>
            %add3A_245 = arith.addi %add3A_226, %sub3A_244 : vector<16xi32>
            tpu.vector_store_idx %arg10[%add3A_245], %gather3A_236 masked %ge3A_239 : memref<528xi32, #tpu.memory_space<vmem>>[vector<16xi32>], vector<16xi32>, vector<16xi1>
            %add3A_246 = vector.broadcast %mul3A_232 : i32 to vector<16xi32>
            %add3A_247 = arith.addi %add3A_246, %iota3A : vector<16xi32>
            tpu.vector_store_idx %arg11[%add3A_245], %add3A_247 masked %ge3A_239 : memref<528xi32, #tpu.memory_space<vmem>>[vector<16xi32>], vector<16xi32>, vector<16xi1>
            %all_reduce_population_count3A_248 = tpu.all_reduce %ge3A_239 {dim = 0 : i64, kind = #tpu.reduction_kind<sum>} : vector<16xi1> -> vector<16xi32>
            %add3A_249 = arith.addi %add3A_226, %all_reduce_population_count3A_248 : vector<16xi32>
            scf.yield %add3A_249 : vector<16xi32>
          }
          %scan3A_144 = arith.constant 8 : i32
          %broadcast_in_dim3A_145 = arith.constant 0 : i32
          %broadcast_in_dim3A_146 = vector.broadcast %broadcast_in_dim3A_145 : i32 to vector<16xi32>
          %mul3A_147 = arith.constant 61 : i32
          %mul3A_148 = arith.muli %add3A, %mul3A_147 : i32
          %add3A_149 = arith.addi %mul3A_148, %add3A_134 : i32
          %and3A_150 = arith.constant 16383 : i32
          %and3A_151 = arith.andi %add3A_149, %and3A_150 : i32
          %add3A_152 = vector.broadcast %and3A_151 : i32 to vector<16xi32>
          %add3A_153 = arith.addi %broadcast_in_dim3A_146, %add3A_152 : vector<16xi32>
          %add3A_154 = arith.addi %scan3A_143, %iota3A : vector<16xi32>
          tpu.vector_store_idx %arg10[%add3A_154], %add3A_153 : memref<528xi32, #tpu.memory_space<vmem>>[vector<16xi32>], vector<16xi32>,
          %dma_start3A_155 = arith.constant 0 : i32
          %dma_start3A_156 = tpu.memref_slice %arg10[%dma_start3A_155] : memref<528xi32, #tpu.memory_space<vmem>> -> memref<16xi32, #tpu.memory_space<vmem>>
          %dma_start3A_157 = arith.constant 0 : i32
          %dma_start3A_158 = arith.constant 0 : i32
          %dma_start3A_159 = tpu.memref_slice %arg4[%dma_start3A_157, %dma_start3A_158] : memref<16384x128xf32, #tpu.memory_space<hbm>> -> memref<16384x128xf32, #tpu.memory_space<hbm>>
          tpu.enqueue_indirect_dma source(%dma_start3A_159 : memref<16384x128xf32, #tpu.memory_space<hbm>>) target(%arg13 : memref<16x128xf32, #tpu.memory_space<vmem>>) offsets(%dma_start3A_156 : memref<16xi32, #tpu.memory_space<vmem>>) semaphore(%arg21 : memref<!tpu.dma_semaphore, #tpu.memory_space<semaphore_mem>>)
          scf.yield %scan3A_143 : vector<16xi32>
        } else {
          %broadcast_in_dim3A_133 = arith.constant 0 : i32
          %broadcast_in_dim3A_134 = vector.broadcast %broadcast_in_dim3A_133 : i32 to vector<16xi32>
          scf.yield %broadcast_in_dim3A_134 : vector<16xi32>
        }
        %mul3A_87 = arith.constant 512 : i32
        %mul3A_88 = arith.muli %while3A_67, %mul3A_87 : i32
        %add3A_89 = arith.addi %mul3A_2, %mul3A_88 : i32
        %dma_wait3A = arith.constant 0 : i32
        %dma_wait3A_90 = tpu.memref_slice %arg2[%dma_wait3A, %add3A_89] : memref<64x1000000xf32, #tpu.memory_space<hbm>> -> memref<64x512xf32, #tpu.memory_space<hbm>>
        %dma_wait3A_91 = arith.constant 0 : i32
        %dma_wait3A_92 = tpu.memref_slice %arg2[%dma_wait3A_91, %add3A_89] : memref<64x1000000xf32, #tpu.memory_space<hbm>> -> memref<64x512xf32, #tpu.memory_space<hbm>>
        tpu.wait_dma2 semaphore(%arg16 : memref<!tpu.dma_semaphore, #tpu.memory_space<semaphore_mem>>) src(%dma_wait3A_92 : memref<64x512xf32, #tpu.memory_space<hbm>>) dst(%arg14 : memref<64x512xf32, #tpu.memory_space<vmem>>)
        %add3A_93 = arith.constant 1 : i32
        %add3A_94 = arith.addi %while3A_67, %add3A_93 : i32
        %lt3A_95 = arith.cmpi slt, %add3A_94, %select_n3A_9 : i32
        %convert_element_type3A_96 = arith.extui %lt3A_95 : i1 to i32
        %cond3A_97 = arith.constant 0 : i32
        %cond3A_98 = arith.cmpi ne, %convert_element_type3A_96, %cond3A_97 : i32
        scf.if %cond3A_98 {
          %add3A_133 = arith.constant 1 : i32
          %add3A_134 = arith.addi %while3A_67, %add3A_133 : i32
          %mul3A_135 = arith.constant 512 : i32
          %mul3A_136 = arith.muli %add3A_134, %mul3A_135 : i32
          %add3A_137 = arith.addi %mul3A_2, %mul3A_136 : i32
          %dma_start3A_138 = arith.constant 0 : i32
          %dma_start3A_139 = tpu.memref_slice %arg2[%dma_start3A_138, %add3A_137] : memref<64x1000000xf32, #tpu.memory_space<hbm>> -> memref<64x512xf32, #tpu.memory_space<hbm>>
          %dma_start3A_140 = arith.constant 0 : i32
          %dma_start3A_141 = tpu.memref_slice %arg2[%dma_start3A_140, %add3A_137] : memref<64x1000000xf32, #tpu.memory_space<hbm>> -> memref<64x512xf32, #tpu.memory_space<hbm>>
          tpu.enqueue_dma source(%dma_start3A_141 : memref<64x512xf32, #tpu.memory_space<hbm>>) target(%arg15 : memref<64x512xf32, #tpu.memory_space<vmem>>) target_semaphore(%arg17 : memref<!tpu.dma_semaphore, #tpu.memory_space<semaphore_mem>>)
        } else {
        }
        %dma_wait3A_99 = arith.constant 0 : i32
        %dma_wait3A_100 = tpu.memref_slice %arg8[%dma_wait3A_99] : memref<528xi32, #tpu.memory_space<vmem>> -> memref<16xi32, #tpu.memory_space<vmem>>
        %dma_wait3A_101 = arith.constant 0 : i32
        %dma_wait3A_102 = arith.constant 0 : i32
        %dma_wait3A_103 = tpu.memref_slice %arg4[%dma_wait3A_101, %dma_wait3A_102] : memref<16384x128xf32, #tpu.memory_space<hbm>> -> memref<16384x128xf32, #tpu.memory_space<hbm>>
        tpu.wait_indirect_dma semaphore(%arg20 : memref<!tpu.dma_semaphore, #tpu.memory_space<semaphore_mem>>) src(%dma_wait3A_103 : memref<16384x128xf32, #tpu.memory_space<hbm>>) dst(%arg12 : memref<16x128xf32, #tpu.memory_space<vmem>>)
        %reduce_max3A = arith.constant true
        %reduce_max3A_104 = vector.broadcast %reduce_max3A : i1 to vector<16xi1>
        %reduce_max3A_105 = arith.constant -2147483648 : i32
        %reduce_max3A_106 = vector.broadcast %reduce_max3A_105 : i32 to vector<16xi32>
        %reduce_max3A_107 = arith.xori %while3A_68, %reduce_max3A_106 : vector<16xi32>
        %reduce_max3A_108 = tpu.scan <max>, %reduce_max3A_107 masked %reduce_max3A_104 : vector<16xi32>, vector<16xi1> -> vector<16xi32>
        %reduce_max3A_109 = arith.xori %reduce_max3A_108, %reduce_max3A_106 : vector<16xi32>
        %reduce_max3A_110 = vector.extract %reduce_max3A_109[15] : i32 from vector<16xi32>
        %add3A_111 = arith.constant 16 : i32
        %add3A_112 = arith.addi %reduce_max3A_110, %add3A_111 : i32
        %sub3A_113 = arith.constant 1 : i32
        %sub3A_114 = arith.subi %add3A_112, %sub3A_113 : i32
        %shift_right_logical3A = arith.constant 4 : i32
        %shift_right_logical3A_115 = arith.shrui %sub3A_114, %shift_right_logical3A : i32
        %while3A_116 = arith.constant 0 : i32
        %while3A_117 = arith.constant 0 : i32
        %while3A_118 = arith.subi %shift_right_logical3A_115, %while3A_117 : i32
        %while3A_119 = arith.addi %while3A_117, %while3A_118 : i32
        %while3A_120 = arith.constant 1 : i32
        %while3A_121 = arith.divsi %while3A_118, %while3A_120 : i32
        %while3A_122 = arith.muli %while3A_121, %while3A_120 : i32
        %while3A_123 = arith.addi %while3A_117, %while3A_122 : i32
        %while3A_124 = arith.constant 1 : i32
        scf.for %while3A_133 = %while3A_117 to %while3A_123 step %while3A_124  : i32 {
          %gt3A_134 = arith.constant 0 : i32
          %gt3A_135 = arith.cmpi sgt, %while3A_133, %gt3A_134 : i32
          %convert_element_type3A_136 = arith.extui %gt3A_135 : i1 to i32
          %cond3A_137 = arith.constant 0 : i32
          %cond3A_138 = arith.cmpi ne, %convert_element_type3A_136, %cond3A_137 : i32
          scf.if %cond3A_138 {
            %mul3A_340 = arith.constant 16 : i32
            %mul3A_341 = arith.muli %while3A_133, %mul3A_340 : i32
            %dma_start3A_342 = tpu.memref_slice %arg8[%mul3A_341] : memref<528xi32, #tpu.memory_space<vmem>> -> memref<16xi32, #tpu.memory_space<vmem>>
            %dma_start3A_343 = arith.constant 0 : i32
            %dma_start3A_344 = arith.constant 0 : i32
            %dma_start3A_345 = tpu.memref_slice %arg4[%dma_start3A_343, %dma_start3A_344] : memref<16384x128xf32, #tpu.memory_space<hbm>> -> memref<16384x128xf32, #tpu.memory_space<hbm>>
            tpu.enqueue_indirect_dma source(%dma_start3A_345 : memref<16384x128xf32, #tpu.memory_space<hbm>>) target(%arg12 : memref<16x128xf32, #tpu.memory_space<vmem>>) offsets(%dma_start3A_342 : memref<16xi32, #tpu.memory_space<vmem>>) semaphore(%arg20 : memref<!tpu.dma_semaphore, #tpu.memory_space<semaphore_mem>>)
            %dma_wait3A_346 = tpu.memref_slice %arg8[%mul3A_341] : memref<528xi32, #tpu.memory_space<vmem>> -> memref<16xi32, #tpu.memory_space<vmem>>
            %dma_wait3A_347 = arith.constant 0 : i32
            %dma_wait3A_348 = arith.constant 0 : i32
            %dma_wait3A_349 = tpu.memref_slice %arg4[%dma_wait3A_347, %dma_wait3A_348] : memref<16384x128xf32, #tpu.memory_space<hbm>> -> memref<16384x128xf32, #tpu.memory_space<hbm>>
            tpu.wait_indirect_dma semaphore(%arg20 : memref<!tpu.dma_semaphore, #tpu.memory_space<semaphore_mem>>) src(%dma_wait3A_349 : memref<16384x128xf32, #tpu.memory_space<hbm>>) dst(%arg12 : memref<16x128xf32, #tpu.memory_space<vmem>>)
          } else {
          }
          %mul3A_139 = arith.constant 16 : i32
          %mul3A_140 = arith.muli %while3A_133, %mul3A_139 : i32
          %add3A_141 = vector.broadcast %mul3A_140 : i32 to vector<16xi32>
          %add3A_142 = arith.addi %add3A_141, %iota3A : vector<16xi32>
          %gather3A = tpu.vector_load_idx %arg9[%add3A_142] : memref<528xi32, #tpu.memory_space<vmem>>[vector<16xi32>], vector<16xi32>,
          %mul3A_143 = arith.constant 16 : i32
          %mul3A_144 = arith.muli %while3A_133, %mul3A_143 : i32
          %add3A_145 = vector.broadcast %mul3A_144 : i32 to vector<16xi32>
          %add3A_146 = arith.addi %add3A_145, %iota3A : vector<16xi32>
          %lt3A_147 = arith.cmpi slt, %add3A_146, %while3A_68 : vector<16xi32>
          %broadcast_in_dim3A_148 = arith.constant 0 : i32
          %broadcast_in_dim3A_149 = vector.broadcast %broadcast_in_dim3A_148 : i32 to vector<16xi32>
          %gather3A_150 = tpu.vector_load_idx %arg12[%iota3A, %broadcast_in_dim3A_149] : memref<16x128xf32, #tpu.memory_space<vmem>>[vector<16xi32>, vector<16xi32>], vector<16xf32>,
          tpu.vector_store_idx %arg14[%broadcast_in_dim3A_149, %gather3A], %gather3A_150 masked %lt3A_147 : memref<64x512xf32, #tpu.memory_space<vmem>>[vector<16xi32>, vector<16xi32>], vector<16xf32>, vector<16xi1>
          %broadcast_in_dim3A_151 = arith.constant 1 : i32
          %broadcast_in_dim3A_152 = vector.broadcast %broadcast_in_dim3A_151 : i32 to vector<16xi32>
          %gather3A_153 = tpu.vector_load_idx %arg12[%iota3A, %broadcast_in_dim3A_152] : memref<16x128xf32, #tpu.memory_space<vmem>>[vector<16xi32>, vector<16xi32>], vector<16xf32>,
          tpu.vector_store_idx %arg14[%broadcast_in_dim3A_152, %gather3A], %gather3A_153 masked %lt3A_147 : memref<64x512xf32, #tpu.memory_space<vmem>>[vector<16xi32>, vector<16xi32>], vector<16xf32>, vector<16xi1>
          %broadcast_in_dim3A_154 = arith.constant 2 : i32
          %broadcast_in_dim3A_155 = vector.broadcast %broadcast_in_dim3A_154 : i32 to vector<16xi32>
          %gather3A_156 = tpu.vector_load_idx %arg12[%iota3A, %broadcast_in_dim3A_155] : memref<16x128xf32, #tpu.memory_space<vmem>>[vector<16xi32>, vector<16xi32>], vector<16xf32>,
          tpu.vector_store_idx %arg14[%broadcast_in_dim3A_155, %gather3A], %gather3A_156 masked %lt3A_147 : memref<64x512xf32, #tpu.memory_space<vmem>>[vector<16xi32>, vector<16xi32>], vector<16xf32>, vector<16xi1>
          %broadcast_in_dim3A_157 = arith.constant 3 : i32
          %broadcast_in_dim3A_158 = vector.broadcast %broadcast_in_dim3A_157 : i32 to vector<16xi32>
          %gather3A_159 = tpu.vector_load_idx %arg12[%iota3A, %broadcast_in_dim3A_158] : memref<16x128xf32, #tpu.memory_space<vmem>>[vector<16xi32>, vector<16xi32>], vector<16xf32>,
          tpu.vector_store_idx %arg14[%broadcast_in_dim3A_158, %gather3A], %gather3A_159 masked %lt3A_147 : memref<64x512xf32, #tpu.memory_space<vmem>>[vector<16xi32>, vector<16xi32>], vector<16xf32>, vector<16xi1>
          %broadcast_in_dim3A_160 = arith.constant 4 : i32
          %broadcast_in_dim3A_161 = vector.broadcast %broadcast_in_dim3A_160 : i32 to vector<16xi32>
          %gather3A_162 = tpu.vector_load_idx %arg12[%iota3A, %broadcast_in_dim3A_161] : memref<16x128xf32, #tpu.memory_space<vmem>>[vector<16xi32>, vector<16xi32>], vector<16xf32>,
          tpu.vector_store_idx %arg14[%broadcast_in_dim3A_161, %gather3A], %gather3A_162 masked %lt3A_147 : memref<64x512xf32, #tpu.memory_space<vmem>>[vector<16xi32>, vector<16xi32>], vector<16xf32>, vector<16xi1>
          %broadcast_in_dim3A_163 = arith.constant 5 : i32
          %broadcast_in_dim3A_164 = vector.broadcast %broadcast_in_dim3A_163 : i32 to vector<16xi32>
          %gather3A_165 = tpu.vector_load_idx %arg12[%iota3A, %broadcast_in_dim3A_164] : memref<16x128xf32, #tpu.memory_space<vmem>>[vector<16xi32>, vector<16xi32>], vector<16xf32>,
          tpu.vector_store_idx %arg14[%broadcast_in_dim3A_164, %gather3A], %gather3A_165 masked %lt3A_147 : memref<64x512xf32, #tpu.memory_space<vmem>>[vector<16xi32>, vector<16xi32>], vector<16xf32>, vector<16xi1>
          %broadcast_in_dim3A_166 = arith.constant 6 : i32
          %broadcast_in_dim3A_167 = vector.broadcast %broadcast_in_dim3A_166 : i32 to vector<16xi32>
          %gather3A_168 = tpu.vector_load_idx %arg12[%iota3A, %broadcast_in_dim3A_167] : memref<16x128xf32, #tpu.memory_space<vmem>>[vector<16xi32>, vector<16xi32>], vector<16xf32>,
          tpu.vector_store_idx %arg14[%broadcast_in_dim3A_167, %gather3A], %gather3A_168 masked %lt3A_147 : memref<64x512xf32, #tpu.memory_space<vmem>>[vector<16xi32>, vector<16xi32>], vector<16xf32>, vector<16xi1>
          %broadcast_in_dim3A_169 = arith.constant 7 : i32
          %broadcast_in_dim3A_170 = vector.broadcast %broadcast_in_dim3A_169 : i32 to vector<16xi32>
          %gather3A_171 = tpu.vector_load_idx %arg12[%iota3A, %broadcast_in_dim3A_170] : memref<16x128xf32, #tpu.memory_space<vmem>>[vector<16xi32>, vector<16xi32>], vector<16xf32>,
          tpu.vector_store_idx %arg14[%broadcast_in_dim3A_170, %gather3A], %gather3A_171 masked %lt3A_147 : memref<64x512xf32, #tpu.memory_space<vmem>>[vector<16xi32>, vector<16xi32>], vector<16xf32>, vector<16xi1>
          %broadcast_in_dim3A_172 = arith.constant 8 : i32
          %broadcast_in_dim3A_173 = vector.broadcast %broadcast_in_dim3A_172 : i32 to vector<16xi32>
          %gather3A_174 = tpu.vector_load_idx %arg12[%iota3A, %broadcast_in_dim3A_173] : memref<16x128xf32, #tpu.memory_space<vmem>>[vector<16xi32>, vector<16xi32>], vector<16xf32>,
          tpu.vector_store_idx %arg14[%broadcast_in_dim3A_173, %gather3A], %gather3A_174 masked %lt3A_147 : memref<64x512xf32, #tpu.memory_space<vmem>>[vector<16xi32>, vector<16xi32>], vector<16xf32>, vector<16xi1>
          %broadcast_in_dim3A_175 = arith.constant 9 : i32
          %broadcast_in_dim3A_176 = vector.broadcast %broadcast_in_dim3A_175 : i32 to vector<16xi32>
          %gather3A_177 = tpu.vector_load_idx %arg12[%iota3A, %broadcast_in_dim3A_176] : memref<16x128xf32, #tpu.memory_space<vmem>>[vector<16xi32>, vector<16xi32>], vector<16xf32>,
          tpu.vector_store_idx %arg14[%broadcast_in_dim3A_176, %gather3A], %gather3A_177 masked %lt3A_147 : memref<64x512xf32, #tpu.memory_space<vmem>>[vector<16xi32>, vector<16xi32>], vector<16xf32>, vector<16xi1>
          %broadcast_in_dim3A_178 = arith.constant 10 : i32
          %broadcast_in_dim3A_179 = vector.broadcast %broadcast_in_dim3A_178 : i32 to vector<16xi32>
          %gather3A_180 = tpu.vector_load_idx %arg12[%iota3A, %broadcast_in_dim3A_179] : memref<16x128xf32, #tpu.memory_space<vmem>>[vector<16xi32>, vector<16xi32>], vector<16xf32>,
          tpu.vector_store_idx %arg14[%broadcast_in_dim3A_179, %gather3A], %gather3A_180 masked %lt3A_147 : memref<64x512xf32, #tpu.memory_space<vmem>>[vector<16xi32>, vector<16xi32>], vector<16xf32>, vector<16xi1>
          %broadcast_in_dim3A_181 = arith.constant 11 : i32
          %broadcast_in_dim3A_182 = vector.broadcast %broadcast_in_dim3A_181 : i32 to vector<16xi32>
          %gather3A_183 = tpu.vector_load_idx %arg12[%iota3A, %broadcast_in_dim3A_182] : memref<16x128xf32, #tpu.memory_space<vmem>>[vector<16xi32>, vector<16xi32>], vector<16xf32>,
          tpu.vector_store_idx %arg14[%broadcast_in_dim3A_182, %gather3A], %gather3A_183 masked %lt3A_147 : memref<64x512xf32, #tpu.memory_space<vmem>>[vector<16xi32>, vector<16xi32>], vector<16xf32>, vector<16xi1>
          %broadcast_in_dim3A_184 = arith.constant 12 : i32
          %broadcast_in_dim3A_185 = vector.broadcast %broadcast_in_dim3A_184 : i32 to vector<16xi32>
          %gather3A_186 = tpu.vector_load_idx %arg12[%iota3A, %broadcast_in_dim3A_185] : memref<16x128xf32, #tpu.memory_space<vmem>>[vector<16xi32>, vector<16xi32>], vector<16xf32>,
          tpu.vector_store_idx %arg14[%broadcast_in_dim3A_185, %gather3A], %gather3A_186 masked %lt3A_147 : memref<64x512xf32, #tpu.memory_space<vmem>>[vector<16xi32>, vector<16xi32>], vector<16xf32>, vector<16xi1>
          %broadcast_in_dim3A_187 = arith.constant 13 : i32
          %broadcast_in_dim3A_188 = vector.broadcast %broadcast_in_dim3A_187 : i32 to vector<16xi32>
          %gather3A_189 = tpu.vector_load_idx %arg12[%iota3A, %broadcast_in_dim3A_188] : memref<16x128xf32, #tpu.memory_space<vmem>>[vector<16xi32>, vector<16xi32>], vector<16xf32>,
          tpu.vector_store_idx %arg14[%broadcast_in_dim3A_188, %gather3A], %gather3A_189 masked %lt3A_147 : memref<64x512xf32, #tpu.memory_space<vmem>>[vector<16xi32>, vector<16xi32>], vector<16xf32>, vector<16xi1>
          %broadcast_in_dim3A_190 = arith.constant 14 : i32
          %broadcast_in_dim3A_191 = vector.broadcast %broadcast_in_dim3A_190 : i32 to vector<16xi32>
          %gather3A_192 = tpu.vector_load_idx %arg12[%iota3A, %broadcast_in_dim3A_191] : memref<16x128xf32, #tpu.memory_space<vmem>>[vector<16xi32>, vector<16xi32>], vector<16xf32>,
          tpu.vector_store_idx %arg14[%broadcast_in_dim3A_191, %gather3A], %gather3A_192 masked %lt3A_147 : memref<64x512xf32, #tpu.memory_space<vmem>>[vector<16xi32>, vector<16xi32>], vector<16xf32>, vector<16xi1>
          %broadcast_in_dim3A_193 = arith.constant 15 : i32
          %broadcast_in_dim3A_194 = vector.broadcast %broadcast_in_dim3A_193 : i32 to vector<16xi32>
          %gather3A_195 = tpu.vector_load_idx %arg12[%iota3A, %broadcast_in_dim3A_194] : memref<16x128xf32, #tpu.memory_space<vmem>>[vector<16xi32>, vector<16xi32>], vector<16xf32>,
          tpu.vector_store_idx %arg14[%broadcast_in_dim3A_194, %gather3A], %gather3A_195 masked %lt3A_147 : memref<64x512xf32, #tpu.memory_space<vmem>>[vector<16xi32>, vector<16xi32>], vector<16xf32>, vector<16xi1>
          %broadcast_in_dim3A_196 = arith.constant 16 : i32
          %broadcast_in_dim3A_197 = vector.broadcast %broadcast_in_dim3A_196 : i32 to vector<16xi32>
          %gather3A_198 = tpu.vector_load_idx %arg12[%iota3A, %broadcast_in_dim3A_197] : memref<16x128xf32, #tpu.memory_space<vmem>>[vector<16xi32>, vector<16xi32>], vector<16xf32>,
          tpu.vector_store_idx %arg14[%broadcast_in_dim3A_197, %gather3A], %gather3A_198 masked %lt3A_147 : memref<64x512xf32, #tpu.memory_space<vmem>>[vector<16xi32>, vector<16xi32>], vector<16xf32>, vector<16xi1>
          %broadcast_in_dim3A_199 = arith.constant 17 : i32
          %broadcast_in_dim3A_200 = vector.broadcast %broadcast_in_dim3A_199 : i32 to vector<16xi32>
          %gather3A_201 = tpu.vector_load_idx %arg12[%iota3A, %broadcast_in_dim3A_200] : memref<16x128xf32, #tpu.memory_space<vmem>>[vector<16xi32>, vector<16xi32>], vector<16xf32>,
          tpu.vector_store_idx %arg14[%broadcast_in_dim3A_200, %gather3A], %gather3A_201 masked %lt3A_147 : memref<64x512xf32, #tpu.memory_space<vmem>>[vector<16xi32>, vector<16xi32>], vector<16xf32>, vector<16xi1>
          %broadcast_in_dim3A_202 = arith.constant 18 : i32
          %broadcast_in_dim3A_203 = vector.broadcast %broadcast_in_dim3A_202 : i32 to vector<16xi32>
          %gather3A_204 = tpu.vector_load_idx %arg12[%iota3A, %broadcast_in_dim3A_203] : memref<16x128xf32, #tpu.memory_space<vmem>>[vector<16xi32>, vector<16xi32>], vector<16xf32>,
          tpu.vector_store_idx %arg14[%broadcast_in_dim3A_203, %gather3A], %gather3A_204 masked %lt3A_147 : memref<64x512xf32, #tpu.memory_space<vmem>>[vector<16xi32>, vector<16xi32>], vector<16xf32>, vector<16xi1>
          %broadcast_in_dim3A_205 = arith.constant 19 : i32
          %broadcast_in_dim3A_206 = vector.broadcast %broadcast_in_dim3A_205 : i32 to vector<16xi32>
          %gather3A_207 = tpu.vector_load_idx %arg12[%iota3A, %broadcast_in_dim3A_206] : memref<16x128xf32, #tpu.memory_space<vmem>>[vector<16xi32>, vector<16xi32>], vector<16xf32>,
          tpu.vector_store_idx %arg14[%broadcast_in_dim3A_206, %gather3A], %gather3A_207 masked %lt3A_147 : memref<64x512xf32, #tpu.memory_space<vmem>>[vector<16xi32>, vector<16xi32>], vector<16xf32>, vector<16xi1>
          %broadcast_in_dim3A_208 = arith.constant 20 : i32
          %broadcast_in_dim3A_209 = vector.broadcast %broadcast_in_dim3A_208 : i32 to vector<16xi32>
          %gather3A_210 = tpu.vector_load_idx %arg12[%iota3A, %broadcast_in_dim3A_209] : memref<16x128xf32, #tpu.memory_space<vmem>>[vector<16xi32>, vector<16xi32>], vector<16xf32>,
          tpu.vector_store_idx %arg14[%broadcast_in_dim3A_209, %gather3A], %gather3A_210 masked %lt3A_147 : memref<64x512xf32, #tpu.memory_space<vmem>>[vector<16xi32>, vector<16xi32>], vector<16xf32>, vector<16xi1>
          %broadcast_in_dim3A_211 = arith.constant 21 : i32
          %broadcast_in_dim3A_212 = vector.broadcast %broadcast_in_dim3A_211 : i32 to vector<16xi32>
          %gather3A_213 = tpu.vector_load_idx %arg12[%iota3A, %broadcast_in_dim3A_212] : memref<16x128xf32, #tpu.memory_space<vmem>>[vector<16xi32>, vector<16xi32>], vector<16xf32>,
          tpu.vector_store_idx %arg14[%broadcast_in_dim3A_212, %gather3A], %gather3A_213 masked %lt3A_147 : memref<64x512xf32, #tpu.memory_space<vmem>>[vector<16xi32>, vector<16xi32>], vector<16xf32>, vector<16xi1>
          %broadcast_in_dim3A_214 = arith.constant 22 : i32
          %broadcast_in_dim3A_215 = vector.broadcast %broadcast_in_dim3A_214 : i32 to vector<16xi32>
          %gather3A_216 = tpu.vector_load_idx %arg12[%iota3A, %broadcast_in_dim3A_215] : memref<16x128xf32, #tpu.memory_space<vmem>>[vector<16xi32>, vector<16xi32>], vector<16xf32>,
          tpu.vector_store_idx %arg14[%broadcast_in_dim3A_215, %gather3A], %gather3A_216 masked %lt3A_147 : memref<64x512xf32, #tpu.memory_space<vmem>>[vector<16xi32>, vector<16xi32>], vector<16xf32>, vector<16xi1>
          %broadcast_in_dim3A_217 = arith.constant 23 : i32
          %broadcast_in_dim3A_218 = vector.broadcast %broadcast_in_dim3A_217 : i32 to vector<16xi32>
          %gather3A_219 = tpu.vector_load_idx %arg12[%iota3A, %broadcast_in_dim3A_218] : memref<16x128xf32, #tpu.memory_space<vmem>>[vector<16xi32>, vector<16xi32>], vector<16xf32>,
          tpu.vector_store_idx %arg14[%broadcast_in_dim3A_218, %gather3A], %gather3A_219 masked %lt3A_147 : memref<64x512xf32, #tpu.memory_space<vmem>>[vector<16xi32>, vector<16xi32>], vector<16xf32>, vector<16xi1>
          %broadcast_in_dim3A_220 = arith.constant 24 : i32
          %broadcast_in_dim3A_221 = vector.broadcast %broadcast_in_dim3A_220 : i32 to vector<16xi32>
          %gather3A_222 = tpu.vector_load_idx %arg12[%iota3A, %broadcast_in_dim3A_221] : memref<16x128xf32, #tpu.memory_space<vmem>>[vector<16xi32>, vector<16xi32>], vector<16xf32>,
          tpu.vector_store_idx %arg14[%broadcast_in_dim3A_221, %gather3A], %gather3A_222 masked %lt3A_147 : memref<64x512xf32, #tpu.memory_space<vmem>>[vector<16xi32>, vector<16xi32>], vector<16xf32>, vector<16xi1>
          %broadcast_in_dim3A_223 = arith.constant 25 : i32
          %broadcast_in_dim3A_224 = vector.broadcast %broadcast_in_dim3A_223 : i32 to vector<16xi32>
          %gather3A_225 = tpu.vector_load_idx %arg12[%iota3A, %broadcast_in_dim3A_224] : memref<16x128xf32, #tpu.memory_space<vmem>>[vector<16xi32>, vector<16xi32>], vector<16xf32>,
          tpu.vector_store_idx %arg14[%broadcast_in_dim3A_224, %gather3A], %gather3A_225 masked %lt3A_147 : memref<64x512xf32, #tpu.memory_space<vmem>>[vector<16xi32>, vector<16xi32>], vector<16xf32>, vector<16xi1>
          %broadcast_in_dim3A_226 = arith.constant 26 : i32
          %broadcast_in_dim3A_227 = vector.broadcast %broadcast_in_dim3A_226 : i32 to vector<16xi32>
          %gather3A_228 = tpu.vector_load_idx %arg12[%iota3A, %broadcast_in_dim3A_227] : memref<16x128xf32, #tpu.memory_space<vmem>>[vector<16xi32>, vector<16xi32>], vector<16xf32>,
          tpu.vector_store_idx %arg14[%broadcast_in_dim3A_227, %gather3A], %gather3A_228 masked %lt3A_147 : memref<64x512xf32, #tpu.memory_space<vmem>>[vector<16xi32>, vector<16xi32>], vector<16xf32>, vector<16xi1>
          %broadcast_in_dim3A_229 = arith.constant 27 : i32
          %broadcast_in_dim3A_230 = vector.broadcast %broadcast_in_dim3A_229 : i32 to vector<16xi32>
          %gather3A_231 = tpu.vector_load_idx %arg12[%iota3A, %broadcast_in_dim3A_230] : memref<16x128xf32, #tpu.memory_space<vmem>>[vector<16xi32>, vector<16xi32>], vector<16xf32>,
          tpu.vector_store_idx %arg14[%broadcast_in_dim3A_230, %gather3A], %gather3A_231 masked %lt3A_147 : memref<64x512xf32, #tpu.memory_space<vmem>>[vector<16xi32>, vector<16xi32>], vector<16xf32>, vector<16xi1>
          %broadcast_in_dim3A_232 = arith.constant 28 : i32
          %broadcast_in_dim3A_233 = vector.broadcast %broadcast_in_dim3A_232 : i32 to vector<16xi32>
          %gather3A_234 = tpu.vector_load_idx %arg12[%iota3A, %broadcast_in_dim3A_233] : memref<16x128xf32, #tpu.memory_space<vmem>>[vector<16xi32>, vector<16xi32>], vector<16xf32>,
          tpu.vector_store_idx %arg14[%broadcast_in_dim3A_233, %gather3A], %gather3A_234 masked %lt3A_147 : memref<64x512xf32, #tpu.memory_space<vmem>>[vector<16xi32>, vector<16xi32>], vector<16xf32>, vector<16xi1>
          %broadcast_in_dim3A_235 = arith.constant 29 : i32
          %broadcast_in_dim3A_236 = vector.broadcast %broadcast_in_dim3A_235 : i32 to vector<16xi32>
          %gather3A_237 = tpu.vector_load_idx %arg12[%iota3A, %broadcast_in_dim3A_236] : memref<16x128xf32, #tpu.memory_space<vmem>>[vector<16xi32>, vector<16xi32>], vector<16xf32>,
          tpu.vector_store_idx %arg14[%broadcast_in_dim3A_236, %gather3A], %gather3A_237 masked %lt3A_147 : memref<64x512xf32, #tpu.memory_space<vmem>>[vector<16xi32>, vector<16xi32>], vector<16xf32>, vector<16xi1>
          %broadcast_in_dim3A_238 = arith.constant 30 : i32
          %broadcast_in_dim3A_239 = vector.broadcast %broadcast_in_dim3A_238 : i32 to vector<16xi32>
          %gather3A_240 = tpu.vector_load_idx %arg12[%iota3A, %broadcast_in_dim3A_239] : memref<16x128xf32, #tpu.memory_space<vmem>>[vector<16xi32>, vector<16xi32>], vector<16xf32>,
          tpu.vector_store_idx %arg14[%broadcast_in_dim3A_239, %gather3A], %gather3A_240 masked %lt3A_147 : memref<64x512xf32, #tpu.memory_space<vmem>>[vector<16xi32>, vector<16xi32>], vector<16xf32>, vector<16xi1>
          %broadcast_in_dim3A_241 = arith.constant 31 : i32
          %broadcast_in_dim3A_242 = vector.broadcast %broadcast_in_dim3A_241 : i32 to vector<16xi32>
          %gather3A_243 = tpu.vector_load_idx %arg12[%iota3A, %broadcast_in_dim3A_242] : memref<16x128xf32, #tpu.memory_space<vmem>>[vector<16xi32>, vector<16xi32>], vector<16xf32>,
          tpu.vector_store_idx %arg14[%broadcast_in_dim3A_242, %gather3A], %gather3A_243 masked %lt3A_147 : memref<64x512xf32, #tpu.memory_space<vmem>>[vector<16xi32>, vector<16xi32>], vector<16xf32>, vector<16xi1>
          %broadcast_in_dim3A_244 = arith.constant 32 : i32
          %broadcast_in_dim3A_245 = vector.broadcast %broadcast_in_dim3A_244 : i32 to vector<16xi32>
          %gather3A_246 = tpu.vector_load_idx %arg12[%iota3A, %broadcast_in_dim3A_245] : memref<16x128xf32, #tpu.memory_space<vmem>>[vector<16xi32>, vector<16xi32>], vector<16xf32>,
          tpu.vector_store_idx %arg14[%broadcast_in_dim3A_245, %gather3A], %gather3A_246 masked %lt3A_147 : memref<64x512xf32, #tpu.memory_space<vmem>>[vector<16xi32>, vector<16xi32>], vector<16xf32>, vector<16xi1>
          %broadcast_in_dim3A_247 = arith.constant 33 : i32
          %broadcast_in_dim3A_248 = vector.broadcast %broadcast_in_dim3A_247 : i32 to vector<16xi32>
          %gather3A_249 = tpu.vector_load_idx %arg12[%iota3A, %broadcast_in_dim3A_248] : memref<16x128xf32, #tpu.memory_space<vmem>>[vector<16xi32>, vector<16xi32>], vector<16xf32>,
          tpu.vector_store_idx %arg14[%broadcast_in_dim3A_248, %gather3A], %gather3A_249 masked %lt3A_147 : memref<64x512xf32, #tpu.memory_space<vmem>>[vector<16xi32>, vector<16xi32>], vector<16xf32>, vector<16xi1>
          %broadcast_in_dim3A_250 = arith.constant 34 : i32
          %broadcast_in_dim3A_251 = vector.broadcast %broadcast_in_dim3A_250 : i32 to vector<16xi32>
          %gather3A_252 = tpu.vector_load_idx %arg12[%iota3A, %broadcast_in_dim3A_251] : memref<16x128xf32, #tpu.memory_space<vmem>>[vector<16xi32>, vector<16xi32>], vector<16xf32>,
          tpu.vector_store_idx %arg14[%broadcast_in_dim3A_251, %gather3A], %gather3A_252 masked %lt3A_147 : memref<64x512xf32, #tpu.memory_space<vmem>>[vector<16xi32>, vector<16xi32>], vector<16xf32>, vector<16xi1>
          %broadcast_in_dim3A_253 = arith.constant 35 : i32
          %broadcast_in_dim3A_254 = vector.broadcast %broadcast_in_dim3A_253 : i32 to vector<16xi32>
          %gather3A_255 = tpu.vector_load_idx %arg12[%iota3A, %broadcast_in_dim3A_254] : memref<16x128xf32, #tpu.memory_space<vmem>>[vector<16xi32>, vector<16xi32>], vector<16xf32>,
          tpu.vector_store_idx %arg14[%broadcast_in_dim3A_254, %gather3A], %gather3A_255 masked %lt3A_147 : memref<64x512xf32, #tpu.memory_space<vmem>>[vector<16xi32>, vector<16xi32>], vector<16xf32>, vector<16xi1>
          %broadcast_in_dim3A_256 = arith.constant 36 : i32
          %broadcast_in_dim3A_257 = vector.broadcast %broadcast_in_dim3A_256 : i32 to vector<16xi32>
          %gather3A_258 = tpu.vector_load_idx %arg12[%iota3A, %broadcast_in_dim3A_257] : memref<16x128xf32, #tpu.memory_space<vmem>>[vector<16xi32>, vector<16xi32>], vector<16xf32>,
          tpu.vector_store_idx %arg14[%broadcast_in_dim3A_257, %gather3A], %gather3A_258 masked %lt3A_147 : memref<64x512xf32, #tpu.memory_space<vmem>>[vector<16xi32>, vector<16xi32>], vector<16xf32>, vector<16xi1>
          %broadcast_in_dim3A_259 = arith.constant 37 : i32
          %broadcast_in_dim3A_260 = vector.broadcast %broadcast_in_dim3A_259 : i32 to vector<16xi32>
          %gather3A_261 = tpu.vector_load_idx %arg12[%iota3A, %broadcast_in_dim3A_260] : memref<16x128xf32, #tpu.memory_space<vmem>>[vector<16xi32>, vector<16xi32>], vector<16xf32>,
          tpu.vector_store_idx %arg14[%broadcast_in_dim3A_260, %gather3A], %gather3A_261 masked %lt3A_147 : memref<64x512xf32, #tpu.memory_space<vmem>>[vector<16xi32>, vector<16xi32>], vector<16xf32>, vector<16xi1>
          %broadcast_in_dim3A_262 = arith.constant 38 : i32
          %broadcast_in_dim3A_263 = vector.broadcast %broadcast_in_dim3A_262 : i32 to vector<16xi32>
          %gather3A_264 = tpu.vector_load_idx %arg12[%iota3A, %broadcast_in_dim3A_263] : memref<16x128xf32, #tpu.memory_space<vmem>>[vector<16xi32>, vector<16xi32>], vector<16xf32>,
          tpu.vector_store_idx %arg14[%broadcast_in_dim3A_263, %gather3A], %gather3A_264 masked %lt3A_147 : memref<64x512xf32, #tpu.memory_space<vmem>>[vector<16xi32>, vector<16xi32>], vector<16xf32>, vector<16xi1>
          %broadcast_in_dim3A_265 = arith.constant 39 : i32
          %broadcast_in_dim3A_266 = vector.broadcast %broadcast_in_dim3A_265 : i32 to vector<16xi32>
          %gather3A_267 = tpu.vector_load_idx %arg12[%iota3A, %broadcast_in_dim3A_266] : memref<16x128xf32, #tpu.memory_space<vmem>>[vector<16xi32>, vector<16xi32>], vector<16xf32>,
          tpu.vector_store_idx %arg14[%broadcast_in_dim3A_266, %gather3A], %gather3A_267 masked %lt3A_147 : memref<64x512xf32, #tpu.memory_space<vmem>>[vector<16xi32>, vector<16xi32>], vector<16xf32>, vector<16xi1>
          %broadcast_in_dim3A_268 = arith.constant 40 : i32
          %broadcast_in_dim3A_269 = vector.broadcast %broadcast_in_dim3A_268 : i32 to vector<16xi32>
          %gather3A_270 = tpu.vector_load_idx %arg12[%iota3A, %broadcast_in_dim3A_269] : memref<16x128xf32, #tpu.memory_space<vmem>>[vector<16xi32>, vector<16xi32>], vector<16xf32>,
          tpu.vector_store_idx %arg14[%broadcast_in_dim3A_269, %gather3A], %gather3A_270 masked %lt3A_147 : memref<64x512xf32, #tpu.memory_space<vmem>>[vector<16xi32>, vector<16xi32>], vector<16xf32>, vector<16xi1>
          %broadcast_in_dim3A_271 = arith.constant 41 : i32
          %broadcast_in_dim3A_272 = vector.broadcast %broadcast_in_dim3A_271 : i32 to vector<16xi32>
          %gather3A_273 = tpu.vector_load_idx %arg12[%iota3A, %broadcast_in_dim3A_272] : memref<16x128xf32, #tpu.memory_space<vmem>>[vector<16xi32>, vector<16xi32>], vector<16xf32>,
          tpu.vector_store_idx %arg14[%broadcast_in_dim3A_272, %gather3A], %gather3A_273 masked %lt3A_147 : memref<64x512xf32, #tpu.memory_space<vmem>>[vector<16xi32>, vector<16xi32>], vector<16xf32>, vector<16xi1>
          %broadcast_in_dim3A_274 = arith.constant 42 : i32
          %broadcast_in_dim3A_275 = vector.broadcast %broadcast_in_dim3A_274 : i32 to vector<16xi32>
          %gather3A_276 = tpu.vector_load_idx %arg12[%iota3A, %broadcast_in_dim3A_275] : memref<16x128xf32, #tpu.memory_space<vmem>>[vector<16xi32>, vector<16xi32>], vector<16xf32>,
          tpu.vector_store_idx %arg14[%broadcast_in_dim3A_275, %gather3A], %gather3A_276 masked %lt3A_147 : memref<64x512xf32, #tpu.memory_space<vmem>>[vector<16xi32>, vector<16xi32>], vector<16xf32>, vector<16xi1>
          %broadcast_in_dim3A_277 = arith.constant 43 : i32
          %broadcast_in_dim3A_278 = vector.broadcast %broadcast_in_dim3A_277 : i32 to vector<16xi32>
          %gather3A_279 = tpu.vector_load_idx %arg12[%iota3A, %broadcast_in_dim3A_278] : memref<16x128xf32, #tpu.memory_space<vmem>>[vector<16xi32>, vector<16xi32>], vector<16xf32>,
          tpu.vector_store_idx %arg14[%broadcast_in_dim3A_278, %gather3A], %gather3A_279 masked %lt3A_147 : memref<64x512xf32, #tpu.memory_space<vmem>>[vector<16xi32>, vector<16xi32>], vector<16xf32>, vector<16xi1>
          %broadcast_in_dim3A_280 = arith.constant 44 : i32
          %broadcast_in_dim3A_281 = vector.broadcast %broadcast_in_dim3A_280 : i32 to vector<16xi32>
          %gather3A_282 = tpu.vector_load_idx %arg12[%iota3A, %broadcast_in_dim3A_281] : memref<16x128xf32, #tpu.memory_space<vmem>>[vector<16xi32>, vector<16xi32>], vector<16xf32>,
          tpu.vector_store_idx %arg14[%broadcast_in_dim3A_281, %gather3A], %gather3A_282 masked %lt3A_147 : memref<64x512xf32, #tpu.memory_space<vmem>>[vector<16xi32>, vector<16xi32>], vector<16xf32>, vector<16xi1>
          %broadcast_in_dim3A_283 = arith.constant 45 : i32
          %broadcast_in_dim3A_284 = vector.broadcast %broadcast_in_dim3A_283 : i32 to vector<16xi32>
          %gather3A_285 = tpu.vector_load_idx %arg12[%iota3A, %broadcast_in_dim3A_284] : memref<16x128xf32, #tpu.memory_space<vmem>>[vector<16xi32>, vector<16xi32>], vector<16xf32>,
          tpu.vector_store_idx %arg14[%broadcast_in_dim3A_284, %gather3A], %gather3A_285 masked %lt3A_147 : memref<64x512xf32, #tpu.memory_space<vmem>>[vector<16xi32>, vector<16xi32>], vector<16xf32>, vector<16xi1>
          %broadcast_in_dim3A_286 = arith.constant 46 : i32
          %broadcast_in_dim3A_287 = vector.broadcast %broadcast_in_dim3A_286 : i32 to vector<16xi32>
          %gather3A_288 = tpu.vector_load_idx %arg12[%iota3A, %broadcast_in_dim3A_287] : memref<16x128xf32, #tpu.memory_space<vmem>>[vector<16xi32>, vector<16xi32>], vector<16xf32>,
          tpu.vector_store_idx %arg14[%broadcast_in_dim3A_287, %gather3A], %gather3A_288 masked %lt3A_147 : memref<64x512xf32, #tpu.memory_space<vmem>>[vector<16xi32>, vector<16xi32>], vector<16xf32>, vector<16xi1>
          %broadcast_in_dim3A_289 = arith.constant 47 : i32
          %broadcast_in_dim3A_290 = vector.broadcast %broadcast_in_dim3A_289 : i32 to vector<16xi32>
          %gather3A_291 = tpu.vector_load_idx %arg12[%iota3A, %broadcast_in_dim3A_290] : memref<16x128xf32, #tpu.memory_space<vmem>>[vector<16xi32>, vector<16xi32>], vector<16xf32>,
          tpu.vector_store_idx %arg14[%broadcast_in_dim3A_290, %gather3A], %gather3A_291 masked %lt3A_147 : memref<64x512xf32, #tpu.memory_space<vmem>>[vector<16xi32>, vector<16xi32>], vector<16xf32>, vector<16xi1>
          %broadcast_in_dim3A_292 = arith.constant 48 : i32
          %broadcast_in_dim3A_293 = vector.broadcast %broadcast_in_dim3A_292 : i32 to vector<16xi32>
          %gather3A_294 = tpu.vector_load_idx %arg12[%iota3A, %broadcast_in_dim3A_293] : memref<16x128xf32, #tpu.memory_space<vmem>>[vector<16xi32>, vector<16xi32>], vector<16xf32>,
          tpu.vector_store_idx %arg14[%broadcast_in_dim3A_293, %gather3A], %gather3A_294 masked %lt3A_147 : memref<64x512xf32, #tpu.memory_space<vmem>>[vector<16xi32>, vector<16xi32>], vector<16xf32>, vector<16xi1>
          %broadcast_in_dim3A_295 = arith.constant 49 : i32
          %broadcast_in_dim3A_296 = vector.broadcast %broadcast_in_dim3A_295 : i32 to vector<16xi32>
          %gather3A_297 = tpu.vector_load_idx %arg12[%iota3A, %broadcast_in_dim3A_296] : memref<16x128xf32, #tpu.memory_space<vmem>>[vector<16xi32>, vector<16xi32>], vector<16xf32>,
          tpu.vector_store_idx %arg14[%broadcast_in_dim3A_296, %gather3A], %gather3A_297 masked %lt3A_147 : memref<64x512xf32, #tpu.memory_space<vmem>>[vector<16xi32>, vector<16xi32>], vector<16xf32>, vector<16xi1>
          %broadcast_in_dim3A_298 = arith.constant 50 : i32
          %broadcast_in_dim3A_299 = vector.broadcast %broadcast_in_dim3A_298 : i32 to vector<16xi32>
          %gather3A_300 = tpu.vector_load_idx %arg12[%iota3A, %broadcast_in_dim3A_299] : memref<16x128xf32, #tpu.memory_space<vmem>>[vector<16xi32>, vector<16xi32>], vector<16xf32>,
          tpu.vector_store_idx %arg14[%broadcast_in_dim3A_299, %gather3A], %gather3A_300 masked %lt3A_147 : memref<64x512xf32, #tpu.memory_space<vmem>>[vector<16xi32>, vector<16xi32>], vector<16xf32>, vector<16xi1>
          %broadcast_in_dim3A_301 = arith.constant 51 : i32
          %broadcast_in_dim3A_302 = vector.broadcast %broadcast_in_dim3A_301 : i32 to vector<16xi32>
          %gather3A_303 = tpu.vector_load_idx %arg12[%iota3A, %broadcast_in_dim3A_302] : memref<16x128xf32, #tpu.memory_space<vmem>>[vector<16xi32>, vector<16xi32>], vector<16xf32>,
          tpu.vector_store_idx %arg14[%broadcast_in_dim3A_302, %gather3A], %gather3A_303 masked %lt3A_147 : memref<64x512xf32, #tpu.memory_space<vmem>>[vector<16xi32>, vector<16xi32>], vector<16xf32>, vector<16xi1>
          %broadcast_in_dim3A_304 = arith.constant 52 : i32
          %broadcast_in_dim3A_305 = vector.broadcast %broadcast_in_dim3A_304 : i32 to vector<16xi32>
          %gather3A_306 = tpu.vector_load_idx %arg12[%iota3A, %broadcast_in_dim3A_305] : memref<16x128xf32, #tpu.memory_space<vmem>>[vector<16xi32>, vector<16xi32>], vector<16xf32>,
          tpu.vector_store_idx %arg14[%broadcast_in_dim3A_305, %gather3A], %gather3A_306 masked %lt3A_147 : memref<64x512xf32, #tpu.memory_space<vmem>>[vector<16xi32>, vector<16xi32>], vector<16xf32>, vector<16xi1>
          %broadcast_in_dim3A_307 = arith.constant 53 : i32
          %broadcast_in_dim3A_308 = vector.broadcast %broadcast_in_dim3A_307 : i32 to vector<16xi32>
          %gather3A_309 = tpu.vector_load_idx %arg12[%iota3A, %broadcast_in_dim3A_308] : memref<16x128xf32, #tpu.memory_space<vmem>>[vector<16xi32>, vector<16xi32>], vector<16xf32>,
          tpu.vector_store_idx %arg14[%broadcast_in_dim3A_308, %gather3A], %gather3A_309 masked %lt3A_147 : memref<64x512xf32, #tpu.memory_space<vmem>>[vector<16xi32>, vector<16xi32>], vector<16xf32>, vector<16xi1>
          %broadcast_in_dim3A_310 = arith.constant 54 : i32
          %broadcast_in_dim3A_311 = vector.broadcast %broadcast_in_dim3A_310 : i32 to vector<16xi32>
          %gather3A_312 = tpu.vector_load_idx %arg12[%iota3A, %broadcast_in_dim3A_311] : memref<16x128xf32, #tpu.memory_space<vmem>>[vector<16xi32>, vector<16xi32>], vector<16xf32>,
          tpu.vector_store_idx %arg14[%broadcast_in_dim3A_311, %gather3A], %gather3A_312 masked %lt3A_147 : memref<64x512xf32, #tpu.memory_space<vmem>>[vector<16xi32>, vector<16xi32>], vector<16xf32>, vector<16xi1>
          %broadcast_in_dim3A_313 = arith.constant 55 : i32
          %broadcast_in_dim3A_314 = vector.broadcast %broadcast_in_dim3A_313 : i32 to vector<16xi32>
          %gather3A_315 = tpu.vector_load_idx %arg12[%iota3A, %broadcast_in_dim3A_314] : memref<16x128xf32, #tpu.memory_space<vmem>>[vector<16xi32>, vector<16xi32>], vector<16xf32>,
          tpu.vector_store_idx %arg14[%broadcast_in_dim3A_314, %gather3A], %gather3A_315 masked %lt3A_147 : memref<64x512xf32, #tpu.memory_space<vmem>>[vector<16xi32>, vector<16xi32>], vector<16xf32>, vector<16xi1>
          %broadcast_in_dim3A_316 = arith.constant 56 : i32
          %broadcast_in_dim3A_317 = vector.broadcast %broadcast_in_dim3A_316 : i32 to vector<16xi32>
          %gather3A_318 = tpu.vector_load_idx %arg12[%iota3A, %broadcast_in_dim3A_317] : memref<16x128xf32, #tpu.memory_space<vmem>>[vector<16xi32>, vector<16xi32>], vector<16xf32>,
          tpu.vector_store_idx %arg14[%broadcast_in_dim3A_317, %gather3A], %gather3A_318 masked %lt3A_147 : memref<64x512xf32, #tpu.memory_space<vmem>>[vector<16xi32>, vector<16xi32>], vector<16xf32>, vector<16xi1>
          %broadcast_in_dim3A_319 = arith.constant 57 : i32
          %broadcast_in_dim3A_320 = vector.broadcast %broadcast_in_dim3A_319 : i32 to vector<16xi32>
          %gather3A_321 = tpu.vector_load_idx %arg12[%iota3A, %broadcast_in_dim3A_320] : memref<16x128xf32, #tpu.memory_space<vmem>>[vector<16xi32>, vector<16xi32>], vector<16xf32>,
          tpu.vector_store_idx %arg14[%broadcast_in_dim3A_320, %gather3A], %gather3A_321 masked %lt3A_147 : memref<64x512xf32, #tpu.memory_space<vmem>>[vector<16xi32>, vector<16xi32>], vector<16xf32>, vector<16xi1>
          %broadcast_in_dim3A_322 = arith.constant 58 : i32
          %broadcast_in_dim3A_323 = vector.broadcast %broadcast_in_dim3A_322 : i32 to vector<16xi32>
          %gather3A_324 = tpu.vector_load_idx %arg12[%iota3A, %broadcast_in_dim3A_323] : memref<16x128xf32, #tpu.memory_space<vmem>>[vector<16xi32>, vector<16xi32>], vector<16xf32>,
          tpu.vector_store_idx %arg14[%broadcast_in_dim3A_323, %gather3A], %gather3A_324 masked %lt3A_147 : memref<64x512xf32, #tpu.memory_space<vmem>>[vector<16xi32>, vector<16xi32>], vector<16xf32>, vector<16xi1>
          %broadcast_in_dim3A_325 = arith.constant 59 : i32
          %broadcast_in_dim3A_326 = vector.broadcast %broadcast_in_dim3A_325 : i32 to vector<16xi32>
          %gather3A_327 = tpu.vector_load_idx %arg12[%iota3A, %broadcast_in_dim3A_326] : memref<16x128xf32, #tpu.memory_space<vmem>>[vector<16xi32>, vector<16xi32>], vector<16xf32>,
          tpu.vector_store_idx %arg14[%broadcast_in_dim3A_326, %gather3A], %gather3A_327 masked %lt3A_147 : memref<64x512xf32, #tpu.memory_space<vmem>>[vector<16xi32>, vector<16xi32>], vector<16xf32>, vector<16xi1>
          %broadcast_in_dim3A_328 = arith.constant 60 : i32
          %broadcast_in_dim3A_329 = vector.broadcast %broadcast_in_dim3A_328 : i32 to vector<16xi32>
          %gather3A_330 = tpu.vector_load_idx %arg12[%iota3A, %broadcast_in_dim3A_329] : memref<16x128xf32, #tpu.memory_space<vmem>>[vector<16xi32>, vector<16xi32>], vector<16xf32>,
          tpu.vector_store_idx %arg14[%broadcast_in_dim3A_329, %gather3A], %gather3A_330 masked %lt3A_147 : memref<64x512xf32, #tpu.memory_space<vmem>>[vector<16xi32>, vector<16xi32>], vector<16xf32>, vector<16xi1>
          %broadcast_in_dim3A_331 = arith.constant 61 : i32
          %broadcast_in_dim3A_332 = vector.broadcast %broadcast_in_dim3A_331 : i32 to vector<16xi32>
          %gather3A_333 = tpu.vector_load_idx %arg12[%iota3A, %broadcast_in_dim3A_332] : memref<16x128xf32, #tpu.memory_space<vmem>>[vector<16xi32>, vector<16xi32>], vector<16xf32>,
          tpu.vector_store_idx %arg14[%broadcast_in_dim3A_332, %gather3A], %gather3A_333 masked %lt3A_147 : memref<64x512xf32, #tpu.memory_space<vmem>>[vector<16xi32>, vector<16xi32>], vector<16xf32>, vector<16xi1>
          %broadcast_in_dim3A_334 = arith.constant 62 : i32
          %broadcast_in_dim3A_335 = vector.broadcast %broadcast_in_dim3A_334 : i32 to vector<16xi32>
          %gather3A_336 = tpu.vector_load_idx %arg12[%iota3A, %broadcast_in_dim3A_335] : memref<16x128xf32, #tpu.memory_space<vmem>>[vector<16xi32>, vector<16xi32>], vector<16xf32>,
          tpu.vector_store_idx %arg14[%broadcast_in_dim3A_335, %gather3A], %gather3A_336 masked %lt3A_147 : memref<64x512xf32, #tpu.memory_space<vmem>>[vector<16xi32>, vector<16xi32>], vector<16xf32>, vector<16xi1>
          %broadcast_in_dim3A_337 = arith.constant 63 : i32
          %broadcast_in_dim3A_338 = vector.broadcast %broadcast_in_dim3A_337 : i32 to vector<16xi32>
          %gather3A_339 = tpu.vector_load_idx %arg12[%iota3A, %broadcast_in_dim3A_338] : memref<16x128xf32, #tpu.memory_space<vmem>>[vector<16xi32>, vector<16xi32>], vector<16xf32>,
          tpu.vector_store_idx %arg14[%broadcast_in_dim3A_338, %gather3A], %gather3A_339 masked %lt3A_147 : memref<64x512xf32, #tpu.memory_space<vmem>>[vector<16xi32>, vector<16xi32>], vector<16xf32>, vector<16xi1>
        }
        %while3A_125 = arith.constant 1 : i32
        scf.for %while3A_133 = %while3A_123 to %while3A_119 step %while3A_125  : i32 {
          %gt3A_134 = arith.constant 0 : i32
          %gt3A_135 = arith.cmpi sgt, %while3A_133, %gt3A_134 : i32
          %convert_element_type3A_136 = arith.extui %gt3A_135 : i1 to i32
          %cond3A_137 = arith.constant 0 : i32
          %cond3A_138 = arith.cmpi ne, %convert_element_type3A_136, %cond3A_137 : i32
          scf.if %cond3A_138 {
            %mul3A_340 = arith.constant 16 : i32
            %mul3A_341 = arith.muli %while3A_133, %mul3A_340 : i32
            %dma_start3A_342 = tpu.memref_slice %arg8[%mul3A_341] : memref<528xi32, #tpu.memory_space<vmem>> -> memref<16xi32, #tpu.memory_space<vmem>>
            %dma_start3A_343 = arith.constant 0 : i32
            %dma_start3A_344 = arith.constant 0 : i32
            %dma_start3A_345 = tpu.memref_slice %arg4[%dma_start3A_343, %dma_start3A_344] : memref<16384x128xf32, #tpu.memory_space<hbm>> -> memref<16384x128xf32, #tpu.memory_space<hbm>>
            tpu.enqueue_indirect_dma source(%dma_start3A_345 : memref<16384x128xf32, #tpu.memory_space<hbm>>) target(%arg12 : memref<16x128xf32, #tpu.memory_space<vmem>>) offsets(%dma_start3A_342 : memref<16xi32, #tpu.memory_space<vmem>>) semaphore(%arg20 : memref<!tpu.dma_semaphore, #tpu.memory_space<semaphore_mem>>)
            %dma_wait3A_346 = tpu.memref_slice %arg8[%mul3A_341] : memref<528xi32, #tpu.memory_space<vmem>> -> memref<16xi32, #tpu.memory_space<vmem>>
            %dma_wait3A_347 = arith.constant 0 : i32
            %dma_wait3A_348 = arith.constant 0 : i32
            %dma_wait3A_349 = tpu.memref_slice %arg4[%dma_wait3A_347, %dma_wait3A_348] : memref<16384x128xf32, #tpu.memory_space<hbm>> -> memref<16384x128xf32, #tpu.memory_space<hbm>>
            tpu.wait_indirect_dma semaphore(%arg20 : memref<!tpu.dma_semaphore, #tpu.memory_space<semaphore_mem>>) src(%dma_wait3A_349 : memref<16384x128xf32, #tpu.memory_space<hbm>>) dst(%arg12 : memref<16x128xf32, #tpu.memory_space<vmem>>)
          } else {
          }
          %mul3A_139 = arith.constant 16 : i32
          %mul3A_140 = arith.muli %while3A_133, %mul3A_139 : i32
          %add3A_141 = vector.broadcast %mul3A_140 : i32 to vector<16xi32>
          %add3A_142 = arith.addi %add3A_141, %iota3A : vector<16xi32>
          %gather3A = tpu.vector_load_idx %arg9[%add3A_142] : memref<528xi32, #tpu.memory_space<vmem>>[vector<16xi32>], vector<16xi32>,
          %mul3A_143 = arith.constant 16 : i32
          %mul3A_144 = arith.muli %while3A_133, %mul3A_143 : i32
          %add3A_145 = vector.broadcast %mul3A_144 : i32 to vector<16xi32>
          %add3A_146 = arith.addi %add3A_145, %iota3A : vector<16xi32>
          %lt3A_147 = arith.cmpi slt, %add3A_146, %while3A_68 : vector<16xi32>
          %broadcast_in_dim3A_148 = arith.constant 0 : i32
          %broadcast_in_dim3A_149 = vector.broadcast %broadcast_in_dim3A_148 : i32 to vector<16xi32>
          %gather3A_150 = tpu.vector_load_idx %arg12[%iota3A, %broadcast_in_dim3A_149] : memref<16x128xf32, #tpu.memory_space<vmem>>[vector<16xi32>, vector<16xi32>], vector<16xf32>,
          tpu.vector_store_idx %arg14[%broadcast_in_dim3A_149, %gather3A], %gather3A_150 masked %lt3A_147 : memref<64x512xf32, #tpu.memory_space<vmem>>[vector<16xi32>, vector<16xi32>], vector<16xf32>, vector<16xi1>
          %broadcast_in_dim3A_151 = arith.constant 1 : i32
          %broadcast_in_dim3A_152 = vector.broadcast %broadcast_in_dim3A_151 : i32 to vector<16xi32>
          %gather3A_153 = tpu.vector_load_idx %arg12[%iota3A, %broadcast_in_dim3A_152] : memref<16x128xf32, #tpu.memory_space<vmem>>[vector<16xi32>, vector<16xi32>], vector<16xf32>,
          tpu.vector_store_idx %arg14[%broadcast_in_dim3A_152, %gather3A], %gather3A_153 masked %lt3A_147 : memref<64x512xf32, #tpu.memory_space<vmem>>[vector<16xi32>, vector<16xi32>], vector<16xf32>, vector<16xi1>
          %broadcast_in_dim3A_154 = arith.constant 2 : i32
          %broadcast_in_dim3A_155 = vector.broadcast %broadcast_in_dim3A_154 : i32 to vector<16xi32>
          %gather3A_156 = tpu.vector_load_idx %arg12[%iota3A, %broadcast_in_dim3A_155] : memref<16x128xf32, #tpu.memory_space<vmem>>[vector<16xi32>, vector<16xi32>], vector<16xf32>,
          tpu.vector_store_idx %arg14[%broadcast_in_dim3A_155, %gather3A], %gather3A_156 masked %lt3A_147 : memref<64x512xf32, #tpu.memory_space<vmem>>[vector<16xi32>, vector<16xi32>], vector<16xf32>, vector<16xi1>
          %broadcast_in_dim3A_157 = arith.constant 3 : i32
          %broadcast_in_dim3A_158 = vector.broadcast %broadcast_in_dim3A_157 : i32 to vector<16xi32>
          %gather3A_159 = tpu.vector_load_idx %arg12[%iota3A, %broadcast_in_dim3A_158] : memref<16x128xf32, #tpu.memory_space<vmem>>[vector<16xi32>, vector<16xi32>], vector<16xf32>,
          tpu.vector_store_idx %arg14[%broadcast_in_dim3A_158, %gather3A], %gather3A_159 masked %lt3A_147 : memref<64x512xf32, #tpu.memory_space<vmem>>[vector<16xi32>, vector<16xi32>], vector<16xf32>, vector<16xi1>
          %broadcast_in_dim3A_160 = arith.constant 4 : i32
          %broadcast_in_dim3A_161 = vector.broadcast %broadcast_in_dim3A_160 : i32 to vector<16xi32>
          %gather3A_162 = tpu.vector_load_idx %arg12[%iota3A, %broadcast_in_dim3A_161] : memref<16x128xf32, #tpu.memory_space<vmem>>[vector<16xi32>, vector<16xi32>], vector<16xf32>,
          tpu.vector_store_idx %arg14[%broadcast_in_dim3A_161, %gather3A], %gather3A_162 masked %lt3A_147 : memref<64x512xf32, #tpu.memory_space<vmem>>[vector<16xi32>, vector<16xi32>], vector<16xf32>, vector<16xi1>
          %broadcast_in_dim3A_163 = arith.constant 5 : i32
          %broadcast_in_dim3A_164 = vector.broadcast %broadcast_in_dim3A_163 : i32 to vector<16xi32>
          %gather3A_165 = tpu.vector_load_idx %arg12[%iota3A, %broadcast_in_dim3A_164] : memref<16x128xf32, #tpu.memory_space<vmem>>[vector<16xi32>, vector<16xi32>], vector<16xf32>,
          tpu.vector_store_idx %arg14[%broadcast_in_dim3A_164, %gather3A], %gather3A_165 masked %lt3A_147 : memref<64x512xf32, #tpu.memory_space<vmem>>[vector<16xi32>, vector<16xi32>], vector<16xf32>, vector<16xi1>
          %broadcast_in_dim3A_166 = arith.constant 6 : i32
          %broadcast_in_dim3A_167 = vector.broadcast %broadcast_in_dim3A_166 : i32 to vector<16xi32>
          %gather3A_168 = tpu.vector_load_idx %arg12[%iota3A, %broadcast_in_dim3A_167] : memref<16x128xf32, #tpu.memory_space<vmem>>[vector<16xi32>, vector<16xi32>], vector<16xf32>,
          tpu.vector_store_idx %arg14[%broadcast_in_dim3A_167, %gather3A], %gather3A_168 masked %lt3A_147 : memref<64x512xf32, #tpu.memory_space<vmem>>[vector<16xi32>, vector<16xi32>], vector<16xf32>, vector<16xi1>
          %broadcast_in_dim3A_169 = arith.constant 7 : i32
          %broadcast_in_dim3A_170 = vector.broadcast %broadcast_in_dim3A_169 : i32 to vector<16xi32>
          %gather3A_171 = tpu.vector_load_idx %arg12[%iota3A, %broadcast_in_dim3A_170] : memref<16x128xf32, #tpu.memory_space<vmem>>[vector<16xi32>, vector<16xi32>], vector<16xf32>,
          tpu.vector_store_idx %arg14[%broadcast_in_dim3A_170, %gather3A], %gather3A_171 masked %lt3A_147 : memref<64x512xf32, #tpu.memory_space<vmem>>[vector<16xi32>, vector<16xi32>], vector<16xf32>, vector<16xi1>
          %broadcast_in_dim3A_172 = arith.constant 8 : i32
          %broadcast_in_dim3A_173 = vector.broadcast %broadcast_in_dim3A_172 : i32 to vector<16xi32>
          %gather3A_174 = tpu.vector_load_idx %arg12[%iota3A, %broadcast_in_dim3A_173] : memref<16x128xf32, #tpu.memory_space<vmem>>[vector<16xi32>, vector<16xi32>], vector<16xf32>,
          tpu.vector_store_idx %arg14[%broadcast_in_dim3A_173, %gather3A], %gather3A_174 masked %lt3A_147 : memref<64x512xf32, #tpu.memory_space<vmem>>[vector<16xi32>, vector<16xi32>], vector<16xf32>, vector<16xi1>
          %broadcast_in_dim3A_175 = arith.constant 9 : i32
          %broadcast_in_dim3A_176 = vector.broadcast %broadcast_in_dim3A_175 : i32 to vector<16xi32>
          %gather3A_177 = tpu.vector_load_idx %arg12[%iota3A, %broadcast_in_dim3A_176] : memref<16x128xf32, #tpu.memory_space<vmem>>[vector<16xi32>, vector<16xi32>], vector<16xf32>,
          tpu.vector_store_idx %arg14[%broadcast_in_dim3A_176, %gather3A], %gather3A_177 masked %lt3A_147 : memref<64x512xf32, #tpu.memory_space<vmem>>[vector<16xi32>, vector<16xi32>], vector<16xf32>, vector<16xi1>
          %broadcast_in_dim3A_178 = arith.constant 10 : i32
          %broadcast_in_dim3A_179 = vector.broadcast %broadcast_in_dim3A_178 : i32 to vector<16xi32>
          %gather3A_180 = tpu.vector_load_idx %arg12[%iota3A, %broadcast_in_dim3A_179] : memref<16x128xf32, #tpu.memory_space<vmem>>[vector<16xi32>, vector<16xi32>], vector<16xf32>,
          tpu.vector_store_idx %arg14[%broadcast_in_dim3A_179, %gather3A], %gather3A_180 masked %lt3A_147 : memref<64x512xf32, #tpu.memory_space<vmem>>[vector<16xi32>, vector<16xi32>], vector<16xf32>, vector<16xi1>
          %broadcast_in_dim3A_181 = arith.constant 11 : i32
          %broadcast_in_dim3A_182 = vector.broadcast %broadcast_in_dim3A_181 : i32 to vector<16xi32>
          %gather3A_183 = tpu.vector_load_idx %arg12[%iota3A, %broadcast_in_dim3A_182] : memref<16x128xf32, #tpu.memory_space<vmem>>[vector<16xi32>, vector<16xi32>], vector<16xf32>,
          tpu.vector_store_idx %arg14[%broadcast_in_dim3A_182, %gather3A], %gather3A_183 masked %lt3A_147 : memref<64x512xf32, #tpu.memory_space<vmem>>[vector<16xi32>, vector<16xi32>], vector<16xf32>, vector<16xi1>
          %broadcast_in_dim3A_184 = arith.constant 12 : i32
          %broadcast_in_dim3A_185 = vector.broadcast %broadcast_in_dim3A_184 : i32 to vector<16xi32>
          %gather3A_186 = tpu.vector_load_idx %arg12[%iota3A, %broadcast_in_dim3A_185] : memref<16x128xf32, #tpu.memory_space<vmem>>[vector<16xi32>, vector<16xi32>], vector<16xf32>,
          tpu.vector_store_idx %arg14[%broadcast_in_dim3A_185, %gather3A], %gather3A_186 masked %lt3A_147 : memref<64x512xf32, #tpu.memory_space<vmem>>[vector<16xi32>, vector<16xi32>], vector<16xf32>, vector<16xi1>
          %broadcast_in_dim3A_187 = arith.constant 13 : i32
          %broadcast_in_dim3A_188 = vector.broadcast %broadcast_in_dim3A_187 : i32 to vector<16xi32>
          %gather3A_189 = tpu.vector_load_idx %arg12[%iota3A, %broadcast_in_dim3A_188] : memref<16x128xf32, #tpu.memory_space<vmem>>[vector<16xi32>, vector<16xi32>], vector<16xf32>,
          tpu.vector_store_idx %arg14[%broadcast_in_dim3A_188, %gather3A], %gather3A_189 masked %lt3A_147 : memref<64x512xf32, #tpu.memory_space<vmem>>[vector<16xi32>, vector<16xi32>], vector<16xf32>, vector<16xi1>
          %broadcast_in_dim3A_190 = arith.constant 14 : i32
          %broadcast_in_dim3A_191 = vector.broadcast %broadcast_in_dim3A_190 : i32 to vector<16xi32>
          %gather3A_192 = tpu.vector_load_idx %arg12[%iota3A, %broadcast_in_dim3A_191] : memref<16x128xf32, #tpu.memory_space<vmem>>[vector<16xi32>, vector<16xi32>], vector<16xf32>,
          tpu.vector_store_idx %arg14[%broadcast_in_dim3A_191, %gather3A], %gather3A_192 masked %lt3A_147 : memref<64x512xf32, #tpu.memory_space<vmem>>[vector<16xi32>, vector<16xi32>], vector<16xf32>, vector<16xi1>
          %broadcast_in_dim3A_193 = arith.constant 15 : i32
          %broadcast_in_dim3A_194 = vector.broadcast %broadcast_in_dim3A_193 : i32 to vector<16xi32>
          %gather3A_195 = tpu.vector_load_idx %arg12[%iota3A, %broadcast_in_dim3A_194] : memref<16x128xf32, #tpu.memory_space<vmem>>[vector<16xi32>, vector<16xi32>], vector<16xf32>,
          tpu.vector_store_idx %arg14[%broadcast_in_dim3A_194, %gather3A], %gather3A_195 masked %lt3A_147 : memref<64x512xf32, #tpu.memory_space<vmem>>[vector<16xi32>, vector<16xi32>], vector<16xf32>, vector<16xi1>
          %broadcast_in_dim3A_196 = arith.constant 16 : i32
          %broadcast_in_dim3A_197 = vector.broadcast %broadcast_in_dim3A_196 : i32 to vector<16xi32>
          %gather3A_198 = tpu.vector_load_idx %arg12[%iota3A, %broadcast_in_dim3A_197] : memref<16x128xf32, #tpu.memory_space<vmem>>[vector<16xi32>, vector<16xi32>], vector<16xf32>,
          tpu.vector_store_idx %arg14[%broadcast_in_dim3A_197, %gather3A], %gather3A_198 masked %lt3A_147 : memref<64x512xf32, #tpu.memory_space<vmem>>[vector<16xi32>, vector<16xi32>], vector<16xf32>, vector<16xi1>
          %broadcast_in_dim3A_199 = arith.constant 17 : i32
          %broadcast_in_dim3A_200 = vector.broadcast %broadcast_in_dim3A_199 : i32 to vector<16xi32>
          %gather3A_201 = tpu.vector_load_idx %arg12[%iota3A, %broadcast_in_dim3A_200] : memref<16x128xf32, #tpu.memory_space<vmem>>[vector<16xi32>, vector<16xi32>], vector<16xf32>,
          tpu.vector_store_idx %arg14[%broadcast_in_dim3A_200, %gather3A], %gather3A_201 masked %lt3A_147 : memref<64x512xf32, #tpu.memory_space<vmem>>[vector<16xi32>, vector<16xi32>], vector<16xf32>, vector<16xi1>
          %broadcast_in_dim3A_202 = arith.constant 18 : i32
          %broadcast_in_dim3A_203 = vector.broadcast %broadcast_in_dim3A_202 : i32 to vector<16xi32>
          %gather3A_204 = tpu.vector_load_idx %arg12[%iota3A, %broadcast_in_dim3A_203] : memref<16x128xf32, #tpu.memory_space<vmem>>[vector<16xi32>, vector<16xi32>], vector<16xf32>,
          tpu.vector_store_idx %arg14[%broadcast_in_dim3A_203, %gather3A], %gather3A_204 masked %lt3A_147 : memref<64x512xf32, #tpu.memory_space<vmem>>[vector<16xi32>, vector<16xi32>], vector<16xf32>, vector<16xi1>
          %broadcast_in_dim3A_205 = arith.constant 19 : i32
          %broadcast_in_dim3A_206 = vector.broadcast %broadcast_in_dim3A_205 : i32 to vector<16xi32>
          %gather3A_207 = tpu.vector_load_idx %arg12[%iota3A, %broadcast_in_dim3A_206] : memref<16x128xf32, #tpu.memory_space<vmem>>[vector<16xi32>, vector<16xi32>], vector<16xf32>,
          tpu.vector_store_idx %arg14[%broadcast_in_dim3A_206, %gather3A], %gather3A_207 masked %lt3A_147 : memref<64x512xf32, #tpu.memory_space<vmem>>[vector<16xi32>, vector<16xi32>], vector<16xf32>, vector<16xi1>
          %broadcast_in_dim3A_208 = arith.constant 20 : i32
          %broadcast_in_dim3A_209 = vector.broadcast %broadcast_in_dim3A_208 : i32 to vector<16xi32>
          %gather3A_210 = tpu.vector_load_idx %arg12[%iota3A, %broadcast_in_dim3A_209] : memref<16x128xf32, #tpu.memory_space<vmem>>[vector<16xi32>, vector<16xi32>], vector<16xf32>,
          tpu.vector_store_idx %arg14[%broadcast_in_dim3A_209, %gather3A], %gather3A_210 masked %lt3A_147 : memref<64x512xf32, #tpu.memory_space<vmem>>[vector<16xi32>, vector<16xi32>], vector<16xf32>, vector<16xi1>
          %broadcast_in_dim3A_211 = arith.constant 21 : i32
          %broadcast_in_dim3A_212 = vector.broadcast %broadcast_in_dim3A_211 : i32 to vector<16xi32>
          %gather3A_213 = tpu.vector_load_idx %arg12[%iota3A, %broadcast_in_dim3A_212] : memref<16x128xf32, #tpu.memory_space<vmem>>[vector<16xi32>, vector<16xi32>], vector<16xf32>,
          tpu.vector_store_idx %arg14[%broadcast_in_dim3A_212, %gather3A], %gather3A_213 masked %lt3A_147 : memref<64x512xf32, #tpu.memory_space<vmem>>[vector<16xi32>, vector<16xi32>], vector<16xf32>, vector<16xi1>
          %broadcast_in_dim3A_214 = arith.constant 22 : i32
          %broadcast_in_dim3A_215 = vector.broadcast %broadcast_in_dim3A_214 : i32 to vector<16xi32>
          %gather3A_216 = tpu.vector_load_idx %arg12[%iota3A, %broadcast_in_dim3A_215] : memref<16x128xf32, #tpu.memory_space<vmem>>[vector<16xi32>, vector<16xi32>], vector<16xf32>,
          tpu.vector_store_idx %arg14[%broadcast_in_dim3A_215, %gather3A], %gather3A_216 masked %lt3A_147 : memref<64x512xf32, #tpu.memory_space<vmem>>[vector<16xi32>, vector<16xi32>], vector<16xf32>, vector<16xi1>
          %broadcast_in_dim3A_217 = arith.constant 23 : i32
          %broadcast_in_dim3A_218 = vector.broadcast %broadcast_in_dim3A_217 : i32 to vector<16xi32>
          %gather3A_219 = tpu.vector_load_idx %arg12[%iota3A, %broadcast_in_dim3A_218] : memref<16x128xf32, #tpu.memory_space<vmem>>[vector<16xi32>, vector<16xi32>], vector<16xf32>,
          tpu.vector_store_idx %arg14[%broadcast_in_dim3A_218, %gather3A], %gather3A_219 masked %lt3A_147 : memref<64x512xf32, #tpu.memory_space<vmem>>[vector<16xi32>, vector<16xi32>], vector<16xf32>, vector<16xi1>
          %broadcast_in_dim3A_220 = arith.constant 24 : i32
          %broadcast_in_dim3A_221 = vector.broadcast %broadcast_in_dim3A_220 : i32 to vector<16xi32>
          %gather3A_222 = tpu.vector_load_idx %arg12[%iota3A, %broadcast_in_dim3A_221] : memref<16x128xf32, #tpu.memory_space<vmem>>[vector<16xi32>, vector<16xi32>], vector<16xf32>,
          tpu.vector_store_idx %arg14[%broadcast_in_dim3A_221, %gather3A], %gather3A_222 masked %lt3A_147 : memref<64x512xf32, #tpu.memory_space<vmem>>[vector<16xi32>, vector<16xi32>], vector<16xf32>, vector<16xi1>
          %broadcast_in_dim3A_223 = arith.constant 25 : i32
          %broadcast_in_dim3A_224 = vector.broadcast %broadcast_in_dim3A_223 : i32 to vector<16xi32>
          %gather3A_225 = tpu.vector_load_idx %arg12[%iota3A, %broadcast_in_dim3A_224] : memref<16x128xf32, #tpu.memory_space<vmem>>[vector<16xi32>, vector<16xi32>], vector<16xf32>,
          tpu.vector_store_idx %arg14[%broadcast_in_dim3A_224, %gather3A], %gather3A_225 masked %lt3A_147 : memref<64x512xf32, #tpu.memory_space<vmem>>[vector<16xi32>, vector<16xi32>], vector<16xf32>, vector<16xi1>
          %broadcast_in_dim3A_226 = arith.constant 26 : i32
          %broadcast_in_dim3A_227 = vector.broadcast %broadcast_in_dim3A_226 : i32 to vector<16xi32>
          %gather3A_228 = tpu.vector_load_idx %arg12[%iota3A, %broadcast_in_dim3A_227] : memref<16x128xf32, #tpu.memory_space<vmem>>[vector<16xi32>, vector<16xi32>], vector<16xf32>,
          tpu.vector_store_idx %arg14[%broadcast_in_dim3A_227, %gather3A], %gather3A_228 masked %lt3A_147 : memref<64x512xf32, #tpu.memory_space<vmem>>[vector<16xi32>, vector<16xi32>], vector<16xf32>, vector<16xi1>
          %broadcast_in_dim3A_229 = arith.constant 27 : i32
          %broadcast_in_dim3A_230 = vector.broadcast %broadcast_in_dim3A_229 : i32 to vector<16xi32>
          %gather3A_231 = tpu.vector_load_idx %arg12[%iota3A, %broadcast_in_dim3A_230] : memref<16x128xf32, #tpu.memory_space<vmem>>[vector<16xi32>, vector<16xi32>], vector<16xf32>,
          tpu.vector_store_idx %arg14[%broadcast_in_dim3A_230, %gather3A], %gather3A_231 masked %lt3A_147 : memref<64x512xf32, #tpu.memory_space<vmem>>[vector<16xi32>, vector<16xi32>], vector<16xf32>, vector<16xi1>
          %broadcast_in_dim3A_232 = arith.constant 28 : i32
          %broadcast_in_dim3A_233 = vector.broadcast %broadcast_in_dim3A_232 : i32 to vector<16xi32>
          %gather3A_234 = tpu.vector_load_idx %arg12[%iota3A, %broadcast_in_dim3A_233] : memref<16x128xf32, #tpu.memory_space<vmem>>[vector<16xi32>, vector<16xi32>], vector<16xf32>,
          tpu.vector_store_idx %arg14[%broadcast_in_dim3A_233, %gather3A], %gather3A_234 masked %lt3A_147 : memref<64x512xf32, #tpu.memory_space<vmem>>[vector<16xi32>, vector<16xi32>], vector<16xf32>, vector<16xi1>
          %broadcast_in_dim3A_235 = arith.constant 29 : i32
          %broadcast_in_dim3A_236 = vector.broadcast %broadcast_in_dim3A_235 : i32 to vector<16xi32>
          %gather3A_237 = tpu.vector_load_idx %arg12[%iota3A, %broadcast_in_dim3A_236] : memref<16x128xf32, #tpu.memory_space<vmem>>[vector<16xi32>, vector<16xi32>], vector<16xf32>,
          tpu.vector_store_idx %arg14[%broadcast_in_dim3A_236, %gather3A], %gather3A_237 masked %lt3A_147 : memref<64x512xf32, #tpu.memory_space<vmem>>[vector<16xi32>, vector<16xi32>], vector<16xf32>, vector<16xi1>
          %broadcast_in_dim3A_238 = arith.constant 30 : i32
          %broadcast_in_dim3A_239 = vector.broadcast %broadcast_in_dim3A_238 : i32 to vector<16xi32>
          %gather3A_240 = tpu.vector_load_idx %arg12[%iota3A, %broadcast_in_dim3A_239] : memref<16x128xf32, #tpu.memory_space<vmem>>[vector<16xi32>, vector<16xi32>], vector<16xf32>,
          tpu.vector_store_idx %arg14[%broadcast_in_dim3A_239, %gather3A], %gather3A_240 masked %lt3A_147 : memref<64x512xf32, #tpu.memory_space<vmem>>[vector<16xi32>, vector<16xi32>], vector<16xf32>, vector<16xi1>
          %broadcast_in_dim3A_241 = arith.constant 31 : i32
          %broadcast_in_dim3A_242 = vector.broadcast %broadcast_in_dim3A_241 : i32 to vector<16xi32>
          %gather3A_243 = tpu.vector_load_idx %arg12[%iota3A, %broadcast_in_dim3A_242] : memref<16x128xf32, #tpu.memory_space<vmem>>[vector<16xi32>, vector<16xi32>], vector<16xf32>,
          tpu.vector_store_idx %arg14[%broadcast_in_dim3A_242, %gather3A], %gather3A_243 masked %lt3A_147 : memref<64x512xf32, #tpu.memory_space<vmem>>[vector<16xi32>, vector<16xi32>], vector<16xf32>, vector<16xi1>
          %broadcast_in_dim3A_244 = arith.constant 32 : i32
          %broadcast_in_dim3A_245 = vector.broadcast %broadcast_in_dim3A_244 : i32 to vector<16xi32>
          %gather3A_246 = tpu.vector_load_idx %arg12[%iota3A, %broadcast_in_dim3A_245] : memref<16x128xf32, #tpu.memory_space<vmem>>[vector<16xi32>, vector<16xi32>], vector<16xf32>,
          tpu.vector_store_idx %arg14[%broadcast_in_dim3A_245, %gather3A], %gather3A_246 masked %lt3A_147 : memref<64x512xf32, #tpu.memory_space<vmem>>[vector<16xi32>, vector<16xi32>], vector<16xf32>, vector<16xi1>
          %broadcast_in_dim3A_247 = arith.constant 33 : i32
          %broadcast_in_dim3A_248 = vector.broadcast %broadcast_in_dim3A_247 : i32 to vector<16xi32>
          %gather3A_249 = tpu.vector_load_idx %arg12[%iota3A, %broadcast_in_dim3A_248] : memref<16x128xf32, #tpu.memory_space<vmem>>[vector<16xi32>, vector<16xi32>], vector<16xf32>,
          tpu.vector_store_idx %arg14[%broadcast_in_dim3A_248, %gather3A], %gather3A_249 masked %lt3A_147 : memref<64x512xf32, #tpu.memory_space<vmem>>[vector<16xi32>, vector<16xi32>], vector<16xf32>, vector<16xi1>
          %broadcast_in_dim3A_250 = arith.constant 34 : i32
          %broadcast_in_dim3A_251 = vector.broadcast %broadcast_in_dim3A_250 : i32 to vector<16xi32>
          %gather3A_252 = tpu.vector_load_idx %arg12[%iota3A, %broadcast_in_dim3A_251] : memref<16x128xf32, #tpu.memory_space<vmem>>[vector<16xi32>, vector<16xi32>], vector<16xf32>,
          tpu.vector_store_idx %arg14[%broadcast_in_dim3A_251, %gather3A], %gather3A_252 masked %lt3A_147 : memref<64x512xf32, #tpu.memory_space<vmem>>[vector<16xi32>, vector<16xi32>], vector<16xf32>, vector<16xi1>
          %broadcast_in_dim3A_253 = arith.constant 35 : i32
          %broadcast_in_dim3A_254 = vector.broadcast %broadcast_in_dim3A_253 : i32 to vector<16xi32>
          %gather3A_255 = tpu.vector_load_idx %arg12[%iota3A, %broadcast_in_dim3A_254] : memref<16x128xf32, #tpu.memory_space<vmem>>[vector<16xi32>, vector<16xi32>], vector<16xf32>,
          tpu.vector_store_idx %arg14[%broadcast_in_dim3A_254, %gather3A], %gather3A_255 masked %lt3A_147 : memref<64x512xf32, #tpu.memory_space<vmem>>[vector<16xi32>, vector<16xi32>], vector<16xf32>, vector<16xi1>
          %broadcast_in_dim3A_256 = arith.constant 36 : i32
          %broadcast_in_dim3A_257 = vector.broadcast %broadcast_in_dim3A_256 : i32 to vector<16xi32>
          %gather3A_258 = tpu.vector_load_idx %arg12[%iota3A, %broadcast_in_dim3A_257] : memref<16x128xf32, #tpu.memory_space<vmem>>[vector<16xi32>, vector<16xi32>], vector<16xf32>,
          tpu.vector_store_idx %arg14[%broadcast_in_dim3A_257, %gather3A], %gather3A_258 masked %lt3A_147 : memref<64x512xf32, #tpu.memory_space<vmem>>[vector<16xi32>, vector<16xi32>], vector<16xf32>, vector<16xi1>
          %broadcast_in_dim3A_259 = arith.constant 37 : i32
          %broadcast_in_dim3A_260 = vector.broadcast %broadcast_in_dim3A_259 : i32 to vector<16xi32>
          %gather3A_261 = tpu.vector_load_idx %arg12[%iota3A, %broadcast_in_dim3A_260] : memref<16x128xf32, #tpu.memory_space<vmem>>[vector<16xi32>, vector<16xi32>], vector<16xf32>,
          tpu.vector_store_idx %arg14[%broadcast_in_dim3A_260, %gather3A], %gather3A_261 masked %lt3A_147 : memref<64x512xf32, #tpu.memory_space<vmem>>[vector<16xi32>, vector<16xi32>], vector<16xf32>, vector<16xi1>
          %broadcast_in_dim3A_262 = arith.constant 38 : i32
          %broadcast_in_dim3A_263 = vector.broadcast %broadcast_in_dim3A_262 : i32 to vector<16xi32>
          %gather3A_264 = tpu.vector_load_idx %arg12[%iota3A, %broadcast_in_dim3A_263] : memref<16x128xf32, #tpu.memory_space<vmem>>[vector<16xi32>, vector<16xi32>], vector<16xf32>,
          tpu.vector_store_idx %arg14[%broadcast_in_dim3A_263, %gather3A], %gather3A_264 masked %lt3A_147 : memref<64x512xf32, #tpu.memory_space<vmem>>[vector<16xi32>, vector<16xi32>], vector<16xf32>, vector<16xi1>
          %broadcast_in_dim3A_265 = arith.constant 39 : i32
          %broadcast_in_dim3A_266 = vector.broadcast %broadcast_in_dim3A_265 : i32 to vector<16xi32>
          %gather3A_267 = tpu.vector_load_idx %arg12[%iota3A, %broadcast_in_dim3A_266] : memref<16x128xf32, #tpu.memory_space<vmem>>[vector<16xi32>, vector<16xi32>], vector<16xf32>,
          tpu.vector_store_idx %arg14[%broadcast_in_dim3A_266, %gather3A], %gather3A_267 masked %lt3A_147 : memref<64x512xf32, #tpu.memory_space<vmem>>[vector<16xi32>, vector<16xi32>], vector<16xf32>, vector<16xi1>
          %broadcast_in_dim3A_268 = arith.constant 40 : i32
          %broadcast_in_dim3A_269 = vector.broadcast %broadcast_in_dim3A_268 : i32 to vector<16xi32>
          %gather3A_270 = tpu.vector_load_idx %arg12[%iota3A, %broadcast_in_dim3A_269] : memref<16x128xf32, #tpu.memory_space<vmem>>[vector<16xi32>, vector<16xi32>], vector<16xf32>,
          tpu.vector_store_idx %arg14[%broadcast_in_dim3A_269, %gather3A], %gather3A_270 masked %lt3A_147 : memref<64x512xf32, #tpu.memory_space<vmem>>[vector<16xi32>, vector<16xi32>], vector<16xf32>, vector<16xi1>
          %broadcast_in_dim3A_271 = arith.constant 41 : i32
          %broadcast_in_dim3A_272 = vector.broadcast %broadcast_in_dim3A_271 : i32 to vector<16xi32>
          %gather3A_273 = tpu.vector_load_idx %arg12[%iota3A, %broadcast_in_dim3A_272] : memref<16x128xf32, #tpu.memory_space<vmem>>[vector<16xi32>, vector<16xi32>], vector<16xf32>,
          tpu.vector_store_idx %arg14[%broadcast_in_dim3A_272, %gather3A], %gather3A_273 masked %lt3A_147 : memref<64x512xf32, #tpu.memory_space<vmem>>[vector<16xi32>, vector<16xi32>], vector<16xf32>, vector<16xi1>
          %broadcast_in_dim3A_274 = arith.constant 42 : i32
          %broadcast_in_dim3A_275 = vector.broadcast %broadcast_in_dim3A_274 : i32 to vector<16xi32>
          %gather3A_276 = tpu.vector_load_idx %arg12[%iota3A, %broadcast_in_dim3A_275] : memref<16x128xf32, #tpu.memory_space<vmem>>[vector<16xi32>, vector<16xi32>], vector<16xf32>,
          tpu.vector_store_idx %arg14[%broadcast_in_dim3A_275, %gather3A], %gather3A_276 masked %lt3A_147 : memref<64x512xf32, #tpu.memory_space<vmem>>[vector<16xi32>, vector<16xi32>], vector<16xf32>, vector<16xi1>
          %broadcast_in_dim3A_277 = arith.constant 43 : i32
          %broadcast_in_dim3A_278 = vector.broadcast %broadcast_in_dim3A_277 : i32 to vector<16xi32>
          %gather3A_279 = tpu.vector_load_idx %arg12[%iota3A, %broadcast_in_dim3A_278] : memref<16x128xf32, #tpu.memory_space<vmem>>[vector<16xi32>, vector<16xi32>], vector<16xf32>,
          tpu.vector_store_idx %arg14[%broadcast_in_dim3A_278, %gather3A], %gather3A_279 masked %lt3A_147 : memref<64x512xf32, #tpu.memory_space<vmem>>[vector<16xi32>, vector<16xi32>], vector<16xf32>, vector<16xi1>
          %broadcast_in_dim3A_280 = arith.constant 44 : i32
          %broadcast_in_dim3A_281 = vector.broadcast %broadcast_in_dim3A_280 : i32 to vector<16xi32>
          %gather3A_282 = tpu.vector_load_idx %arg12[%iota3A, %broadcast_in_dim3A_281] : memref<16x128xf32, #tpu.memory_space<vmem>>[vector<16xi32>, vector<16xi32>], vector<16xf32>,
          tpu.vector_store_idx %arg14[%broadcast_in_dim3A_281, %gather3A], %gather3A_282 masked %lt3A_147 : memref<64x512xf32, #tpu.memory_space<vmem>>[vector<16xi32>, vector<16xi32>], vector<16xf32>, vector<16xi1>
          %broadcast_in_dim3A_283 = arith.constant 45 : i32
          %broadcast_in_dim3A_284 = vector.broadcast %broadcast_in_dim3A_283 : i32 to vector<16xi32>
          %gather3A_285 = tpu.vector_load_idx %arg12[%iota3A, %broadcast_in_dim3A_284] : memref<16x128xf32, #tpu.memory_space<vmem>>[vector<16xi32>, vector<16xi32>], vector<16xf32>,
          tpu.vector_store_idx %arg14[%broadcast_in_dim3A_284, %gather3A], %gather3A_285 masked %lt3A_147 : memref<64x512xf32, #tpu.memory_space<vmem>>[vector<16xi32>, vector<16xi32>], vector<16xf32>, vector<16xi1>
          %broadcast_in_dim3A_286 = arith.constant 46 : i32
          %broadcast_in_dim3A_287 = vector.broadcast %broadcast_in_dim3A_286 : i32 to vector<16xi32>
          %gather3A_288 = tpu.vector_load_idx %arg12[%iota3A, %broadcast_in_dim3A_287] : memref<16x128xf32, #tpu.memory_space<vmem>>[vector<16xi32>, vector<16xi32>], vector<16xf32>,
          tpu.vector_store_idx %arg14[%broadcast_in_dim3A_287, %gather3A], %gather3A_288 masked %lt3A_147 : memref<64x512xf32, #tpu.memory_space<vmem>>[vector<16xi32>, vector<16xi32>], vector<16xf32>, vector<16xi1>
          %broadcast_in_dim3A_289 = arith.constant 47 : i32
          %broadcast_in_dim3A_290 = vector.broadcast %broadcast_in_dim3A_289 : i32 to vector<16xi32>
          %gather3A_291 = tpu.vector_load_idx %arg12[%iota3A, %broadcast_in_dim3A_290] : memref<16x128xf32, #tpu.memory_space<vmem>>[vector<16xi32>, vector<16xi32>], vector<16xf32>,
          tpu.vector_store_idx %arg14[%broadcast_in_dim3A_290, %gather3A], %gather3A_291 masked %lt3A_147 : memref<64x512xf32, #tpu.memory_space<vmem>>[vector<16xi32>, vector<16xi32>], vector<16xf32>, vector<16xi1>
          %broadcast_in_dim3A_292 = arith.constant 48 : i32
          %broadcast_in_dim3A_293 = vector.broadcast %broadcast_in_dim3A_292 : i32 to vector<16xi32>
          %gather3A_294 = tpu.vector_load_idx %arg12[%iota3A, %broadcast_in_dim3A_293] : memref<16x128xf32, #tpu.memory_space<vmem>>[vector<16xi32>, vector<16xi32>], vector<16xf32>,
          tpu.vector_store_idx %arg14[%broadcast_in_dim3A_293, %gather3A], %gather3A_294 masked %lt3A_147 : memref<64x512xf32, #tpu.memory_space<vmem>>[vector<16xi32>, vector<16xi32>], vector<16xf32>, vector<16xi1>
          %broadcast_in_dim3A_295 = arith.constant 49 : i32
          %broadcast_in_dim3A_296 = vector.broadcast %broadcast_in_dim3A_295 : i32 to vector<16xi32>
          %gather3A_297 = tpu.vector_load_idx %arg12[%iota3A, %broadcast_in_dim3A_296] : memref<16x128xf32, #tpu.memory_space<vmem>>[vector<16xi32>, vector<16xi32>], vector<16xf32>,
          tpu.vector_store_idx %arg14[%broadcast_in_dim3A_296, %gather3A], %gather3A_297 masked %lt3A_147 : memref<64x512xf32, #tpu.memory_space<vmem>>[vector<16xi32>, vector<16xi32>], vector<16xf32>, vector<16xi1>
          %broadcast_in_dim3A_298 = arith.constant 50 : i32
          %broadcast_in_dim3A_299 = vector.broadcast %broadcast_in_dim3A_298 : i32 to vector<16xi32>
          %gather3A_300 = tpu.vector_load_idx %arg12[%iota3A, %broadcast_in_dim3A_299] : memref<16x128xf32, #tpu.memory_space<vmem>>[vector<16xi32>, vector<16xi32>], vector<16xf32>,
          tpu.vector_store_idx %arg14[%broadcast_in_dim3A_299, %gather3A], %gather3A_300 masked %lt3A_147 : memref<64x512xf32, #tpu.memory_space<vmem>>[vector<16xi32>, vector<16xi32>], vector<16xf32>, vector<16xi1>
          %broadcast_in_dim3A_301 = arith.constant 51 : i32
          %broadcast_in_dim3A_302 = vector.broadcast %broadcast_in_dim3A_301 : i32 to vector<16xi32>
          %gather3A_303 = tpu.vector_load_idx %arg12[%iota3A, %broadcast_in_dim3A_302] : memref<16x128xf32, #tpu.memory_space<vmem>>[vector<16xi32>, vector<16xi32>], vector<16xf32>,
          tpu.vector_store_idx %arg14[%broadcast_in_dim3A_302, %gather3A], %gather3A_303 masked %lt3A_147 : memref<64x512xf32, #tpu.memory_space<vmem>>[vector<16xi32>, vector<16xi32>], vector<16xf32>, vector<16xi1>
          %broadcast_in_dim3A_304 = arith.constant 52 : i32
          %broadcast_in_dim3A_305 = vector.broadcast %broadcast_in_dim3A_304 : i32 to vector<16xi32>
          %gather3A_306 = tpu.vector_load_idx %arg12[%iota3A, %broadcast_in_dim3A_305] : memref<16x128xf32, #tpu.memory_space<vmem>>[vector<16xi32>, vector<16xi32>], vector<16xf32>,
          tpu.vector_store_idx %arg14[%broadcast_in_dim3A_305, %gather3A], %gather3A_306 masked %lt3A_147 : memref<64x512xf32, #tpu.memory_space<vmem>>[vector<16xi32>, vector<16xi32>], vector<16xf32>, vector<16xi1>
          %broadcast_in_dim3A_307 = arith.constant 53 : i32
          %broadcast_in_dim3A_308 = vector.broadcast %broadcast_in_dim3A_307 : i32 to vector<16xi32>
          %gather3A_309 = tpu.vector_load_idx %arg12[%iota3A, %broadcast_in_dim3A_308] : memref<16x128xf32, #tpu.memory_space<vmem>>[vector<16xi32>, vector<16xi32>], vector<16xf32>,
          tpu.vector_store_idx %arg14[%broadcast_in_dim3A_308, %gather3A], %gather3A_309 masked %lt3A_147 : memref<64x512xf32, #tpu.memory_space<vmem>>[vector<16xi32>, vector<16xi32>], vector<16xf32>, vector<16xi1>
          %broadcast_in_dim3A_310 = arith.constant 54 : i32
          %broadcast_in_dim3A_311 = vector.broadcast %broadcast_in_dim3A_310 : i32 to vector<16xi32>
          %gather3A_312 = tpu.vector_load_idx %arg12[%iota3A, %broadcast_in_dim3A_311] : memref<16x128xf32, #tpu.memory_space<vmem>>[vector<16xi32>, vector<16xi32>], vector<16xf32>,
          tpu.vector_store_idx %arg14[%broadcast_in_dim3A_311, %gather3A], %gather3A_312 masked %lt3A_147 : memref<64x512xf32, #tpu.memory_space<vmem>>[vector<16xi32>, vector<16xi32>], vector<16xf32>, vector<16xi1>
          %broadcast_in_dim3A_313 = arith.constant 55 : i32
          %broadcast_in_dim3A_314 = vector.broadcast %broadcast_in_dim3A_313 : i32 to vector<16xi32>
          %gather3A_315 = tpu.vector_load_idx %arg12[%iota3A, %broadcast_in_dim3A_314] : memref<16x128xf32, #tpu.memory_space<vmem>>[vector<16xi32>, vector<16xi32>], vector<16xf32>,
          tpu.vector_store_idx %arg14[%broadcast_in_dim3A_314, %gather3A], %gather3A_315 masked %lt3A_147 : memref<64x512xf32, #tpu.memory_space<vmem>>[vector<16xi32>, vector<16xi32>], vector<16xf32>, vector<16xi1>
          %broadcast_in_dim3A_316 = arith.constant 56 : i32
          %broadcast_in_dim3A_317 = vector.broadcast %broadcast_in_dim3A_316 : i32 to vector<16xi32>
          %gather3A_318 = tpu.vector_load_idx %arg12[%iota3A, %broadcast_in_dim3A_317] : memref<16x128xf32, #tpu.memory_space<vmem>>[vector<16xi32>, vector<16xi32>], vector<16xf32>,
          tpu.vector_store_idx %arg14[%broadcast_in_dim3A_317, %gather3A], %gather3A_318 masked %lt3A_147 : memref<64x512xf32, #tpu.memory_space<vmem>>[vector<16xi32>, vector<16xi32>], vector<16xf32>, vector<16xi1>
          %broadcast_in_dim3A_319 = arith.constant 57 : i32
          %broadcast_in_dim3A_320 = vector.broadcast %broadcast_in_dim3A_319 : i32 to vector<16xi32>
          %gather3A_321 = tpu.vector_load_idx %arg12[%iota3A, %broadcast_in_dim3A_320] : memref<16x128xf32, #tpu.memory_space<vmem>>[vector<16xi32>, vector<16xi32>], vector<16xf32>,
          tpu.vector_store_idx %arg14[%broadcast_in_dim3A_320, %gather3A], %gather3A_321 masked %lt3A_147 : memref<64x512xf32, #tpu.memory_space<vmem>>[vector<16xi32>, vector<16xi32>], vector<16xf32>, vector<16xi1>
          %broadcast_in_dim3A_322 = arith.constant 58 : i32
          %broadcast_in_dim3A_323 = vector.broadcast %broadcast_in_dim3A_322 : i32 to vector<16xi32>
          %gather3A_324 = tpu.vector_load_idx %arg12[%iota3A, %broadcast_in_dim3A_323] : memref<16x128xf32, #tpu.memory_space<vmem>>[vector<16xi32>, vector<16xi32>], vector<16xf32>,
          tpu.vector_store_idx %arg14[%broadcast_in_dim3A_323, %gather3A], %gather3A_324 masked %lt3A_147 : memref<64x512xf32, #tpu.memory_space<vmem>>[vector<16xi32>, vector<16xi32>], vector<16xf32>, vector<16xi1>
          %broadcast_in_dim3A_325 = arith.constant 59 : i32
          %broadcast_in_dim3A_326 = vector.broadcast %broadcast_in_dim3A_325 : i32 to vector<16xi32>
          %gather3A_327 = tpu.vector_load_idx %arg12[%iota3A, %broadcast_in_dim3A_326] : memref<16x128xf32, #tpu.memory_space<vmem>>[vector<16xi32>, vector<16xi32>], vector<16xf32>,
          tpu.vector_store_idx %arg14[%broadcast_in_dim3A_326, %gather3A], %gather3A_327 masked %lt3A_147 : memref<64x512xf32, #tpu.memory_space<vmem>>[vector<16xi32>, vector<16xi32>], vector<16xf32>, vector<16xi1>
          %broadcast_in_dim3A_328 = arith.constant 60 : i32
          %broadcast_in_dim3A_329 = vector.broadcast %broadcast_in_dim3A_328 : i32 to vector<16xi32>
          %gather3A_330 = tpu.vector_load_idx %arg12[%iota3A, %broadcast_in_dim3A_329] : memref<16x128xf32, #tpu.memory_space<vmem>>[vector<16xi32>, vector<16xi32>], vector<16xf32>,
          tpu.vector_store_idx %arg14[%broadcast_in_dim3A_329, %gather3A], %gather3A_330 masked %lt3A_147 : memref<64x512xf32, #tpu.memory_space<vmem>>[vector<16xi32>, vector<16xi32>], vector<16xf32>, vector<16xi1>
          %broadcast_in_dim3A_331 = arith.constant 61 : i32
          %broadcast_in_dim3A_332 = vector.broadcast %broadcast_in_dim3A_331 : i32 to vector<16xi32>
          %gather3A_333 = tpu.vector_load_idx %arg12[%iota3A, %broadcast_in_dim3A_332] : memref<16x128xf32, #tpu.memory_space<vmem>>[vector<16xi32>, vector<16xi32>], vector<16xf32>,
          tpu.vector_store_idx %arg14[%broadcast_in_dim3A_332, %gather3A], %gather3A_333 masked %lt3A_147 : memref<64x512xf32, #tpu.memory_space<vmem>>[vector<16xi32>, vector<16xi32>], vector<16xf32>, vector<16xi1>
          %broadcast_in_dim3A_334 = arith.constant 62 : i32
          %broadcast_in_dim3A_335 = vector.broadcast %broadcast_in_dim3A_334 : i32 to vector<16xi32>
          %gather3A_336 = tpu.vector_load_idx %arg12[%iota3A, %broadcast_in_dim3A_335] : memref<16x128xf32, #tpu.memory_space<vmem>>[vector<16xi32>, vector<16xi32>], vector<16xf32>,
          tpu.vector_store_idx %arg14[%broadcast_in_dim3A_335, %gather3A], %gather3A_336 masked %lt3A_147 : memref<64x512xf32, #tpu.memory_space<vmem>>[vector<16xi32>, vector<16xi32>], vector<16xf32>, vector<16xi1>
          %broadcast_in_dim3A_337 = arith.constant 63 : i32
          %broadcast_in_dim3A_338 = vector.broadcast %broadcast_in_dim3A_337 : i32 to vector<16xi32>
          %gather3A_339 = tpu.vector_load_idx %arg12[%iota3A, %broadcast_in_dim3A_338] : memref<16x128xf32, #tpu.memory_space<vmem>>[vector<16xi32>, vector<16xi32>], vector<16xf32>,
          tpu.vector_store_idx %arg14[%broadcast_in_dim3A_338, %gather3A], %gather3A_339 masked %lt3A_147 : memref<64x512xf32, #tpu.memory_space<vmem>>[vector<16xi32>, vector<16xi32>], vector<16xf32>, vector<16xi1>
        }
        %mul3A_126 = arith.constant 512 : i32
        %mul3A_127 = arith.muli %while3A_67, %mul3A_126 : i32
        %add3A_128 = arith.addi %mul3A_2, %mul3A_127 : i32
        %dma_start3A_129 = arith.constant 0 : i32
        %dma_start3A_130 = tpu.memref_slice %arg5[%dma_start3A_129, %add3A_128] : memref<64x1000000xf32, #tpu.memory_space<hbm>> -> memref<64x512xf32, #tpu.memory_space<hbm>>
        %dma_start3A_131 = arith.constant 0 : i32
        %dma_start3A_132 = tpu.memref_slice %arg5[%dma_start3A_131, %add3A_128] : memref<64x1000000xf32, #tpu.memory_space<hbm>> -> memref<64x512xf32, #tpu.memory_space<hbm>>
        tpu.enqueue_dma source(%arg14 : memref<64x512xf32, #tpu.memory_space<vmem>>) target(%dma_start3A_132 : memref<64x512xf32, #tpu.memory_space<hbm>>) target_semaphore(%arg18 : memref<!tpu.dma_semaphore, #tpu.memory_space<semaphore_mem>>)
        scf.yield %cond3A_86 : vector<16xi32>
      } else {
        %sub3A_77 = arith.constant 1 : i32
        %sub3A_78 = arith.subi %while3A_67, %sub3A_77 : i32
        %mul3A_79 = arith.constant 512 : i32
        %mul3A_80 = arith.muli %sub3A_78, %mul3A_79 : i32
        %add3A_81 = arith.addi %mul3A_2, %mul3A_80 : i32
        %dma_wait3A = arith.constant 0 : i32
        %dma_wait3A_82 = tpu.memref_slice %arg5[%dma_wait3A, %add3A_81] : memref<64x1000000xf32, #tpu.memory_space<hbm>> -> memref<64x512xf32, #tpu.memory_space<hbm>>
        %dma_wait3A_83 = arith.constant 0 : i32
        %dma_wait3A_84 = tpu.memref_slice %arg5[%dma_wait3A_83, %add3A_81] : memref<64x1000000xf32, #tpu.memory_space<hbm>> -> memref<64x512xf32, #tpu.memory_space<hbm>>
        tpu.wait_dma2 semaphore(%arg18 : memref<!tpu.dma_semaphore, #tpu.memory_space<semaphore_mem>>) src(%arg14 : memref<64x512xf32, #tpu.memory_space<vmem>>) dst(%dma_wait3A_84 : memref<64x512xf32, #tpu.memory_space<hbm>>)
        %add3A_85 = arith.constant 1 : i32
        %add3A_86 = arith.addi %while3A_67, %add3A_85 : i32
        %lt3A = arith.cmpi slt, %add3A_86, %select_n3A_9 : i32
        %convert_element_type3A_87 = arith.extui %lt3A : i1 to i32
        %cond3A_88 = arith.constant 0 : i32
        %cond3A_89 = arith.cmpi ne, %convert_element_type3A_87, %cond3A_88 : i32
        %cond3A_90 = scf.if %cond3A_89 -> (vector<16xi32>) {
          %add3A_138 = arith.constant 1 : i32
          %add3A_139 = arith.addi %while3A_67, %add3A_138 : i32
          %mul3A_140 = arith.constant 512 : i32
          %mul3A_141 = arith.muli %add3A_139, %mul3A_140 : i32
          %broadcast_in_dim3A_142 = arith.constant 0 : i32
          %broadcast_in_dim3A_143 = vector.broadcast %broadcast_in_dim3A_142 : i32 to vector<16xi32>
          %scan3A_144 = arith.constant 0 : i32
          %scan3A_145 = arith.constant 8 : i32
          %scan3A_146 = arith.addi %scan3A_144, %scan3A_145 : i32
          %scan3A_147 = arith.constant 1 : i32
          %scan3A_148 = scf.for %scan3A_165 = %scan3A_144 to %scan3A_146 step %scan3A_147 iter_args(%scan3A_166 = %broadcast_in_dim3A_143) -> (vector<16xi32>)  : i32 {
            %mul3A_167 = arith.constant 4 : i32
            %mul3A_168 = arith.muli %scan3A_165, %mul3A_167 : i32
            %add3A_169 = arith.constant 0 : i32
            %add3A_170 = arith.addi %mul3A_168, %add3A_169 : i32
            %mul3A_171 = arith.constant 16 : i32
            %mul3A_172 = arith.muli %add3A_170, %mul3A_171 : i32
            %add3A_173 = arith.addi %mul3A_141, %mul3A_172 : i32
            %add3A_174 = vector.broadcast %add3A_173 : i32 to vector<16xi32>
            %add3A_175 = arith.addi %add3A_174, %iota3A : vector<16xi32>
            %gather3A = tpu.vector_load_idx %arg7[%add3A_175] : memref<31744xi32, #tpu.memory_space<vmem>>[vector<16xi32>], vector<16xi32>,
            %ge3A = arith.constant 0 : i32
            %ge3A_176 = vector.broadcast %ge3A : i32 to vector<16xi32>
            %ge3A_177 = arith.cmpi sge, %gather3A, %ge3A_176 : vector<16xi32>
            %convert_element_type3A_178 = arith.extui %ge3A_177 : vector<16xi1> to vector<16xi32>
            %broadcast_in_dim3A_179 = arith.constant true
            %broadcast_in_dim3A_180 = vector.broadcast %broadcast_in_dim3A_179 : i1 to vector<16xi1>
            %masked_cumsum3A = tpu.scan <sum>, %convert_element_type3A_178 masked %broadcast_in_dim3A_180 : vector<16xi32>, vector<16xi1> -> vector<16xi32>
            %sub3A_181 = arith.subi %masked_cumsum3A, %convert_element_type3A_178 : vector<16xi32>
            %add3A_182 = arith.addi %scan3A_166, %sub3A_181 : vector<16xi32>
            tpu.vector_store_idx %arg8[%add3A_182], %gather3A masked %ge3A_177 : memref<528xi32, #tpu.memory_space<vmem>>[vector<16xi32>], vector<16xi32>, vector<16xi1>
            %add3A_183 = vector.broadcast %mul3A_172 : i32 to vector<16xi32>
            %add3A_184 = arith.addi %add3A_183, %iota3A : vector<16xi32>
            tpu.vector_store_idx %arg9[%add3A_182], %add3A_184 masked %ge3A_177 : memref<528xi32, #tpu.memory_space<vmem>>[vector<16xi32>], vector<16xi32>, vector<16xi1>
            %all_reduce_population_count3A = tpu.all_reduce %ge3A_177 {dim = 0 : i64, kind = #tpu.reduction_kind<sum>} : vector<16xi1> -> vector<16xi32>
            %add3A_185 = arith.addi %scan3A_166, %all_reduce_population_count3A : vector<16xi32>
            %mul3A_186 = arith.constant 4 : i32
            %mul3A_187 = arith.muli %scan3A_165, %mul3A_186 : i32
            %add3A_188 = arith.constant 1 : i32
            %add3A_189 = arith.addi %mul3A_187, %add3A_188 : i32
            %mul3A_190 = arith.constant 16 : i32
            %mul3A_191 = arith.muli %add3A_189, %mul3A_190 : i32
            %add3A_192 = arith.addi %mul3A_141, %mul3A_191 : i32
            %add3A_193 = vector.broadcast %add3A_192 : i32 to vector<16xi32>
            %add3A_194 = arith.addi %add3A_193, %iota3A : vector<16xi32>
            %gather3A_195 = tpu.vector_load_idx %arg7[%add3A_194] : memref<31744xi32, #tpu.memory_space<vmem>>[vector<16xi32>], vector<16xi32>,
            %ge3A_196 = arith.constant 0 : i32
            %ge3A_197 = vector.broadcast %ge3A_196 : i32 to vector<16xi32>
            %ge3A_198 = arith.cmpi sge, %gather3A_195, %ge3A_197 : vector<16xi32>
            %convert_element_type3A_199 = arith.extui %ge3A_198 : vector<16xi1> to vector<16xi32>
            %broadcast_in_dim3A_200 = arith.constant true
            %broadcast_in_dim3A_201 = vector.broadcast %broadcast_in_dim3A_200 : i1 to vector<16xi1>
            %masked_cumsum3A_202 = tpu.scan <sum>, %convert_element_type3A_199 masked %broadcast_in_dim3A_201 : vector<16xi32>, vector<16xi1> -> vector<16xi32>
            %sub3A_203 = arith.subi %masked_cumsum3A_202, %convert_element_type3A_199 : vector<16xi32>
            %add3A_204 = arith.addi %add3A_185, %sub3A_203 : vector<16xi32>
            tpu.vector_store_idx %arg8[%add3A_204], %gather3A_195 masked %ge3A_198 : memref<528xi32, #tpu.memory_space<vmem>>[vector<16xi32>], vector<16xi32>, vector<16xi1>
            %add3A_205 = vector.broadcast %mul3A_191 : i32 to vector<16xi32>
            %add3A_206 = arith.addi %add3A_205, %iota3A : vector<16xi32>
            tpu.vector_store_idx %arg9[%add3A_204], %add3A_206 masked %ge3A_198 : memref<528xi32, #tpu.memory_space<vmem>>[vector<16xi32>], vector<16xi32>, vector<16xi1>
            %all_reduce_population_count3A_207 = tpu.all_reduce %ge3A_198 {dim = 0 : i64, kind = #tpu.reduction_kind<sum>} : vector<16xi1> -> vector<16xi32>
            %add3A_208 = arith.addi %add3A_185, %all_reduce_population_count3A_207 : vector<16xi32>
            %mul3A_209 = arith.constant 4 : i32
            %mul3A_210 = arith.muli %scan3A_165, %mul3A_209 : i32
            %add3A_211 = arith.constant 2 : i32
            %add3A_212 = arith.addi %mul3A_210, %add3A_211 : i32
            %mul3A_213 = arith.constant 16 : i32
            %mul3A_214 = arith.muli %add3A_212, %mul3A_213 : i32
            %add3A_215 = arith.addi %mul3A_141, %mul3A_214 : i32
            %add3A_216 = vector.broadcast %add3A_215 : i32 to vector<16xi32>
            %add3A_217 = arith.addi %add3A_216, %iota3A : vector<16xi32>
            %gather3A_218 = tpu.vector_load_idx %arg7[%add3A_217] : memref<31744xi32, #tpu.memory_space<vmem>>[vector<16xi32>], vector<16xi32>,
            %ge3A_219 = arith.constant 0 : i32
            %ge3A_220 = vector.broadcast %ge3A_219 : i32 to vector<16xi32>
            %ge3A_221 = arith.cmpi sge, %gather3A_218, %ge3A_220 : vector<16xi32>
            %convert_element_type3A_222 = arith.extui %ge3A_221 : vector<16xi1> to vector<16xi32>
            %broadcast_in_dim3A_223 = arith.constant true
            %broadcast_in_dim3A_224 = vector.broadcast %broadcast_in_dim3A_223 : i1 to vector<16xi1>
            %masked_cumsum3A_225 = tpu.scan <sum>, %convert_element_type3A_222 masked %broadcast_in_dim3A_224 : vector<16xi32>, vector<16xi1> -> vector<16xi32>
            %sub3A_226 = arith.subi %masked_cumsum3A_225, %convert_element_type3A_222 : vector<16xi32>
            %add3A_227 = arith.addi %add3A_208, %sub3A_226 : vector<16xi32>
            tpu.vector_store_idx %arg8[%add3A_227], %gather3A_218 masked %ge3A_221 : memref<528xi32, #tpu.memory_space<vmem>>[vector<16xi32>], vector<16xi32>, vector<16xi1>
            %add3A_228 = vector.broadcast %mul3A_214 : i32 to vector<16xi32>
            %add3A_229 = arith.addi %add3A_228, %iota3A : vector<16xi32>
            tpu.vector_store_idx %arg9[%add3A_227], %add3A_229 masked %ge3A_221 : memref<528xi32, #tpu.memory_space<vmem>>[vector<16xi32>], vector<16xi32>, vector<16xi1>
            %all_reduce_population_count3A_230 = tpu.all_reduce %ge3A_221 {dim = 0 : i64, kind = #tpu.reduction_kind<sum>} : vector<16xi1> -> vector<16xi32>
            %add3A_231 = arith.addi %add3A_208, %all_reduce_population_count3A_230 : vector<16xi32>
            %mul3A_232 = arith.constant 4 : i32
            %mul3A_233 = arith.muli %scan3A_165, %mul3A_232 : i32
            %add3A_234 = arith.constant 3 : i32
            %add3A_235 = arith.addi %mul3A_233, %add3A_234 : i32
            %mul3A_236 = arith.constant 16 : i32
            %mul3A_237 = arith.muli %add3A_235, %mul3A_236 : i32
            %add3A_238 = arith.addi %mul3A_141, %mul3A_237 : i32
            %add3A_239 = vector.broadcast %add3A_238 : i32 to vector<16xi32>
            %add3A_240 = arith.addi %add3A_239, %iota3A : vector<16xi32>
            %gather3A_241 = tpu.vector_load_idx %arg7[%add3A_240] : memref<31744xi32, #tpu.memory_space<vmem>>[vector<16xi32>], vector<16xi32>,
            %ge3A_242 = arith.constant 0 : i32
            %ge3A_243 = vector.broadcast %ge3A_242 : i32 to vector<16xi32>
            %ge3A_244 = arith.cmpi sge, %gather3A_241, %ge3A_243 : vector<16xi32>
            %convert_element_type3A_245 = arith.extui %ge3A_244 : vector<16xi1> to vector<16xi32>
            %broadcast_in_dim3A_246 = arith.constant true
            %broadcast_in_dim3A_247 = vector.broadcast %broadcast_in_dim3A_246 : i1 to vector<16xi1>
            %masked_cumsum3A_248 = tpu.scan <sum>, %convert_element_type3A_245 masked %broadcast_in_dim3A_247 : vector<16xi32>, vector<16xi1> -> vector<16xi32>
            %sub3A_249 = arith.subi %masked_cumsum3A_248, %convert_element_type3A_245 : vector<16xi32>
            %add3A_250 = arith.addi %add3A_231, %sub3A_249 : vector<16xi32>
            tpu.vector_store_idx %arg8[%add3A_250], %gather3A_241 masked %ge3A_244 : memref<528xi32, #tpu.memory_space<vmem>>[vector<16xi32>], vector<16xi32>, vector<16xi1>
            %add3A_251 = vector.broadcast %mul3A_237 : i32 to vector<16xi32>
            %add3A_252 = arith.addi %add3A_251, %iota3A : vector<16xi32>
            tpu.vector_store_idx %arg9[%add3A_250], %add3A_252 masked %ge3A_244 : memref<528xi32, #tpu.memory_space<vmem>>[vector<16xi32>], vector<16xi32>, vector<16xi1>
            %all_reduce_population_count3A_253 = tpu.all_reduce %ge3A_244 {dim = 0 : i64, kind = #tpu.reduction_kind<sum>} : vector<16xi1> -> vector<16xi32>
            %add3A_254 = arith.addi %add3A_231, %all_reduce_population_count3A_253 : vector<16xi32>
            scf.yield %add3A_254 : vector<16xi32>
          }
          %scan3A_149 = arith.constant 8 : i32
          %broadcast_in_dim3A_150 = arith.constant 0 : i32
          %broadcast_in_dim3A_151 = vector.broadcast %broadcast_in_dim3A_150 : i32 to vector<16xi32>
          %mul3A_152 = arith.constant 61 : i32
          %mul3A_153 = arith.muli %add3A, %mul3A_152 : i32
          %add3A_154 = arith.addi %mul3A_153, %add3A_139 : i32
          %and3A_155 = arith.constant 16383 : i32
          %and3A_156 = arith.andi %add3A_154, %and3A_155 : i32
          %add3A_157 = vector.broadcast %and3A_156 : i32 to vector<16xi32>
          %add3A_158 = arith.addi %broadcast_in_dim3A_151, %add3A_157 : vector<16xi32>
          %add3A_159 = arith.addi %scan3A_148, %iota3A : vector<16xi32>
          tpu.vector_store_idx %arg8[%add3A_159], %add3A_158 : memref<528xi32, #tpu.memory_space<vmem>>[vector<16xi32>], vector<16xi32>,
          %dma_start3A_160 = arith.constant 0 : i32
          %dma_start3A_161 = tpu.memref_slice %arg8[%dma_start3A_160] : memref<528xi32, #tpu.memory_space<vmem>> -> memref<16xi32, #tpu.memory_space<vmem>>
          %dma_start3A_162 = arith.constant 0 : i32
          %dma_start3A_163 = arith.constant 0 : i32
          %dma_start3A_164 = tpu.memref_slice %arg4[%dma_start3A_162, %dma_start3A_163] : memref<16384x128xf32, #tpu.memory_space<hbm>> -> memref<16384x128xf32, #tpu.memory_space<hbm>>
          tpu.enqueue_indirect_dma source(%dma_start3A_164 : memref<16384x128xf32, #tpu.memory_space<hbm>>) target(%arg12 : memref<16x128xf32, #tpu.memory_space<vmem>>) offsets(%dma_start3A_161 : memref<16xi32, #tpu.memory_space<vmem>>) semaphore(%arg20 : memref<!tpu.dma_semaphore, #tpu.memory_space<semaphore_mem>>)
          scf.yield %scan3A_148 : vector<16xi32>
        } else {
          %broadcast_in_dim3A_138 = arith.constant 0 : i32
          %broadcast_in_dim3A_139 = vector.broadcast %broadcast_in_dim3A_138 : i32 to vector<16xi32>
          scf.yield %broadcast_in_dim3A_139 : vector<16xi32>
        }
        %mul3A_91 = arith.constant 512 : i32
        %mul3A_92 = arith.muli %while3A_67, %mul3A_91 : i32
        %add3A_93 = arith.addi %mul3A_2, %mul3A_92 : i32
        %dma_wait3A_94 = arith.constant 0 : i32
        %dma_wait3A_95 = tpu.memref_slice %arg2[%dma_wait3A_94, %add3A_93] : memref<64x1000000xf32, #tpu.memory_space<hbm>> -> memref<64x512xf32, #tpu.memory_space<hbm>>
        %dma_wait3A_96 = arith.constant 0 : i32
        %dma_wait3A_97 = tpu.memref_slice %arg2[%dma_wait3A_96, %add3A_93] : memref<64x1000000xf32, #tpu.memory_space<hbm>> -> memref<64x512xf32, #tpu.memory_space<hbm>>
        tpu.wait_dma2 semaphore(%arg17 : memref<!tpu.dma_semaphore, #tpu.memory_space<semaphore_mem>>) src(%dma_wait3A_97 : memref<64x512xf32, #tpu.memory_space<hbm>>) dst(%arg15 : memref<64x512xf32, #tpu.memory_space<vmem>>)
        %add3A_98 = arith.constant 1 : i32
        %add3A_99 = arith.addi %while3A_67, %add3A_98 : i32
        %lt3A_100 = arith.cmpi slt, %add3A_99, %select_n3A_9 : i32
        %convert_element_type3A_101 = arith.extui %lt3A_100 : i1 to i32
        %cond3A_102 = arith.constant 0 : i32
        %cond3A_103 = arith.cmpi ne, %convert_element_type3A_101, %cond3A_102 : i32
        scf.if %cond3A_103 {
          %add3A_138 = arith.constant 1 : i32
          %add3A_139 = arith.addi %while3A_67, %add3A_138 : i32
          %mul3A_140 = arith.constant 512 : i32
          %mul3A_141 = arith.muli %add3A_139, %mul3A_140 : i32
          %add3A_142 = arith.addi %mul3A_2, %mul3A_141 : i32
          %dma_start3A_143 = arith.constant 0 : i32
          %dma_start3A_144 = tpu.memref_slice %arg2[%dma_start3A_143, %add3A_142] : memref<64x1000000xf32, #tpu.memory_space<hbm>> -> memref<64x512xf32, #tpu.memory_space<hbm>>
          %dma_start3A_145 = arith.constant 0 : i32
          %dma_start3A_146 = tpu.memref_slice %arg2[%dma_start3A_145, %add3A_142] : memref<64x1000000xf32, #tpu.memory_space<hbm>> -> memref<64x512xf32, #tpu.memory_space<hbm>>
          tpu.enqueue_dma source(%dma_start3A_146 : memref<64x512xf32, #tpu.memory_space<hbm>>) target(%arg14 : memref<64x512xf32, #tpu.memory_space<vmem>>) target_semaphore(%arg16 : memref<!tpu.dma_semaphore, #tpu.memory_space<semaphore_mem>>)
        } else {
        }
        %dma_wait3A_104 = arith.constant 0 : i32
        %dma_wait3A_105 = tpu.memref_slice %arg10[%dma_wait3A_104] : memref<528xi32, #tpu.memory_space<vmem>> -> memref<16xi32, #tpu.memory_space<vmem>>
        %dma_wait3A_106 = arith.constant 0 : i32
        %dma_wait3A_107 = arith.constant 0 : i32
        %dma_wait3A_108 = tpu.memref_slice %arg4[%dma_wait3A_106, %dma_wait3A_107] : memref<16384x128xf32, #tpu.memory_space<hbm>> -> memref<16384x128xf32, #tpu.memory_space<hbm>>
        tpu.wait_indirect_dma semaphore(%arg21 : memref<!tpu.dma_semaphore, #tpu.memory_space<semaphore_mem>>) src(%dma_wait3A_108 : memref<16384x128xf32, #tpu.memory_space<hbm>>) dst(%arg13 : memref<16x128xf32, #tpu.memory_space<vmem>>)
        %reduce_max3A = arith.constant true
        %reduce_max3A_109 = vector.broadcast %reduce_max3A : i1 to vector<16xi1>
        %reduce_max3A_110 = arith.constant -2147483648 : i32
        %reduce_max3A_111 = vector.broadcast %reduce_max3A_110 : i32 to vector<16xi32>
        %reduce_max3A_112 = arith.xori %while3A_68, %reduce_max3A_111 : vector<16xi32>
        %reduce_max3A_113 = tpu.scan <max>, %reduce_max3A_112 masked %reduce_max3A_109 : vector<16xi32>, vector<16xi1> -> vector<16xi32>
        %reduce_max3A_114 = arith.xori %reduce_max3A_113, %reduce_max3A_111 : vector<16xi32>
        %reduce_max3A_115 = vector.extract %reduce_max3A_114[15] : i32 from vector<16xi32>
        %add3A_116 = arith.constant 16 : i32
        %add3A_117 = arith.addi %reduce_max3A_115, %add3A_116 : i32
        %sub3A_118 = arith.constant 1 : i32
        %sub3A_119 = arith.subi %add3A_117, %sub3A_118 : i32
        %shift_right_logical3A = arith.constant 4 : i32
        %shift_right_logical3A_120 = arith.shrui %sub3A_119, %shift_right_logical3A : i32
        %while3A_121 = arith.constant 0 : i32
        %while3A_122 = arith.constant 0 : i32
        %while3A_123 = arith.subi %shift_right_logical3A_120, %while3A_122 : i32
        %while3A_124 = arith.addi %while3A_122, %while3A_123 : i32
        %while3A_125 = arith.constant 1 : i32
        %while3A_126 = arith.divsi %while3A_123, %while3A_125 : i32
        %while3A_127 = arith.muli %while3A_126, %while3A_125 : i32
        %while3A_128 = arith.addi %while3A_122, %while3A_127 : i32
        %while3A_129 = arith.constant 1 : i32
        scf.for %while3A_138 = %while3A_122 to %while3A_128 step %while3A_129  : i32 {
          %gt3A = arith.constant 0 : i32
          %gt3A_139 = arith.cmpi sgt, %while3A_138, %gt3A : i32
          %convert_element_type3A_140 = arith.extui %gt3A_139 : i1 to i32
          %cond3A_141 = arith.constant 0 : i32
          %cond3A_142 = arith.cmpi ne, %convert_element_type3A_140, %cond3A_141 : i32
          scf.if %cond3A_142 {
            %mul3A_344 = arith.constant 16 : i32
            %mul3A_345 = arith.muli %while3A_138, %mul3A_344 : i32
            %dma_start3A_346 = tpu.memref_slice %arg10[%mul3A_345] : memref<528xi32, #tpu.memory_space<vmem>> -> memref<16xi32, #tpu.memory_space<vmem>>
            %dma_start3A_347 = arith.constant 0 : i32
            %dma_start3A_348 = arith.constant 0 : i32
            %dma_start3A_349 = tpu.memref_slice %arg4[%dma_start3A_347, %dma_start3A_348] : memref<16384x128xf32, #tpu.memory_space<hbm>> -> memref<16384x128xf32, #tpu.memory_space<hbm>>
            tpu.enqueue_indirect_dma source(%dma_start3A_349 : memref<16384x128xf32, #tpu.memory_space<hbm>>) target(%arg13 : memref<16x128xf32, #tpu.memory_space<vmem>>) offsets(%dma_start3A_346 : memref<16xi32, #tpu.memory_space<vmem>>) semaphore(%arg21 : memref<!tpu.dma_semaphore, #tpu.memory_space<semaphore_mem>>)
            %dma_wait3A_350 = tpu.memref_slice %arg10[%mul3A_345] : memref<528xi32, #tpu.memory_space<vmem>> -> memref<16xi32, #tpu.memory_space<vmem>>
            %dma_wait3A_351 = arith.constant 0 : i32
            %dma_wait3A_352 = arith.constant 0 : i32
            %dma_wait3A_353 = tpu.memref_slice %arg4[%dma_wait3A_351, %dma_wait3A_352] : memref<16384x128xf32, #tpu.memory_space<hbm>> -> memref<16384x128xf32, #tpu.memory_space<hbm>>
            tpu.wait_indirect_dma semaphore(%arg21 : memref<!tpu.dma_semaphore, #tpu.memory_space<semaphore_mem>>) src(%dma_wait3A_353 : memref<16384x128xf32, #tpu.memory_space<hbm>>) dst(%arg13 : memref<16x128xf32, #tpu.memory_space<vmem>>)
          } else {
          }
          %mul3A_143 = arith.constant 16 : i32
          %mul3A_144 = arith.muli %while3A_138, %mul3A_143 : i32
          %add3A_145 = vector.broadcast %mul3A_144 : i32 to vector<16xi32>
          %add3A_146 = arith.addi %add3A_145, %iota3A : vector<16xi32>
          %gather3A = tpu.vector_load_idx %arg11[%add3A_146] : memref<528xi32, #tpu.memory_space<vmem>>[vector<16xi32>], vector<16xi32>,
          %mul3A_147 = arith.constant 16 : i32
          %mul3A_148 = arith.muli %while3A_138, %mul3A_147 : i32
          %add3A_149 = vector.broadcast %mul3A_148 : i32 to vector<16xi32>
          %add3A_150 = arith.addi %add3A_149, %iota3A : vector<16xi32>
          %lt3A_151 = arith.cmpi slt, %add3A_150, %while3A_68 : vector<16xi32>
          %broadcast_in_dim3A_152 = arith.constant 0 : i32
          %broadcast_in_dim3A_153 = vector.broadcast %broadcast_in_dim3A_152 : i32 to vector<16xi32>
          %gather3A_154 = tpu.vector_load_idx %arg13[%iota3A, %broadcast_in_dim3A_153] : memref<16x128xf32, #tpu.memory_space<vmem>>[vector<16xi32>, vector<16xi32>], vector<16xf32>,
          tpu.vector_store_idx %arg15[%broadcast_in_dim3A_153, %gather3A], %gather3A_154 masked %lt3A_151 : memref<64x512xf32, #tpu.memory_space<vmem>>[vector<16xi32>, vector<16xi32>], vector<16xf32>, vector<16xi1>
          %broadcast_in_dim3A_155 = arith.constant 1 : i32
          %broadcast_in_dim3A_156 = vector.broadcast %broadcast_in_dim3A_155 : i32 to vector<16xi32>
          %gather3A_157 = tpu.vector_load_idx %arg13[%iota3A, %broadcast_in_dim3A_156] : memref<16x128xf32, #tpu.memory_space<vmem>>[vector<16xi32>, vector<16xi32>], vector<16xf32>,
          tpu.vector_store_idx %arg15[%broadcast_in_dim3A_156, %gather3A], %gather3A_157 masked %lt3A_151 : memref<64x512xf32, #tpu.memory_space<vmem>>[vector<16xi32>, vector<16xi32>], vector<16xf32>, vector<16xi1>
          %broadcast_in_dim3A_158 = arith.constant 2 : i32
          %broadcast_in_dim3A_159 = vector.broadcast %broadcast_in_dim3A_158 : i32 to vector<16xi32>
          %gather3A_160 = tpu.vector_load_idx %arg13[%iota3A, %broadcast_in_dim3A_159] : memref<16x128xf32, #tpu.memory_space<vmem>>[vector<16xi32>, vector<16xi32>], vector<16xf32>,
          tpu.vector_store_idx %arg15[%broadcast_in_dim3A_159, %gather3A], %gather3A_160 masked %lt3A_151 : memref<64x512xf32, #tpu.memory_space<vmem>>[vector<16xi32>, vector<16xi32>], vector<16xf32>, vector<16xi1>
          %broadcast_in_dim3A_161 = arith.constant 3 : i32
          %broadcast_in_dim3A_162 = vector.broadcast %broadcast_in_dim3A_161 : i32 to vector<16xi32>
          %gather3A_163 = tpu.vector_load_idx %arg13[%iota3A, %broadcast_in_dim3A_162] : memref<16x128xf32, #tpu.memory_space<vmem>>[vector<16xi32>, vector<16xi32>], vector<16xf32>,
          tpu.vector_store_idx %arg15[%broadcast_in_dim3A_162, %gather3A], %gather3A_163 masked %lt3A_151 : memref<64x512xf32, #tpu.memory_space<vmem>>[vector<16xi32>, vector<16xi32>], vector<16xf32>, vector<16xi1>
          %broadcast_in_dim3A_164 = arith.constant 4 : i32
          %broadcast_in_dim3A_165 = vector.broadcast %broadcast_in_dim3A_164 : i32 to vector<16xi32>
          %gather3A_166 = tpu.vector_load_idx %arg13[%iota3A, %broadcast_in_dim3A_165] : memref<16x128xf32, #tpu.memory_space<vmem>>[vector<16xi32>, vector<16xi32>], vector<16xf32>,
          tpu.vector_store_idx %arg15[%broadcast_in_dim3A_165, %gather3A], %gather3A_166 masked %lt3A_151 : memref<64x512xf32, #tpu.memory_space<vmem>>[vector<16xi32>, vector<16xi32>], vector<16xf32>, vector<16xi1>
          %broadcast_in_dim3A_167 = arith.constant 5 : i32
          %broadcast_in_dim3A_168 = vector.broadcast %broadcast_in_dim3A_167 : i32 to vector<16xi32>
          %gather3A_169 = tpu.vector_load_idx %arg13[%iota3A, %broadcast_in_dim3A_168] : memref<16x128xf32, #tpu.memory_space<vmem>>[vector<16xi32>, vector<16xi32>], vector<16xf32>,
          tpu.vector_store_idx %arg15[%broadcast_in_dim3A_168, %gather3A], %gather3A_169 masked %lt3A_151 : memref<64x512xf32, #tpu.memory_space<vmem>>[vector<16xi32>, vector<16xi32>], vector<16xf32>, vector<16xi1>
          %broadcast_in_dim3A_170 = arith.constant 6 : i32
          %broadcast_in_dim3A_171 = vector.broadcast %broadcast_in_dim3A_170 : i32 to vector<16xi32>
          %gather3A_172 = tpu.vector_load_idx %arg13[%iota3A, %broadcast_in_dim3A_171] : memref<16x128xf32, #tpu.memory_space<vmem>>[vector<16xi32>, vector<16xi32>], vector<16xf32>,
          tpu.vector_store_idx %arg15[%broadcast_in_dim3A_171, %gather3A], %gather3A_172 masked %lt3A_151 : memref<64x512xf32, #tpu.memory_space<vmem>>[vector<16xi32>, vector<16xi32>], vector<16xf32>, vector<16xi1>
          %broadcast_in_dim3A_173 = arith.constant 7 : i32
          %broadcast_in_dim3A_174 = vector.broadcast %broadcast_in_dim3A_173 : i32 to vector<16xi32>
          %gather3A_175 = tpu.vector_load_idx %arg13[%iota3A, %broadcast_in_dim3A_174] : memref<16x128xf32, #tpu.memory_space<vmem>>[vector<16xi32>, vector<16xi32>], vector<16xf32>,
          tpu.vector_store_idx %arg15[%broadcast_in_dim3A_174, %gather3A], %gather3A_175 masked %lt3A_151 : memref<64x512xf32, #tpu.memory_space<vmem>>[vector<16xi32>, vector<16xi32>], vector<16xf32>, vector<16xi1>
          %broadcast_in_dim3A_176 = arith.constant 8 : i32
          %broadcast_in_dim3A_177 = vector.broadcast %broadcast_in_dim3A_176 : i32 to vector<16xi32>
          %gather3A_178 = tpu.vector_load_idx %arg13[%iota3A, %broadcast_in_dim3A_177] : memref<16x128xf32, #tpu.memory_space<vmem>>[vector<16xi32>, vector<16xi32>], vector<16xf32>,
          tpu.vector_store_idx %arg15[%broadcast_in_dim3A_177, %gather3A], %gather3A_178 masked %lt3A_151 : memref<64x512xf32, #tpu.memory_space<vmem>>[vector<16xi32>, vector<16xi32>], vector<16xf32>, vector<16xi1>
          %broadcast_in_dim3A_179 = arith.constant 9 : i32
          %broadcast_in_dim3A_180 = vector.broadcast %broadcast_in_dim3A_179 : i32 to vector<16xi32>
          %gather3A_181 = tpu.vector_load_idx %arg13[%iota3A, %broadcast_in_dim3A_180] : memref<16x128xf32, #tpu.memory_space<vmem>>[vector<16xi32>, vector<16xi32>], vector<16xf32>,
          tpu.vector_store_idx %arg15[%broadcast_in_dim3A_180, %gather3A], %gather3A_181 masked %lt3A_151 : memref<64x512xf32, #tpu.memory_space<vmem>>[vector<16xi32>, vector<16xi32>], vector<16xf32>, vector<16xi1>
          %broadcast_in_dim3A_182 = arith.constant 10 : i32
          %broadcast_in_dim3A_183 = vector.broadcast %broadcast_in_dim3A_182 : i32 to vector<16xi32>
          %gather3A_184 = tpu.vector_load_idx %arg13[%iota3A, %broadcast_in_dim3A_183] : memref<16x128xf32, #tpu.memory_space<vmem>>[vector<16xi32>, vector<16xi32>], vector<16xf32>,
          tpu.vector_store_idx %arg15[%broadcast_in_dim3A_183, %gather3A], %gather3A_184 masked %lt3A_151 : memref<64x512xf32, #tpu.memory_space<vmem>>[vector<16xi32>, vector<16xi32>], vector<16xf32>, vector<16xi1>
          %broadcast_in_dim3A_185 = arith.constant 11 : i32
          %broadcast_in_dim3A_186 = vector.broadcast %broadcast_in_dim3A_185 : i32 to vector<16xi32>
          %gather3A_187 = tpu.vector_load_idx %arg13[%iota3A, %broadcast_in_dim3A_186] : memref<16x128xf32, #tpu.memory_space<vmem>>[vector<16xi32>, vector<16xi32>], vector<16xf32>,
          tpu.vector_store_idx %arg15[%broadcast_in_dim3A_186, %gather3A], %gather3A_187 masked %lt3A_151 : memref<64x512xf32, #tpu.memory_space<vmem>>[vector<16xi32>, vector<16xi32>], vector<16xf32>, vector<16xi1>
          %broadcast_in_dim3A_188 = arith.constant 12 : i32
          %broadcast_in_dim3A_189 = vector.broadcast %broadcast_in_dim3A_188 : i32 to vector<16xi32>
          %gather3A_190 = tpu.vector_load_idx %arg13[%iota3A, %broadcast_in_dim3A_189] : memref<16x128xf32, #tpu.memory_space<vmem>>[vector<16xi32>, vector<16xi32>], vector<16xf32>,
          tpu.vector_store_idx %arg15[%broadcast_in_dim3A_189, %gather3A], %gather3A_190 masked %lt3A_151 : memref<64x512xf32, #tpu.memory_space<vmem>>[vector<16xi32>, vector<16xi32>], vector<16xf32>, vector<16xi1>
          %broadcast_in_dim3A_191 = arith.constant 13 : i32
          %broadcast_in_dim3A_192 = vector.broadcast %broadcast_in_dim3A_191 : i32 to vector<16xi32>
          %gather3A_193 = tpu.vector_load_idx %arg13[%iota3A, %broadcast_in_dim3A_192] : memref<16x128xf32, #tpu.memory_space<vmem>>[vector<16xi32>, vector<16xi32>], vector<16xf32>,
          tpu.vector_store_idx %arg15[%broadcast_in_dim3A_192, %gather3A], %gather3A_193 masked %lt3A_151 : memref<64x512xf32, #tpu.memory_space<vmem>>[vector<16xi32>, vector<16xi32>], vector<16xf32>, vector<16xi1>
          %broadcast_in_dim3A_194 = arith.constant 14 : i32
          %broadcast_in_dim3A_195 = vector.broadcast %broadcast_in_dim3A_194 : i32 to vector<16xi32>
          %gather3A_196 = tpu.vector_load_idx %arg13[%iota3A, %broadcast_in_dim3A_195] : memref<16x128xf32, #tpu.memory_space<vmem>>[vector<16xi32>, vector<16xi32>], vector<16xf32>,
          tpu.vector_store_idx %arg15[%broadcast_in_dim3A_195, %gather3A], %gather3A_196 masked %lt3A_151 : memref<64x512xf32, #tpu.memory_space<vmem>>[vector<16xi32>, vector<16xi32>], vector<16xf32>, vector<16xi1>
          %broadcast_in_dim3A_197 = arith.constant 15 : i32
          %broadcast_in_dim3A_198 = vector.broadcast %broadcast_in_dim3A_197 : i32 to vector<16xi32>
          %gather3A_199 = tpu.vector_load_idx %arg13[%iota3A, %broadcast_in_dim3A_198] : memref<16x128xf32, #tpu.memory_space<vmem>>[vector<16xi32>, vector<16xi32>], vector<16xf32>,
          tpu.vector_store_idx %arg15[%broadcast_in_dim3A_198, %gather3A], %gather3A_199 masked %lt3A_151 : memref<64x512xf32, #tpu.memory_space<vmem>>[vector<16xi32>, vector<16xi32>], vector<16xf32>, vector<16xi1>
          %broadcast_in_dim3A_200 = arith.constant 16 : i32
          %broadcast_in_dim3A_201 = vector.broadcast %broadcast_in_dim3A_200 : i32 to vector<16xi32>
          %gather3A_202 = tpu.vector_load_idx %arg13[%iota3A, %broadcast_in_dim3A_201] : memref<16x128xf32, #tpu.memory_space<vmem>>[vector<16xi32>, vector<16xi32>], vector<16xf32>,
          tpu.vector_store_idx %arg15[%broadcast_in_dim3A_201, %gather3A], %gather3A_202 masked %lt3A_151 : memref<64x512xf32, #tpu.memory_space<vmem>>[vector<16xi32>, vector<16xi32>], vector<16xf32>, vector<16xi1>
          %broadcast_in_dim3A_203 = arith.constant 17 : i32
          %broadcast_in_dim3A_204 = vector.broadcast %broadcast_in_dim3A_203 : i32 to vector<16xi32>
          %gather3A_205 = tpu.vector_load_idx %arg13[%iota3A, %broadcast_in_dim3A_204] : memref<16x128xf32, #tpu.memory_space<vmem>>[vector<16xi32>, vector<16xi32>], vector<16xf32>,
          tpu.vector_store_idx %arg15[%broadcast_in_dim3A_204, %gather3A], %gather3A_205 masked %lt3A_151 : memref<64x512xf32, #tpu.memory_space<vmem>>[vector<16xi32>, vector<16xi32>], vector<16xf32>, vector<16xi1>
          %broadcast_in_dim3A_206 = arith.constant 18 : i32
          %broadcast_in_dim3A_207 = vector.broadcast %broadcast_in_dim3A_206 : i32 to vector<16xi32>
          %gather3A_208 = tpu.vector_load_idx %arg13[%iota3A, %broadcast_in_dim3A_207] : memref<16x128xf32, #tpu.memory_space<vmem>>[vector<16xi32>, vector<16xi32>], vector<16xf32>,
          tpu.vector_store_idx %arg15[%broadcast_in_dim3A_207, %gather3A], %gather3A_208 masked %lt3A_151 : memref<64x512xf32, #tpu.memory_space<vmem>>[vector<16xi32>, vector<16xi32>], vector<16xf32>, vector<16xi1>
          %broadcast_in_dim3A_209 = arith.constant 19 : i32
          %broadcast_in_dim3A_210 = vector.broadcast %broadcast_in_dim3A_209 : i32 to vector<16xi32>
          %gather3A_211 = tpu.vector_load_idx %arg13[%iota3A, %broadcast_in_dim3A_210] : memref<16x128xf32, #tpu.memory_space<vmem>>[vector<16xi32>, vector<16xi32>], vector<16xf32>,
          tpu.vector_store_idx %arg15[%broadcast_in_dim3A_210, %gather3A], %gather3A_211 masked %lt3A_151 : memref<64x512xf32, #tpu.memory_space<vmem>>[vector<16xi32>, vector<16xi32>], vector<16xf32>, vector<16xi1>
          %broadcast_in_dim3A_212 = arith.constant 20 : i32
          %broadcast_in_dim3A_213 = vector.broadcast %broadcast_in_dim3A_212 : i32 to vector<16xi32>
          %gather3A_214 = tpu.vector_load_idx %arg13[%iota3A, %broadcast_in_dim3A_213] : memref<16x128xf32, #tpu.memory_space<vmem>>[vector<16xi32>, vector<16xi32>], vector<16xf32>,
          tpu.vector_store_idx %arg15[%broadcast_in_dim3A_213, %gather3A], %gather3A_214 masked %lt3A_151 : memref<64x512xf32, #tpu.memory_space<vmem>>[vector<16xi32>, vector<16xi32>], vector<16xf32>, vector<16xi1>
          %broadcast_in_dim3A_215 = arith.constant 21 : i32
          %broadcast_in_dim3A_216 = vector.broadcast %broadcast_in_dim3A_215 : i32 to vector<16xi32>
          %gather3A_217 = tpu.vector_load_idx %arg13[%iota3A, %broadcast_in_dim3A_216] : memref<16x128xf32, #tpu.memory_space<vmem>>[vector<16xi32>, vector<16xi32>], vector<16xf32>,
          tpu.vector_store_idx %arg15[%broadcast_in_dim3A_216, %gather3A], %gather3A_217 masked %lt3A_151 : memref<64x512xf32, #tpu.memory_space<vmem>>[vector<16xi32>, vector<16xi32>], vector<16xf32>, vector<16xi1>
          %broadcast_in_dim3A_218 = arith.constant 22 : i32
          %broadcast_in_dim3A_219 = vector.broadcast %broadcast_in_dim3A_218 : i32 to vector<16xi32>
          %gather3A_220 = tpu.vector_load_idx %arg13[%iota3A, %broadcast_in_dim3A_219] : memref<16x128xf32, #tpu.memory_space<vmem>>[vector<16xi32>, vector<16xi32>], vector<16xf32>,
          tpu.vector_store_idx %arg15[%broadcast_in_dim3A_219, %gather3A], %gather3A_220 masked %lt3A_151 : memref<64x512xf32, #tpu.memory_space<vmem>>[vector<16xi32>, vector<16xi32>], vector<16xf32>, vector<16xi1>
          %broadcast_in_dim3A_221 = arith.constant 23 : i32
          %broadcast_in_dim3A_222 = vector.broadcast %broadcast_in_dim3A_221 : i32 to vector<16xi32>
          %gather3A_223 = tpu.vector_load_idx %arg13[%iota3A, %broadcast_in_dim3A_222] : memref<16x128xf32, #tpu.memory_space<vmem>>[vector<16xi32>, vector<16xi32>], vector<16xf32>,
          tpu.vector_store_idx %arg15[%broadcast_in_dim3A_222, %gather3A], %gather3A_223 masked %lt3A_151 : memref<64x512xf32, #tpu.memory_space<vmem>>[vector<16xi32>, vector<16xi32>], vector<16xf32>, vector<16xi1>
          %broadcast_in_dim3A_224 = arith.constant 24 : i32
          %broadcast_in_dim3A_225 = vector.broadcast %broadcast_in_dim3A_224 : i32 to vector<16xi32>
          %gather3A_226 = tpu.vector_load_idx %arg13[%iota3A, %broadcast_in_dim3A_225] : memref<16x128xf32, #tpu.memory_space<vmem>>[vector<16xi32>, vector<16xi32>], vector<16xf32>,
          tpu.vector_store_idx %arg15[%broadcast_in_dim3A_225, %gather3A], %gather3A_226 masked %lt3A_151 : memref<64x512xf32, #tpu.memory_space<vmem>>[vector<16xi32>, vector<16xi32>], vector<16xf32>, vector<16xi1>
          %broadcast_in_dim3A_227 = arith.constant 25 : i32
          %broadcast_in_dim3A_228 = vector.broadcast %broadcast_in_dim3A_227 : i32 to vector<16xi32>
          %gather3A_229 = tpu.vector_load_idx %arg13[%iota3A, %broadcast_in_dim3A_228] : memref<16x128xf32, #tpu.memory_space<vmem>>[vector<16xi32>, vector<16xi32>], vector<16xf32>,
          tpu.vector_store_idx %arg15[%broadcast_in_dim3A_228, %gather3A], %gather3A_229 masked %lt3A_151 : memref<64x512xf32, #tpu.memory_space<vmem>>[vector<16xi32>, vector<16xi32>], vector<16xf32>, vector<16xi1>
          %broadcast_in_dim3A_230 = arith.constant 26 : i32
          %broadcast_in_dim3A_231 = vector.broadcast %broadcast_in_dim3A_230 : i32 to vector<16xi32>
          %gather3A_232 = tpu.vector_load_idx %arg13[%iota3A, %broadcast_in_dim3A_231] : memref<16x128xf32, #tpu.memory_space<vmem>>[vector<16xi32>, vector<16xi32>], vector<16xf32>,
          tpu.vector_store_idx %arg15[%broadcast_in_dim3A_231, %gather3A], %gather3A_232 masked %lt3A_151 : memref<64x512xf32, #tpu.memory_space<vmem>>[vector<16xi32>, vector<16xi32>], vector<16xf32>, vector<16xi1>
          %broadcast_in_dim3A_233 = arith.constant 27 : i32
          %broadcast_in_dim3A_234 = vector.broadcast %broadcast_in_dim3A_233 : i32 to vector<16xi32>
          %gather3A_235 = tpu.vector_load_idx %arg13[%iota3A, %broadcast_in_dim3A_234] : memref<16x128xf32, #tpu.memory_space<vmem>>[vector<16xi32>, vector<16xi32>], vector<16xf32>,
          tpu.vector_store_idx %arg15[%broadcast_in_dim3A_234, %gather3A], %gather3A_235 masked %lt3A_151 : memref<64x512xf32, #tpu.memory_space<vmem>>[vector<16xi32>, vector<16xi32>], vector<16xf32>, vector<16xi1>
          %broadcast_in_dim3A_236 = arith.constant 28 : i32
          %broadcast_in_dim3A_237 = vector.broadcast %broadcast_in_dim3A_236 : i32 to vector<16xi32>
          %gather3A_238 = tpu.vector_load_idx %arg13[%iota3A, %broadcast_in_dim3A_237] : memref<16x128xf32, #tpu.memory_space<vmem>>[vector<16xi32>, vector<16xi32>], vector<16xf32>,
          tpu.vector_store_idx %arg15[%broadcast_in_dim3A_237, %gather3A], %gather3A_238 masked %lt3A_151 : memref<64x512xf32, #tpu.memory_space<vmem>>[vector<16xi32>, vector<16xi32>], vector<16xf32>, vector<16xi1>
          %broadcast_in_dim3A_239 = arith.constant 29 : i32
          %broadcast_in_dim3A_240 = vector.broadcast %broadcast_in_dim3A_239 : i32 to vector<16xi32>
          %gather3A_241 = tpu.vector_load_idx %arg13[%iota3A, %broadcast_in_dim3A_240] : memref<16x128xf32, #tpu.memory_space<vmem>>[vector<16xi32>, vector<16xi32>], vector<16xf32>,
          tpu.vector_store_idx %arg15[%broadcast_in_dim3A_240, %gather3A], %gather3A_241 masked %lt3A_151 : memref<64x512xf32, #tpu.memory_space<vmem>>[vector<16xi32>, vector<16xi32>], vector<16xf32>, vector<16xi1>
          %broadcast_in_dim3A_242 = arith.constant 30 : i32
          %broadcast_in_dim3A_243 = vector.broadcast %broadcast_in_dim3A_242 : i32 to vector<16xi32>
          %gather3A_244 = tpu.vector_load_idx %arg13[%iota3A, %broadcast_in_dim3A_243] : memref<16x128xf32, #tpu.memory_space<vmem>>[vector<16xi32>, vector<16xi32>], vector<16xf32>,
          tpu.vector_store_idx %arg15[%broadcast_in_dim3A_243, %gather3A], %gather3A_244 masked %lt3A_151 : memref<64x512xf32, #tpu.memory_space<vmem>>[vector<16xi32>, vector<16xi32>], vector<16xf32>, vector<16xi1>
          %broadcast_in_dim3A_245 = arith.constant 31 : i32
          %broadcast_in_dim3A_246 = vector.broadcast %broadcast_in_dim3A_245 : i32 to vector<16xi32>
          %gather3A_247 = tpu.vector_load_idx %arg13[%iota3A, %broadcast_in_dim3A_246] : memref<16x128xf32, #tpu.memory_space<vmem>>[vector<16xi32>, vector<16xi32>], vector<16xf32>,
          tpu.vector_store_idx %arg15[%broadcast_in_dim3A_246, %gather3A], %gather3A_247 masked %lt3A_151 : memref<64x512xf32, #tpu.memory_space<vmem>>[vector<16xi32>, vector<16xi32>], vector<16xf32>, vector<16xi1>
          %broadcast_in_dim3A_248 = arith.constant 32 : i32
          %broadcast_in_dim3A_249 = vector.broadcast %broadcast_in_dim3A_248 : i32 to vector<16xi32>
          %gather3A_250 = tpu.vector_load_idx %arg13[%iota3A, %broadcast_in_dim3A_249] : memref<16x128xf32, #tpu.memory_space<vmem>>[vector<16xi32>, vector<16xi32>], vector<16xf32>,
          tpu.vector_store_idx %arg15[%broadcast_in_dim3A_249, %gather3A], %gather3A_250 masked %lt3A_151 : memref<64x512xf32, #tpu.memory_space<vmem>>[vector<16xi32>, vector<16xi32>], vector<16xf32>, vector<16xi1>
          %broadcast_in_dim3A_251 = arith.constant 33 : i32
          %broadcast_in_dim3A_252 = vector.broadcast %broadcast_in_dim3A_251 : i32 to vector<16xi32>
          %gather3A_253 = tpu.vector_load_idx %arg13[%iota3A, %broadcast_in_dim3A_252] : memref<16x128xf32, #tpu.memory_space<vmem>>[vector<16xi32>, vector<16xi32>], vector<16xf32>,
          tpu.vector_store_idx %arg15[%broadcast_in_dim3A_252, %gather3A], %gather3A_253 masked %lt3A_151 : memref<64x512xf32, #tpu.memory_space<vmem>>[vector<16xi32>, vector<16xi32>], vector<16xf32>, vector<16xi1>
          %broadcast_in_dim3A_254 = arith.constant 34 : i32
          %broadcast_in_dim3A_255 = vector.broadcast %broadcast_in_dim3A_254 : i32 to vector<16xi32>
          %gather3A_256 = tpu.vector_load_idx %arg13[%iota3A, %broadcast_in_dim3A_255] : memref<16x128xf32, #tpu.memory_space<vmem>>[vector<16xi32>, vector<16xi32>], vector<16xf32>,
          tpu.vector_store_idx %arg15[%broadcast_in_dim3A_255, %gather3A], %gather3A_256 masked %lt3A_151 : memref<64x512xf32, #tpu.memory_space<vmem>>[vector<16xi32>, vector<16xi32>], vector<16xf32>, vector<16xi1>
          %broadcast_in_dim3A_257 = arith.constant 35 : i32
          %broadcast_in_dim3A_258 = vector.broadcast %broadcast_in_dim3A_257 : i32 to vector<16xi32>
          %gather3A_259 = tpu.vector_load_idx %arg13[%iota3A, %broadcast_in_dim3A_258] : memref<16x128xf32, #tpu.memory_space<vmem>>[vector<16xi32>, vector<16xi32>], vector<16xf32>,
          tpu.vector_store_idx %arg15[%broadcast_in_dim3A_258, %gather3A], %gather3A_259 masked %lt3A_151 : memref<64x512xf32, #tpu.memory_space<vmem>>[vector<16xi32>, vector<16xi32>], vector<16xf32>, vector<16xi1>
          %broadcast_in_dim3A_260 = arith.constant 36 : i32
          %broadcast_in_dim3A_261 = vector.broadcast %broadcast_in_dim3A_260 : i32 to vector<16xi32>
          %gather3A_262 = tpu.vector_load_idx %arg13[%iota3A, %broadcast_in_dim3A_261] : memref<16x128xf32, #tpu.memory_space<vmem>>[vector<16xi32>, vector<16xi32>], vector<16xf32>,
          tpu.vector_store_idx %arg15[%broadcast_in_dim3A_261, %gather3A], %gather3A_262 masked %lt3A_151 : memref<64x512xf32, #tpu.memory_space<vmem>>[vector<16xi32>, vector<16xi32>], vector<16xf32>, vector<16xi1>
          %broadcast_in_dim3A_263 = arith.constant 37 : i32
          %broadcast_in_dim3A_264 = vector.broadcast %broadcast_in_dim3A_263 : i32 to vector<16xi32>
          %gather3A_265 = tpu.vector_load_idx %arg13[%iota3A, %broadcast_in_dim3A_264] : memref<16x128xf32, #tpu.memory_space<vmem>>[vector<16xi32>, vector<16xi32>], vector<16xf32>,
          tpu.vector_store_idx %arg15[%broadcast_in_dim3A_264, %gather3A], %gather3A_265 masked %lt3A_151 : memref<64x512xf32, #tpu.memory_space<vmem>>[vector<16xi32>, vector<16xi32>], vector<16xf32>, vector<16xi1>
          %broadcast_in_dim3A_266 = arith.constant 38 : i32
          %broadcast_in_dim3A_267 = vector.broadcast %broadcast_in_dim3A_266 : i32 to vector<16xi32>
          %gather3A_268 = tpu.vector_load_idx %arg13[%iota3A, %broadcast_in_dim3A_267] : memref<16x128xf32, #tpu.memory_space<vmem>>[vector<16xi32>, vector<16xi32>], vector<16xf32>,
          tpu.vector_store_idx %arg15[%broadcast_in_dim3A_267, %gather3A], %gather3A_268 masked %lt3A_151 : memref<64x512xf32, #tpu.memory_space<vmem>>[vector<16xi32>, vector<16xi32>], vector<16xf32>, vector<16xi1>
          %broadcast_in_dim3A_269 = arith.constant 39 : i32
          %broadcast_in_dim3A_270 = vector.broadcast %broadcast_in_dim3A_269 : i32 to vector<16xi32>
          %gather3A_271 = tpu.vector_load_idx %arg13[%iota3A, %broadcast_in_dim3A_270] : memref<16x128xf32, #tpu.memory_space<vmem>>[vector<16xi32>, vector<16xi32>], vector<16xf32>,
          tpu.vector_store_idx %arg15[%broadcast_in_dim3A_270, %gather3A], %gather3A_271 masked %lt3A_151 : memref<64x512xf32, #tpu.memory_space<vmem>>[vector<16xi32>, vector<16xi32>], vector<16xf32>, vector<16xi1>
          %broadcast_in_dim3A_272 = arith.constant 40 : i32
          %broadcast_in_dim3A_273 = vector.broadcast %broadcast_in_dim3A_272 : i32 to vector<16xi32>
          %gather3A_274 = tpu.vector_load_idx %arg13[%iota3A, %broadcast_in_dim3A_273] : memref<16x128xf32, #tpu.memory_space<vmem>>[vector<16xi32>, vector<16xi32>], vector<16xf32>,
          tpu.vector_store_idx %arg15[%broadcast_in_dim3A_273, %gather3A], %gather3A_274 masked %lt3A_151 : memref<64x512xf32, #tpu.memory_space<vmem>>[vector<16xi32>, vector<16xi32>], vector<16xf32>, vector<16xi1>
          %broadcast_in_dim3A_275 = arith.constant 41 : i32
          %broadcast_in_dim3A_276 = vector.broadcast %broadcast_in_dim3A_275 : i32 to vector<16xi32>
          %gather3A_277 = tpu.vector_load_idx %arg13[%iota3A, %broadcast_in_dim3A_276] : memref<16x128xf32, #tpu.memory_space<vmem>>[vector<16xi32>, vector<16xi32>], vector<16xf32>,
          tpu.vector_store_idx %arg15[%broadcast_in_dim3A_276, %gather3A], %gather3A_277 masked %lt3A_151 : memref<64x512xf32, #tpu.memory_space<vmem>>[vector<16xi32>, vector<16xi32>], vector<16xf32>, vector<16xi1>
          %broadcast_in_dim3A_278 = arith.constant 42 : i32
          %broadcast_in_dim3A_279 = vector.broadcast %broadcast_in_dim3A_278 : i32 to vector<16xi32>
          %gather3A_280 = tpu.vector_load_idx %arg13[%iota3A, %broadcast_in_dim3A_279] : memref<16x128xf32, #tpu.memory_space<vmem>>[vector<16xi32>, vector<16xi32>], vector<16xf32>,
          tpu.vector_store_idx %arg15[%broadcast_in_dim3A_279, %gather3A], %gather3A_280 masked %lt3A_151 : memref<64x512xf32, #tpu.memory_space<vmem>>[vector<16xi32>, vector<16xi32>], vector<16xf32>, vector<16xi1>
          %broadcast_in_dim3A_281 = arith.constant 43 : i32
          %broadcast_in_dim3A_282 = vector.broadcast %broadcast_in_dim3A_281 : i32 to vector<16xi32>
          %gather3A_283 = tpu.vector_load_idx %arg13[%iota3A, %broadcast_in_dim3A_282] : memref<16x128xf32, #tpu.memory_space<vmem>>[vector<16xi32>, vector<16xi32>], vector<16xf32>,
          tpu.vector_store_idx %arg15[%broadcast_in_dim3A_282, %gather3A], %gather3A_283 masked %lt3A_151 : memref<64x512xf32, #tpu.memory_space<vmem>>[vector<16xi32>, vector<16xi32>], vector<16xf32>, vector<16xi1>
          %broadcast_in_dim3A_284 = arith.constant 44 : i32
          %broadcast_in_dim3A_285 = vector.broadcast %broadcast_in_dim3A_284 : i32 to vector<16xi32>
          %gather3A_286 = tpu.vector_load_idx %arg13[%iota3A, %broadcast_in_dim3A_285] : memref<16x128xf32, #tpu.memory_space<vmem>>[vector<16xi32>, vector<16xi32>], vector<16xf32>,
          tpu.vector_store_idx %arg15[%broadcast_in_dim3A_285, %gather3A], %gather3A_286 masked %lt3A_151 : memref<64x512xf32, #tpu.memory_space<vmem>>[vector<16xi32>, vector<16xi32>], vector<16xf32>, vector<16xi1>
          %broadcast_in_dim3A_287 = arith.constant 45 : i32
          %broadcast_in_dim3A_288 = vector.broadcast %broadcast_in_dim3A_287 : i32 to vector<16xi32>
          %gather3A_289 = tpu.vector_load_idx %arg13[%iota3A, %broadcast_in_dim3A_288] : memref<16x128xf32, #tpu.memory_space<vmem>>[vector<16xi32>, vector<16xi32>], vector<16xf32>,
          tpu.vector_store_idx %arg15[%broadcast_in_dim3A_288, %gather3A], %gather3A_289 masked %lt3A_151 : memref<64x512xf32, #tpu.memory_space<vmem>>[vector<16xi32>, vector<16xi32>], vector<16xf32>, vector<16xi1>
          %broadcast_in_dim3A_290 = arith.constant 46 : i32
          %broadcast_in_dim3A_291 = vector.broadcast %broadcast_in_dim3A_290 : i32 to vector<16xi32>
          %gather3A_292 = tpu.vector_load_idx %arg13[%iota3A, %broadcast_in_dim3A_291] : memref<16x128xf32, #tpu.memory_space<vmem>>[vector<16xi32>, vector<16xi32>], vector<16xf32>,
          tpu.vector_store_idx %arg15[%broadcast_in_dim3A_291, %gather3A], %gather3A_292 masked %lt3A_151 : memref<64x512xf32, #tpu.memory_space<vmem>>[vector<16xi32>, vector<16xi32>], vector<16xf32>, vector<16xi1>
          %broadcast_in_dim3A_293 = arith.constant 47 : i32
          %broadcast_in_dim3A_294 = vector.broadcast %broadcast_in_dim3A_293 : i32 to vector<16xi32>
          %gather3A_295 = tpu.vector_load_idx %arg13[%iota3A, %broadcast_in_dim3A_294] : memref<16x128xf32, #tpu.memory_space<vmem>>[vector<16xi32>, vector<16xi32>], vector<16xf32>,
          tpu.vector_store_idx %arg15[%broadcast_in_dim3A_294, %gather3A], %gather3A_295 masked %lt3A_151 : memref<64x512xf32, #tpu.memory_space<vmem>>[vector<16xi32>, vector<16xi32>], vector<16xf32>, vector<16xi1>
          %broadcast_in_dim3A_296 = arith.constant 48 : i32
          %broadcast_in_dim3A_297 = vector.broadcast %broadcast_in_dim3A_296 : i32 to vector<16xi32>
          %gather3A_298 = tpu.vector_load_idx %arg13[%iota3A, %broadcast_in_dim3A_297] : memref<16x128xf32, #tpu.memory_space<vmem>>[vector<16xi32>, vector<16xi32>], vector<16xf32>,
          tpu.vector_store_idx %arg15[%broadcast_in_dim3A_297, %gather3A], %gather3A_298 masked %lt3A_151 : memref<64x512xf32, #tpu.memory_space<vmem>>[vector<16xi32>, vector<16xi32>], vector<16xf32>, vector<16xi1>
          %broadcast_in_dim3A_299 = arith.constant 49 : i32
          %broadcast_in_dim3A_300 = vector.broadcast %broadcast_in_dim3A_299 : i32 to vector<16xi32>
          %gather3A_301 = tpu.vector_load_idx %arg13[%iota3A, %broadcast_in_dim3A_300] : memref<16x128xf32, #tpu.memory_space<vmem>>[vector<16xi32>, vector<16xi32>], vector<16xf32>,
          tpu.vector_store_idx %arg15[%broadcast_in_dim3A_300, %gather3A], %gather3A_301 masked %lt3A_151 : memref<64x512xf32, #tpu.memory_space<vmem>>[vector<16xi32>, vector<16xi32>], vector<16xf32>, vector<16xi1>
          %broadcast_in_dim3A_302 = arith.constant 50 : i32
          %broadcast_in_dim3A_303 = vector.broadcast %broadcast_in_dim3A_302 : i32 to vector<16xi32>
          %gather3A_304 = tpu.vector_load_idx %arg13[%iota3A, %broadcast_in_dim3A_303] : memref<16x128xf32, #tpu.memory_space<vmem>>[vector<16xi32>, vector<16xi32>], vector<16xf32>,
          tpu.vector_store_idx %arg15[%broadcast_in_dim3A_303, %gather3A], %gather3A_304 masked %lt3A_151 : memref<64x512xf32, #tpu.memory_space<vmem>>[vector<16xi32>, vector<16xi32>], vector<16xf32>, vector<16xi1>
          %broadcast_in_dim3A_305 = arith.constant 51 : i32
          %broadcast_in_dim3A_306 = vector.broadcast %broadcast_in_dim3A_305 : i32 to vector<16xi32>
          %gather3A_307 = tpu.vector_load_idx %arg13[%iota3A, %broadcast_in_dim3A_306] : memref<16x128xf32, #tpu.memory_space<vmem>>[vector<16xi32>, vector<16xi32>], vector<16xf32>,
          tpu.vector_store_idx %arg15[%broadcast_in_dim3A_306, %gather3A], %gather3A_307 masked %lt3A_151 : memref<64x512xf32, #tpu.memory_space<vmem>>[vector<16xi32>, vector<16xi32>], vector<16xf32>, vector<16xi1>
          %broadcast_in_dim3A_308 = arith.constant 52 : i32
          %broadcast_in_dim3A_309 = vector.broadcast %broadcast_in_dim3A_308 : i32 to vector<16xi32>
          %gather3A_310 = tpu.vector_load_idx %arg13[%iota3A, %broadcast_in_dim3A_309] : memref<16x128xf32, #tpu.memory_space<vmem>>[vector<16xi32>, vector<16xi32>], vector<16xf32>,
          tpu.vector_store_idx %arg15[%broadcast_in_dim3A_309, %gather3A], %gather3A_310 masked %lt3A_151 : memref<64x512xf32, #tpu.memory_space<vmem>>[vector<16xi32>, vector<16xi32>], vector<16xf32>, vector<16xi1>
          %broadcast_in_dim3A_311 = arith.constant 53 : i32
          %broadcast_in_dim3A_312 = vector.broadcast %broadcast_in_dim3A_311 : i32 to vector<16xi32>
          %gather3A_313 = tpu.vector_load_idx %arg13[%iota3A, %broadcast_in_dim3A_312] : memref<16x128xf32, #tpu.memory_space<vmem>>[vector<16xi32>, vector<16xi32>], vector<16xf32>,
          tpu.vector_store_idx %arg15[%broadcast_in_dim3A_312, %gather3A], %gather3A_313 masked %lt3A_151 : memref<64x512xf32, #tpu.memory_space<vmem>>[vector<16xi32>, vector<16xi32>], vector<16xf32>, vector<16xi1>
          %broadcast_in_dim3A_314 = arith.constant 54 : i32
          %broadcast_in_dim3A_315 = vector.broadcast %broadcast_in_dim3A_314 : i32 to vector<16xi32>
          %gather3A_316 = tpu.vector_load_idx %arg13[%iota3A, %broadcast_in_dim3A_315] : memref<16x128xf32, #tpu.memory_space<vmem>>[vector<16xi32>, vector<16xi32>], vector<16xf32>,
          tpu.vector_store_idx %arg15[%broadcast_in_dim3A_315, %gather3A], %gather3A_316 masked %lt3A_151 : memref<64x512xf32, #tpu.memory_space<vmem>>[vector<16xi32>, vector<16xi32>], vector<16xf32>, vector<16xi1>
          %broadcast_in_dim3A_317 = arith.constant 55 : i32
          %broadcast_in_dim3A_318 = vector.broadcast %broadcast_in_dim3A_317 : i32 to vector<16xi32>
          %gather3A_319 = tpu.vector_load_idx %arg13[%iota3A, %broadcast_in_dim3A_318] : memref<16x128xf32, #tpu.memory_space<vmem>>[vector<16xi32>, vector<16xi32>], vector<16xf32>,
          tpu.vector_store_idx %arg15[%broadcast_in_dim3A_318, %gather3A], %gather3A_319 masked %lt3A_151 : memref<64x512xf32, #tpu.memory_space<vmem>>[vector<16xi32>, vector<16xi32>], vector<16xf32>, vector<16xi1>
          %broadcast_in_dim3A_320 = arith.constant 56 : i32
          %broadcast_in_dim3A_321 = vector.broadcast %broadcast_in_dim3A_320 : i32 to vector<16xi32>
          %gather3A_322 = tpu.vector_load_idx %arg13[%iota3A, %broadcast_in_dim3A_321] : memref<16x128xf32, #tpu.memory_space<vmem>>[vector<16xi32>, vector<16xi32>], vector<16xf32>,
          tpu.vector_store_idx %arg15[%broadcast_in_dim3A_321, %gather3A], %gather3A_322 masked %lt3A_151 : memref<64x512xf32, #tpu.memory_space<vmem>>[vector<16xi32>, vector<16xi32>], vector<16xf32>, vector<16xi1>
          %broadcast_in_dim3A_323 = arith.constant 57 : i32
          %broadcast_in_dim3A_324 = vector.broadcast %broadcast_in_dim3A_323 : i32 to vector<16xi32>
          %gather3A_325 = tpu.vector_load_idx %arg13[%iota3A, %broadcast_in_dim3A_324] : memref<16x128xf32, #tpu.memory_space<vmem>>[vector<16xi32>, vector<16xi32>], vector<16xf32>,
          tpu.vector_store_idx %arg15[%broadcast_in_dim3A_324, %gather3A], %gather3A_325 masked %lt3A_151 : memref<64x512xf32, #tpu.memory_space<vmem>>[vector<16xi32>, vector<16xi32>], vector<16xf32>, vector<16xi1>
          %broadcast_in_dim3A_326 = arith.constant 58 : i32
          %broadcast_in_dim3A_327 = vector.broadcast %broadcast_in_dim3A_326 : i32 to vector<16xi32>
          %gather3A_328 = tpu.vector_load_idx %arg13[%iota3A, %broadcast_in_dim3A_327] : memref<16x128xf32, #tpu.memory_space<vmem>>[vector<16xi32>, vector<16xi32>], vector<16xf32>,
          tpu.vector_store_idx %arg15[%broadcast_in_dim3A_327, %gather3A], %gather3A_328 masked %lt3A_151 : memref<64x512xf32, #tpu.memory_space<vmem>>[vector<16xi32>, vector<16xi32>], vector<16xf32>, vector<16xi1>
          %broadcast_in_dim3A_329 = arith.constant 59 : i32
          %broadcast_in_dim3A_330 = vector.broadcast %broadcast_in_dim3A_329 : i32 to vector<16xi32>
          %gather3A_331 = tpu.vector_load_idx %arg13[%iota3A, %broadcast_in_dim3A_330] : memref<16x128xf32, #tpu.memory_space<vmem>>[vector<16xi32>, vector<16xi32>], vector<16xf32>,
          tpu.vector_store_idx %arg15[%broadcast_in_dim3A_330, %gather3A], %gather3A_331 masked %lt3A_151 : memref<64x512xf32, #tpu.memory_space<vmem>>[vector<16xi32>, vector<16xi32>], vector<16xf32>, vector<16xi1>
          %broadcast_in_dim3A_332 = arith.constant 60 : i32
          %broadcast_in_dim3A_333 = vector.broadcast %broadcast_in_dim3A_332 : i32 to vector<16xi32>
          %gather3A_334 = tpu.vector_load_idx %arg13[%iota3A, %broadcast_in_dim3A_333] : memref<16x128xf32, #tpu.memory_space<vmem>>[vector<16xi32>, vector<16xi32>], vector<16xf32>,
          tpu.vector_store_idx %arg15[%broadcast_in_dim3A_333, %gather3A], %gather3A_334 masked %lt3A_151 : memref<64x512xf32, #tpu.memory_space<vmem>>[vector<16xi32>, vector<16xi32>], vector<16xf32>, vector<16xi1>
          %broadcast_in_dim3A_335 = arith.constant 61 : i32
          %broadcast_in_dim3A_336 = vector.broadcast %broadcast_in_dim3A_335 : i32 to vector<16xi32>
          %gather3A_337 = tpu.vector_load_idx %arg13[%iota3A, %broadcast_in_dim3A_336] : memref<16x128xf32, #tpu.memory_space<vmem>>[vector<16xi32>, vector<16xi32>], vector<16xf32>,
          tpu.vector_store_idx %arg15[%broadcast_in_dim3A_336, %gather3A], %gather3A_337 masked %lt3A_151 : memref<64x512xf32, #tpu.memory_space<vmem>>[vector<16xi32>, vector<16xi32>], vector<16xf32>, vector<16xi1>
          %broadcast_in_dim3A_338 = arith.constant 62 : i32
          %broadcast_in_dim3A_339 = vector.broadcast %broadcast_in_dim3A_338 : i32 to vector<16xi32>
          %gather3A_340 = tpu.vector_load_idx %arg13[%iota3A, %broadcast_in_dim3A_339] : memref<16x128xf32, #tpu.memory_space<vmem>>[vector<16xi32>, vector<16xi32>], vector<16xf32>,
          tpu.vector_store_idx %arg15[%broadcast_in_dim3A_339, %gather3A], %gather3A_340 masked %lt3A_151 : memref<64x512xf32, #tpu.memory_space<vmem>>[vector<16xi32>, vector<16xi32>], vector<16xf32>, vector<16xi1>
          %broadcast_in_dim3A_341 = arith.constant 63 : i32
          %broadcast_in_dim3A_342 = vector.broadcast %broadcast_in_dim3A_341 : i32 to vector<16xi32>
          %gather3A_343 = tpu.vector_load_idx %arg13[%iota3A, %broadcast_in_dim3A_342] : memref<16x128xf32, #tpu.memory_space<vmem>>[vector<16xi32>, vector<16xi32>], vector<16xf32>,
          tpu.vector_store_idx %arg15[%broadcast_in_dim3A_342, %gather3A], %gather3A_343 masked %lt3A_151 : memref<64x512xf32, #tpu.memory_space<vmem>>[vector<16xi32>, vector<16xi32>], vector<16xf32>, vector<16xi1>
        }
        %while3A_130 = arith.constant 1 : i32
        scf.for %while3A_138 = %while3A_128 to %while3A_124 step %while3A_130  : i32 {
          %gt3A = arith.constant 0 : i32
          %gt3A_139 = arith.cmpi sgt, %while3A_138, %gt3A : i32
          %convert_element_type3A_140 = arith.extui %gt3A_139 : i1 to i32
          %cond3A_141 = arith.constant 0 : i32
          %cond3A_142 = arith.cmpi ne, %convert_element_type3A_140, %cond3A_141 : i32
          scf.if %cond3A_142 {
            %mul3A_344 = arith.constant 16 : i32
            %mul3A_345 = arith.muli %while3A_138, %mul3A_344 : i32
            %dma_start3A_346 = tpu.memref_slice %arg10[%mul3A_345] : memref<528xi32, #tpu.memory_space<vmem>> -> memref<16xi32, #tpu.memory_space<vmem>>
            %dma_start3A_347 = arith.constant 0 : i32
            %dma_start3A_348 = arith.constant 0 : i32
            %dma_start3A_349 = tpu.memref_slice %arg4[%dma_start3A_347, %dma_start3A_348] : memref<16384x128xf32, #tpu.memory_space<hbm>> -> memref<16384x128xf32, #tpu.memory_space<hbm>>
            tpu.enqueue_indirect_dma source(%dma_start3A_349 : memref<16384x128xf32, #tpu.memory_space<hbm>>) target(%arg13 : memref<16x128xf32, #tpu.memory_space<vmem>>) offsets(%dma_start3A_346 : memref<16xi32, #tpu.memory_space<vmem>>) semaphore(%arg21 : memref<!tpu.dma_semaphore, #tpu.memory_space<semaphore_mem>>)
            %dma_wait3A_350 = tpu.memref_slice %arg10[%mul3A_345] : memref<528xi32, #tpu.memory_space<vmem>> -> memref<16xi32, #tpu.memory_space<vmem>>
            %dma_wait3A_351 = arith.constant 0 : i32
            %dma_wait3A_352 = arith.constant 0 : i32
            %dma_wait3A_353 = tpu.memref_slice %arg4[%dma_wait3A_351, %dma_wait3A_352] : memref<16384x128xf32, #tpu.memory_space<hbm>> -> memref<16384x128xf32, #tpu.memory_space<hbm>>
            tpu.wait_indirect_dma semaphore(%arg21 : memref<!tpu.dma_semaphore, #tpu.memory_space<semaphore_mem>>) src(%dma_wait3A_353 : memref<16384x128xf32, #tpu.memory_space<hbm>>) dst(%arg13 : memref<16x128xf32, #tpu.memory_space<vmem>>)
          } else {
          }
          %mul3A_143 = arith.constant 16 : i32
          %mul3A_144 = arith.muli %while3A_138, %mul3A_143 : i32
          %add3A_145 = vector.broadcast %mul3A_144 : i32 to vector<16xi32>
          %add3A_146 = arith.addi %add3A_145, %iota3A : vector<16xi32>
          %gather3A = tpu.vector_load_idx %arg11[%add3A_146] : memref<528xi32, #tpu.memory_space<vmem>>[vector<16xi32>], vector<16xi32>,
          %mul3A_147 = arith.constant 16 : i32
          %mul3A_148 = arith.muli %while3A_138, %mul3A_147 : i32
          %add3A_149 = vector.broadcast %mul3A_148 : i32 to vector<16xi32>
          %add3A_150 = arith.addi %add3A_149, %iota3A : vector<16xi32>
          %lt3A_151 = arith.cmpi slt, %add3A_150, %while3A_68 : vector<16xi32>
          %broadcast_in_dim3A_152 = arith.constant 0 : i32
          %broadcast_in_dim3A_153 = vector.broadcast %broadcast_in_dim3A_152 : i32 to vector<16xi32>
          %gather3A_154 = tpu.vector_load_idx %arg13[%iota3A, %broadcast_in_dim3A_153] : memref<16x128xf32, #tpu.memory_space<vmem>>[vector<16xi32>, vector<16xi32>], vector<16xf32>,
          tpu.vector_store_idx %arg15[%broadcast_in_dim3A_153, %gather3A], %gather3A_154 masked %lt3A_151 : memref<64x512xf32, #tpu.memory_space<vmem>>[vector<16xi32>, vector<16xi32>], vector<16xf32>, vector<16xi1>
          %broadcast_in_dim3A_155 = arith.constant 1 : i32
          %broadcast_in_dim3A_156 = vector.broadcast %broadcast_in_dim3A_155 : i32 to vector<16xi32>
          %gather3A_157 = tpu.vector_load_idx %arg13[%iota3A, %broadcast_in_dim3A_156] : memref<16x128xf32, #tpu.memory_space<vmem>>[vector<16xi32>, vector<16xi32>], vector<16xf32>,
          tpu.vector_store_idx %arg15[%broadcast_in_dim3A_156, %gather3A], %gather3A_157 masked %lt3A_151 : memref<64x512xf32, #tpu.memory_space<vmem>>[vector<16xi32>, vector<16xi32>], vector<16xf32>, vector<16xi1>
          %broadcast_in_dim3A_158 = arith.constant 2 : i32
          %broadcast_in_dim3A_159 = vector.broadcast %broadcast_in_dim3A_158 : i32 to vector<16xi32>
          %gather3A_160 = tpu.vector_load_idx %arg13[%iota3A, %broadcast_in_dim3A_159] : memref<16x128xf32, #tpu.memory_space<vmem>>[vector<16xi32>, vector<16xi32>], vector<16xf32>,
          tpu.vector_store_idx %arg15[%broadcast_in_dim3A_159, %gather3A], %gather3A_160 masked %lt3A_151 : memref<64x512xf32, #tpu.memory_space<vmem>>[vector<16xi32>, vector<16xi32>], vector<16xf32>, vector<16xi1>
          %broadcast_in_dim3A_161 = arith.constant 3 : i32
          %broadcast_in_dim3A_162 = vector.broadcast %broadcast_in_dim3A_161 : i32 to vector<16xi32>
          %gather3A_163 = tpu.vector_load_idx %arg13[%iota3A, %broadcast_in_dim3A_162] : memref<16x128xf32, #tpu.memory_space<vmem>>[vector<16xi32>, vector<16xi32>], vector<16xf32>,
          tpu.vector_store_idx %arg15[%broadcast_in_dim3A_162, %gather3A], %gather3A_163 masked %lt3A_151 : memref<64x512xf32, #tpu.memory_space<vmem>>[vector<16xi32>, vector<16xi32>], vector<16xf32>, vector<16xi1>
          %broadcast_in_dim3A_164 = arith.constant 4 : i32
          %broadcast_in_dim3A_165 = vector.broadcast %broadcast_in_dim3A_164 : i32 to vector<16xi32>
          %gather3A_166 = tpu.vector_load_idx %arg13[%iota3A, %broadcast_in_dim3A_165] : memref<16x128xf32, #tpu.memory_space<vmem>>[vector<16xi32>, vector<16xi32>], vector<16xf32>,
          tpu.vector_store_idx %arg15[%broadcast_in_dim3A_165, %gather3A], %gather3A_166 masked %lt3A_151 : memref<64x512xf32, #tpu.memory_space<vmem>>[vector<16xi32>, vector<16xi32>], vector<16xf32>, vector<16xi1>
          %broadcast_in_dim3A_167 = arith.constant 5 : i32
          %broadcast_in_dim3A_168 = vector.broadcast %broadcast_in_dim3A_167 : i32 to vector<16xi32>
          %gather3A_169 = tpu.vector_load_idx %arg13[%iota3A, %broadcast_in_dim3A_168] : memref<16x128xf32, #tpu.memory_space<vmem>>[vector<16xi32>, vector<16xi32>], vector<16xf32>,
          tpu.vector_store_idx %arg15[%broadcast_in_dim3A_168, %gather3A], %gather3A_169 masked %lt3A_151 : memref<64x512xf32, #tpu.memory_space<vmem>>[vector<16xi32>, vector<16xi32>], vector<16xf32>, vector<16xi1>
          %broadcast_in_dim3A_170 = arith.constant 6 : i32
          %broadcast_in_dim3A_171 = vector.broadcast %broadcast_in_dim3A_170 : i32 to vector<16xi32>
          %gather3A_172 = tpu.vector_load_idx %arg13[%iota3A, %broadcast_in_dim3A_171] : memref<16x128xf32, #tpu.memory_space<vmem>>[vector<16xi32>, vector<16xi32>], vector<16xf32>,
          tpu.vector_store_idx %arg15[%broadcast_in_dim3A_171, %gather3A], %gather3A_172 masked %lt3A_151 : memref<64x512xf32, #tpu.memory_space<vmem>>[vector<16xi32>, vector<16xi32>], vector<16xf32>, vector<16xi1>
          %broadcast_in_dim3A_173 = arith.constant 7 : i32
          %broadcast_in_dim3A_174 = vector.broadcast %broadcast_in_dim3A_173 : i32 to vector<16xi32>
          %gather3A_175 = tpu.vector_load_idx %arg13[%iota3A, %broadcast_in_dim3A_174] : memref<16x128xf32, #tpu.memory_space<vmem>>[vector<16xi32>, vector<16xi32>], vector<16xf32>,
          tpu.vector_store_idx %arg15[%broadcast_in_dim3A_174, %gather3A], %gather3A_175 masked %lt3A_151 : memref<64x512xf32, #tpu.memory_space<vmem>>[vector<16xi32>, vector<16xi32>], vector<16xf32>, vector<16xi1>
          %broadcast_in_dim3A_176 = arith.constant 8 : i32
          %broadcast_in_dim3A_177 = vector.broadcast %broadcast_in_dim3A_176 : i32 to vector<16xi32>
          %gather3A_178 = tpu.vector_load_idx %arg13[%iota3A, %broadcast_in_dim3A_177] : memref<16x128xf32, #tpu.memory_space<vmem>>[vector<16xi32>, vector<16xi32>], vector<16xf32>,
          tpu.vector_store_idx %arg15[%broadcast_in_dim3A_177, %gather3A], %gather3A_178 masked %lt3A_151 : memref<64x512xf32, #tpu.memory_space<vmem>>[vector<16xi32>, vector<16xi32>], vector<16xf32>, vector<16xi1>
          %broadcast_in_dim3A_179 = arith.constant 9 : i32
          %broadcast_in_dim3A_180 = vector.broadcast %broadcast_in_dim3A_179 : i32 to vector<16xi32>
          %gather3A_181 = tpu.vector_load_idx %arg13[%iota3A, %broadcast_in_dim3A_180] : memref<16x128xf32, #tpu.memory_space<vmem>>[vector<16xi32>, vector<16xi32>], vector<16xf32>,
          tpu.vector_store_idx %arg15[%broadcast_in_dim3A_180, %gather3A], %gather3A_181 masked %lt3A_151 : memref<64x512xf32, #tpu.memory_space<vmem>>[vector<16xi32>, vector<16xi32>], vector<16xf32>, vector<16xi1>
          %broadcast_in_dim3A_182 = arith.constant 10 : i32
          %broadcast_in_dim3A_183 = vector.broadcast %broadcast_in_dim3A_182 : i32 to vector<16xi32>
          %gather3A_184 = tpu.vector_load_idx %arg13[%iota3A, %broadcast_in_dim3A_183] : memref<16x128xf32, #tpu.memory_space<vmem>>[vector<16xi32>, vector<16xi32>], vector<16xf32>,
          tpu.vector_store_idx %arg15[%broadcast_in_dim3A_183, %gather3A], %gather3A_184 masked %lt3A_151 : memref<64x512xf32, #tpu.memory_space<vmem>>[vector<16xi32>, vector<16xi32>], vector<16xf32>, vector<16xi1>
          %broadcast_in_dim3A_185 = arith.constant 11 : i32
          %broadcast_in_dim3A_186 = vector.broadcast %broadcast_in_dim3A_185 : i32 to vector<16xi32>
          %gather3A_187 = tpu.vector_load_idx %arg13[%iota3A, %broadcast_in_dim3A_186] : memref<16x128xf32, #tpu.memory_space<vmem>>[vector<16xi32>, vector<16xi32>], vector<16xf32>,
          tpu.vector_store_idx %arg15[%broadcast_in_dim3A_186, %gather3A], %gather3A_187 masked %lt3A_151 : memref<64x512xf32, #tpu.memory_space<vmem>>[vector<16xi32>, vector<16xi32>], vector<16xf32>, vector<16xi1>
          %broadcast_in_dim3A_188 = arith.constant 12 : i32
          %broadcast_in_dim3A_189 = vector.broadcast %broadcast_in_dim3A_188 : i32 to vector<16xi32>
          %gather3A_190 = tpu.vector_load_idx %arg13[%iota3A, %broadcast_in_dim3A_189] : memref<16x128xf32, #tpu.memory_space<vmem>>[vector<16xi32>, vector<16xi32>], vector<16xf32>,
          tpu.vector_store_idx %arg15[%broadcast_in_dim3A_189, %gather3A], %gather3A_190 masked %lt3A_151 : memref<64x512xf32, #tpu.memory_space<vmem>>[vector<16xi32>, vector<16xi32>], vector<16xf32>, vector<16xi1>
          %broadcast_in_dim3A_191 = arith.constant 13 : i32
          %broadcast_in_dim3A_192 = vector.broadcast %broadcast_in_dim3A_191 : i32 to vector<16xi32>
          %gather3A_193 = tpu.vector_load_idx %arg13[%iota3A, %broadcast_in_dim3A_192] : memref<16x128xf32, #tpu.memory_space<vmem>>[vector<16xi32>, vector<16xi32>], vector<16xf32>,
          tpu.vector_store_idx %arg15[%broadcast_in_dim3A_192, %gather3A], %gather3A_193 masked %lt3A_151 : memref<64x512xf32, #tpu.memory_space<vmem>>[vector<16xi32>, vector<16xi32>], vector<16xf32>, vector<16xi1>
          %broadcast_in_dim3A_194 = arith.constant 14 : i32
          %broadcast_in_dim3A_195 = vector.broadcast %broadcast_in_dim3A_194 : i32 to vector<16xi32>
          %gather3A_196 = tpu.vector_load_idx %arg13[%iota3A, %broadcast_in_dim3A_195] : memref<16x128xf32, #tpu.memory_space<vmem>>[vector<16xi32>, vector<16xi32>], vector<16xf32>,
          tpu.vector_store_idx %arg15[%broadcast_in_dim3A_195, %gather3A], %gather3A_196 masked %lt3A_151 : memref<64x512xf32, #tpu.memory_space<vmem>>[vector<16xi32>, vector<16xi32>], vector<16xf32>, vector<16xi1>
          %broadcast_in_dim3A_197 = arith.constant 15 : i32
          %broadcast_in_dim3A_198 = vector.broadcast %broadcast_in_dim3A_197 : i32 to vector<16xi32>
          %gather3A_199 = tpu.vector_load_idx %arg13[%iota3A, %broadcast_in_dim3A_198] : memref<16x128xf32, #tpu.memory_space<vmem>>[vector<16xi32>, vector<16xi32>], vector<16xf32>,
          tpu.vector_store_idx %arg15[%broadcast_in_dim3A_198, %gather3A], %gather3A_199 masked %lt3A_151 : memref<64x512xf32, #tpu.memory_space<vmem>>[vector<16xi32>, vector<16xi32>], vector<16xf32>, vector<16xi1>
          %broadcast_in_dim3A_200 = arith.constant 16 : i32
          %broadcast_in_dim3A_201 = vector.broadcast %broadcast_in_dim3A_200 : i32 to vector<16xi32>
          %gather3A_202 = tpu.vector_load_idx %arg13[%iota3A, %broadcast_in_dim3A_201] : memref<16x128xf32, #tpu.memory_space<vmem>>[vector<16xi32>, vector<16xi32>], vector<16xf32>,
          tpu.vector_store_idx %arg15[%broadcast_in_dim3A_201, %gather3A], %gather3A_202 masked %lt3A_151 : memref<64x512xf32, #tpu.memory_space<vmem>>[vector<16xi32>, vector<16xi32>], vector<16xf32>, vector<16xi1>
          %broadcast_in_dim3A_203 = arith.constant 17 : i32
          %broadcast_in_dim3A_204 = vector.broadcast %broadcast_in_dim3A_203 : i32 to vector<16xi32>
          %gather3A_205 = tpu.vector_load_idx %arg13[%iota3A, %broadcast_in_dim3A_204] : memref<16x128xf32, #tpu.memory_space<vmem>>[vector<16xi32>, vector<16xi32>], vector<16xf32>,
          tpu.vector_store_idx %arg15[%broadcast_in_dim3A_204, %gather3A], %gather3A_205 masked %lt3A_151 : memref<64x512xf32, #tpu.memory_space<vmem>>[vector<16xi32>, vector<16xi32>], vector<16xf32>, vector<16xi1>
          %broadcast_in_dim3A_206 = arith.constant 18 : i32
          %broadcast_in_dim3A_207 = vector.broadcast %broadcast_in_dim3A_206 : i32 to vector<16xi32>
          %gather3A_208 = tpu.vector_load_idx %arg13[%iota3A, %broadcast_in_dim3A_207] : memref<16x128xf32, #tpu.memory_space<vmem>>[vector<16xi32>, vector<16xi32>], vector<16xf32>,
          tpu.vector_store_idx %arg15[%broadcast_in_dim3A_207, %gather3A], %gather3A_208 masked %lt3A_151 : memref<64x512xf32, #tpu.memory_space<vmem>>[vector<16xi32>, vector<16xi32>], vector<16xf32>, vector<16xi1>
          %broadcast_in_dim3A_209 = arith.constant 19 : i32
          %broadcast_in_dim3A_210 = vector.broadcast %broadcast_in_dim3A_209 : i32 to vector<16xi32>
          %gather3A_211 = tpu.vector_load_idx %arg13[%iota3A, %broadcast_in_dim3A_210] : memref<16x128xf32, #tpu.memory_space<vmem>>[vector<16xi32>, vector<16xi32>], vector<16xf32>,
          tpu.vector_store_idx %arg15[%broadcast_in_dim3A_210, %gather3A], %gather3A_211 masked %lt3A_151 : memref<64x512xf32, #tpu.memory_space<vmem>>[vector<16xi32>, vector<16xi32>], vector<16xf32>, vector<16xi1>
          %broadcast_in_dim3A_212 = arith.constant 20 : i32
          %broadcast_in_dim3A_213 = vector.broadcast %broadcast_in_dim3A_212 : i32 to vector<16xi32>
          %gather3A_214 = tpu.vector_load_idx %arg13[%iota3A, %broadcast_in_dim3A_213] : memref<16x128xf32, #tpu.memory_space<vmem>>[vector<16xi32>, vector<16xi32>], vector<16xf32>,
          tpu.vector_store_idx %arg15[%broadcast_in_dim3A_213, %gather3A], %gather3A_214 masked %lt3A_151 : memref<64x512xf32, #tpu.memory_space<vmem>>[vector<16xi32>, vector<16xi32>], vector<16xf32>, vector<16xi1>
          %broadcast_in_dim3A_215 = arith.constant 21 : i32
          %broadcast_in_dim3A_216 = vector.broadcast %broadcast_in_dim3A_215 : i32 to vector<16xi32>
          %gather3A_217 = tpu.vector_load_idx %arg13[%iota3A, %broadcast_in_dim3A_216] : memref<16x128xf32, #tpu.memory_space<vmem>>[vector<16xi32>, vector<16xi32>], vector<16xf32>,
          tpu.vector_store_idx %arg15[%broadcast_in_dim3A_216, %gather3A], %gather3A_217 masked %lt3A_151 : memref<64x512xf32, #tpu.memory_space<vmem>>[vector<16xi32>, vector<16xi32>], vector<16xf32>, vector<16xi1>
          %broadcast_in_dim3A_218 = arith.constant 22 : i32
          %broadcast_in_dim3A_219 = vector.broadcast %broadcast_in_dim3A_218 : i32 to vector<16xi32>
          %gather3A_220 = tpu.vector_load_idx %arg13[%iota3A, %broadcast_in_dim3A_219] : memref<16x128xf32, #tpu.memory_space<vmem>>[vector<16xi32>, vector<16xi32>], vector<16xf32>,
          tpu.vector_store_idx %arg15[%broadcast_in_dim3A_219, %gather3A], %gather3A_220 masked %lt3A_151 : memref<64x512xf32, #tpu.memory_space<vmem>>[vector<16xi32>, vector<16xi32>], vector<16xf32>, vector<16xi1>
          %broadcast_in_dim3A_221 = arith.constant 23 : i32
          %broadcast_in_dim3A_222 = vector.broadcast %broadcast_in_dim3A_221 : i32 to vector<16xi32>
          %gather3A_223 = tpu.vector_load_idx %arg13[%iota3A, %broadcast_in_dim3A_222] : memref<16x128xf32, #tpu.memory_space<vmem>>[vector<16xi32>, vector<16xi32>], vector<16xf32>,
          tpu.vector_store_idx %arg15[%broadcast_in_dim3A_222, %gather3A], %gather3A_223 masked %lt3A_151 : memref<64x512xf32, #tpu.memory_space<vmem>>[vector<16xi32>, vector<16xi32>], vector<16xf32>, vector<16xi1>
          %broadcast_in_dim3A_224 = arith.constant 24 : i32
          %broadcast_in_dim3A_225 = vector.broadcast %broadcast_in_dim3A_224 : i32 to vector<16xi32>
          %gather3A_226 = tpu.vector_load_idx %arg13[%iota3A, %broadcast_in_dim3A_225] : memref<16x128xf32, #tpu.memory_space<vmem>>[vector<16xi32>, vector<16xi32>], vector<16xf32>,
          tpu.vector_store_idx %arg15[%broadcast_in_dim3A_225, %gather3A], %gather3A_226 masked %lt3A_151 : memref<64x512xf32, #tpu.memory_space<vmem>>[vector<16xi32>, vector<16xi32>], vector<16xf32>, vector<16xi1>
          %broadcast_in_dim3A_227 = arith.constant 25 : i32
          %broadcast_in_dim3A_228 = vector.broadcast %broadcast_in_dim3A_227 : i32 to vector<16xi32>
          %gather3A_229 = tpu.vector_load_idx %arg13[%iota3A, %broadcast_in_dim3A_228] : memref<16x128xf32, #tpu.memory_space<vmem>>[vector<16xi32>, vector<16xi32>], vector<16xf32>,
          tpu.vector_store_idx %arg15[%broadcast_in_dim3A_228, %gather3A], %gather3A_229 masked %lt3A_151 : memref<64x512xf32, #tpu.memory_space<vmem>>[vector<16xi32>, vector<16xi32>], vector<16xf32>, vector<16xi1>
          %broadcast_in_dim3A_230 = arith.constant 26 : i32
          %broadcast_in_dim3A_231 = vector.broadcast %broadcast_in_dim3A_230 : i32 to vector<16xi32>
          %gather3A_232 = tpu.vector_load_idx %arg13[%iota3A, %broadcast_in_dim3A_231] : memref<16x128xf32, #tpu.memory_space<vmem>>[vector<16xi32>, vector<16xi32>], vector<16xf32>,
          tpu.vector_store_idx %arg15[%broadcast_in_dim3A_231, %gather3A], %gather3A_232 masked %lt3A_151 : memref<64x512xf32, #tpu.memory_space<vmem>>[vector<16xi32>, vector<16xi32>], vector<16xf32>, vector<16xi1>
          %broadcast_in_dim3A_233 = arith.constant 27 : i32
          %broadcast_in_dim3A_234 = vector.broadcast %broadcast_in_dim3A_233 : i32 to vector<16xi32>
          %gather3A_235 = tpu.vector_load_idx %arg13[%iota3A, %broadcast_in_dim3A_234] : memref<16x128xf32, #tpu.memory_space<vmem>>[vector<16xi32>, vector<16xi32>], vector<16xf32>,
          tpu.vector_store_idx %arg15[%broadcast_in_dim3A_234, %gather3A], %gather3A_235 masked %lt3A_151 : memref<64x512xf32, #tpu.memory_space<vmem>>[vector<16xi32>, vector<16xi32>], vector<16xf32>, vector<16xi1>
          %broadcast_in_dim3A_236 = arith.constant 28 : i32
          %broadcast_in_dim3A_237 = vector.broadcast %broadcast_in_dim3A_236 : i32 to vector<16xi32>
          %gather3A_238 = tpu.vector_load_idx %arg13[%iota3A, %broadcast_in_dim3A_237] : memref<16x128xf32, #tpu.memory_space<vmem>>[vector<16xi32>, vector<16xi32>], vector<16xf32>,
          tpu.vector_store_idx %arg15[%broadcast_in_dim3A_237, %gather3A], %gather3A_238 masked %lt3A_151 : memref<64x512xf32, #tpu.memory_space<vmem>>[vector<16xi32>, vector<16xi32>], vector<16xf32>, vector<16xi1>
          %broadcast_in_dim3A_239 = arith.constant 29 : i32
          %broadcast_in_dim3A_240 = vector.broadcast %broadcast_in_dim3A_239 : i32 to vector<16xi32>
          %gather3A_241 = tpu.vector_load_idx %arg13[%iota3A, %broadcast_in_dim3A_240] : memref<16x128xf32, #tpu.memory_space<vmem>>[vector<16xi32>, vector<16xi32>], vector<16xf32>,
          tpu.vector_store_idx %arg15[%broadcast_in_dim3A_240, %gather3A], %gather3A_241 masked %lt3A_151 : memref<64x512xf32, #tpu.memory_space<vmem>>[vector<16xi32>, vector<16xi32>], vector<16xf32>, vector<16xi1>
          %broadcast_in_dim3A_242 = arith.constant 30 : i32
          %broadcast_in_dim3A_243 = vector.broadcast %broadcast_in_dim3A_242 : i32 to vector<16xi32>
          %gather3A_244 = tpu.vector_load_idx %arg13[%iota3A, %broadcast_in_dim3A_243] : memref<16x128xf32, #tpu.memory_space<vmem>>[vector<16xi32>, vector<16xi32>], vector<16xf32>,
          tpu.vector_store_idx %arg15[%broadcast_in_dim3A_243, %gather3A], %gather3A_244 masked %lt3A_151 : memref<64x512xf32, #tpu.memory_space<vmem>>[vector<16xi32>, vector<16xi32>], vector<16xf32>, vector<16xi1>
          %broadcast_in_dim3A_245 = arith.constant 31 : i32
          %broadcast_in_dim3A_246 = vector.broadcast %broadcast_in_dim3A_245 : i32 to vector<16xi32>
          %gather3A_247 = tpu.vector_load_idx %arg13[%iota3A, %broadcast_in_dim3A_246] : memref<16x128xf32, #tpu.memory_space<vmem>>[vector<16xi32>, vector<16xi32>], vector<16xf32>,
          tpu.vector_store_idx %arg15[%broadcast_in_dim3A_246, %gather3A], %gather3A_247 masked %lt3A_151 : memref<64x512xf32, #tpu.memory_space<vmem>>[vector<16xi32>, vector<16xi32>], vector<16xf32>, vector<16xi1>
          %broadcast_in_dim3A_248 = arith.constant 32 : i32
          %broadcast_in_dim3A_249 = vector.broadcast %broadcast_in_dim3A_248 : i32 to vector<16xi32>
          %gather3A_250 = tpu.vector_load_idx %arg13[%iota3A, %broadcast_in_dim3A_249] : memref<16x128xf32, #tpu.memory_space<vmem>>[vector<16xi32>, vector<16xi32>], vector<16xf32>,
          tpu.vector_store_idx %arg15[%broadcast_in_dim3A_249, %gather3A], %gather3A_250 masked %lt3A_151 : memref<64x512xf32, #tpu.memory_space<vmem>>[vector<16xi32>, vector<16xi32>], vector<16xf32>, vector<16xi1>
          %broadcast_in_dim3A_251 = arith.constant 33 : i32
          %broadcast_in_dim3A_252 = vector.broadcast %broadcast_in_dim3A_251 : i32 to vector<16xi32>
          %gather3A_253 = tpu.vector_load_idx %arg13[%iota3A, %broadcast_in_dim3A_252] : memref<16x128xf32, #tpu.memory_space<vmem>>[vector<16xi32>, vector<16xi32>], vector<16xf32>,
          tpu.vector_store_idx %arg15[%broadcast_in_dim3A_252, %gather3A], %gather3A_253 masked %lt3A_151 : memref<64x512xf32, #tpu.memory_space<vmem>>[vector<16xi32>, vector<16xi32>], vector<16xf32>, vector<16xi1>
          %broadcast_in_dim3A_254 = arith.constant 34 : i32
          %broadcast_in_dim3A_255 = vector.broadcast %broadcast_in_dim3A_254 : i32 to vector<16xi32>
          %gather3A_256 = tpu.vector_load_idx %arg13[%iota3A, %broadcast_in_dim3A_255] : memref<16x128xf32, #tpu.memory_space<vmem>>[vector<16xi32>, vector<16xi32>], vector<16xf32>,
          tpu.vector_store_idx %arg15[%broadcast_in_dim3A_255, %gather3A], %gather3A_256 masked %lt3A_151 : memref<64x512xf32, #tpu.memory_space<vmem>>[vector<16xi32>, vector<16xi32>], vector<16xf32>, vector<16xi1>
          %broadcast_in_dim3A_257 = arith.constant 35 : i32
          %broadcast_in_dim3A_258 = vector.broadcast %broadcast_in_dim3A_257 : i32 to vector<16xi32>
          %gather3A_259 = tpu.vector_load_idx %arg13[%iota3A, %broadcast_in_dim3A_258] : memref<16x128xf32, #tpu.memory_space<vmem>>[vector<16xi32>, vector<16xi32>], vector<16xf32>,
          tpu.vector_store_idx %arg15[%broadcast_in_dim3A_258, %gather3A], %gather3A_259 masked %lt3A_151 : memref<64x512xf32, #tpu.memory_space<vmem>>[vector<16xi32>, vector<16xi32>], vector<16xf32>, vector<16xi1>
          %broadcast_in_dim3A_260 = arith.constant 36 : i32
          %broadcast_in_dim3A_261 = vector.broadcast %broadcast_in_dim3A_260 : i32 to vector<16xi32>
          %gather3A_262 = tpu.vector_load_idx %arg13[%iota3A, %broadcast_in_dim3A_261] : memref<16x128xf32, #tpu.memory_space<vmem>>[vector<16xi32>, vector<16xi32>], vector<16xf32>,
          tpu.vector_store_idx %arg15[%broadcast_in_dim3A_261, %gather3A], %gather3A_262 masked %lt3A_151 : memref<64x512xf32, #tpu.memory_space<vmem>>[vector<16xi32>, vector<16xi32>], vector<16xf32>, vector<16xi1>
          %broadcast_in_dim3A_263 = arith.constant 37 : i32
          %broadcast_in_dim3A_264 = vector.broadcast %broadcast_in_dim3A_263 : i32 to vector<16xi32>
          %gather3A_265 = tpu.vector_load_idx %arg13[%iota3A, %broadcast_in_dim3A_264] : memref<16x128xf32, #tpu.memory_space<vmem>>[vector<16xi32>, vector<16xi32>], vector<16xf32>,
          tpu.vector_store_idx %arg15[%broadcast_in_dim3A_264, %gather3A], %gather3A_265 masked %lt3A_151 : memref<64x512xf32, #tpu.memory_space<vmem>>[vector<16xi32>, vector<16xi32>], vector<16xf32>, vector<16xi1>
          %broadcast_in_dim3A_266 = arith.constant 38 : i32
          %broadcast_in_dim3A_267 = vector.broadcast %broadcast_in_dim3A_266 : i32 to vector<16xi32>
          %gather3A_268 = tpu.vector_load_idx %arg13[%iota3A, %broadcast_in_dim3A_267] : memref<16x128xf32, #tpu.memory_space<vmem>>[vector<16xi32>, vector<16xi32>], vector<16xf32>,
          tpu.vector_store_idx %arg15[%broadcast_in_dim3A_267, %gather3A], %gather3A_268 masked %lt3A_151 : memref<64x512xf32, #tpu.memory_space<vmem>>[vector<16xi32>, vector<16xi32>], vector<16xf32>, vector<16xi1>
          %broadcast_in_dim3A_269 = arith.constant 39 : i32
          %broadcast_in_dim3A_270 = vector.broadcast %broadcast_in_dim3A_269 : i32 to vector<16xi32>
          %gather3A_271 = tpu.vector_load_idx %arg13[%iota3A, %broadcast_in_dim3A_270] : memref<16x128xf32, #tpu.memory_space<vmem>>[vector<16xi32>, vector<16xi32>], vector<16xf32>,
          tpu.vector_store_idx %arg15[%broadcast_in_dim3A_270, %gather3A], %gather3A_271 masked %lt3A_151 : memref<64x512xf32, #tpu.memory_space<vmem>>[vector<16xi32>, vector<16xi32>], vector<16xf32>, vector<16xi1>
          %broadcast_in_dim3A_272 = arith.constant 40 : i32
          %broadcast_in_dim3A_273 = vector.broadcast %broadcast_in_dim3A_272 : i32 to vector<16xi32>
          %gather3A_274 = tpu.vector_load_idx %arg13[%iota3A, %broadcast_in_dim3A_273] : memref<16x128xf32, #tpu.memory_space<vmem>>[vector<16xi32>, vector<16xi32>], vector<16xf32>,
          tpu.vector_store_idx %arg15[%broadcast_in_dim3A_273, %gather3A], %gather3A_274 masked %lt3A_151 : memref<64x512xf32, #tpu.memory_space<vmem>>[vector<16xi32>, vector<16xi32>], vector<16xf32>, vector<16xi1>
          %broadcast_in_dim3A_275 = arith.constant 41 : i32
          %broadcast_in_dim3A_276 = vector.broadcast %broadcast_in_dim3A_275 : i32 to vector<16xi32>
          %gather3A_277 = tpu.vector_load_idx %arg13[%iota3A, %broadcast_in_dim3A_276] : memref<16x128xf32, #tpu.memory_space<vmem>>[vector<16xi32>, vector<16xi32>], vector<16xf32>,
          tpu.vector_store_idx %arg15[%broadcast_in_dim3A_276, %gather3A], %gather3A_277 masked %lt3A_151 : memref<64x512xf32, #tpu.memory_space<vmem>>[vector<16xi32>, vector<16xi32>], vector<16xf32>, vector<16xi1>
          %broadcast_in_dim3A_278 = arith.constant 42 : i32
          %broadcast_in_dim3A_279 = vector.broadcast %broadcast_in_dim3A_278 : i32 to vector<16xi32>
          %gather3A_280 = tpu.vector_load_idx %arg13[%iota3A, %broadcast_in_dim3A_279] : memref<16x128xf32, #tpu.memory_space<vmem>>[vector<16xi32>, vector<16xi32>], vector<16xf32>,
          tpu.vector_store_idx %arg15[%broadcast_in_dim3A_279, %gather3A], %gather3A_280 masked %lt3A_151 : memref<64x512xf32, #tpu.memory_space<vmem>>[vector<16xi32>, vector<16xi32>], vector<16xf32>, vector<16xi1>
          %broadcast_in_dim3A_281 = arith.constant 43 : i32
          %broadcast_in_dim3A_282 = vector.broadcast %broadcast_in_dim3A_281 : i32 to vector<16xi32>
          %gather3A_283 = tpu.vector_load_idx %arg13[%iota3A, %broadcast_in_dim3A_282] : memref<16x128xf32, #tpu.memory_space<vmem>>[vector<16xi32>, vector<16xi32>], vector<16xf32>,
          tpu.vector_store_idx %arg15[%broadcast_in_dim3A_282, %gather3A], %gather3A_283 masked %lt3A_151 : memref<64x512xf32, #tpu.memory_space<vmem>>[vector<16xi32>, vector<16xi32>], vector<16xf32>, vector<16xi1>
          %broadcast_in_dim3A_284 = arith.constant 44 : i32
          %broadcast_in_dim3A_285 = vector.broadcast %broadcast_in_dim3A_284 : i32 to vector<16xi32>
          %gather3A_286 = tpu.vector_load_idx %arg13[%iota3A, %broadcast_in_dim3A_285] : memref<16x128xf32, #tpu.memory_space<vmem>>[vector<16xi32>, vector<16xi32>], vector<16xf32>,
          tpu.vector_store_idx %arg15[%broadcast_in_dim3A_285, %gather3A], %gather3A_286 masked %lt3A_151 : memref<64x512xf32, #tpu.memory_space<vmem>>[vector<16xi32>, vector<16xi32>], vector<16xf32>, vector<16xi1>
          %broadcast_in_dim3A_287 = arith.constant 45 : i32
          %broadcast_in_dim3A_288 = vector.broadcast %broadcast_in_dim3A_287 : i32 to vector<16xi32>
          %gather3A_289 = tpu.vector_load_idx %arg13[%iota3A, %broadcast_in_dim3A_288] : memref<16x128xf32, #tpu.memory_space<vmem>>[vector<16xi32>, vector<16xi32>], vector<16xf32>,
          tpu.vector_store_idx %arg15[%broadcast_in_dim3A_288, %gather3A], %gather3A_289 masked %lt3A_151 : memref<64x512xf32, #tpu.memory_space<vmem>>[vector<16xi32>, vector<16xi32>], vector<16xf32>, vector<16xi1>
          %broadcast_in_dim3A_290 = arith.constant 46 : i32
          %broadcast_in_dim3A_291 = vector.broadcast %broadcast_in_dim3A_290 : i32 to vector<16xi32>
          %gather3A_292 = tpu.vector_load_idx %arg13[%iota3A, %broadcast_in_dim3A_291] : memref<16x128xf32, #tpu.memory_space<vmem>>[vector<16xi32>, vector<16xi32>], vector<16xf32>,
          tpu.vector_store_idx %arg15[%broadcast_in_dim3A_291, %gather3A], %gather3A_292 masked %lt3A_151 : memref<64x512xf32, #tpu.memory_space<vmem>>[vector<16xi32>, vector<16xi32>], vector<16xf32>, vector<16xi1>
          %broadcast_in_dim3A_293 = arith.constant 47 : i32
          %broadcast_in_dim3A_294 = vector.broadcast %broadcast_in_dim3A_293 : i32 to vector<16xi32>
          %gather3A_295 = tpu.vector_load_idx %arg13[%iota3A, %broadcast_in_dim3A_294] : memref<16x128xf32, #tpu.memory_space<vmem>>[vector<16xi32>, vector<16xi32>], vector<16xf32>,
          tpu.vector_store_idx %arg15[%broadcast_in_dim3A_294, %gather3A], %gather3A_295 masked %lt3A_151 : memref<64x512xf32, #tpu.memory_space<vmem>>[vector<16xi32>, vector<16xi32>], vector<16xf32>, vector<16xi1>
          %broadcast_in_dim3A_296 = arith.constant 48 : i32
          %broadcast_in_dim3A_297 = vector.broadcast %broadcast_in_dim3A_296 : i32 to vector<16xi32>
          %gather3A_298 = tpu.vector_load_idx %arg13[%iota3A, %broadcast_in_dim3A_297] : memref<16x128xf32, #tpu.memory_space<vmem>>[vector<16xi32>, vector<16xi32>], vector<16xf32>,
          tpu.vector_store_idx %arg15[%broadcast_in_dim3A_297, %gather3A], %gather3A_298 masked %lt3A_151 : memref<64x512xf32, #tpu.memory_space<vmem>>[vector<16xi32>, vector<16xi32>], vector<16xf32>, vector<16xi1>
          %broadcast_in_dim3A_299 = arith.constant 49 : i32
          %broadcast_in_dim3A_300 = vector.broadcast %broadcast_in_dim3A_299 : i32 to vector<16xi32>
          %gather3A_301 = tpu.vector_load_idx %arg13[%iota3A, %broadcast_in_dim3A_300] : memref<16x128xf32, #tpu.memory_space<vmem>>[vector<16xi32>, vector<16xi32>], vector<16xf32>,
          tpu.vector_store_idx %arg15[%broadcast_in_dim3A_300, %gather3A], %gather3A_301 masked %lt3A_151 : memref<64x512xf32, #tpu.memory_space<vmem>>[vector<16xi32>, vector<16xi32>], vector<16xf32>, vector<16xi1>
          %broadcast_in_dim3A_302 = arith.constant 50 : i32
          %broadcast_in_dim3A_303 = vector.broadcast %broadcast_in_dim3A_302 : i32 to vector<16xi32>
          %gather3A_304 = tpu.vector_load_idx %arg13[%iota3A, %broadcast_in_dim3A_303] : memref<16x128xf32, #tpu.memory_space<vmem>>[vector<16xi32>, vector<16xi32>], vector<16xf32>,
          tpu.vector_store_idx %arg15[%broadcast_in_dim3A_303, %gather3A], %gather3A_304 masked %lt3A_151 : memref<64x512xf32, #tpu.memory_space<vmem>>[vector<16xi32>, vector<16xi32>], vector<16xf32>, vector<16xi1>
          %broadcast_in_dim3A_305 = arith.constant 51 : i32
          %broadcast_in_dim3A_306 = vector.broadcast %broadcast_in_dim3A_305 : i32 to vector<16xi32>
          %gather3A_307 = tpu.vector_load_idx %arg13[%iota3A, %broadcast_in_dim3A_306] : memref<16x128xf32, #tpu.memory_space<vmem>>[vector<16xi32>, vector<16xi32>], vector<16xf32>,
          tpu.vector_store_idx %arg15[%broadcast_in_dim3A_306, %gather3A], %gather3A_307 masked %lt3A_151 : memref<64x512xf32, #tpu.memory_space<vmem>>[vector<16xi32>, vector<16xi32>], vector<16xf32>, vector<16xi1>
          %broadcast_in_dim3A_308 = arith.constant 52 : i32
          %broadcast_in_dim3A_309 = vector.broadcast %broadcast_in_dim3A_308 : i32 to vector<16xi32>
          %gather3A_310 = tpu.vector_load_idx %arg13[%iota3A, %broadcast_in_dim3A_309] : memref<16x128xf32, #tpu.memory_space<vmem>>[vector<16xi32>, vector<16xi32>], vector<16xf32>,
          tpu.vector_store_idx %arg15[%broadcast_in_dim3A_309, %gather3A], %gather3A_310 masked %lt3A_151 : memref<64x512xf32, #tpu.memory_space<vmem>>[vector<16xi32>, vector<16xi32>], vector<16xf32>, vector<16xi1>
          %broadcast_in_dim3A_311 = arith.constant 53 : i32
          %broadcast_in_dim3A_312 = vector.broadcast %broadcast_in_dim3A_311 : i32 to vector<16xi32>
          %gather3A_313 = tpu.vector_load_idx %arg13[%iota3A, %broadcast_in_dim3A_312] : memref<16x128xf32, #tpu.memory_space<vmem>>[vector<16xi32>, vector<16xi32>], vector<16xf32>,
          tpu.vector_store_idx %arg15[%broadcast_in_dim3A_312, %gather3A], %gather3A_313 masked %lt3A_151 : memref<64x512xf32, #tpu.memory_space<vmem>>[vector<16xi32>, vector<16xi32>], vector<16xf32>, vector<16xi1>
          %broadcast_in_dim3A_314 = arith.constant 54 : i32
          %broadcast_in_dim3A_315 = vector.broadcast %broadcast_in_dim3A_314 : i32 to vector<16xi32>
          %gather3A_316 = tpu.vector_load_idx %arg13[%iota3A, %broadcast_in_dim3A_315] : memref<16x128xf32, #tpu.memory_space<vmem>>[vector<16xi32>, vector<16xi32>], vector<16xf32>,
          tpu.vector_store_idx %arg15[%broadcast_in_dim3A_315, %gather3A], %gather3A_316 masked %lt3A_151 : memref<64x512xf32, #tpu.memory_space<vmem>>[vector<16xi32>, vector<16xi32>], vector<16xf32>, vector<16xi1>
          %broadcast_in_dim3A_317 = arith.constant 55 : i32
          %broadcast_in_dim3A_318 = vector.broadcast %broadcast_in_dim3A_317 : i32 to vector<16xi32>
          %gather3A_319 = tpu.vector_load_idx %arg13[%iota3A, %broadcast_in_dim3A_318] : memref<16x128xf32, #tpu.memory_space<vmem>>[vector<16xi32>, vector<16xi32>], vector<16xf32>,
          tpu.vector_store_idx %arg15[%broadcast_in_dim3A_318, %gather3A], %gather3A_319 masked %lt3A_151 : memref<64x512xf32, #tpu.memory_space<vmem>>[vector<16xi32>, vector<16xi32>], vector<16xf32>, vector<16xi1>
          %broadcast_in_dim3A_320 = arith.constant 56 : i32
          %broadcast_in_dim3A_321 = vector.broadcast %broadcast_in_dim3A_320 : i32 to vector<16xi32>
          %gather3A_322 = tpu.vector_load_idx %arg13[%iota3A, %broadcast_in_dim3A_321] : memref<16x128xf32, #tpu.memory_space<vmem>>[vector<16xi32>, vector<16xi32>], vector<16xf32>,
          tpu.vector_store_idx %arg15[%broadcast_in_dim3A_321, %gather3A], %gather3A_322 masked %lt3A_151 : memref<64x512xf32, #tpu.memory_space<vmem>>[vector<16xi32>, vector<16xi32>], vector<16xf32>, vector<16xi1>
          %broadcast_in_dim3A_323 = arith.constant 57 : i32
          %broadcast_in_dim3A_324 = vector.broadcast %broadcast_in_dim3A_323 : i32 to vector<16xi32>
          %gather3A_325 = tpu.vector_load_idx %arg13[%iota3A, %broadcast_in_dim3A_324] : memref<16x128xf32, #tpu.memory_space<vmem>>[vector<16xi32>, vector<16xi32>], vector<16xf32>,
          tpu.vector_store_idx %arg15[%broadcast_in_dim3A_324, %gather3A], %gather3A_325 masked %lt3A_151 : memref<64x512xf32, #tpu.memory_space<vmem>>[vector<16xi32>, vector<16xi32>], vector<16xf32>, vector<16xi1>
          %broadcast_in_dim3A_326 = arith.constant 58 : i32
          %broadcast_in_dim3A_327 = vector.broadcast %broadcast_in_dim3A_326 : i32 to vector<16xi32>
          %gather3A_328 = tpu.vector_load_idx %arg13[%iota3A, %broadcast_in_dim3A_327] : memref<16x128xf32, #tpu.memory_space<vmem>>[vector<16xi32>, vector<16xi32>], vector<16xf32>,
          tpu.vector_store_idx %arg15[%broadcast_in_dim3A_327, %gather3A], %gather3A_328 masked %lt3A_151 : memref<64x512xf32, #tpu.memory_space<vmem>>[vector<16xi32>, vector<16xi32>], vector<16xf32>, vector<16xi1>
          %broadcast_in_dim3A_329 = arith.constant 59 : i32
          %broadcast_in_dim3A_330 = vector.broadcast %broadcast_in_dim3A_329 : i32 to vector<16xi32>
          %gather3A_331 = tpu.vector_load_idx %arg13[%iota3A, %broadcast_in_dim3A_330] : memref<16x128xf32, #tpu.memory_space<vmem>>[vector<16xi32>, vector<16xi32>], vector<16xf32>,
          tpu.vector_store_idx %arg15[%broadcast_in_dim3A_330, %gather3A], %gather3A_331 masked %lt3A_151 : memref<64x512xf32, #tpu.memory_space<vmem>>[vector<16xi32>, vector<16xi32>], vector<16xf32>, vector<16xi1>
          %broadcast_in_dim3A_332 = arith.constant 60 : i32
          %broadcast_in_dim3A_333 = vector.broadcast %broadcast_in_dim3A_332 : i32 to vector<16xi32>
          %gather3A_334 = tpu.vector_load_idx %arg13[%iota3A, %broadcast_in_dim3A_333] : memref<16x128xf32, #tpu.memory_space<vmem>>[vector<16xi32>, vector<16xi32>], vector<16xf32>,
          tpu.vector_store_idx %arg15[%broadcast_in_dim3A_333, %gather3A], %gather3A_334 masked %lt3A_151 : memref<64x512xf32, #tpu.memory_space<vmem>>[vector<16xi32>, vector<16xi32>], vector<16xf32>, vector<16xi1>
          %broadcast_in_dim3A_335 = arith.constant 61 : i32
          %broadcast_in_dim3A_336 = vector.broadcast %broadcast_in_dim3A_335 : i32 to vector<16xi32>
          %gather3A_337 = tpu.vector_load_idx %arg13[%iota3A, %broadcast_in_dim3A_336] : memref<16x128xf32, #tpu.memory_space<vmem>>[vector<16xi32>, vector<16xi32>], vector<16xf32>,
          tpu.vector_store_idx %arg15[%broadcast_in_dim3A_336, %gather3A], %gather3A_337 masked %lt3A_151 : memref<64x512xf32, #tpu.memory_space<vmem>>[vector<16xi32>, vector<16xi32>], vector<16xf32>, vector<16xi1>
          %broadcast_in_dim3A_338 = arith.constant 62 : i32
          %broadcast_in_dim3A_339 = vector.broadcast %broadcast_in_dim3A_338 : i32 to vector<16xi32>
          %gather3A_340 = tpu.vector_load_idx %arg13[%iota3A, %broadcast_in_dim3A_339] : memref<16x128xf32, #tpu.memory_space<vmem>>[vector<16xi32>, vector<16xi32>], vector<16xf32>,
          tpu.vector_store_idx %arg15[%broadcast_in_dim3A_339, %gather3A], %gather3A_340 masked %lt3A_151 : memref<64x512xf32, #tpu.memory_space<vmem>>[vector<16xi32>, vector<16xi32>], vector<16xf32>, vector<16xi1>
          %broadcast_in_dim3A_341 = arith.constant 63 : i32
          %broadcast_in_dim3A_342 = vector.broadcast %broadcast_in_dim3A_341 : i32 to vector<16xi32>
          %gather3A_343 = tpu.vector_load_idx %arg13[%iota3A, %broadcast_in_dim3A_342] : memref<16x128xf32, #tpu.memory_space<vmem>>[vector<16xi32>, vector<16xi32>], vector<16xf32>,
          tpu.vector_store_idx %arg15[%broadcast_in_dim3A_342, %gather3A], %gather3A_343 masked %lt3A_151 : memref<64x512xf32, #tpu.memory_space<vmem>>[vector<16xi32>, vector<16xi32>], vector<16xf32>, vector<16xi1>
        }
        %mul3A_131 = arith.constant 512 : i32
        %mul3A_132 = arith.muli %while3A_67, %mul3A_131 : i32
        %add3A_133 = arith.addi %mul3A_2, %mul3A_132 : i32
        %dma_start3A_134 = arith.constant 0 : i32
        %dma_start3A_135 = tpu.memref_slice %arg5[%dma_start3A_134, %add3A_133] : memref<64x1000000xf32, #tpu.memory_space<hbm>> -> memref<64x512xf32, #tpu.memory_space<hbm>>
        %dma_start3A_136 = arith.constant 0 : i32
        %dma_start3A_137 = tpu.memref_slice %arg5[%dma_start3A_136, %add3A_133] : memref<64x1000000xf32, #tpu.memory_space<hbm>> -> memref<64x512xf32, #tpu.memory_space<hbm>>
        tpu.enqueue_dma source(%arg15 : memref<64x512xf32, #tpu.memory_space<vmem>>) target(%dma_start3A_137 : memref<64x512xf32, #tpu.memory_space<hbm>>) target_semaphore(%arg19 : memref<!tpu.dma_semaphore, #tpu.memory_space<semaphore_mem>>)
        scf.yield %cond3A_90 : vector<16xi32>
      }
      scf.yield %cond3A_76 : vector<16xi32>
    }
    %sub3A = arith.constant 1 : i32
    %sub3A_55 = arith.subi %select_n3A_9, %sub3A : i32
    %rem3A = arith.constant 2 : i32
    %rem3A_56 = arith.remsi %sub3A_55, %rem3A : i32
    %eq3A_57 = arith.constant 0 : i32
    %eq3A_58 = arith.cmpi eq, %rem3A_56, %eq3A_57 : i32
    %convert_element_type3A = arith.extui %eq3A_58 : i1 to i32
    %cond3A = arith.constant 0 : i32
    %cond3A_59 = arith.cmpi ne, %convert_element_type3A, %cond3A : i32
    scf.if %cond3A_59 {
      %mul3A_67 = arith.constant 512 : i32
      %mul3A_68 = arith.muli %sub3A_55, %mul3A_67 : i32
      %add3A_69 = arith.addi %mul3A_2, %mul3A_68 : i32
      %dma_wait3A = arith.constant 0 : i32
      %dma_wait3A_70 = tpu.memref_slice %arg5[%dma_wait3A, %add3A_69] : memref<64x1000000xf32, #tpu.memory_space<hbm>> -> memref<64x512xf32, #tpu.memory_space<hbm>>
      %dma_wait3A_71 = arith.constant 0 : i32
      %dma_wait3A_72 = tpu.memref_slice %arg5[%dma_wait3A_71, %add3A_69] : memref<64x1000000xf32, #tpu.memory_space<hbm>> -> memref<64x512xf32, #tpu.memory_space<hbm>>
      tpu.wait_dma2 semaphore(%arg18 : memref<!tpu.dma_semaphore, #tpu.memory_space<semaphore_mem>>) src(%arg14 : memref<64x512xf32, #tpu.memory_space<vmem>>) dst(%dma_wait3A_72 : memref<64x512xf32, #tpu.memory_space<hbm>>)
    } else {
    }
    %rem3A_60 = arith.constant 2 : i32
    %rem3A_61 = arith.remsi %sub3A_55, %rem3A_60 : i32
    %eq3A_62 = arith.constant 1 : i32
    %eq3A_63 = arith.cmpi eq, %rem3A_61, %eq3A_62 : i32
    %convert_element_type3A_64 = arith.extui %eq3A_63 : i1 to i32
    %cond3A_65 = arith.constant 0 : i32
    %cond3A_66 = arith.cmpi ne, %convert_element_type3A_64, %cond3A_65 : i32
    scf.if %cond3A_66 {
      %mul3A_67 = arith.constant 512 : i32
      %mul3A_68 = arith.muli %sub3A_55, %mul3A_67 : i32
      %add3A_69 = arith.addi %mul3A_2, %mul3A_68 : i32
      %dma_wait3A = arith.constant 0 : i32
      %dma_wait3A_70 = tpu.memref_slice %arg5[%dma_wait3A, %add3A_69] : memref<64x1000000xf32, #tpu.memory_space<hbm>> -> memref<64x512xf32, #tpu.memory_space<hbm>>
      %dma_wait3A_71 = arith.constant 0 : i32
      %dma_wait3A_72 = tpu.memref_slice %arg5[%dma_wait3A_71, %add3A_69] : memref<64x1000000xf32, #tpu.memory_space<hbm>> -> memref<64x512xf32, #tpu.memory_space<hbm>>
      tpu.wait_dma2 semaphore(%arg19 : memref<!tpu.dma_semaphore, #tpu.memory_space<semaphore_mem>>) src(%arg15 : memref<64x512xf32, #tpu.memory_space<vmem>>) dst(%dma_wait3A_72 : memref<64x512xf32, #tpu.memory_space<hbm>>)
    } else {
    }
    return
  }
}

</mosaic_0001>

<sc_bundles>
// kernel: kernel.3.cloned.1.call-start
scs
__scs_entry_jumppad:
0x0: {  	(pc) =	sbr.rel $0x88, $3  }
0x1: {  	(tag) =	ssettag $0x0;
	lr =	simm.s32 $0x1  }
0x2: {  	[smem:$0x3F9E] =	sst lr;
	_ =	strace $0xD0000000  }
0x3: {  	_ = 	snop  }
0x4: {  	_ = 	snop  }
0x5: {  	_ = 	snop  }
0x6: {  	_ = 	snop  }
0x7: {  	_ = 	snop  }
__scs_overlays_trampoline_lowered:
0x8: {  	[smem:$0x3FAD] =	sst s0  }
0x9: {  	[smem:$0x3FAE] =	sst s1  }
0xa: {  	[smem:$0x3FAF] =	sst s2  }
0xb: {  	[smem:$0x3FB0] =	sst s3  }
0xc: {  	[smem:$0x3FB1] =	sst s4  }
0xd: {  	[smem:$0x3FB2] =	sst s5  }
0xe: {  	[smem:$0x3FB3] =	sst s6  }
0xf: {  	[smem:$0x3FB4] =	sst s7  }
0x10: {  	[smem:$0x3FB5] =	sst s8  }
0x11: {  	[smem:$0x3FB6] =	sst s9;
	s0 =	simm.s32 @!p0 $0x0  }
0x12: {  	s1 =	sld [smem:$0x3F9C];
	s0 =	simm.s32 @p0 $0x1  }
0x13: {  	[smem:$0x3FB7] =	sst s0;
	s0 =	simm.s32 @!p1 $0x0  }
0x14: {  	s2 =	sld [smem:$0x3F9B];
	s0 =	simm.s32 @p1 $0x1  }
0x15: {  	[smem:$0x3FB8] =	sst s0;
	s0 =	simm.s32 @!p2 $0x0  }
0x16: {  	s3 =	sld [smem:$0x3FDB];
	s0 =	simm.s32 @p2 $0x1  }
0x17: {  	s4 =	simm.s32 $0x1BF5;
	[smem:$0x3FBA] =	sst s0  }
0x18: {  	s0 =	sld [smem:$0x3F9D];
	_ =	swait.ge [sflag:s4], $0x0  }
0x19: {  	s7 =	sld [smem:$0x3F9E]  }
0x1a: {  	s8 =	sadd.s32 $0xFFFFE003, lr  }
0x1b: {  	s9 =	sadd.s32 $0xFFFFFEF7, lr;
	s5 =	simm.s32 $0xFFFFFFFF;
	p2 =	slt.u32 s8, $0xFFFFF086  }
0x1c: {  	p1 =	slt.u32 s9, $0xF7A;
	s5 =	simm.s32 @!p2 $0x0  }
0x1d: {  	s5 =	simm.s32 @p1 $0x1;
	p0 =	seq.s32 s7, s2  }
0x1e: {  	s7 =	smul.u32 @!p0 $0xF7A, s2;
	p2 =	seq.s32 @!p0 s5, $0x0  }
0x1f: {  	s9 =	smul.u32 $0xF7A, s1;
	s8 =	simm.s32 @!p0 $0x1BF5;
	p2 =	por !p2, p0  }
0x20: {  	[sflag:s8] =	ssyncset.s32 @!p0 $0xFFFFF086;
	s6 =	sadd.s32 @!p0 s3, s7;
	s7 =	simm.s32 @!p0 $0x108  }
0x21: {  	s3 =	sadd.s32 s3, s9;
	s6 =	sadd.s32 @!p0 $0x88, s6;
	s7 =	simm.s32 @p2 $0x1082  }
0x22: {  	[simem:s7], [sflag:s8] =	dma.local @!p0 [hbm:s6], $0xF7A  }
0x23: {  	s9 =	sor.u32 $0xD0000000, s2;
	s6 =	simm.s32 $0x108;
	_ =	swait.ge @!p0 [sflag:s8], $0x0  }
0x24: {  	s3 =	sadd.s32 $0x88, s3;
	s6 =	simm.s32 @!p1 $0x1082;
	[sflag:s4] =	ssyncset.s32 $0xFFFFF086  }
0x25: {  	[simem:s6], [sflag:s4] =	dma.local [hbm:s3], $0xF7A  }
0x26: {  	[smem:$0x3F9E] =	sst s1;
	(tag) =	ssettag s2;
	_ =	strace s9  }
0x27: {  	s1 =	sld [smem:$0x3FAE]  }
0x28: {  	s2 =	sld [smem:$0x3FAF]  }
0x29: {  	s4 =	sld [smem:$0x3FB1]  }
0x2a: {  	p0 =	seq.s32 s5, $0x0;
	s5 =	sld [smem:$0x3FB2]  }
0x2b: {  	s6 =	sld [smem:$0x3FB3]  }
0x2c: {  	s7 =	sld [smem:$0x3FB4]  }
0x2d: {  	s3 =	simm.s32 $0x108;
	s8 =	sld [smem:$0x3FB5]  }
0x2e: {  	s3 =	simm.s32 @!p0 $0x1082;
	s9 =	sld [smem:$0x3FB6]  }
0x2f: {  	lr =	sadd.s32 s0, s3;
	s0 =	sld [smem:$0x3FAD]  }
0x30: {  	s3 =	sld [smem:$0x3FB0]  }
0x31: {  	[smem:$0x3FB9] =	sst s10  }
0x32: {  	s10 =	sld [smem:$0x3FB7];
	_ =	sdelay $0x3  }
0x33: {  	p0 =	seq.s32 s10, $0x1;
	s10 =	sld [smem:$0x3FB9];
	_ =	sdelay $0x3  }
0x34: {  	[smem:$0x3FB9] =	sst s10  }
0x35: {  	s10 =	sld [smem:$0x3FB8];
	_ =	sdelay $0x3  }
0x36: {  	p1 =	seq.s32 s10, $0x1;
	s10 =	sld [smem:$0x3FB9];
	_ =	sdelay $0x3  }
0x37: {  	[smem:$0x3FB9] =	sst s10  }
0x38: {  	s10 =	sld [smem:$0x3FBA]  }
0x39: {  	_ = 	snop;
	(pc) =	sbr.ind lr, $3  }
0x3a: {  	_ = 	snop  }
0x3b: {  	_ = 	snop  }
0x3c: {  	p2 =	seq.s32 s10, $0x1;
	s10 =	sld [smem:$0x3FB9]  }
0x3d: {  	_ =	shalt  }
0x3e: {  	_ =	shalt  }
0x3f: {  	_ =	shalt  }
0x40: {  	_ =	shalt  }
0x41: {  	_ =	shalt  }
0x42: {  	_ =	shalt  }
0x43: {  	_ =	shalt  }
0x44: {  	_ =	shalt  }
0x45: {  	_ =	shalt  }
0x46: {  	_ =	shalt  }
0x47: {  	_ =	shalt  }
0x48: {  	_ =	shalt  }
0x49: {  	_ =	shalt  }
0x4a: {  	_ =	shalt  }
0x4b: {  	_ =	shalt  }
0x4c: {  	_ =	shalt  }
0x4d: {  	_ =	shalt  }
0x4e: {  	_ =	shalt  }
0x4f: {  	_ =	shalt  }
0x50: {  	_ =	shalt  }
0x51: {  	_ =	shalt  }
0x52: {  	_ =	shalt  }
0x53: {  	_ =	shalt  }
0x54: {  	_ =	shalt  }
0x55: {  	_ =	shalt  }
0x56: {  	_ =	shalt  }
0x57: {  	_ =	shalt  }
0x58: {  	_ =	shalt  }
0x59: {  	_ =	shalt  }
0x5a: {  	_ =	shalt  }
0x5b: {  	_ =	shalt  }
0x5c: {  	_ =	shalt  }
0x5d: {  	_ =	shalt  }
0x5e: {  	_ =	shalt  }
0x5f: {  	_ =	shalt  }
0x60: {  	_ =	shalt  }
0x61: {  	_ =	shalt  }
0x62: {  	_ =	shalt  }
0x63: {  	_ =	shalt  }
0x64: {  	_ =	shalt  }
0x65: {  	_ =	shalt  }
0x66: {  	_ =	shalt  }
0x67: {  	_ =	shalt  }
0x68: {  	_ =	shalt  }
0x69: {  	_ =	shalt  }
0x6a: {  	_ =	shalt  }
0x6b: {  	_ =	shalt  }
0x6c: {  	_ =	shalt  }
0x6d: {  	_ =	shalt  }
0x6e: {  	_ =	shalt  }
0x6f: {  	_ =	shalt  }
0x70: {  	_ =	shalt  }
0x71: {  	_ =	shalt  }
0x72: {  	_ =	shalt  }
0x73: {  	_ =	shalt  }
0x74: {  	_ =	shalt  }
0x75: {  	_ =	shalt  }
0x76: {  	_ =	shalt  }
0x77: {  	_ =	shalt  }
0x78: {  	_ =	shalt  }
0x79: {  	_ =	shalt  }
0x7a: {  	_ =	shalt  }
0x7b: {  	_ =	shalt  }
0x7c: {  	_ =	shalt  }
0x7d: {  	_ =	shalt  }
0x7e: {  	_ =	shalt  }
0x7f: {  	_ =	shalt  }
0x80: {  	_ =	shalt  }
0x81: {  	_ =	shalt  }
0x82: {  	_ =	shalt  }
0x83: {  	_ =	shalt  }
0x84: {  	_ =	shalt  }
0x85: {  	_ =	shalt  }
0x86: {  	_ =	shalt  }
0x87: {  	_ =	shalt  }
.Lfunc_end0:
.L_simem_size_0:
called_computation_lowered:
.L_overlay_start_0:
0x88: {  	s2 =	sld [smem:$0x3FD9]  }
0x89: {  	s3 =	sld [smem:$0x3FFE];
	_ =	sdelay $0x1  }
0x8a: {  	s1 =	srdreg.scid  }
0x8b: {  	s0 =	sand.u32 $0x1, s1  }
0x8c: {  	s17 =	sshll.u32 s0, $0xA;
	s2 =	sadd.s32 s3, s2  }
0x8d: {  	s2 =	sadd.s32 s2, s17  }
0x8e: {  	[smem:$0x3FC5] =	sst s2  }
0x8f: {  	_ = 	snop  }
0x90: {  	s2 =	sld [smem:$0x3FC9]  }
0x91: {  	s18 =	sld [smem:$0x3FC8]  }
0x92: {  	s4 =	sld [smem:$0x3FD0];
	(tm) =	ssettm $0x1  }
0x93: {  	s5 =	sld [smem:$0x3FFB];
	_ =	sdelay $0x3  }
0x94: {  	_ =	strace s5  }
0x95: {  	s5 =	sld [smem:$0x3FFC];
	_ =	sdelay $0x3  }
0x96: {  	_ =	strace s5  }
0x97: {  	s5 =	sld [smem:$0x3FFD];
	_ =	sdelay $0x3  }
0x98: {  	_ =	strace s5  }
0x99: {  	_ =	strace $0x8FFFFFFF  }
0x9a: {  	s19 =	sld [smem:$0x3FDB];
	_ =	sdelay $0x1  }
0x9b: {  	s6 =	simm.s32 $_scs_section_size  }
0x9c: {  	s7 =	simm.s32 $_size__tile_overlayer_lowered;
	s8 =	simm.s32 $_tile_overlayer_lowered  }
0x9d: {  	s22 =	simm.s32 $0x1BFF;
	s21 =	sshll.u32 s8, $0x1;
	s5 =	sadd.s32 s6, s19  }
0x9e: {  	s9 =	simm.s32 $0x0;
	s20 =	sshll.u32 s7, $0x1;
	s7 =	sadd.s32 s21, s5  }
0x9f: {  	[timem:s9], [sflag:s22] =	dma.local [hbm:s7], s20  }
0xa0: {  	_ =	swait.ge [sflag:s22], s20  }
0xa1: {  	s6 =	ssub.s32 $0x0, s20;
	[sflag:s22] =	ssyncset.done $0x0  }
0xa2: {  	[sflag:s22] =	ssyncadd.s32 s6;
	_ =	sdelay $0x1  }
0xa3: {  	s23 =	simm.s32 $0x1B8B  }
0xa4: {  	_ =	swait.ge [sflag:s23], $0x1  }
0xa5: {  	[sflag:s23] =	ssyncset.done $0x0  }
0xa6: {  	s25 =	simm.s32 $0x1B8E;
	s24 =	sld [smem:$0x3FFE];
	[sflag:s23] =	ssyncadd.s32 $0xFFFFFFFF  }
0xa7: {  	s26 =	simm.s32 $execute0_lowered;
	[smem:$0x3FD2] =	sst s25  }
0xa8: {  	s7 =	sshll.u32 s26, $0x1;
	_ =	strace $0x80000046;
	[dreg:$0x1] =	wrdreg $0xFFFFFFFF  }
0xa9: {  	s28 =	simm.s32 $_size_execute0_lowered;
	s5 =	sadd.s32 s5, s7;
	[dreg:$0x0] =	wrdreg $0x0  }
0xaa: {  	s7 =	sshll.u32 s28, $0x1;
	[dreg:$0x2] =	wrdreg s5  }
0xab: {  	[dreg:$0x3] =	wrdreg s7  }
0xac: {  	[dreg:$0x4] =	wrdreg $0xC0  }
0xad: {  	_ =	task [dreg:s9], $0x5FFFF  }
0xae: {  	[dreg:$0x1] =	wrdreg $0xFFFFFFFF  }
0xaf: {  	[dreg:$0x0] =	wrdreg $0x60  }
0xb0: {  	[dreg:$0x2] =	wrdreg s2  }
0xb1: {  	[dreg:$0x3] =	wrdreg s18  }
0xb2: {  	[dreg:$0x4] =	wrdreg s24  }
0xb3: {  	[dreg:$0x5] =	wrdreg s4  }
0xb4: {  	[dreg:$0x6] =	wrdreg $0x9  }
0xb5: {  	_ =	task.clear_ibuf [dreg:s9], $0x7FFFF;
	_ =	strace $0x90000046  }
0xb6: {  	s29 =	simm.s32 $0x9;
	_ =	strace $0x80000048  }
0xb7: {  	_ =	swait.ge [sflag:s29], $0x1  }
0xb8: {  	[sflag:s29] =	ssyncadd.s32 $0xFFFFFFFF  }
0xb9: {  	_ =	strace $0x90000048  }
0xba: {  	_ =	sfence  }
0xbb: {  	s30 =	sld [smem:$0x0];
	_ =	sdelay $0x2  }
0xbc: {  	s31 =	sshll.u32 s1, $0xD;
	s1 =	sshrl.u32 s1, $0x2  }
0xbd: {  	s3 =	sand.u32 $0x4000, s31;
	s1 =	sadd.s32 s1, s30  }
0xbe: {  	s0 =	sor.u32 s3, s0;
	s1 =	sshll.u32 s1, $0x11  }
0xbf: {  	s0 =	sor.u32 s1, s0  }
0xc0: {  	s0 =	sadd.s32 $0x8F2B, s0  }
0xc1: {  	[sflag:s0] =	ssyncadd.remote.s32 $0x1  }
0xc2: {  	_ =	sfence.sel $0xFFFF  }
0xc3: {  	[dreg:$0x0] =	wrdreg $0xFFFFFFFF;
	(pc) =	sbr.abs _section_cstart, $3  }
0xc4: {  	[dreg:$0x1] =	wrdreg $0xFFFFFFFF  }
0xc5: {  	_ =	task.clear_ibuf [dreg:s9], $0x2FFFF;
	_ =	strace $0x9FFFFFFF  }
0xc6: {  	(tm) =	ssettm $0x7FFFFFFF  }
0xc7: {  	_ =	shalt  }
tec
execute0_lowered:
.L_overlay_start_1:
0x0: {  	(tag) =	ssettag $0x1  }
0x1: {  	s1 =	rddreg [dreg:$0x0]  }
0x2: {  	s0 =	rddreg [dreg:$0x2]  }
0x3: {  	s4 =	rddreg [dreg:$0x3]  }
0x4: {  	s5 =	simm.s32 $0x0;
	s2 =	srdreg.scid;
	s3 =	stileid.u32  }
0x5: {  	s7 =	simm.s32 $0x3E;
	s13 =	simm.s32 $0x3;
	s15 =	simm.s32 $0x1000  }
0x6: {  	s16 =	simm.s32 $0x7A1400;
	s17 =	simm.s32 $0xD600;
	s18 =	simm.s32 $0x4000  }
0x7: {  	s19 =	simm.s32 $0xBC00;
	s20 =	simm.s32 $0xBE80;
	s21 =	simm.s32 $0x10  }
0x8: {  	s22 =	simm.s32 $0xC600;
	s23 =	simm.s32 $0xC100;
	s24 =	simm.s32 $0xC380  }
0x9: {  	s28 =	simm.s32 $0x15600;
	s29 =	simm.s32 $0x5;
	s30 =	simm.s32 $0x2  }
0xa: {  	s31 =	simm.s32 $0x6;
	s2 =	sand.u32 $0x1, s2;
	s3 =	sshll.u32 s3, $0x1  }
0xb: {  	[smem:$0x7FF] =	sst s5;
	s8 =	ssub.s32 $0x2, s2;
	s2 =	sor.u32 s2, s3  }
0xc: {  	s6 =	sadd.s32 $0x40400, s0;
	_ =	strace $0x80000047;
	s11 =	smul.u32 $0x7A00, s2  }
0xd: {  	s3 =	simm.s32 $0x7C00;
	s25 =	sshrl.u32 s8, $0x1;
	s9 =	smul.u32 $0x3D, s2  }
0xe: {  	p0 =	seq.s32 s2, $0x1F;
	s10 =	smul.u32 $0x3D000, s2;
	s0 =	ssub.s32 s8, s25  }
.Ltmp0:
0xf: {  	s3 =	simm.s32 @!p0 $0x7A00;
	s7 =	simm.s32 @!p0 $0x3D;
	(pc) =	sbr.rel .LBB2_1-.Ltmp0, $4  }
0x10: {  	s1 =	sadd.s32 s1, s11;
	s26 =	sand.u32 $0x1, s7;
	s0 =	smax.u32 s0, $0x1  }
0x11: {  	[dreg:$0x5] =	wrdreg s1;
	p0 =	seq.s32 s26, $0x1;
	s1 =	simm.s32 $0x3  }
0x12: {  	v3 =	vlaneseq.u32;
	v4 =	vimm.s32 $0xFFFFFFFF;
	v5 =	vimm.s32 $0x0;
	s2 =	simm.s32 $0x0;
	[dreg:$0x7] =	wrdreg s0;
	s1 =	simm.s32 @!p0 $0x4  }
0x13: {  	s25 =	simm.s32 $0xCE00;
	v0 =	vmov s11;
	v1 =	vmov s3;
	v2 =	vmov s9;
	s26 =	simm.s32 $0x1;
	[dreg:$0x6] =	wrdreg s1  }
.LBB2_27:
0x14: {  	s0 =	rddreg [dreg:$0x6]  }
0x15: {  	_ =	swait.ge [sflag:s0], $0x8000  }
0x16: {  	s2 =	rddreg [dreg:$0x8]  }
0x17: {  	s1 =	rddreg [dreg:$0x7];
	s2 =	sadd.s32 $0x1, s2  }
0x18: {  	p0 =	sne.s32 s2, s1  }
.Ltmp1:
0x19: {  	_ = 	snop;
	(pc) =	sbr.rel @!p0 .LBB2_28-.Ltmp1, $3  }
0x1a: {  	_ =	sdelay $0x1  }
0x1b: {  	[sflag:s0] =	ssyncset.done $0x0  }
0x1c: {  	[sflag:s0] =	ssyncadd.s32 $0xFFFF8000  }
.LBB2_1:
0x1d: {  	s0 =	rddreg [dreg:$0x1];
	s3 =	simm.s32 $0x0;
	p0 =	por $0x0, $0x0  }
0x1e: {  	[tilespmem:s5], [sflag:$0x7] =	stream.linear.gather [hbm4b:s0+s5], $0x4000, $0x38;
	[tilespmem:$0x1D600] =	vst v63  }
.Ltmp2:
0x1f: {  	[dreg:$0x8] =	wrdreg s2;
	s12 =	simm.s32 $0x7;
	v8 =	vor.u32 s3, v3;
	(pc) =	sbr.rel @p0 .LBB2_3-.Ltmp2, $4  }
0x20: {  	s8 =	simm.s32 $0x10;
	_ =	swait.ge [sflag:s12], $0x4000  }
0x21: {  	s11 =	simm.s32 $0x20;
	s2 =	simm.s32 $0x30;
	[sflag:s12] =	ssyncset.done $0x0  }
0x22: {  	v6 =	vor.u32 s8, v3;
	s3 =	simm.s32 $0x70;
	s14 =	rddreg [dreg:$0x5];
	[sflag:s12] =	ssyncadd.s32 $0xFFFFC000  }
0x23: {  	v7 =	vor.u32 s11, v3;
	[tilespmem:s17], [sflag:$0x1] =	stream.strided.gather [hbm4b:s14+s15], $0x8000, s16, s15, $0x38;
	[tilespmem:$0x1D600] =	vst v63  }
.LBB2_2:
0x24: {  	s8 =	sadd.s32 $0xFFFFFFD0, s3;
	[tilespmem:v8+s18+$0x0] =	vst.idx.msk $0xffff, v4;
	v9 =	vor.u32 s2, v3;
	s2 =	smov.u32 s3;
	p0 =	seq.s32 s3, $0x7BF0  }
.Ltmp3:
0x25: {  	v8 =	vor.u32 s8, v3;
	(pc) =	sbr.rel @!p0 .LBB2_2-.Ltmp3, $4  }
0x26: {  	_ = 	snop  }
0x27: {  	s8 =	sadd.s32 $0xFFFFFFE0, s3;
	[tilespmem:v6+s18+$0x0] =	vst.idx.msk $0xffff, v4  }
0x28: {  	v6 =	vor.u32 s8, v3;
	s8 =	sadd.s32 $0xFFFFFFF0, s3;
	[tilespmem:v7+s18+$0x0] =	vst.idx.msk $0xffff, v4  }
0x29: {  	s3 =	sadd.s32 $0x40, s3;
	v7 =	vor.u32 s8, v3;
	[tilespmem:v9+s18+$0x0] =	vst.idx.msk $0xffff, v4  }
.LBB2_3:
0x2a: {  	_ =	sdelay $0x1  }
0x2b: {  	v9 =	vor.u32 s2, v3;
	_ =	sdelay $0x1  }
0x2c: {  	[tilespmem:v8+s18+$0x0] =	vst.idx.msk $0xffff, v4  }
0x2d: {  	[tilespmem:v6+s18+$0x0] =	vst.idx.msk $0xffff, v4  }
0x2e: {  	[tilespmem:v7+s18+$0x0] =	vst.idx.msk $0xffff, v4  }
0x2f: {  	s3 =	simm.s32 $0x0;
	s2 =	simm.s32 $0x0;
	[tilespmem:v9+s18+$0x0] =	vst.idx.msk $0xffff, v4  }
.LBB2_4:
0x30: {  	s8 =	sshll.u32 s2, $0x7  }
0x31: {  	v6 =	vor.u32 s8, v3;
	_ =	sdelay $0x4  }
0x32: {  	v7 =	vld.idx.msk [tilespmem:v6+s5+$0x0], $0xffff;
	_ =	sdelay $0x4  }
0x33: {  	v7 =	vsub.s32 v7, v0  }
0x34: {  	vm0 =	vgt.s32 v7, $0xFFFFFFFF;
	vm1 =	vlt.s32 v7, v1;
	vm2 =	vgt.s32 v7, $0x0  }
0x35: {  	vm0 =	vmand vm0, vm1;
	v7 =	vnsel vm2, $0x0, v7  }
0x36: {  	v7 =	vmin.u32 v7, $0x7BFF;
	_ =	sdelay $0x4  }
0x37: {  	v8 =	vld.idx.msk [tilespmem:v7+s18+$0x0], vm0;
	_ =	sdelay $0x4  }
0x38: {  	vm5 =	vgt.s32 v6, v8  }
0x39: {  	vm0 =	vmand vm5, vm0  }
0x3a: {  	s11 =	sor.u32 $0x10, s8  }
0x3b: {  	v8 =	vor.u32 s11, v3;
	_ =	sdelay $0x3  }
0x3c: {  	[tilespmem:v7+s18+$0x0] =	vst.idx.msk vm0, v6  }
0x3d: {  	v6 =	vld.idx.msk [tilespmem:v8+s5+$0x0], $0xffff;
	_ =	sdelay $0x4  }
0x3e: {  	v6 =	vsub.s32 v6, v0  }
0x3f: {  	vm6 =	vgt.s32 v6, $0xFFFFFFFF;
	vm7 =	vlt.s32 v6, v1;
	vm3 =	vgt.s32 v6, $0x0  }
0x40: {  	vm1 =	vmand vm6, vm7;
	v6 =	vnsel vm3, $0x0, v6  }
0x41: {  	v6 =	vmin.u32 v6, $0x7BFF;
	_ =	sdelay $0x4  }
0x42: {  	v7 =	vld.idx.msk [tilespmem:v6+s18+$0x0], vm1;
	_ =	sdelay $0x4  }
0x43: {  	vm8 =	vgt.s32 v8, v7  }
0x44: {  	vm1 =	vmand vm8, vm1  }
0x45: {  	s14 =	sor.u32 $0x20, s8  }
0x46: {  	v7 =	vor.u32 s14, v3;
	_ =	sdelay $0x3  }
0x47: {  	[tilespmem:v6+s18+$0x0] =	vst.idx.msk vm1, v8  }
0x48: {  	v6 =	vld.idx.msk [tilespmem:v7+s5+$0x0], $0xffff;
	_ =	sdelay $0x4  }
0x49: {  	v6 =	vsub.s32 v6, v0  }
0x4a: {  	vm9 =	vgt.s32 v6, $0xFFFFFFFF;
	vm10 =	vlt.s32 v6, v1;
	vm4 =	vgt.s32 v6, $0x0  }
0x4b: {  	vm2 =	vmand vm9, vm10;
	v6 =	vnsel vm4, $0x0, v6  }
0x4c: {  	v6 =	vmin.u32 v6, $0x7BFF;
	_ =	sdelay $0x4  }
0x4d: {  	v8 =	vld.idx.msk [tilespmem:v6+s18+$0x0], vm2;
	_ =	sdelay $0x4  }
0x4e: {  	vm11 =	vgt.s32 v7, v8  }
0x4f: {  	vm2 =	vmand vm11, vm2  }
0x50: {  	s0 =	sor.u32 $0x30, s8  }
0x51: {  	v8 =	vor.u32 s0, v3;
	_ =	sdelay $0x3  }
0x52: {  	[tilespmem:v6+s18+$0x0] =	vst.idx.msk vm2, v7  }
0x53: {  	v6 =	vld.idx.msk [tilespmem:v8+s5+$0x0], $0xffff;
	_ =	sdelay $0x4  }
0x54: {  	v6 =	vsub.s32 v6, v0  }
0x55: {  	vm12 =	vgt.s32 v6, $0xFFFFFFFF;
	vm13 =	vlt.s32 v6, v1;
	vm5 =	vgt.s32 v6, $0x0  }
0x56: {  	vm3 =	vmand vm12, vm13;
	v6 =	vnsel vm5, $0x0, v6  }
0x57: {  	v6 =	vmin.u32 v6, $0x7BFF;
	_ =	sdelay $0x4  }
0x58: {  	v7 =	vld.idx.msk [tilespmem:v6+s18+$0x0], vm3;
	_ =	sdelay $0x4  }
0x59: {  	vm14 =	vgt.s32 v8, v7  }
0x5a: {  	vm3 =	vmand vm14, vm3  }
0x5b: {  	s1 =	sor.u32 $0x40, s8  }
0x5c: {  	v7 =	vor.u32 s1, v3;
	_ =	sdelay $0x3  }
0x5d: {  	[tilespmem:v6+s18+$0x0] =	vst.idx.msk vm3, v8  }
0x5e: {  	v6 =	vld.idx.msk [tilespmem:v7+s5+$0x0], $0xffff;
	_ =	sdelay $0x4  }
0x5f: {  	v6 =	vsub.s32 v6, v0  }
0x60: {  	vm15 =	vgt.s32 v6, $0xFFFFFFFF;
	vm9 =	vlt.s32 v6, v1;
	vm6 =	vgt.s32 v6, $0x0  }
0x61: {  	vm4 =	vmand vm15, vm9;
	v6 =	vnsel vm6, $0x0, v6  }
0x62: {  	v6 =	vmin.u32 v6, $0x7BFF;
	_ =	sdelay $0x4  }
0x63: {  	v8 =	vld.idx.msk [tilespmem:v6+s18+$0x0], vm4;
	_ =	sdelay $0x4  }
0x64: {  	vm10 =	vgt.s32 v7, v8  }
0x65: {  	vm4 =	vmand vm10, vm4  }
0x66: {  	s12 =	sor.u32 $0x50, s8  }
0x67: {  	v8 =	vor.u32 s12, v3;
	_ =	sdelay $0x3  }
0x68: {  	[tilespmem:v6+s18+$0x0] =	vst.idx.msk vm4, v7  }
0x69: {  	v6 =	vld.idx.msk [tilespmem:v8+s5+$0x0], $0xffff;
	_ =	sdelay $0x4  }
0x6a: {  	v6 =	vsub.s32 v6, v0  }
0x6b: {  	vm11 =	vgt.s32 v6, $0xFFFFFFFF;
	vm12 =	vlt.s32 v6, v1;
	vm7 =	vgt.s32 v6, $0x0  }
0x6c: {  	vm5 =	vmand vm11, vm12;
	v6 =	vnsel vm7, $0x0, v6  }
0x6d: {  	v6 =	vmin.u32 v6, $0x7BFF;
	_ =	sdelay $0x4  }
0x6e: {  	v7 =	vld.idx.msk [tilespmem:v6+s18+$0x0], vm5;
	_ =	sdelay $0x4  }
0x6f: {  	vm13 =	vgt.s32 v8, v7  }
0x70: {  	vm5 =	vmand vm13, vm5  }
0x71: {  	s14 =	sor.u32 $0x60, s8  }
0x72: {  	v7 =	vor.u32 s14, v3;
	_ =	sdelay $0x3  }
0x73: {  	[tilespmem:v6+s18+$0x0] =	vst.idx.msk vm5, v8  }
0x74: {  	v6 =	vld.idx.msk [tilespmem:v7+s5+$0x0], $0xffff;
	_ =	sdelay $0x4  }
0x75: {  	v6 =	vsub.s32 v6, v0  }
0x76: {  	vm14 =	vgt.s32 v6, $0xFFFFFFFF;
	vm15 =	vlt.s32 v6, v1;
	vm8 =	vgt.s32 v6, $0x0  }
0x77: {  	vm6 =	vmand vm14, vm15;
	v6 =	vnsel vm8, $0x0, v6  }
0x78: {  	v6 =	vmin.u32 v6, $0x7BFF;
	_ =	sdelay $0x4  }
0x79: {  	v8 =	vld.idx.msk [tilespmem:v6+s18+$0x0], vm6;
	_ =	sdelay $0x4  }
0x7a: {  	vm12 =	vgt.s32 v7, v8  }
0x7b: {  	vm6 =	vmand vm12, vm6  }
0x7c: {  	s8 =	sor.u32 $0x70, s8  }
0x7d: {  	v8 =	vor.u32 s8, v3;
	_ =	sdelay $0x3  }
0x7e: {  	[tilespmem:v6+s18+$0x0] =	vst.idx.msk vm6, v7  }
0x7f: {  	v6 =	vld.idx.msk [tilespmem:v8+s5+$0x0], $0xffff;
	_ =	sdelay $0x4  }
0x80: {  	v6 =	vsub.s32 v6, v0  }
0x81: {  	vm13 =	vgt.s32 v6, $0xFFFFFFFF;
	vm14 =	vlt.s32 v6, v1;
	vm9 =	vgt.s32 v6, $0x0  }
0x82: {  	vm7 =	vmand vm13, vm14;
	v6 =	vnsel vm9, $0x0, v6  }
0x83: {  	v6 =	vmin.u32 v6, $0x7BFF;
	_ =	sdelay $0x4  }
0x84: {  	v7 =	vmpcnt.ones.xlane vm0;
	v9 =	vld.idx.msk [tilespmem:v6+s18+$0x0], vm7  }
0x85: {  	v10 =	vmpcnt.ones.xlane vm1  }
0x86: {  	v11 =	vmpcnt.ones.xlane vm2;
	v7 =	vxor.u32 $0x80000000, v7  }
0x87: {  	v12 =	vmpcnt.ones.xlane vm3;
	(xrf0) =	vmax.scan.msk.u32 $0xffff, v7;
	v7 =	vxor.u32 $0x80000000, v10  }
0x88: {  	v55 =	vmpcnt.ones.xlane vm4;
	(xrf0) =	vmax.scan.msk.u32 $0xffff, v7;
	v7 =	vxor.u32 $0x80000000, v11  }
0x89: {  	v56 =	vxor.u32 $0x80000000, v12;
	(xrf0) =	vmax.scan.msk.u32 $0xffff, v7;
	v7 =	vmpcnt.ones.xlane vm5;
	vm15 =	vgt.s32 v8, v9  }
0x8a: {  	v57 =	vxor.u32 $0x80000000, v55;
	v58 =	vmpcnt.ones.xlane vm6;
	(xrf0) =	vmax.scan.msk.u32 $0xffff, v56;
	vm0 =	vmand vm15, vm7  }
0x8b: {  	(xrf0) =	vmax.scan.msk.u32 $0xffff, v57;
	v7 =	vxor.u32 $0x80000000, v7;
	v59 =	vmpcnt.ones.xlane vm0  }
0x8c: {  	(xrf0) =	vmax.scan.msk.u32 $0xffff, v7;
	v7 =	vxor.u32 $0x80000000, v58  }
0x8d: {  	v60, _, _ =	vpop (xrf0);
	(xrf0) =	vmax.scan.msk.u32 $0xffff, v7;
	v7 =	vxor.u32 $0x80000000, v59;
	_ =	sdelay $0x1  }
0x8e: {  	(v2sf) =	vpush v60, $0xF;
	v61, _, _ =	vpop (xrf0);
	(xrf0) =	vmax.scan.msk.u32 $0xffff, v7  }
0x8f: {  	(v2sf) =	vpush v61, $0xF;
	v7, _, _ =	vpop (xrf0)  }
0x90: {  	v62, _, _ =	vpop (xrf0);
	(v2sf) =	vpush v7, $0xF  }
0x91: {  	v7, _, _ =	vpop (xrf0);
	(v2sf) =	vpush v62, $0xF  }
0x92: {  	v63, _, _ =	vpop (xrf0);
	(v2sf) =	vpush v7, $0xF  }
0x93: {  	v7, _, _ =	vpop (xrf0);
	(v2sf) =	vpush v63, $0xF  }
0x94: {  	(v2sf) =	vpush v7, $0xF;
	v7, _, _ =	vpop (xrf0)  }
0x95: {  	(v2sf) =	vpush v7, $0xF;
	_ =	sdelay $0x7  }
0x96: {  	s0 =	spop (v2sf)  }
0x97: {  	s1 =	spop (v2sf);
	s3 =	sadd.s32 s0, s3  }
0x98: {  	s3 =	sadd.s32 s1, s3;
	s12 =	spop (v2sf)  }
0x99: {  	s14 =	spop (v2sf);
	s3 =	sadd.s32 s12, s3  }
0x9a: {  	s0 =	spop (v2sf);
	s3 =	sadd.s32 s14, s3  }
0x9b: {  	s1 =	spop (v2sf);
	s3 =	sadd.s32 s0, s3  }
0x9c: {  	s12 =	spop (v2sf);
	s3 =	sadd.s32 s1, s3  }
0x9d: {  	s2 =	sadd.s32 $0x1, s2;
	s3 =	sadd.s32 s12, s3;
	s14 =	spop (v2sf)  }
0x9e: {  	p0 =	seq.s32 s2, $0x80;
	s3 =	sadd.s32 s14, s3  }
0x9f: {  	p1 =	slt.s32 @p0 s3, $0x1  }
0xa0: {  	p1 =	por !p0, !p1  }
.Ltmp4:
0xa1: {  	_ = 	snop;
	(pc) =	sbr.rel @p1 .LBB2_4-.Ltmp4, $2  }
0xa2: {  	_ =	sdelay $0x2  }
0xa3: {  	s2 =	simm.s32 @p0 $0x0;
	s8 =	simm.s32 @p0 $0x0;
	[tilespmem:v6+s18+$0x0] =	vst.idx.msk vm0, v8;
	v6 =	vimm.s32 @p0 $0x0;
	s3 =	simm.s32 @p0 $0x0  }
.LBB2_5:
0xa4: {  	v7 =	vor.u32 s8, v3;
	_ =	sdelay $0x4  }
0xa5: {  	v8 =	vld.idx.msk [tilespmem:v7+s18+$0x0], $0xffff;
	_ =	sdelay $0x4  }
0xa6: {  	vm0 =	vgt.s32 v8, $0xFFFFFFFF  }
0xa7: {  	v9 =	vsel vm0, $0x1, v5  }
0xa8: {  	(xrf0) =	vadd.scan.msk.s32 $0xffff, v9;
	_ =	sdelay $0x5  }
0xa9: {  	v10, _, _ =	vpop (xrf0)  }
0xaa: {  	v9 =	vsub.s32 v10, v9  }
0xab: {  	v9 =	vadd.s32 v6, v9  }
0xac: {  	s2 =	sadd.s32 $0x10, s8  }
0xad: {  	v55 =	vor.u32 s2, v3;
	_ =	sdelay $0x2  }
0xae: {  	[tilespmem:v9+s19+$0x0] =	vst.idx.msk vm0, v8  }
0xaf: {  	[tilespmem:v9+s20+$0x0] =	vst.idx.msk vm0, v7  }
0xb0: {  	v7 =	vld.idx.msk [tilespmem:v55+s18+$0x0], $0xffff;
	_ =	sdelay $0x4  }
0xb1: {  	vm1 =	vgt.s32 v7, $0xFFFFFFFF  }
0xb2: {  	v8 =	vsel vm1, $0x1, v5  }
0xb3: {  	(xrf0) =	vadd.scan.msk.s32 $0xffff, v8;
	_ =	sdelay $0x4  }
0xb4: {  	v56 =	vmpcnt.ones.xlane vm0  }
0xb5: {  	v11, _, _ =	vpop (xrf0)  }
0xb6: {  	v6 =	vadd.s32 v6, v56;
	v8 =	vsub.s32 v11, v8  }
0xb7: {  	v8 =	vadd.s32 v6, v8  }
0xb8: {  	s12 =	sadd.s32 $0x20, s8  }
0xb9: {  	v57 =	vor.u32 s12, v3;
	_ =	sdelay $0x2  }
0xba: {  	[tilespmem:v8+s19+$0x0] =	vst.idx.msk vm1, v7  }
0xbb: {  	[tilespmem:v8+s20+$0x0] =	vst.idx.msk vm1, v55  }
0xbc: {  	v7 =	vld.idx.msk [tilespmem:v57+s18+$0x0], $0xffff;
	_ =	sdelay $0x4  }
0xbd: {  	vm14 =	vgt.s32 v7, $0xFFFFFFFF  }
0xbe: {  	v8 =	vsel vm14, $0x1, v5  }
0xbf: {  	(xrf0) =	vadd.scan.msk.s32 $0xffff, v8;
	_ =	sdelay $0x4  }
0xc0: {  	v58 =	vmpcnt.ones.xlane vm1  }
0xc1: {  	v59, _, _ =	vpop (xrf0)  }
0xc2: {  	v6 =	vadd.s32 v6, v58;
	v8 =	vsub.s32 v59, v8  }
0xc3: {  	v8 =	vadd.s32 v6, v8  }
0xc4: {  	s14 =	sadd.s32 $0x30, s8  }
0xc5: {  	v60 =	vor.u32 s14, v3;
	_ =	sdelay $0x2  }
0xc6: {  	[tilespmem:v8+s19+$0x0] =	vst.idx.msk vm14, v7  }
0xc7: {  	[tilespmem:v8+s20+$0x0] =	vst.idx.msk vm14, v57  }
0xc8: {  	v7 =	vld.idx.msk [tilespmem:v60+s18+$0x0], $0xffff;
	_ =	sdelay $0x4  }
0xc9: {  	vm15 =	vgt.s32 v7, $0xFFFFFFFF  }
0xca: {  	v8 =	vsel vm15, $0x1, v5  }
0xcb: {  	(xrf0) =	vadd.scan.msk.s32 $0xffff, v8;
	_ =	sdelay $0x4  }
0xcc: {  	v61 =	vmpcnt.ones.xlane vm14  }
0xcd: {  	v62, _, _ =	vpop (xrf0)  }
0xce: {  	v6 =	vadd.s32 v6, v61;
	v8 =	vsub.s32 v62, v8  }
0xcf: {  	v8 =	vadd.s32 v6, v8  }
0xd0: {  	p0 =	sne.s32 s8, $0x1C0  }
.Ltmp5:
0xd1: {  	_ = 	snop;
	(pc) =	sbr.rel @p0 .LBB2_5-.Ltmp5, $4  }
0xd2: {  	_ = 	snop  }
0xd3: {  	v63 =	vmpcnt.ones.xlane vm15  }
0xd4: {  	[tilespmem:v8+s19+$0x0] =	vst.idx.msk vm15, v7  }
0xd5: {  	s8 =	sadd.s32 $0x40, s8;
	v6 =	vadd.s32 v6, v63;
	[tilespmem:v8+s20+$0x0] =	vst.idx.msk vm15, v60  }
0xd6: {  	v7 =	vadd.s32 v3, v6;
	_ =	sdelay $0x1  }
.Ltmp6:
0xd7: {  	_ = 	snop;
	(pc) =	sbr.rel .LBB2_7-.Ltmp6, $3  }
0xd8: {  	_ =	sdelay $0x1  }
0xd9: {  	s3 =	simm.s32 $0x0;
	[tilespmem:v7+s19+$0x0] =	vst.idx.msk $0xffff, v2  }
0xda: {  	[tilespmem:s22], [sflag:$0x5] =	stream.indirect.gather [hbm4b:s6+s21], $0x80, s19, s21, $0xb8;
	[tilespmem:$0x1D600] =	vst v63  }
.LBB2_25:
0xdb: {  	s0 =	sshll.u32 s3, $0xC  }
0xdc: {  	s0 =	sadd.s32 s10, s0  }
0xdd: {  	s0 =	sshrl.u32 s0, $0x3  }
0xde: {  	s0 =	sadd.s32 s4, s0  }
0xdf: {  	[hbm4b:s0+s15] =	stream.strided.scatter [tilespmem:s28], [sflag:$0x4], $0x8000, s16, s15, $0x38;
	[tilespmem:$0x1D600] =	vst v63  }
.LBB2_26:
0xe0: {  	p0 =	sne.s32 s2, s7  }
.Ltmp7:
0xe1: {  	_ = 	snop;
	(pc) =	sbr.rel @!p0 .LBB2_27-.Ltmp7, $2  }
0xe2: {  	_ =	sdelay $0x2  }
0xe3: {  	v6 =	vmov v7;
	s3 =	smov.u32 s2  }
.LBB2_7:
0xe4: {  	s2 =	sand.u32 $0x1, s3  }
0xe5: {  	p0 =	seq.s32 s2, $0x1  }
.Ltmp8:
0xe6: {  	_ = 	snop;
	(pc) =	sbr.rel @p0 .LBB2_17-.Ltmp8, $1  }
0xe7: {  	_ =	sdelay $0x3  }
0xe8: {  	s2 =	sor.u32 $0x1, s3  }
0xe9: {  	p1 =	slt.u32 s2, s7  }
.Ltmp9:
0xea: {  	p0 =	seq.s32 s3, $0x0;
	(pc) =	sbr.rel @!p1 .LBB2_9-.Ltmp9, $4  }
0xeb: {  	s8 =	simm.s32 @!p0 $0x4  }
0xec: {  	_ =	swait.ge @!p0 [sflag:s8], $0x8000  }
0xed: {  	[sflag:s8] =	ssyncset.done @!p0 $0x0  }
0xee: {  	[sflag:s8] =	ssyncadd.s32 @!p0 $0xFFFF8000  }
0xef: {  	s8 =	sshll.u32 s3, $0x9;
	v7 =	vimm.s32 $0x0;
	s11 =	simm.s32 $0x20  }
.LBB2_11:
0xf0: {  	s12 =	sadd.s32 s11, s8  }
0xf1: {  	s14 =	sadd.s32 $0x1E0, s12  }
0xf2: {  	v8 =	vor.u32 s14, v3;
	_ =	sdelay $0x4  }
0xf3: {  	v8 =	vld.idx.msk [tilespmem:v8+s18+$0x0], $0xffff;
	_ =	sdelay $0x4  }
0xf4: {  	vm0 =	vgt.s32 v8, $0xFFFFFFFF  }
0xf5: {  	v9 =	vsel vm0, $0x1, v5  }
0xf6: {  	(xrf0) =	vadd.scan.msk.s32 $0xffff, v9;
	_ =	sdelay $0x5  }
0xf7: {  	v10, _, _ =	vpop (xrf0)  }
0xf8: {  	v9 =	vsub.s32 v10, v9  }
0xf9: {  	v9 =	vadd.s32 v7, v9  }
0xfa: {  	s0 =	sadd.s32 $0x1F0, s12  }
0xfb: {  	v52 =	vor.u32 s0, v3;
	_ =	sdelay $0x1  }
0xfc: {  	s1 =	sadd.s32 $0xFFFFFFE0, s11  }
0xfd: {  	[tilespmem:v9+s23+$0x0] =	vst.idx.msk vm0, v8;
	v8 =	vor.u32 s1, v3  }
0xfe: {  	[tilespmem:v9+s24+$0x0] =	vst.idx.msk vm0, v8  }
0xff: {  	v8 =	vld.idx.msk [tilespmem:v52+s18+$0x0], $0xffff;
	_ =	sdelay $0x4  }
0x100: {  	vm1 =	vgt.s32 v8, $0xFFFFFFFF  }
0x101: {  	v53 =	vsel vm1, $0x1, v5  }
0x102: {  	(xrf0) =	vadd.scan.msk.s32 $0xffff, v53;
	_ =	sdelay $0x4  }
0x103: {  	v54 =	vmpcnt.ones.xlane vm0  }
0x104: {  	v11, _, _ =	vpop (xrf0)  }
0x105: {  	v7 =	vadd.s32 v7, v54;
	v9 =	vsub.s32 v11, v53  }
0x106: {  	v9 =	vadd.s32 v7, v9  }
0x107: {  	s0 =	sadd.s32 $0x200, s12  }
0x108: {  	v55 =	vor.u32 s0, v3;
	_ =	sdelay $0x1  }
0x109: {  	s1 =	sadd.s32 $0xFFFFFFF0, s11  }
0x10a: {  	[tilespmem:v9+s23+$0x0] =	vst.idx.msk vm1, v8;
	v8 =	vor.u32 s1, v3  }
0x10b: {  	[tilespmem:v9+s24+$0x0] =	vst.idx.msk vm1, v8  }
0x10c: {  	v8 =	vld.idx.msk [tilespmem:v55+s18+$0x0], $0xffff;
	_ =	sdelay $0x4  }
0x10d: {  	vm14 =	vgt.s32 v8, $0xFFFFFFFF  }
0x10e: {  	v56 =	vsel vm14, $0x1, v5  }
0x10f: {  	(xrf0) =	vadd.scan.msk.s32 $0xffff, v56;
	_ =	sdelay $0x4  }
0x110: {  	v57 =	vmpcnt.ones.xlane vm1  }
0x111: {  	v58, _, _ =	vpop (xrf0)  }
0x112: {  	v7 =	vadd.s32 v7, v57;
	v9 =	vsub.s32 v58, v56  }
0x113: {  	v9 =	vadd.s32 v7, v9  }
0x114: {  	s12 =	sadd.s32 $0x210, s12  }
0x115: {  	v59 =	vor.u32 s12, v3;
	_ =	sdelay $0x2  }
0x116: {  	[tilespmem:v9+s23+$0x0] =	vst.idx.msk vm14, v8;
	v8 =	vor.u32 s11, v3  }
0x117: {  	[tilespmem:v9+s24+$0x0] =	vst.idx.msk vm14, v8  }
0x118: {  	v8 =	vld.idx.msk [tilespmem:v59+s18+$0x0], $0xffff;
	_ =	sdelay $0x4  }
0x119: {  	vm15 =	vgt.s32 v8, $0xFFFFFFFF  }
0x11a: {  	v60 =	vsel vm15, $0x1, v5  }
0x11b: {  	(xrf0) =	vadd.scan.msk.s32 $0xffff, v60;
	_ =	sdelay $0x4  }
0x11c: {  	v61 =	vmpcnt.ones.xlane vm14  }
0x11d: {  	v62, _, _ =	vpop (xrf0)  }
0x11e: {  	v7 =	vadd.s32 v7, v61;
	v9 =	vsub.s32 v62, v60  }
0x11f: {  	v9 =	vadd.s32 v7, v9  }
0x120: {  	p0 =	sne.s32 s11, $0x1E0  }
.Ltmp10:
0x121: {  	_ = 	snop;
	(pc) =	sbr.rel @p0 .LBB2_11-.Ltmp10, $4  }
0x122: {  	_ = 	snop  }
0x123: {  	s14 =	sadd.s32 $0x10, s11;
	v63 =	vmpcnt.ones.xlane vm15  }
0x124: {  	[tilespmem:v9+s23+$0x0] =	vst.idx.msk vm15, v8;
	v8 =	vor.u32 s14, v3  }
0x125: {  	s11 =	sadd.s32 $0x40, s11;
	v7 =	vadd.s32 v7, v63;
	[tilespmem:v9+s24+$0x0] =	vst.idx.msk vm15, v8  }
0x126: {  	v8 =	vadd.s32 v3, v7;
	_ =	sdelay $0x2  }
0x127: {  	s8 =	sadd.s32 s9, s2  }
0x128: {  	v9 =	vmov s8  }
0x129: {  	[tilespmem:v8+s23+$0x0] =	vst.idx.msk $0xffff, v9  }
0x12a: {  	[tilespmem:s25], [sflag:$0x6] =	stream.indirect.gather [hbm4b:s6+s21], $0x80, s23, s21, $0xb8;
	[tilespmem:$0x1D600] =	vst v63  }
0x12b: {  	_ =	swait.ge [sflag:s26], $0x8000  }
.Ltmp11:
0x12c: {  	s14 =	sshll.u32 s2, $0xC;
	[sflag:s26] =	ssyncset.done $0x0;
	(pc) =	sbr.rel .LBB2_13-.Ltmp11, $4  }
0x12d: {  	s8 =	sadd.s32 s10, s14;
	[sflag:s26] =	ssyncadd.s32 $0xFFFF8000  }
0x12e: {  	s8 =	sshrl.u32 s8, $0x3;
	s0 =	rddreg [dreg:$0x0]  }
0x12f: {  	s8 =	sadd.s32 s0, s8  }
0x130: {  	[tilespmem:s28], [sflag:$0x2] =	stream.strided.gather [hbm4b:s8+s15], $0x8000, s16, s15, $0x38;
	[tilespmem:$0x1D600] =	vst v63  }
.LBB2_17:
0x131: {  	s2 =	sadd.s32 $0x1, s3  }
0x132: {  	p0 =	slt.u32 s2, s7  }
.Ltmp12:
0x133: {  	_ = 	snop;
	(pc) =	sbr.rel @!p0 .LBB2_18-.Ltmp12, $4  }
0x134: {  	_ = 	snop  }
0x135: {  	_ =	swait.ge [sflag:s13], $0x8000  }
0x136: {  	[sflag:s13] =	ssyncset.done $0x0  }
0x137: {  	[sflag:s13] =	ssyncadd.s32 $0xFFFF8000  }
0x138: {  	s8 =	sshll.u32 s3, $0x9;
	v7 =	vimm.s32 $0x0;
	s11 =	simm.s32 $0x20  }
.LBB2_20:
0x139: {  	s0 =	sadd.s32 s11, s8  }
0x13a: {  	s1 =	sadd.s32 $0x1E0, s0  }
0x13b: {  	v8 =	vor.u32 s1, v3;
	_ =	sdelay $0x4  }
0x13c: {  	v8 =	vld.idx.msk [tilespmem:v8+s18+$0x0], $0xffff;
	_ =	sdelay $0x4  }
0x13d: {  	vm0 =	vgt.s32 v8, $0xFFFFFFFF  }
0x13e: {  	v9 =	vsel vm0, $0x1, v5  }
0x13f: {  	(xrf0) =	vadd.scan.msk.s32 $0xffff, v9;
	_ =	sdelay $0x5  }
0x140: {  	v10, _, _ =	vpop (xrf0)  }
0x141: {  	v9 =	vsub.s32 v10, v9  }
0x142: {  	v9 =	vadd.s32 v7, v9  }
0x143: {  	s14 =	sadd.s32 $0x1F0, s0  }
0x144: {  	v52 =	vor.u32 s14, v3;
	_ =	sdelay $0x1  }
0x145: {  	s12 =	sadd.s32 $0xFFFFFFE0, s11  }
0x146: {  	[tilespmem:v9+s19+$0x0] =	vst.idx.msk vm0, v8;
	v8 =	vor.u32 s12, v3  }
0x147: {  	[tilespmem:v9+s20+$0x0] =	vst.idx.msk vm0, v8  }
0x148: {  	v8 =	vld.idx.msk [tilespmem:v52+s18+$0x0], $0xffff;
	_ =	sdelay $0x4  }
0x149: {  	vm1 =	vgt.s32 v8, $0xFFFFFFFF  }
0x14a: {  	v53 =	vsel vm1, $0x1, v5  }
0x14b: {  	(xrf0) =	vadd.scan.msk.s32 $0xffff, v53;
	_ =	sdelay $0x4  }
0x14c: {  	v54 =	vmpcnt.ones.xlane vm0  }
0x14d: {  	v11, _, _ =	vpop (xrf0)  }
0x14e: {  	v7 =	vadd.s32 v7, v54;
	v9 =	vsub.s32 v11, v53  }
0x14f: {  	v9 =	vadd.s32 v7, v9  }
0x150: {  	s14 =	sadd.s32 $0x200, s0  }
0x151: {  	v55 =	vor.u32 s14, v3;
	_ =	sdelay $0x1  }
0x152: {  	s12 =	sadd.s32 $0xFFFFFFF0, s11  }
0x153: {  	[tilespmem:v9+s19+$0x0] =	vst.idx.msk vm1, v8;
	v8 =	vor.u32 s12, v3  }
0x154: {  	[tilespmem:v9+s20+$0x0] =	vst.idx.msk vm1, v8  }
0x155: {  	v8 =	vld.idx.msk [tilespmem:v55+s18+$0x0], $0xffff;
	_ =	sdelay $0x4  }
0x156: {  	vm14 =	vgt.s32 v8, $0xFFFFFFFF  }
0x157: {  	v56 =	vsel vm14, $0x1, v5  }
0x158: {  	(xrf0) =	vadd.scan.msk.s32 $0xffff, v56;
	_ =	sdelay $0x4  }
0x159: {  	v57 =	vmpcnt.ones.xlane vm1  }
0x15a: {  	v58, _, _ =	vpop (xrf0)  }
0x15b: {  	v7 =	vadd.s32 v7, v57;
	v9 =	vsub.s32 v58, v56  }
0x15c: {  	v9 =	vadd.s32 v7, v9  }
0x15d: {  	s0 =	sadd.s32 $0x210, s0  }
0x15e: {  	v59 =	vor.u32 s0, v3;
	_ =	sdelay $0x2  }
0x15f: {  	[tilespmem:v9+s19+$0x0] =	vst.idx.msk vm14, v8;
	v8 =	vor.u32 s11, v3  }
0x160: {  	[tilespmem:v9+s20+$0x0] =	vst.idx.msk vm14, v8  }
0x161: {  	v8 =	vld.idx.msk [tilespmem:v59+s18+$0x0], $0xffff;
	_ =	sdelay $0x4  }
0x162: {  	vm15 =	vgt.s32 v8, $0xFFFFFFFF  }
0x163: {  	v60 =	vsel vm15, $0x1, v5  }
0x164: {  	(xrf0) =	vadd.scan.msk.s32 $0xffff, v60;
	_ =	sdelay $0x4  }
0x165: {  	v61 =	vmpcnt.ones.xlane vm14  }
0x166: {  	v62, _, _ =	vpop (xrf0)  }
0x167: {  	v7 =	vadd.s32 v7, v61;
	v9 =	vsub.s32 v62, v60  }
0x168: {  	v9 =	vadd.s32 v7, v9  }
0x169: {  	p0 =	sne.s32 s11, $0x1E0  }
.Ltmp13:
0x16a: {  	_ = 	snop;
	(pc) =	sbr.rel @p0 .LBB2_20-.Ltmp13, $4  }
0x16b: {  	_ = 	snop  }
0x16c: {  	s14 =	sadd.s32 $0x10, s11;
	v63 =	vmpcnt.ones.xlane vm15  }
0x16d: {  	[tilespmem:v9+s19+$0x0] =	vst.idx.msk vm15, v8;
	v8 =	vor.u32 s14, v3  }
0x16e: {  	s11 =	sadd.s32 $0x40, s11;
	v7 =	vadd.s32 v7, v63;
	[tilespmem:v9+s20+$0x0] =	vst.idx.msk vm15, v8  }
0x16f: {  	v8 =	vadd.s32 v3, v7;
	_ =	sdelay $0x2  }
0x170: {  	s0 =	sadd.s32 s9, s2  }
0x171: {  	v9 =	vmov s0  }
0x172: {  	[tilespmem:v8+s19+$0x0] =	vst.idx.msk $0xffff, v9  }
0x173: {  	[tilespmem:s22], [sflag:$0x5] =	stream.indirect.gather [hbm4b:s6+s21], $0x80, s19, s21, $0xb8;
	[tilespmem:$0x1D600] =	vst v63  }
0x174: {  	_ =	swait.ge [sflag:s30], $0x8000  }
.Ltmp14:
0x175: {  	s14 =	sshll.u32 s2, $0xC;
	[sflag:s30] =	ssyncset.done $0x0;
	(pc) =	sbr.rel .LBB2_22-.Ltmp14, $4  }
0x176: {  	s0 =	sadd.s32 s10, s14;
	[sflag:s30] =	ssyncadd.s32 $0xFFFF8000  }
0x177: {  	s0 =	sshrl.u32 s0, $0x3;
	s1 =	rddreg [dreg:$0x0]  }
0x178: {  	s0 =	sadd.s32 s1, s0  }
0x179: {  	[tilespmem:s17], [sflag:$0x1] =	stream.strided.gather [hbm4b:s0+s15], $0x8000, s16, s15, $0x38;
	[tilespmem:$0x1D600] =	vst v63  }
.LBB2_9:
0x17a: {  	_ =	swait.ge [sflag:s26], $0x8000  }
0x17b: {  	[sflag:s26] =	ssyncset.done $0x0  }
0x17c: {  	v7 =	vimm.s32 $0x0;
	[sflag:s26] =	ssyncadd.s32 $0xFFFF8000  }
.LBB2_13:
0x17d: {  	_ =	swait.ge [sflag:s29], $0x800;
	v8 =	vxor.u32 $0x80000000, v6  }
0x17e: {  	(xrf0) =	vmax.scan.msk.u32 $0xffff, v8;
	_ =	sdelay $0x5  }
0x17f: {  	v8, _, _ =	vpop (xrf0)  }
0x180: {  	(v2sf) =	vpush v8, $0xF;
	_ =	sdelay $0xe  }
0x181: {  	s8 =	spop (v2sf)  }
0x182: {  	s8 =	sadd.s32 $0x8000000F, s8  }
0x183: {  	s8 =	sshrl.u32 s8, $0x4  }
0x184: {  	p0 =	seq.s32 s8, $0x0  }
.Ltmp15:
0x185: {  	_ = 	snop;
	(pc) =	sbr.rel @p0 .LBB2_16-.Ltmp15, $3  }
0x186: {  	_ =	sdelay $0x1  }
0x187: {  	[sflag:s29] =	ssyncset.done $0x0  }
0x188: {  	[sflag:s29] =	ssyncadd.s32 $0xFFFFF800  }
0x189: {  	s8 =	ssub.s32 $0x0, s8  }
0x18a: {  	s12 =	simm.s32 $0xBC00;
	s14 =	simm.s32 $0x0;
	s11 =	simm.s32 $0x0  }
.LBB2_15:
0x18b: {  	p0 =	seq.s32 s11, $0x0  }
0x18c: {  	s0 =	simm.s32 @!p0 $0x10;
	s1 =	simm.s32 @!p0 $0xC600  }
0x18d: {  	v9 =	vor.u32 s14, v3;
	[tilespmem:s1], [sflag:$0x5] =	stream.indirect.gather @!p0 [hbm4b:s6+s0], $0x80, s12, s0, $0xb8;
	[tilespmem:$0x1D600] =	vst v63  }
0x18e: {  	s0 =	simm.s32 @!p0 $0x5  }
0x18f: {  	_ =	swait.ge @!p0 [sflag:s0], $0x800  }
0x190: {  	[sflag:s0] =	ssyncset.done @!p0 $0x0  }
0x191: {  	[sflag:s0] =	ssyncadd.s32 @!p0 $0xFFFFF800  }
0x192: {  	v10 =	vld.idx.msk [tilespmem:v9+s20+$0x0], $0xffff  }
0x193: {  	v8 =	vmul.u32 $0x80, v3;
	_ =	sdelay $0x3  }
0x194: {  	v11 =	vshll.u32 v10, $0x3  }
0x195: {  	vm0 =	vlt.s32 v9, v6;
	v34 =	vand.u32 $0x7F, v10;
	v35 =	vand.u32 $0xFFFFFC00, v11  }
0x196: {  	v36 =	vld.idx.msk [tilespmem:v8+s22+$0x0], $0xffff;
	v9 =	vor.u32 v34, v35  }
0x197: {  	v37 =	vor.u32 $0x1, v8;
	_ =	sdelay $0x3  }
0x198: {  	[tilespmem:v9+s17+$0x0] =	vst.idx.msk vm0, v36  }
0x199: {  	v38 =	vor.u32 $0x80, v9;
	v10 =	vld.idx.msk [tilespmem:v37+s22+$0x0], $0xffff  }
0x19a: {  	v12 =	vor.u32 $0x2, v8;
	_ =	sdelay $0x3  }
0x19b: {  	[tilespmem:v38+s17+$0x0] =	vst.idx.msk vm0, v10  }
0x19c: {  	v39 =	vor.u32 $0x100, v9;
	v10 =	vld.idx.msk [tilespmem:v12+s22+$0x0], $0xffff  }
0x19d: {  	v40 =	vor.u32 $0x3, v8;
	_ =	sdelay $0x3  }
0x19e: {  	[tilespmem:v39+s17+$0x0] =	vst.idx.msk vm0, v10  }
0x19f: {  	v41 =	vor.u32 $0x180, v9;
	v10 =	vld.idx.msk [tilespmem:v40+s22+$0x0], $0xffff  }
0x1a0: {  	v42 =	vor.u32 $0x4, v8;
	_ =	sdelay $0x3  }
0x1a1: {  	[tilespmem:v41+s17+$0x0] =	vst.idx.msk vm0, v10  }
0x1a2: {  	v43 =	vor.u32 $0x200, v9;
	v10 =	vld.idx.msk [tilespmem:v42+s22+$0x0], $0xffff  }
0x1a3: {  	v44 =	vor.u32 $0x5, v8;
	_ =	sdelay $0x3  }
0x1a4: {  	[tilespmem:v43+s17+$0x0] =	vst.idx.msk vm0, v10  }
0x1a5: {  	v45 =	vor.u32 $0x280, v9;
	v10 =	vld.idx.msk [tilespmem:v44+s22+$0x0], $0xffff  }
0x1a6: {  	v46 =	vor.u32 $0x6, v8;
	_ =	sdelay $0x3  }
0x1a7: {  	[tilespmem:v45+s17+$0x0] =	vst.idx.msk vm0, v10  }
0x1a8: {  	v47 =	vor.u32 $0x300, v9;
	v10 =	vld.idx.msk [tilespmem:v46+s22+$0x0], $0xffff  }
0x1a9: {  	v48 =	vor.u32 $0x7, v8;
	_ =	sdelay $0x3  }
0x1aa: {  	[tilespmem:v47+s17+$0x0] =	vst.idx.msk vm0, v10  }
0x1ab: {  	v49 =	vor.u32 $0x380, v9;
	v10 =	vld.idx.msk [tilespmem:v48+s22+$0x0], $0xffff  }
0x1ac: {  	v50 =	vor.u32 $0x8, v8;
	_ =	sdelay $0x3  }
0x1ad: {  	[tilespmem:v49+s17+$0x0] =	vst.idx.msk vm0, v10  }
0x1ae: {  	v51 =	vadd.s32 $0x1000, v9;
	v10 =	vld.idx.msk [tilespmem:v50+s22+$0x0], $0xffff  }
0x1af: {  	v52 =	vor.u32 $0x9, v8;
	_ =	sdelay $0x3  }
0x1b0: {  	[tilespmem:v51+s17+$0x0] =	vst.idx.msk vm0, v10  }
0x1b1: {  	v53 =	vadd.s32 $0x1080, v9;
	v10 =	vld.idx.msk [tilespmem:v52+s22+$0x0], $0xffff  }
0x1b2: {  	v54 =	vor.u32 $0xA, v8;
	_ =	sdelay $0x3  }
0x1b3: {  	[tilespmem:v53+s17+$0x0] =	vst.idx.msk vm0, v10  }
0x1b4: {  	v55 =	vadd.s32 $0x1100, v9;
	v10 =	vld.idx.msk [tilespmem:v54+s22+$0x0], $0xffff  }
0x1b5: {  	v56 =	vor.u32 $0xB, v8;
	_ =	sdelay $0x3  }
0x1b6: {  	[tilespmem:v55+s17+$0x0] =	vst.idx.msk vm0, v10  }
0x1b7: {  	v57 =	vadd.s32 $0x1180, v9;
	v10 =	vld.idx.msk [tilespmem:v56+s22+$0x0], $0xffff  }
0x1b8: {  	v58 =	vor.u32 $0xC, v8;
	_ =	sdelay $0x3  }
0x1b9: {  	[tilespmem:v57+s17+$0x0] =	vst.idx.msk vm0, v10  }
0x1ba: {  	v59 =	vadd.s32 $0x1200, v9;
	v10 =	vld.idx.msk [tilespmem:v58+s22+$0x0], $0xffff  }
0x1bb: {  	v60 =	vor.u32 $0xD, v8;
	_ =	sdelay $0x3  }
0x1bc: {  	[tilespmem:v59+s17+$0x0] =	vst.idx.msk vm0, v10  }
0x1bd: {  	v61 =	vadd.s32 $0x1280, v9;
	v10 =	vld.idx.msk [tilespmem:v60+s22+$0x0], $0xffff  }
0x1be: {  	v62 =	vor.u32 $0xE, v8;
	_ =	sdelay $0x3  }
0x1bf: {  	[tilespmem:v61+s17+$0x0] =	vst.idx.msk vm0, v10  }
0x1c0: {  	v63 =	vadd.s32 $0x1300, v9;
	v10 =	vld.idx.msk [tilespmem:v62+s22+$0x0], $0xffff  }
0x1c1: {  	v16 =	vor.u32 $0xF, v8;
	_ =	sdelay $0x3  }
0x1c2: {  	[tilespmem:v63+s17+$0x0] =	vst.idx.msk vm0, v10  }
0x1c3: {  	v17 =	vadd.s32 $0x1380, v9;
	v10 =	vld.idx.msk [tilespmem:v16+s22+$0x0], $0xffff  }
0x1c4: {  	v18 =	vor.u32 $0x10, v8;
	_ =	sdelay $0x3  }
0x1c5: {  	[tilespmem:v17+s17+$0x0] =	vst.idx.msk vm0, v10  }
0x1c6: {  	v19 =	vadd.s32 $0x2000, v9;
	v10 =	vld.idx.msk [tilespmem:v18+s22+$0x0], $0xffff  }
0x1c7: {  	v20 =	vor.u32 $0x11, v8;
	_ =	sdelay $0x3  }
0x1c8: {  	[tilespmem:v19+s17+$0x0] =	vst.idx.msk vm0, v10  }
0x1c9: {  	v21 =	vadd.s32 $0x2080, v9;
	v10 =	vld.idx.msk [tilespmem:v20+s22+$0x0], $0xffff  }
0x1ca: {  	v22 =	vor.u32 $0x12, v8;
	_ =	sdelay $0x3  }
0x1cb: {  	[tilespmem:v21+s17+$0x0] =	vst.idx.msk vm0, v10  }
0x1cc: {  	v23 =	vadd.s32 $0x2100, v9;
	v10 =	vld.idx.msk [tilespmem:v22+s22+$0x0], $0xffff  }
0x1cd: {  	v24 =	vor.u32 $0x13, v8;
	_ =	sdelay $0x3  }
0x1ce: {  	[tilespmem:v23+s17+$0x0] =	vst.idx.msk vm0, v10  }
0x1cf: {  	v25 =	vadd.s32 $0x2180, v9;
	v10 =	vld.idx.msk [tilespmem:v24+s22+$0x0], $0xffff  }
0x1d0: {  	v26 =	vor.u32 $0x14, v8;
	_ =	sdelay $0x3  }
0x1d1: {  	[tilespmem:v25+s17+$0x0] =	vst.idx.msk vm0, v10  }
0x1d2: {  	v27 =	vadd.s32 $0x2200, v9;
	v10 =	vld.idx.msk [tilespmem:v26+s22+$0x0], $0xffff  }
0x1d3: {  	v28 =	vor.u32 $0x15, v8;
	_ =	sdelay $0x3  }
0x1d4: {  	[tilespmem:v27+s17+$0x0] =	vst.idx.msk vm0, v10  }
0x1d5: {  	v29 =	vadd.s32 $0x2280, v9;
	v10 =	vld.idx.msk [tilespmem:v28+s22+$0x0], $0xffff  }
0x1d6: {  	v30 =	vor.u32 $0x16, v8;
	_ =	sdelay $0x3  }
0x1d7: {  	[tilespmem:v29+s17+$0x0] =	vst.idx.msk vm0, v10  }
0x1d8: {  	v31 =	vadd.s32 $0x2300, v9;
	v10 =	vld.idx.msk [tilespmem:v30+s22+$0x0], $0xffff  }
0x1d9: {  	v32 =	vor.u32 $0x17, v8;
	_ =	sdelay $0x3  }
0x1da: {  	[tilespmem:v31+s17+$0x0] =	vst.idx.msk vm0, v10  }
0x1db: {  	v33 =	vadd.s32 $0x2380, v9;
	v10 =	vld.idx.msk [tilespmem:v32+s22+$0x0], $0xffff  }
0x1dc: {  	v34 =	vor.u32 $0x18, v8;
	_ =	sdelay $0x3  }
0x1dd: {  	[tilespmem:v33+s17+$0x0] =	vst.idx.msk vm0, v10  }
0x1de: {  	v35 =	vadd.s32 $0x3000, v9;
	v10 =	vld.idx.msk [tilespmem:v34+s22+$0x0], $0xffff  }
0x1df: {  	v36 =	vor.u32 $0x19, v8;
	_ =	sdelay $0x3  }
0x1e0: {  	[tilespmem:v35+s17+$0x0] =	vst.idx.msk vm0, v10  }
0x1e1: {  	v37 =	vadd.s32 $0x3080, v9;
	v10 =	vld.idx.msk [tilespmem:v36+s22+$0x0], $0xffff  }
0x1e2: {  	v38 =	vor.u32 $0x1A, v8;
	_ =	sdelay $0x3  }
0x1e3: {  	[tilespmem:v37+s17+$0x0] =	vst.idx.msk vm0, v10  }
0x1e4: {  	v39 =	vadd.s32 $0x3100, v9;
	v10 =	vld.idx.msk [tilespmem:v38+s22+$0x0], $0xffff  }
0x1e5: {  	v40 =	vor.u32 $0x1B, v8;
	_ =	sdelay $0x3  }
0x1e6: {  	[tilespmem:v39+s17+$0x0] =	vst.idx.msk vm0, v10  }
0x1e7: {  	v41 =	vadd.s32 $0x3180, v9;
	v10 =	vld.idx.msk [tilespmem:v40+s22+$0x0], $0xffff  }
0x1e8: {  	v42 =	vor.u32 $0x1C, v8;
	_ =	sdelay $0x3  }
0x1e9: {  	[tilespmem:v41+s17+$0x0] =	vst.idx.msk vm0, v10  }
0x1ea: {  	v43 =	vadd.s32 $0x3200, v9;
	v10 =	vld.idx.msk [tilespmem:v42+s22+$0x0], $0xffff  }
0x1eb: {  	v44 =	vor.u32 $0x1D, v8;
	_ =	sdelay $0x3  }
0x1ec: {  	[tilespmem:v43+s17+$0x0] =	vst.idx.msk vm0, v10  }
0x1ed: {  	v45 =	vadd.s32 $0x3280, v9;
	v10 =	vld.idx.msk [tilespmem:v44+s22+$0x0], $0xffff  }
0x1ee: {  	v46 =	vor.u32 $0x1E, v8;
	_ =	sdelay $0x3  }
0x1ef: {  	[tilespmem:v45+s17+$0x0] =	vst.idx.msk vm0, v10  }
0x1f0: {  	v47 =	vadd.s32 $0x3300, v9;
	v10 =	vld.idx.msk [tilespmem:v46+s22+$0x0], $0xffff  }
0x1f1: {  	v48 =	vor.u32 $0x1F, v8;
	_ =	sdelay $0x3  }
0x1f2: {  	[tilespmem:v47+s17+$0x0] =	vst.idx.msk vm0, v10  }
0x1f3: {  	v49 =	vadd.s32 $0x3380, v9;
	v10 =	vld.idx.msk [tilespmem:v48+s22+$0x0], $0xffff  }
0x1f4: {  	v50 =	vor.u32 $0x20, v8;
	_ =	sdelay $0x3  }
0x1f5: {  	[tilespmem:v49+s17+$0x0] =	vst.idx.msk vm0, v10  }
0x1f6: {  	v51 =	vadd.s32 $0x4000, v9;
	v10 =	vld.idx.msk [tilespmem:v50+s22+$0x0], $0xffff  }
0x1f7: {  	v52 =	vor.u32 $0x21, v8;
	_ =	sdelay $0x3  }
0x1f8: {  	[tilespmem:v51+s17+$0x0] =	vst.idx.msk vm0, v10  }
0x1f9: {  	v53 =	vadd.s32 $0x4080, v9;
	v10 =	vld.idx.msk [tilespmem:v52+s22+$0x0], $0xffff  }
0x1fa: {  	v54 =	vor.u32 $0x22, v8;
	_ =	sdelay $0x3  }
0x1fb: {  	[tilespmem:v53+s17+$0x0] =	vst.idx.msk vm0, v10  }
0x1fc: {  	v55 =	vadd.s32 $0x4100, v9;
	v10 =	vld.idx.msk [tilespmem:v54+s22+$0x0], $0xffff  }
0x1fd: {  	v56 =	vor.u32 $0x23, v8;
	_ =	sdelay $0x3  }
0x1fe: {  	[tilespmem:v55+s17+$0x0] =	vst.idx.msk vm0, v10  }
0x1ff: {  	v57 =	vadd.s32 $0x4180, v9;
	v10 =	vld.idx.msk [tilespmem:v56+s22+$0x0], $0xffff  }
0x200: {  	v58 =	vor.u32 $0x24, v8;
	_ =	sdelay $0x3  }
0x201: {  	[tilespmem:v57+s17+$0x0] =	vst.idx.msk vm0, v10  }
0x202: {  	v59 =	vadd.s32 $0x4200, v9;
	v10 =	vld.idx.msk [tilespmem:v58+s22+$0x0], $0xffff  }
0x203: {  	v60 =	vor.u32 $0x25, v8;
	_ =	sdelay $0x3  }
0x204: {  	[tilespmem:v59+s17+$0x0] =	vst.idx.msk vm0, v10  }
0x205: {  	v61 =	vadd.s32 $0x4280, v9;
	v10 =	vld.idx.msk [tilespmem:v60+s22+$0x0], $0xffff  }
0x206: {  	v62 =	vor.u32 $0x26, v8;
	_ =	sdelay $0x3  }
0x207: {  	[tilespmem:v61+s17+$0x0] =	vst.idx.msk vm0, v10  }
0x208: {  	v63 =	vadd.s32 $0x4300, v9;
	v10 =	vld.idx.msk [tilespmem:v62+s22+$0x0], $0xffff  }
0x209: {  	v16 =	vor.u32 $0x27, v8;
	_ =	sdelay $0x3  }
0x20a: {  	[tilespmem:v63+s17+$0x0] =	vst.idx.msk vm0, v10  }
0x20b: {  	v17 =	vadd.s32 $0x4380, v9;
	v10 =	vld.idx.msk [tilespmem:v16+s22+$0x0], $0xffff  }
0x20c: {  	v18 =	vor.u32 $0x28, v8;
	_ =	sdelay $0x3  }
0x20d: {  	[tilespmem:v17+s17+$0x0] =	vst.idx.msk vm0, v10  }
0x20e: {  	v19 =	vadd.s32 $0x5000, v9;
	v10 =	vld.idx.msk [tilespmem:v18+s22+$0x0], $0xffff  }
0x20f: {  	v20 =	vor.u32 $0x29, v8;
	_ =	sdelay $0x3  }
0x210: {  	[tilespmem:v19+s17+$0x0] =	vst.idx.msk vm0, v10  }
0x211: {  	v21 =	vadd.s32 $0x5080, v9;
	v10 =	vld.idx.msk [tilespmem:v20+s22+$0x0], $0xffff  }
0x212: {  	v22 =	vor.u32 $0x2A, v8;
	_ =	sdelay $0x3  }
0x213: {  	[tilespmem:v21+s17+$0x0] =	vst.idx.msk vm0, v10  }
0x214: {  	v23 =	vadd.s32 $0x5100, v9;
	v10 =	vld.idx.msk [tilespmem:v22+s22+$0x0], $0xffff  }
0x215: {  	v24 =	vor.u32 $0x2B, v8;
	_ =	sdelay $0x3  }
0x216: {  	[tilespmem:v23+s17+$0x0] =	vst.idx.msk vm0, v10  }
0x217: {  	v25 =	vadd.s32 $0x5180, v9;
	v10 =	vld.idx.msk [tilespmem:v24+s22+$0x0], $0xffff  }
0x218: {  	v26 =	vor.u32 $0x2C, v8;
	_ =	sdelay $0x3  }
0x219: {  	[tilespmem:v25+s17+$0x0] =	vst.idx.msk vm0, v10  }
0x21a: {  	v27 =	vadd.s32 $0x5200, v9;
	v10 =	vld.idx.msk [tilespmem:v26+s22+$0x0], $0xffff  }
0x21b: {  	v28 =	vor.u32 $0x2D, v8;
	_ =	sdelay $0x3  }
0x21c: {  	[tilespmem:v27+s17+$0x0] =	vst.idx.msk vm0, v10  }
0x21d: {  	v29 =	vadd.s32 $0x5280, v9;
	v10 =	vld.idx.msk [tilespmem:v28+s22+$0x0], $0xffff  }
0x21e: {  	v30 =	vor.u32 $0x2E, v8;
	_ =	sdelay $0x3  }
0x21f: {  	[tilespmem:v29+s17+$0x0] =	vst.idx.msk vm0, v10  }
0x220: {  	v31 =	vadd.s32 $0x5300, v9;
	v10 =	vld.idx.msk [tilespmem:v30+s22+$0x0], $0xffff  }
0x221: {  	v32 =	vor.u32 $0x2F, v8;
	_ =	sdelay $0x3  }
0x222: {  	[tilespmem:v31+s17+$0x0] =	vst.idx.msk vm0, v10  }
0x223: {  	v33 =	vadd.s32 $0x5380, v9;
	v10 =	vld.idx.msk [tilespmem:v32+s22+$0x0], $0xffff  }
0x224: {  	v34 =	vor.u32 $0x30, v8;
	_ =	sdelay $0x3  }
0x225: {  	[tilespmem:v33+s17+$0x0] =	vst.idx.msk vm0, v10  }
0x226: {  	v35 =	vadd.s32 $0x6000, v9;
	v10 =	vld.idx.msk [tilespmem:v34+s22+$0x0], $0xffff  }
0x227: {  	v36 =	vor.u32 $0x31, v8;
	_ =	sdelay $0x3  }
0x228: {  	[tilespmem:v35+s17+$0x0] =	vst.idx.msk vm0, v10  }
0x229: {  	v37 =	vadd.s32 $0x6080, v9;
	v10 =	vld.idx.msk [tilespmem:v36+s22+$0x0], $0xffff  }
0x22a: {  	v38 =	vor.u32 $0x32, v8;
	_ =	sdelay $0x3  }
0x22b: {  	[tilespmem:v37+s17+$0x0] =	vst.idx.msk vm0, v10  }
0x22c: {  	v39 =	vadd.s32 $0x6100, v9;
	v10 =	vld.idx.msk [tilespmem:v38+s22+$0x0], $0xffff  }
0x22d: {  	v40 =	vor.u32 $0x33, v8;
	_ =	sdelay $0x3  }
0x22e: {  	[tilespmem:v39+s17+$0x0] =	vst.idx.msk vm0, v10  }
0x22f: {  	v41 =	vadd.s32 $0x6180, v9;
	v10 =	vld.idx.msk [tilespmem:v40+s22+$0x0], $0xffff  }
0x230: {  	v42 =	vor.u32 $0x34, v8;
	_ =	sdelay $0x3  }
0x231: {  	[tilespmem:v41+s17+$0x0] =	vst.idx.msk vm0, v10  }
0x232: {  	v43 =	vadd.s32 $0x6200, v9;
	v10 =	vld.idx.msk [tilespmem:v42+s22+$0x0], $0xffff  }
0x233: {  	v44 =	vor.u32 $0x35, v8;
	_ =	sdelay $0x3  }
0x234: {  	[tilespmem:v43+s17+$0x0] =	vst.idx.msk vm0, v10  }
0x235: {  	v45 =	vadd.s32 $0x6280, v9;
	v10 =	vld.idx.msk [tilespmem:v44+s22+$0x0], $0xffff  }
0x236: {  	v46 =	vor.u32 $0x36, v8;
	_ =	sdelay $0x3  }
0x237: {  	[tilespmem:v45+s17+$0x0] =	vst.idx.msk vm0, v10  }
0x238: {  	v47 =	vadd.s32 $0x6300, v9;
	v10 =	vld.idx.msk [tilespmem:v46+s22+$0x0], $0xffff  }
0x239: {  	v48 =	vor.u32 $0x37, v8;
	_ =	sdelay $0x3  }
0x23a: {  	[tilespmem:v47+s17+$0x0] =	vst.idx.msk vm0, v10  }
0x23b: {  	v49 =	vadd.s32 $0x6380, v9;
	v10 =	vld.idx.msk [tilespmem:v48+s22+$0x0], $0xffff  }
0x23c: {  	v50 =	vor.u32 $0x38, v8;
	_ =	sdelay $0x3  }
0x23d: {  	[tilespmem:v49+s17+$0x0] =	vst.idx.msk vm0, v10  }
0x23e: {  	v51 =	vadd.s32 $0x7000, v9;
	v10 =	vld.idx.msk [tilespmem:v50+s22+$0x0], $0xffff  }
0x23f: {  	v52 =	vor.u32 $0x39, v8;
	_ =	sdelay $0x3  }
0x240: {  	[tilespmem:v51+s17+$0x0] =	vst.idx.msk vm0, v10  }
0x241: {  	v53 =	vadd.s32 $0x7080, v9;
	v10 =	vld.idx.msk [tilespmem:v52+s22+$0x0], $0xffff  }
0x242: {  	v54 =	vor.u32 $0x3A, v8;
	_ =	sdelay $0x3  }
0x243: {  	[tilespmem:v53+s17+$0x0] =	vst.idx.msk vm0, v10  }
0x244: {  	v55 =	vadd.s32 $0x7100, v9;
	v10 =	vld.idx.msk [tilespmem:v54+s22+$0x0], $0xffff  }
0x245: {  	v56 =	vor.u32 $0x3B, v8;
	_ =	sdelay $0x3  }
0x246: {  	[tilespmem:v55+s17+$0x0] =	vst.idx.msk vm0, v10  }
0x247: {  	v57 =	vadd.s32 $0x7180, v9;
	v10 =	vld.idx.msk [tilespmem:v56+s22+$0x0], $0xffff  }
0x248: {  	v58 =	vor.u32 $0x3C, v8;
	_ =	sdelay $0x3  }
0x249: {  	[tilespmem:v57+s17+$0x0] =	vst.idx.msk vm0, v10  }
0x24a: {  	v59 =	vadd.s32 $0x7200, v9;
	v10 =	vld.idx.msk [tilespmem:v58+s22+$0x0], $0xffff  }
0x24b: {  	v60 =	vor.u32 $0x3D, v8;
	_ =	sdelay $0x3  }
0x24c: {  	[tilespmem:v59+s17+$0x0] =	vst.idx.msk vm0, v10  }
0x24d: {  	v61 =	vadd.s32 $0x7280, v9;
	v10 =	vld.idx.msk [tilespmem:v60+s22+$0x0], $0xffff  }
0x24e: {  	v62 =	vor.u32 $0x3E, v8;
	_ =	sdelay $0x3  }
0x24f: {  	[tilespmem:v61+s17+$0x0] =	vst.idx.msk vm0, v10  }
0x250: {  	v63 =	vadd.s32 $0x7300, v9;
	v10 =	vld.idx.msk [tilespmem:v62+s22+$0x0], $0xffff  }
0x251: {  	v8 =	vor.u32 $0x3F, v8;
	_ =	sdelay $0x3  }
0x252: {  	s11 =	sadd.s32 $0xFFFFFFFF, s11;
	[tilespmem:v63+s17+$0x0] =	vst.idx.msk vm0, v10  }
0x253: {  	p0 =	sne.s32 s8, s11;
	v9 =	vadd.s32 $0x7380, v9;
	v8 =	vld.idx.msk [tilespmem:v8+s22+$0x0], $0xffff  }
.Ltmp16:
0x254: {  	_ = 	snop;
	(pc) =	sbr.rel @p0 .LBB2_15-.Ltmp16, $2  }
0x255: {  	_ =	sdelay $0x2  }
0x256: {  	s14 =	sadd.s32 $0x10, s14;
	s12 =	sadd.s32 $0x10, s12;
	[tilespmem:v9+s17+$0x0] =	vst.idx.msk vm0, v8  }
.LBB2_16:
.Ltmp17:
0x257: {  	s0 =	sshll.u32 s3, $0xC;
	(pc) =	sbr.rel .LBB2_26-.Ltmp17, $4  }
0x258: {  	s0 =	sadd.s32 s10, s0  }
0x259: {  	s0 =	sshrl.u32 s0, $0x3  }
0x25a: {  	s0 =	sadd.s32 s4, s0  }
0x25b: {  	[hbm4b:s0+s15] =	stream.strided.scatter [tilespmem:s17], [sflag:$0x3], $0x8000, s16, s15, $0x38;
	[tilespmem:$0x1D600] =	vst v63  }
.LBB2_18:
0x25c: {  	_ =	swait.ge [sflag:s30], $0x8000  }
0x25d: {  	[sflag:s30] =	ssyncset.done $0x0  }
0x25e: {  	v7 =	vimm.s32 $0x0;
	[sflag:s30] =	ssyncadd.s32 $0xFFFF8000  }
.LBB2_22:
0x25f: {  	_ =	swait.ge [sflag:s31], $0x800;
	v8 =	vxor.u32 $0x80000000, v6  }
0x260: {  	(xrf0) =	vmax.scan.msk.u32 $0xffff, v8;
	_ =	sdelay $0x5  }
0x261: {  	v8, _, _ =	vpop (xrf0)  }
0x262: {  	(v2sf) =	vpush v8, $0xF;
	_ =	sdelay $0xe  }
0x263: {  	s0 =	spop (v2sf)  }
0x264: {  	s0 =	sadd.s32 $0x8000000F, s0  }
0x265: {  	s8 =	sshrl.u32 s0, $0x4  }
0x266: {  	p0 =	seq.s32 s8, $0x0  }
.Ltmp18:
0x267: {  	_ = 	snop;
	(pc) =	sbr.rel @p0 .LBB2_25-.Ltmp18, $3  }
0x268: {  	_ =	sdelay $0x1  }
0x269: {  	[sflag:s31] =	ssyncset.done $0x0  }
0x26a: {  	[sflag:s31] =	ssyncadd.s32 $0xFFFFF800  }
0x26b: {  	s8 =	ssub.s32 $0x0, s8  }
0x26c: {  	s12 =	simm.s32 $0xC100;
	s14 =	simm.s32 $0x0;
	s11 =	simm.s32 $0x0  }
.LBB2_24:
0x26d: {  	p0 =	seq.s32 s11, $0x0  }
0x26e: {  	s0 =	simm.s32 @!p0 $0x10;
	s1 =	simm.s32 @!p0 $0xCE00  }
0x26f: {  	v9 =	vor.u32 s14, v3;
	[tilespmem:s1], [sflag:$0x6] =	stream.indirect.gather @!p0 [hbm4b:s6+s0], $0x80, s12, s0, $0xb8;
	[tilespmem:$0x1D600] =	vst v63  }
0x270: {  	s0 =	simm.s32 @!p0 $0x6  }
0x271: {  	_ =	swait.ge @!p0 [sflag:s0], $0x800  }
0x272: {  	[sflag:s0] =	ssyncset.done @!p0 $0x0  }
0x273: {  	[sflag:s0] =	ssyncadd.s32 @!p0 $0xFFFFF800  }
0x274: {  	v10 =	vld.idx.msk [tilespmem:v9+s24+$0x0], $0xffff  }
0x275: {  	v8 =	vmul.u32 $0x80, v3;
	_ =	sdelay $0x3  }
0x276: {  	v11 =	vshll.u32 v10, $0x3  }
0x277: {  	vm0 =	vlt.s32 v9, v6;
	v34 =	vand.u32 $0x7F, v10;
	v35 =	vand.u32 $0xFFFFFC00, v11  }
0x278: {  	v36 =	vld.idx.msk [tilespmem:v8+s25+$0x0], $0xffff;
	v9 =	vor.u32 v34, v35  }
0x279: {  	v37 =	vor.u32 $0x1, v8;
	_ =	sdelay $0x3  }
0x27a: {  	[tilespmem:v9+s28+$0x0] =	vst.idx.msk vm0, v36  }
0x27b: {  	v38 =	vor.u32 $0x80, v9;
	v10 =	vld.idx.msk [tilespmem:v37+s25+$0x0], $0xffff  }
0x27c: {  	v12 =	vor.u32 $0x2, v8;
	_ =	sdelay $0x3  }
0x27d: {  	[tilespmem:v38+s28+$0x0] =	vst.idx.msk vm0, v10  }
0x27e: {  	v39 =	vor.u32 $0x100, v9;
	v10 =	vld.idx.msk [tilespmem:v12+s25+$0x0], $0xffff  }
0x27f: {  	v40 =	vor.u32 $0x3, v8;
	_ =	sdelay $0x3  }
0x280: {  	[tilespmem:v39+s28+$0x0] =	vst.idx.msk vm0, v10  }
0x281: {  	v41 =	vor.u32 $0x180, v9;
	v10 =	vld.idx.msk [tilespmem:v40+s25+$0x0], $0xffff  }
0x282: {  	v42 =	vor.u32 $0x4, v8;
	_ =	sdelay $0x3  }
0x283: {  	[tilespmem:v41+s28+$0x0] =	vst.idx.msk vm0, v10  }
0x284: {  	v43 =	vor.u32 $0x200, v9;
	v10 =	vld.idx.msk [tilespmem:v42+s25+$0x0], $0xffff  }
0x285: {  	v44 =	vor.u32 $0x5, v8;
	_ =	sdelay $0x3  }
0x286: {  	[tilespmem:v43+s28+$0x0] =	vst.idx.msk vm0, v10  }
0x287: {  	v45 =	vor.u32 $0x280, v9;
	v10 =	vld.idx.msk [tilespmem:v44+s25+$0x0], $0xffff  }
0x288: {  	v46 =	vor.u32 $0x6, v8;
	_ =	sdelay $0x3  }
0x289: {  	[tilespmem:v45+s28+$0x0] =	vst.idx.msk vm0, v10  }
0x28a: {  	v47 =	vor.u32 $0x300, v9;
	v10 =	vld.idx.msk [tilespmem:v46+s25+$0x0], $0xffff  }
0x28b: {  	v48 =	vor.u32 $0x7, v8;
	_ =	sdelay $0x3  }
0x28c: {  	[tilespmem:v47+s28+$0x0] =	vst.idx.msk vm0, v10  }
0x28d: {  	v49 =	vor.u32 $0x380, v9;
	v10 =	vld.idx.msk [tilespmem:v48+s25+$0x0], $0xffff  }
0x28e: {  	v50 =	vor.u32 $0x8, v8;
	_ =	sdelay $0x3  }
0x28f: {  	[tilespmem:v49+s28+$0x0] =	vst.idx.msk vm0, v10  }
0x290: {  	v51 =	vadd.s32 $0x1000, v9;
	v10 =	vld.idx.msk [tilespmem:v50+s25+$0x0], $0xffff  }
0x291: {  	v52 =	vor.u32 $0x9, v8;
	_ =	sdelay $0x3  }
0x292: {  	[tilespmem:v51+s28+$0x0] =	vst.idx.msk vm0, v10  }
0x293: {  	v53 =	vadd.s32 $0x1080, v9;
	v10 =	vld.idx.msk [tilespmem:v52+s25+$0x0], $0xffff  }
0x294: {  	v54 =	vor.u32 $0xA, v8;
	_ =	sdelay $0x3  }
0x295: {  	[tilespmem:v53+s28+$0x0] =	vst.idx.msk vm0, v10  }
0x296: {  	v55 =	vadd.s32 $0x1100, v9;
	v10 =	vld.idx.msk [tilespmem:v54+s25+$0x0], $0xffff  }
0x297: {  	v56 =	vor.u32 $0xB, v8;
	_ =	sdelay $0x3  }
0x298: {  	[tilespmem:v55+s28+$0x0] =	vst.idx.msk vm0, v10  }
0x299: {  	v57 =	vadd.s32 $0x1180, v9;
	v10 =	vld.idx.msk [tilespmem:v56+s25+$0x0], $0xffff  }
0x29a: {  	v58 =	vor.u32 $0xC, v8;
	_ =	sdelay $0x3  }
0x29b: {  	[tilespmem:v57+s28+$0x0] =	vst.idx.msk vm0, v10  }
0x29c: {  	v59 =	vadd.s32 $0x1200, v9;
	v10 =	vld.idx.msk [tilespmem:v58+s25+$0x0], $0xffff  }
0x29d: {  	v60 =	vor.u32 $0xD, v8;
	_ =	sdelay $0x3  }
0x29e: {  	[tilespmem:v59+s28+$0x0] =	vst.idx.msk vm0, v10  }
0x29f: {  	v61 =	vadd.s32 $0x1280, v9;
	v10 =	vld.idx.msk [tilespmem:v60+s25+$0x0], $0xffff  }
0x2a0: {  	v62 =	vor.u32 $0xE, v8;
	_ =	sdelay $0x3  }
0x2a1: {  	[tilespmem:v61+s28+$0x0] =	vst.idx.msk vm0, v10  }
0x2a2: {  	v63 =	vadd.s32 $0x1300, v9;
	v10 =	vld.idx.msk [tilespmem:v62+s25+$0x0], $0xffff  }
0x2a3: {  	v16 =	vor.u32 $0xF, v8;
	_ =	sdelay $0x3  }
0x2a4: {  	[tilespmem:v63+s28+$0x0] =	vst.idx.msk vm0, v10  }
0x2a5: {  	v17 =	vadd.s32 $0x1380, v9;
	v10 =	vld.idx.msk [tilespmem:v16+s25+$0x0], $0xffff  }
0x2a6: {  	v18 =	vor.u32 $0x10, v8;
	_ =	sdelay $0x3  }
0x2a7: {  	[tilespmem:v17+s28+$0x0] =	vst.idx.msk vm0, v10  }
0x2a8: {  	v19 =	vadd.s32 $0x2000, v9;
	v10 =	vld.idx.msk [tilespmem:v18+s25+$0x0], $0xffff  }
0x2a9: {  	v20 =	vor.u32 $0x11, v8;
	_ =	sdelay $0x3  }
0x2aa: {  	[tilespmem:v19+s28+$0x0] =	vst.idx.msk vm0, v10  }
0x2ab: {  	v21 =	vadd.s32 $0x2080, v9;
	v10 =	vld.idx.msk [tilespmem:v20+s25+$0x0], $0xffff  }
0x2ac: {  	v22 =	vor.u32 $0x12, v8;
	_ =	sdelay $0x3  }
0x2ad: {  	[tilespmem:v21+s28+$0x0] =	vst.idx.msk vm0, v10  }
0x2ae: {  	v23 =	vadd.s32 $0x2100, v9;
	v10 =	vld.idx.msk [tilespmem:v22+s25+$0x0], $0xffff  }
0x2af: {  	v24 =	vor.u32 $0x13, v8;
	_ =	sdelay $0x3  }
0x2b0: {  	[tilespmem:v23+s28+$0x0] =	vst.idx.msk vm0, v10  }
0x2b1: {  	v25 =	vadd.s32 $0x2180, v9;
	v10 =	vld.idx.msk [tilespmem:v24+s25+$0x0], $0xffff  }
0x2b2: {  	v26 =	vor.u32 $0x14, v8;
	_ =	sdelay $0x3  }
0x2b3: {  	[tilespmem:v25+s28+$0x0] =	vst.idx.msk vm0, v10  }
0x2b4: {  	v27 =	vadd.s32 $0x2200, v9;
	v10 =	vld.idx.msk [tilespmem:v26+s25+$0x0], $0xffff  }
0x2b5: {  	v28 =	vor.u32 $0x15, v8;
	_ =	sdelay $0x3  }
0x2b6: {  	[tilespmem:v27+s28+$0x0] =	vst.idx.msk vm0, v10  }
0x2b7: {  	v29 =	vadd.s32 $0x2280, v9;
	v10 =	vld.idx.msk [tilespmem:v28+s25+$0x0], $0xffff  }
0x2b8: {  	v30 =	vor.u32 $0x16, v8;
	_ =	sdelay $0x3  }
0x2b9: {  	[tilespmem:v29+s28+$0x0] =	vst.idx.msk vm0, v10  }
0x2ba: {  	v31 =	vadd.s32 $0x2300, v9;
	v10 =	vld.idx.msk [tilespmem:v30+s25+$0x0], $0xffff  }
0x2bb: {  	v32 =	vor.u32 $0x17, v8;
	_ =	sdelay $0x3  }
0x2bc: {  	[tilespmem:v31+s28+$0x0] =	vst.idx.msk vm0, v10  }
0x2bd: {  	v33 =	vadd.s32 $0x2380, v9;
	v10 =	vld.idx.msk [tilespmem:v32+s25+$0x0], $0xffff  }
0x2be: {  	v34 =	vor.u32 $0x18, v8;
	_ =	sdelay $0x3  }
0x2bf: {  	[tilespmem:v33+s28+$0x0] =	vst.idx.msk vm0, v10  }
0x2c0: {  	v35 =	vadd.s32 $0x3000, v9;
	v10 =	vld.idx.msk [tilespmem:v34+s25+$0x0], $0xffff  }
0x2c1: {  	v36 =	vor.u32 $0x19, v8;
	_ =	sdelay $0x3  }
0x2c2: {  	[tilespmem:v35+s28+$0x0] =	vst.idx.msk vm0, v10  }
0x2c3: {  	v37 =	vadd.s32 $0x3080, v9;
	v10 =	vld.idx.msk [tilespmem:v36+s25+$0x0], $0xffff  }
0x2c4: {  	v38 =	vor.u32 $0x1A, v8;
	_ =	sdelay $0x3  }
0x2c5: {  	[tilespmem:v37+s28+$0x0] =	vst.idx.msk vm0, v10  }
0x2c6: {  	v39 =	vadd.s32 $0x3100, v9;
	v10 =	vld.idx.msk [tilespmem:v38+s25+$0x0], $0xffff  }
0x2c7: {  	v40 =	vor.u32 $0x1B, v8;
	_ =	sdelay $0x3  }
0x2c8: {  	[tilespmem:v39+s28+$0x0] =	vst.idx.msk vm0, v10  }
0x2c9: {  	v41 =	vadd.s32 $0x3180, v9;
	v10 =	vld.idx.msk [tilespmem:v40+s25+$0x0], $0xffff  }
0x2ca: {  	v42 =	vor.u32 $0x1C, v8;
	_ =	sdelay $0x3  }
0x2cb: {  	[tilespmem:v41+s28+$0x0] =	vst.idx.msk vm0, v10  }
0x2cc: {  	v43 =	vadd.s32 $0x3200, v9;
	v10 =	vld.idx.msk [tilespmem:v42+s25+$0x0], $0xffff  }
0x2cd: {  	v44 =	vor.u32 $0x1D, v8;
	_ =	sdelay $0x3  }
0x2ce: {  	[tilespmem:v43+s28+$0x0] =	vst.idx.msk vm0, v10  }
0x2cf: {  	v45 =	vadd.s32 $0x3280, v9;
	v10 =	vld.idx.msk [tilespmem:v44+s25+$0x0], $0xffff  }
0x2d0: {  	v46 =	vor.u32 $0x1E, v8;
	_ =	sdelay $0x3  }
0x2d1: {  	[tilespmem:v45+s28+$0x0] =	vst.idx.msk vm0, v10  }
0x2d2: {  	v47 =	vadd.s32 $0x3300, v9;
	v10 =	vld.idx.msk [tilespmem:v46+s25+$0x0], $0xffff  }
0x2d3: {  	v48 =	vor.u32 $0x1F, v8;
	_ =	sdelay $0x3  }
0x2d4: {  	[tilespmem:v47+s28+$0x0] =	vst.idx.msk vm0, v10  }
0x2d5: {  	v49 =	vadd.s32 $0x3380, v9;
	v10 =	vld.idx.msk [tilespmem:v48+s25+$0x0], $0xffff  }
0x2d6: {  	v50 =	vor.u32 $0x20, v8;
	_ =	sdelay $0x3  }
0x2d7: {  	[tilespmem:v49+s28+$0x0] =	vst.idx.msk vm0, v10  }
0x2d8: {  	v51 =	vadd.s32 $0x4000, v9;
	v10 =	vld.idx.msk [tilespmem:v50+s25+$0x0], $0xffff  }
0x2d9: {  	v52 =	vor.u32 $0x21, v8;
	_ =	sdelay $0x3  }
0x2da: {  	[tilespmem:v51+s28+$0x0] =	vst.idx.msk vm0, v10  }
0x2db: {  	v53 =	vadd.s32 $0x4080, v9;
	v10 =	vld.idx.msk [tilespmem:v52+s25+$0x0], $0xffff  }
0x2dc: {  	v54 =	vor.u32 $0x22, v8;
	_ =	sdelay $0x3  }
0x2dd: {  	[tilespmem:v53+s28+$0x0] =	vst.idx.msk vm0, v10  }
0x2de: {  	v55 =	vadd.s32 $0x4100, v9;
	v10 =	vld.idx.msk [tilespmem:v54+s25+$0x0], $0xffff  }
0x2df: {  	v56 =	vor.u32 $0x23, v8;
	_ =	sdelay $0x3  }
0x2e0: {  	[tilespmem:v55+s28+$0x0] =	vst.idx.msk vm0, v10  }
0x2e1: {  	v57 =	vadd.s32 $0x4180, v9;
	v10 =	vld.idx.msk [tilespmem:v56+s25+$0x0], $0xffff  }
0x2e2: {  	v58 =	vor.u32 $0x24, v8;
	_ =	sdelay $0x3  }
0x2e3: {  	[tilespmem:v57+s28+$0x0] =	vst.idx.msk vm0, v10  }
0x2e4: {  	v59 =	vadd.s32 $0x4200, v9;
	v10 =	vld.idx.msk [tilespmem:v58+s25+$0x0], $0xffff  }
0x2e5: {  	v60 =	vor.u32 $0x25, v8;
	_ =	sdelay $0x3  }
0x2e6: {  	[tilespmem:v59+s28+$0x0] =	vst.idx.msk vm0, v10  }
0x2e7: {  	v61 =	vadd.s32 $0x4280, v9;
	v10 =	vld.idx.msk [tilespmem:v60+s25+$0x0], $0xffff  }
0x2e8: {  	v62 =	vor.u32 $0x26, v8;
	_ =	sdelay $0x3  }
0x2e9: {  	[tilespmem:v61+s28+$0x0] =	vst.idx.msk vm0, v10  }
0x2ea: {  	v63 =	vadd.s32 $0x4300, v9;
	v10 =	vld.idx.msk [tilespmem:v62+s25+$0x0], $0xffff  }
0x2eb: {  	v16 =	vor.u32 $0x27, v8;
	_ =	sdelay $0x3  }
0x2ec: {  	[tilespmem:v63+s28+$0x0] =	vst.idx.msk vm0, v10  }
0x2ed: {  	v17 =	vadd.s32 $0x4380, v9;
	v10 =	vld.idx.msk [tilespmem:v16+s25+$0x0], $0xffff  }
0x2ee: {  	v18 =	vor.u32 $0x28, v8;
	_ =	sdelay $0x3  }
0x2ef: {  	[tilespmem:v17+s28+$0x0] =	vst.idx.msk vm0, v10  }
0x2f0: {  	v19 =	vadd.s32 $0x5000, v9;
	v10 =	vld.idx.msk [tilespmem:v18+s25+$0x0], $0xffff  }
0x2f1: {  	v20 =	vor.u32 $0x29, v8;
	_ =	sdelay $0x3  }
0x2f2: {  	[tilespmem:v19+s28+$0x0] =	vst.idx.msk vm0, v10  }
0x2f3: {  	v21 =	vadd.s32 $0x5080, v9;
	v10 =	vld.idx.msk [tilespmem:v20+s25+$0x0], $0xffff  }
0x2f4: {  	v22 =	vor.u32 $0x2A, v8;
	_ =	sdelay $0x3  }
0x2f5: {  	[tilespmem:v21+s28+$0x0] =	vst.idx.msk vm0, v10  }
0x2f6: {  	v23 =	vadd.s32 $0x5100, v9;
	v10 =	vld.idx.msk [tilespmem:v22+s25+$0x0], $0xffff  }
0x2f7: {  	v24 =	vor.u32 $0x2B, v8;
	_ =	sdelay $0x3  }
0x2f8: {  	[tilespmem:v23+s28+$0x0] =	vst.idx.msk vm0, v10  }
0x2f9: {  	v25 =	vadd.s32 $0x5180, v9;
	v10 =	vld.idx.msk [tilespmem:v24+s25+$0x0], $0xffff  }
0x2fa: {  	v26 =	vor.u32 $0x2C, v8;
	_ =	sdelay $0x3  }
0x2fb: {  	[tilespmem:v25+s28+$0x0] =	vst.idx.msk vm0, v10  }
0x2fc: {  	v27 =	vadd.s32 $0x5200, v9;
	v10 =	vld.idx.msk [tilespmem:v26+s25+$0x0], $0xffff  }
0x2fd: {  	v28 =	vor.u32 $0x2D, v8;
	_ =	sdelay $0x3  }
0x2fe: {  	[tilespmem:v27+s28+$0x0] =	vst.idx.msk vm0, v10  }
0x2ff: {  	v29 =	vadd.s32 $0x5280, v9;
	v10 =	vld.idx.msk [tilespmem:v28+s25+$0x0], $0xffff  }
0x300: {  	v30 =	vor.u32 $0x2E, v8;
	_ =	sdelay $0x3  }
0x301: {  	[tilespmem:v29+s28+$0x0] =	vst.idx.msk vm0, v10  }
0x302: {  	v31 =	vadd.s32 $0x5300, v9;
	v10 =	vld.idx.msk [tilespmem:v30+s25+$0x0], $0xffff  }
0x303: {  	v32 =	vor.u32 $0x2F, v8;
	_ =	sdelay $0x3  }
0x304: {  	[tilespmem:v31+s28+$0x0] =	vst.idx.msk vm0, v10  }
0x305: {  	v33 =	vadd.s32 $0x5380, v9;
	v10 =	vld.idx.msk [tilespmem:v32+s25+$0x0], $0xffff  }
0x306: {  	v34 =	vor.u32 $0x30, v8;
	_ =	sdelay $0x3  }
0x307: {  	[tilespmem:v33+s28+$0x0] =	vst.idx.msk vm0, v10  }
0x308: {  	v35 =	vadd.s32 $0x6000, v9;
	v10 =	vld.idx.msk [tilespmem:v34+s25+$0x0], $0xffff  }
0x309: {  	v36 =	vor.u32 $0x31, v8;
	_ =	sdelay $0x3  }
0x30a: {  	[tilespmem:v35+s28+$0x0] =	vst.idx.msk vm0, v10  }
0x30b: {  	v37 =	vadd.s32 $0x6080, v9;
	v10 =	vld.idx.msk [tilespmem:v36+s25+$0x0], $0xffff  }
0x30c: {  	v38 =	vor.u32 $0x32, v8;
	_ =	sdelay $0x3  }
0x30d: {  	[tilespmem:v37+s28+$0x0] =	vst.idx.msk vm0, v10  }
0x30e: {  	v39 =	vadd.s32 $0x6100, v9;
	v10 =	vld.idx.msk [tilespmem:v38+s25+$0x0], $0xffff  }
0x30f: {  	v40 =	vor.u32 $0x33, v8;
	_ =	sdelay $0x3  }
0x310: {  	[tilespmem:v39+s28+$0x0] =	vst.idx.msk vm0, v10  }
0x311: {  	v41 =	vadd.s32 $0x6180, v9;
	v10 =	vld.idx.msk [tilespmem:v40+s25+$0x0], $0xffff  }
0x312: {  	v42 =	vor.u32 $0x34, v8;
	_ =	sdelay $0x3  }
0x313: {  	[tilespmem:v41+s28+$0x0] =	vst.idx.msk vm0, v10  }
0x314: {  	v43 =	vadd.s32 $0x6200, v9;
	v10 =	vld.idx.msk [tilespmem:v42+s25+$0x0], $0xffff  }
0x315: {  	v44 =	vor.u32 $0x35, v8;
	_ =	sdelay $0x3  }
0x316: {  	[tilespmem:v43+s28+$0x0] =	vst.idx.msk vm0, v10  }
0x317: {  	v45 =	vadd.s32 $0x6280, v9;
	v10 =	vld.idx.msk [tilespmem:v44+s25+$0x0], $0xffff  }
0x318: {  	v46 =	vor.u32 $0x36, v8;
	_ =	sdelay $0x3  }
0x319: {  	[tilespmem:v45+s28+$0x0] =	vst.idx.msk vm0, v10  }
0x31a: {  	v47 =	vadd.s32 $0x6300, v9;
	v10 =	vld.idx.msk [tilespmem:v46+s25+$0x0], $0xffff  }
0x31b: {  	v48 =	vor.u32 $0x37, v8;
	_ =	sdelay $0x3  }
0x31c: {  	[tilespmem:v47+s28+$0x0] =	vst.idx.msk vm0, v10  }
0x31d: {  	v49 =	vadd.s32 $0x6380, v9;
	v10 =	vld.idx.msk [tilespmem:v48+s25+$0x0], $0xffff  }
0x31e: {  	v50 =	vor.u32 $0x38, v8;
	_ =	sdelay $0x3  }
0x31f: {  	[tilespmem:v49+s28+$0x0] =	vst.idx.msk vm0, v10  }
0x320: {  	v51 =	vadd.s32 $0x7000, v9;
	v10 =	vld.idx.msk [tilespmem:v50+s25+$0x0], $0xffff  }
0x321: {  	v52 =	vor.u32 $0x39, v8;
	_ =	sdelay $0x3  }
0x322: {  	[tilespmem:v51+s28+$0x0] =	vst.idx.msk vm0, v10  }
0x323: {  	v53 =	vadd.s32 $0x7080, v9;
	v10 =	vld.idx.msk [tilespmem:v52+s25+$0x0], $0xffff  }
0x324: {  	v54 =	vor.u32 $0x3A, v8;
	_ =	sdelay $0x3  }
0x325: {  	[tilespmem:v53+s28+$0x0] =	vst.idx.msk vm0, v10  }
0x326: {  	v55 =	vadd.s32 $0x7100, v9;
	v10 =	vld.idx.msk [tilespmem:v54+s25+$0x0], $0xffff  }
0x327: {  	v56 =	vor.u32 $0x3B, v8;
	_ =	sdelay $0x3  }
0x328: {  	[tilespmem:v55+s28+$0x0] =	vst.idx.msk vm0, v10  }
0x329: {  	v57 =	vadd.s32 $0x7180, v9;
	v10 =	vld.idx.msk [tilespmem:v56+s25+$0x0], $0xffff  }
0x32a: {  	v58 =	vor.u32 $0x3C, v8;
	_ =	sdelay $0x3  }
0x32b: {  	[tilespmem:v57+s28+$0x0] =	vst.idx.msk vm0, v10  }
0x32c: {  	v59 =	vadd.s32 $0x7200, v9;
	v10 =	vld.idx.msk [tilespmem:v58+s25+$0x0], $0xffff  }
0x32d: {  	v60 =	vor.u32 $0x3D, v8;
	_ =	sdelay $0x3  }
0x32e: {  	[tilespmem:v59+s28+$0x0] =	vst.idx.msk vm0, v10  }
0x32f: {  	v61 =	vadd.s32 $0x7280, v9;
	v10 =	vld.idx.msk [tilespmem:v60+s25+$0x0], $0xffff  }
0x330: {  	v62 =	vor.u32 $0x3E, v8;
	_ =	sdelay $0x3  }
0x331: {  	[tilespmem:v61+s28+$0x0] =	vst.idx.msk vm0, v10  }
0x332: {  	v63 =	vadd.s32 $0x7300, v9;
	v10 =	vld.idx.msk [tilespmem:v62+s25+$0x0], $0xffff  }
0x333: {  	v8 =	vor.u32 $0x3F, v8;
	_ =	sdelay $0x3  }
0x334: {  	s11 =	sadd.s32 $0xFFFFFFFF, s11;
	[tilespmem:v63+s28+$0x0] =	vst.idx.msk vm0, v10  }
0x335: {  	p0 =	sne.s32 s8, s11;
	v9 =	vadd.s32 $0x7380, v9;
	v8 =	vld.idx.msk [tilespmem:v8+s25+$0x0], $0xffff  }
.Ltmp19:
0x336: {  	_ = 	snop;
	(pc) =	sbr.rel @p0 .LBB2_24-.Ltmp19, $2  }
0x337: {  	_ =	sdelay $0x2  }
0x338: {  	s14 =	sadd.s32 $0x10, s14;
	s12 =	sadd.s32 $0x10, s12;
	[tilespmem:v9+s28+$0x0] =	vst.idx.msk vm0, v8  }
.Ltmp20:
0x339: {  	_ = 	snop;
	(pc) =	sbr.rel .LBB2_25-.Ltmp20, $1  }
0x33a: {  	_ =	sdelay $0x3  }
.LBB2_28:
0x33b: {  	_ =	sfence.sel $0x180000  }
0x33c: {  	[bflag:$0x0] =	sbarrier.arrive $0xFFFF  }
0x33d: {  	_ =	strace $0x90000047  }
0x33e: {  	s0 =	stileid.u32;
	[bflag:$0x2] =	sbarrier.arrive $0xFFFF  }
0x33f: {  	p0 =	sne.s32 s0, $0x0;
	s0 =	rddreg [dreg:$0x4]  }
0x340: {  	s0 =	sadd.s32 @!p0 $0x100000, s0  }
0x341: {  	[sflag:s0] =	ssyncadd.tile.s32 @!p0 $0x1;
	_ =	shalt  }
.Lfunc_end2:
_tile_overlayer_lowered:
.L_overlay_start_2:
0x342: {  	(tag) =	ssettag $0x2  }
0x343: {  	s0 =	rddreg [dreg:$0x0];
	s2 =	stileid.u32  }
0x344: {  	s1 =	rddreg [dreg:$0x1];
	p0 =	sne.s32 s2, $0x0  }
0x345: {  	s3 =	rddreg [dreg:$0x2];
	[bflag:$0x3] =	sbarrier.arrive $0xFFFF;
	s2 =	simm.s32 @!p0 $0x1C07  }
0x346: {  	[timem:s3], [sflag:s2] =	dma.local @!p0 [hbm:s0], s1  }
0x347: {  	s0 =	simm.s32 @!p0 $0x7  }
0x348: {  	_ =	swait.ge @!p0 [sflag:s0], s1  }
0x349: {  	s1 =	ssub.s32 @!p0 $0x0, s1;
	[sflag:s0] =	ssyncset.done @!p0 $0x0  }
0x34a: {  	[sflag:s0] =	ssyncadd.s32 @!p0 s1  }
0x34b: {  	[bflag:$0x3] =	sbarrier.arrive $0xFFFF  }
0x34c: {  	_ =	shalt  }

</sc_bundles>
